<compile_context>
chip_gen: v7x
topology: tpu7x:2x2x1
jax: 0.10.2.dev20260603
libtpu: 0.0.44.dev20260713+nightly
codegen_flags: <defaults>
</compile_context>

<pallas_src>
import functools

import jax
import jax.numpy as jnp
from jax import lax
from jax.experimental import pallas as pl
from jax.experimental.pallas import tpu as pltpu
from jax.experimental.pallas import tpu_sc as plsc

_N = 10000
_E = 320000
_NC = 2
_NP = 2
_NS = 16
_SPANS = ((0, 4992), (4992, 5008))
_AR = 5024
_TRASH = _AR - 1
_B = 128
_NBA = 160
_EP = _NS * _NBA * _B
_NBB = 84
_CAP = _NBB * _B
_RING = 4
_RPS = 304
_MB = 1000
_GRID = _N // _MB


def _sc_mesh():
    return plsc.VectorSubcoreMesh(core_axis_name="c", subcore_axis_name="s")


def _stripe_copy(src, dst, s, rows, base_src=0, base_dst=0):
    row0 = s * _RPS
    pltpu.sync_copy(src.at[pl.ds(base_src + row0, _RPS)],
                    dst.at[pl.ds(base_dst + row0, _RPS)])
    tail0 = _RPS * _NS
    tail = rows - tail0

    @pl.when(s == _NS - 1)
    def _():
        pltpu.sync_copy(src.at[pl.ds(base_src + tail0, tail)],
                        dst.at[pl.ds(base_dst + tail0, tail)])


def _sc_bucket(src, dst, zero_l, trash_l):
    @functools.partial(
        pl.kernel,
        out_type=(
            jax.ShapeDtypeStruct((_NC, _NP, _NS, _CAP), jnp.int32),
            jax.ShapeDtypeStruct((_NC, _NP, _NS, _CAP), jnp.int32),
        ),
        mesh=_sc_mesh(),
        compiler_params=pltpu.CompilerParams(needs_layout_passes=False),
        scratch_types=[
            pltpu.VMEM((_NBA, _B), jnp.int32),
            pltpu.VMEM((_NBA, _B), jnp.int32),
            pltpu.VMEM((_CAP,), jnp.int32),
            pltpu.VMEM((_CAP,), jnp.int32),
            pltpu.VMEM((_CAP,), jnp.int32),
            pltpu.VMEM((_CAP,), jnp.int32),
        ],
    )
    def k(src_hbm, dst_hbm, zero_hbm, trash_hbm, srcL_hbm, dstL_hbm,
          src_v, dst_v, sA, dA, sB, dB):
        c = lax.axis_index("c")
        s = lax.axis_index("s")
        off = c * _N
        pltpu.sync_copy(src_hbm.at[s], src_v)
        pltpu.sync_copy(dst_hbm.at[s], dst_v)
        pltpu.sync_copy(zero_hbm, sA)
        pltpu.sync_copy(zero_hbm, sB)
        pltpu.sync_copy(trash_hbm, dA)
        pltpu.sync_copy(trash_hbm, dB)

        def chunk(i, carry):
            c0, c1 = carry
            r = i // 8
            kk = (i % 8) * 16
            dv = dst_v[r, pl.ds(kk, 16)]
            sv = src_v[r, pl.ds(kk, 16)] + off
            m0 = dv < _SPANS[0][1]
            cs0 = plsc.cumsum(m0.astype(jnp.int32))
            pos0 = c0 + cs0 - 1
            ok0 = m0 & (pos0 < _CAP)
            plsc.store_scatter(sA, [pos0], sv, mask=ok0)
            plsc.store_scatter(dA, [pos0], dv, mask=ok0)
            m1 = (dv >= _SPANS[1][0]) & (dv < _N)
            cs1 = plsc.cumsum(m1.astype(jnp.int32))
            pos1 = c1 + cs1 - 1
            ok1 = m1 & (pos1 < _CAP)
            plsc.store_scatter(sB, [pos1], sv, mask=ok1)
            plsc.store_scatter(dB, [pos1], dv - _SPANS[1][0], mask=ok1)
            return (c0 + jnp.max(cs0), c1 + jnp.max(cs1))

        lax.fori_loop(0, _NBA * 8, chunk, (0, 0))

        pltpu.sync_copy(sA, srcL_hbm.at[c].at[0].at[s])
        pltpu.sync_copy(dA, dstL_hbm.at[c].at[0].at[s])
        pltpu.sync_copy(sB, srcL_hbm.at[c].at[1].at[s])
        pltpu.sync_copy(dB, dstL_hbm.at[c].at[1].at[s])

    return k(src, dst, zero_l, trash_l)


def _sc_hist(dstL, ones, zeros):
    @functools.partial(
        pl.kernel,
        out_type=jax.ShapeDtypeStruct((_N, 128), jnp.float32),
        mesh=_sc_mesh(),
        scratch_types=[
            pltpu.VMEM((_NBB, _B), jnp.int32),
            pltpu.VMEM((_B, 128), jnp.float32),
            pltpu.VMEM_SHARED((_AR, 128), jnp.float32),
            pltpu.SemaphoreType.DMA,
        ],
    )
    def k(dstL_hbm, ones_hbm, zeros_hbm, out_hbm, dst_v, ones_v, acc, semS):
        c = lax.axis_index("c")
        s = lax.axis_index("s")
        _stripe_copy(zeros_hbm, acc, s, _AR)
        pltpu.sync_copy(ones_hbm, ones_v)
        pltpu.sync_copy(dstL_hbm.at[c].at[c].at[s], dst_v)
        plsc.subcore_barrier()

        @pl.loop(0, _NBB)
        def _(j):
            @pl.when(j >= 8)
            def _():
                pltpu.make_async_copy(ones_v, acc.at[dst_v.at[0]], semS).wait()

            pltpu.async_copy(ones_v, acc.at[dst_v.at[j]], semS, add=True)

        for _i in range(8):
            pltpu.make_async_copy(ones_v, acc.at[dst_v.at[0]], semS).wait()

        plsc.subcore_barrier()
        for cc, (pb, rows) in enumerate(_SPANS):
            @pl.when(c == cc)
            def _():
                _stripe_copy(acc, out_hbm, s, rows, base_dst=pb)

    return k(dstL, ones, zeros)


def _sc_agg(y, srcL, dstL):
    @functools.partial(
        pl.kernel,
        out_type=jax.ShapeDtypeStruct((_NC * _N, 128), jnp.float32),
        mesh=_sc_mesh(),
        scratch_types=[
            pltpu.VMEM((_NBB, _B), jnp.int32),
            pltpu.VMEM((_NBB, _B), jnp.int32),
            pltpu.VMEM_SHARED((_AR, 128), jnp.float32),
        ] + [pltpu.VMEM((_B, 128), jnp.float32) for _ in range(_RING)]
          + [pltpu.SemaphoreType.DMA] * (2 * _RING),
    )
    def k(y_hbm, srcL_hbm, dstL_hbm, out_hbm, src_v, dst_v, acc, *rest):
        g = rest[:_RING]
        semG = rest[_RING:2 * _RING]
        semS = rest[2 * _RING:3 * _RING]
        c = lax.axis_index("c")
        s = lax.axis_index("s")
        for p, (pb, rows) in enumerate(_SPANS):
            base = c * _N + pb
            _stripe_copy(y_hbm, acc, s, rows, base_src=base)
            pltpu.sync_copy(srcL_hbm.at[c].at[p].at[s], src_v)
            pltpu.sync_copy(dstL_hbm.at[c].at[p].at[s], dst_v)
            plsc.subcore_barrier()

            for k_ in range(_RING):
                pltpu.async_copy(y_hbm.at[src_v.at[k_]], g[k_], semG[k_])

            @pl.loop(0, _NBB, step=_RING)
            def _(j):
                for k_ in range(_RING):
                    pltpu.make_async_copy(
                        y_hbm.at[src_v.at[j + k_]], g[k_], semG[k_]).wait()
                    pltpu.async_copy(
                        g[k_], acc.at[dst_v.at[j + k_]], semS[k_], add=True)

                for k_ in range(_RING):
                    @pl.when(j + _RING + k_ < _NBB)
                    def _():
                        pltpu.make_async_copy(
                            g[k_], acc.at[dst_v.at[0]], semS[k_]).wait()
                        pltpu.async_copy(
                            y_hbm.at[src_v.at[j + _RING + k_]], g[k_], semG[k_])

            for k_ in range(_RING):
                pltpu.make_async_copy(g[k_], acc.at[dst_v.at[0]], semS[k_]).wait()

            plsc.subcore_barrier()
            _stripe_copy(acc, out_hbm, s, rows, base_dst=base)

    return k(y, srcL, dstL)


def _dinv_of(hist_blk):
    deg = jnp.sum(hist_blk, axis=1) * (1.0 / 128.0) + 1.0
    return lax.rsqrt(deg)[:, None]


def _tc1_body(hist_ref, x_ref, w_ref, out_ref):
    dinv = _dinv_of(hist_ref[...])
    y = jnp.dot(x_ref[...], w_ref[...], preferred_element_type=jnp.float32) * dinv
    out_ref[0] = y[:, :128]
    out_ref[1] = y[:, 128:]


def _tc2_body(hist_ref, a_ref, b_ref, w_ref, out_ref):
    dinv = _dinv_of(hist_ref[...])
    a = jnp.concatenate([a_ref[0], a_ref[1]], axis=1)
    h = jnp.maximum(a * dinv + b_ref[...], 0.0)
    y = jnp.dot(h, w_ref[...], preferred_element_type=jnp.float32) * dinv
    out_ref[0] = y[:, :128]
    out_ref[1] = y[:, 128:]


def _tc3_body(hist_ref, a_ref, b2_ref, wl_ref, bl_ref, out_ref):
    dinv = _dinv_of(hist_ref[...])
    a = jnp.concatenate([a_ref[0], a_ref[1]], axis=1)
    h = jnp.maximum(a * dinv + b2_ref[...], 0.0)
    out_ref[...] = (
        jnp.dot(h, wl_ref[...], preferred_element_type=jnp.float32) + bl_ref[...]
    )


_HIST_SPEC = pl.BlockSpec((_MB, 128), lambda i: (i, 0))
_HALF_SPEC = pl.BlockSpec((_NC, _MB, 128), lambda i: (0, i, 0))


def _tc1(hist, x, W1):
    return pl.pallas_call(
        _tc1_body,
        grid=(_GRID,),
        in_specs=[
            _HIST_SPEC,
            pl.BlockSpec((_MB, 128), lambda i: (i, 0)),
            pl.BlockSpec((128, 256), lambda i: (0, 0)),
        ],
        out_specs=_HALF_SPEC,
        out_shape=jax.ShapeDtypeStruct((_NC, _N, 128), jnp.float32),
    )(hist, x, W1)


def _tc2(hist, agg, b1, W2):
    return pl.pallas_call(
        _tc2_body,
        grid=(_GRID,),
        in_specs=[
            _HIST_SPEC,
            _HALF_SPEC,
            pl.BlockSpec((1, 256), lambda i: (0, 0)),
            pl.BlockSpec((256, 256), lambda i: (0, 0)),
        ],
        out_specs=_HALF_SPEC,
        out_shape=jax.ShapeDtypeStruct((_NC, _N, 128), jnp.float32),
    )(hist, agg, b1, W2)


def _tc3(hist, agg, b2, Wl, bl):
    return pl.pallas_call(
        _tc3_body,
        grid=(_GRID,),
        in_specs=[
            _HIST_SPEC,
            _HALF_SPEC,
            pl.BlockSpec((1, 256), lambda i: (0, 0)),
            pl.BlockSpec((256, 128), lambda i: (0, 0)),
            pl.BlockSpec((1, 128), lambda i: (0, 0)),
        ],
        out_specs=pl.BlockSpec((_MB, 128), lambda i: (i, 0)),
        out_shape=jax.ShapeDtypeStruct((_N, 128), jnp.float32),
    )(hist, agg, b2, Wl, bl)


def kernel(x, edge_index, W1, b1, W2, b2, Wl, bl):
    src = edge_index[0].astype(jnp.int32)
    dst = edge_index[1].astype(jnp.int32)
    pad = _EP - _E
    src = jnp.concatenate([src, jnp.zeros((pad,), jnp.int32)])
    dst = jnp.concatenate([dst, jnp.full((pad,), _N, jnp.int32)])
    srcr = src.reshape(_NS, _NBA, _B)
    dstr = dst.reshape(_NS, _NBA, _B)
    zero_l = jnp.arange(_CAP, dtype=jnp.int32) % _N
    trash_l = jnp.full((_CAP,), _TRASH, jnp.int32)
    ones = jnp.ones((_B, 128), jnp.float32)
    zeros = jnp.zeros((_AR, 128), jnp.float32)

    srcL, dstL = _sc_bucket(srcr, dstr, zero_l, trash_l)
    srcL = srcL.reshape(_NC, _NP, _NS, _NBB, _B)
    dstL = dstL.reshape(_NC, _NP, _NS, _NBB, _B)

    hist = _sc_hist(dstL, ones, zeros)
    y1 = _tc1(hist, x, W1)
    agg1 = _sc_agg(y1.reshape(_NC * _N, 128), srcL, dstL).reshape(_NC, _N, 128)
    y2 = _tc2(hist, agg1, b1.reshape(1, 256), W2)
    agg2 = _sc_agg(y2.reshape(_NC * _N, 128), srcL, dstL).reshape(_NC, _N, 128)
    return _tc3(hist, agg2, b2.reshape(1, 256), Wl, bl.reshape(1, 128))

# --- scband reference (transcript-rebuilt; emitter-appended) ---
"""Pipeline reference for scband-gcn-19404662243715 (READ-ONLY COPY).

The authoritative reference and input builder live on the scoring server;
editing this copy changes nothing except your own understanding.
"""

import jax, jax.numpy as jnp
import numpy as np

N_NODES = 10000


def gcn_conv(x, edge_index, W, b):
    n = x.shape[0]
    src = edge_index[0]
    dst = edge_index[1]
    # add self-loops (PyG GCNConv default)
    loop = jnp.arange(n, dtype=src.dtype)
    src = jnp.concatenate([src, loop])
    dst = jnp.concatenate([dst, loop])
    # linear transform first (PyG applies lin before propagate)
    xw = x @ W
    # symmetric normalization deg^-1/2 A-hat deg^-1/2
    deg = jnp.zeros((n,), dtype=x.dtype).at[dst].add(1.0)
    dinv = jnp.where(deg > 0, deg ** -0.5, 0.0)
    norm = dinv[src] * dinv[dst]
    msg = xw[src] * norm[:, None]
    out = jnp.zeros((n, xw.shape[1]), dtype=x.dtype).at[dst].add(msg)
    return out + b


def setup_inputs(seed: int = 0) -> dict:
    key = jax.random.key(seed)
    ks = jax.random.split(key, 9)
    in_ch, hid_ch, num_classes = 128, 256, 128
    x = jax.random.normal(ks[0], (N_NODES, in_ch), dtype=jnp.float32)
    edge_index = jax.random.randint(ks[1], (2, 320000), 0, N_NODES, dtype=jnp.int64)
    W1 = jax.random.normal(ks[2], (in_ch, hid_ch), dtype=jnp.float32) * (1.0 / np.sqrt(in_ch))
    b1 = jnp.zeros((hid_ch,), dtype=jnp.float32)
    W2 = jax.random.normal(ks[3], (hid_ch, hid_ch), dtype=jnp.float32) * (1.0 / np.sqrt(hid_ch))
    b2 = jnp.zeros((hid_ch,), dtype=jnp.float32)
    Wl = jax.random.normal(ks[4], (hid_ch, num_classes), dtype=jnp.float32) * (1.0 / np.sqrt(hid_ch))
    bl = jnp.zeros((num_classes,), dtype=jnp.float32)
    return {"x": x, "edge_index": edge_index, "W1": W1, "b1": b1, "W2": W2, "b2": b2, "Wl": Wl, "bl": bl}


def reference(x, edge_index, W1, b1, W2, b2, Wl, bl):
    h = jax.nn.relu(gcn_conv(x, edge_index, W1, b1))
    # dropout p=0.5 is identity in eval mode
    h = jax.nn.relu(gcn_conv(h, edge_index, W2, b2))
    return h @ Wl + bl

if __name__ == "__main__":
    import jax
    _d = setup_inputs()
    print(jax.jit(kernel)(*tuple(_d.values())))

</pallas_src>

<mosaic_0001>
#map = affine_map<(d0, d1) -> (0, 0, 0)>
#map1 = affine_map<(d0, d1) -> (0)>
#map2 = affine_map<(d0, d1) -> (0, 0, 0, 0)>
module attributes {stable_mosaic.version = 14 : i64} {
  func.func @k(%arg0: i32, %arg1: i32, %arg2: memref<16x160x128xi32, #tpu.memory_space<hbm>>, %arg3: memref<16x160x128xi32, #tpu.memory_space<hbm>>, %arg4: memref<10752xi32, #tpu.memory_space<hbm>>, %arg5: memref<10752xi32, #tpu.memory_space<hbm>>, %arg6: memref<2x2x16x10752xi32, #tpu.memory_space<hbm>>, %arg7: memref<2x2x16x10752xi32, #tpu.memory_space<hbm>>, %arg8: memref<160x128xi32, #tpu.memory_space<vmem>>, %arg9: memref<160x128xi32, #tpu.memory_space<vmem>>, %arg10: memref<10752xi32, #tpu.memory_space<vmem>>, %arg11: memref<10752xi32, #tpu.memory_space<vmem>>, %arg12: memref<10752xi32, #tpu.memory_space<vmem>>, %arg13: memref<10752xi32, #tpu.memory_space<vmem>>) attributes {dimension_semantics = [#tpu.dimension_semantics<core_parallel>, #tpu.dimension_semantics<subcore_parallel>], iteration_bounds = array<i64: 2, 16>, scalar_prefetch = 0 : i64, scratch_operands = 6 : i64, tpu.core_type = #tpu.core_type<sc_vector_subcore>, window_params = [{transform_indices = #map}, {transform_indices = #map}, {transform_indices = #map1}, {transform_indices = #map1}, {transform_indices = #map2}, {transform_indices = #map2}]} {
    %mul3A = arith.constant 10000 : i32
    %mul3A_0 = arith.muli %arg0, %mul3A : i32
    "tpu.region"() ({
      %run_scoped3A_11 = tpu.sem_alloc : memref<!tpu.dma_semaphore, #tpu.memory_space<semaphore_mem>>
      %dma_start3A = arith.constant 0 : i32
      %dma_start3A_12 = arith.constant 0 : i32
      %dma_start3A_13 = tpu.memref_slice %arg2[%arg1, %dma_start3A, %dma_start3A_12] : memref<16x160x128xi32, #tpu.memory_space<hbm>> -> memref<1x160x128xi32, #tpu.memory_space<hbm>>
      %dma_start3A_14 = tpu.memref_squeeze %dma_start3A_13 : memref<1x160x128xi32, #tpu.memory_space<hbm>> -> memref<160x128xi32, #tpu.memory_space<hbm>>
      %dma_start3A_15 = arith.constant 0 : i32
      %dma_start3A_16 = arith.constant 0 : i32
      %dma_start3A_17 = tpu.memref_slice %arg2[%arg1, %dma_start3A_15, %dma_start3A_16] : memref<16x160x128xi32, #tpu.memory_space<hbm>> -> memref<1x160x128xi32, #tpu.memory_space<hbm>>
      %dma_start3A_18 = tpu.memref_squeeze %dma_start3A_17 : memref<1x160x128xi32, #tpu.memory_space<hbm>> -> memref<160x128xi32, #tpu.memory_space<hbm>>
      tpu.enqueue_dma source(%dma_start3A_18 : memref<160x128xi32, #tpu.memory_space<hbm>>) target(%arg8 : memref<160x128xi32, #tpu.memory_space<vmem>>) target_semaphore(%run_scoped3A_11 : memref<!tpu.dma_semaphore, #tpu.memory_space<semaphore_mem>>)
      %dma_wait3A = arith.constant 0 : i32
      %dma_wait3A_19 = arith.constant 0 : i32
      %dma_wait3A_20 = tpu.memref_slice %arg2[%arg1, %dma_wait3A, %dma_wait3A_19] : memref<16x160x128xi32, #tpu.memory_space<hbm>> -> memref<1x160x128xi32, #tpu.memory_space<hbm>>
      %dma_wait3A_21 = tpu.memref_squeeze %dma_wait3A_20 : memref<1x160x128xi32, #tpu.memory_space<hbm>> -> memref<160x128xi32, #tpu.memory_space<hbm>>
      %dma_wait3A_22 = arith.constant 0 : i32
      %dma_wait3A_23 = arith.constant 0 : i32
      %dma_wait3A_24 = tpu.memref_slice %arg2[%arg1, %dma_wait3A_22, %dma_wait3A_23] : memref<16x160x128xi32, #tpu.memory_space<hbm>> -> memref<1x160x128xi32, #tpu.memory_space<hbm>>
      %dma_wait3A_25 = tpu.memref_squeeze %dma_wait3A_24 : memref<1x160x128xi32, #tpu.memory_space<hbm>> -> memref<160x128xi32, #tpu.memory_space<hbm>>
      tpu.wait_dma2 semaphore(%run_scoped3A_11 : memref<!tpu.dma_semaphore, #tpu.memory_space<semaphore_mem>>) src(%dma_wait3A_25 : memref<160x128xi32, #tpu.memory_space<hbm>>) dst(%arg8 : memref<160x128xi32, #tpu.memory_space<vmem>>)
      tpu.yield
    }) : () -> ()
    "tpu.region"() ({
      %run_scoped3A_11 = tpu.sem_alloc : memref<!tpu.dma_semaphore, #tpu.memory_space<semaphore_mem>>
      %dma_start3A = arith.constant 0 : i32
      %dma_start3A_12 = arith.constant 0 : i32
      %dma_start3A_13 = tpu.memref_slice %arg3[%arg1, %dma_start3A, %dma_start3A_12] : memref<16x160x128xi32, #tpu.memory_space<hbm>> -> memref<1x160x128xi32, #tpu.memory_space<hbm>>
      %dma_start3A_14 = tpu.memref_squeeze %dma_start3A_13 : memref<1x160x128xi32, #tpu.memory_space<hbm>> -> memref<160x128xi32, #tpu.memory_space<hbm>>
      %dma_start3A_15 = arith.constant 0 : i32
      %dma_start3A_16 = arith.constant 0 : i32
      %dma_start3A_17 = tpu.memref_slice %arg3[%arg1, %dma_start3A_15, %dma_start3A_16] : memref<16x160x128xi32, #tpu.memory_space<hbm>> -> memref<1x160x128xi32, #tpu.memory_space<hbm>>
      %dma_start3A_18 = tpu.memref_squeeze %dma_start3A_17 : memref<1x160x128xi32, #tpu.memory_space<hbm>> -> memref<160x128xi32, #tpu.memory_space<hbm>>
      tpu.enqueue_dma source(%dma_start3A_18 : memref<160x128xi32, #tpu.memory_space<hbm>>) target(%arg9 : memref<160x128xi32, #tpu.memory_space<vmem>>) target_semaphore(%run_scoped3A_11 : memref<!tpu.dma_semaphore, #tpu.memory_space<semaphore_mem>>)
      %dma_wait3A = arith.constant 0 : i32
      %dma_wait3A_19 = arith.constant 0 : i32
      %dma_wait3A_20 = tpu.memref_slice %arg3[%arg1, %dma_wait3A, %dma_wait3A_19] : memref<16x160x128xi32, #tpu.memory_space<hbm>> -> memref<1x160x128xi32, #tpu.memory_space<hbm>>
      %dma_wait3A_21 = tpu.memref_squeeze %dma_wait3A_20 : memref<1x160x128xi32, #tpu.memory_space<hbm>> -> memref<160x128xi32, #tpu.memory_space<hbm>>
      %dma_wait3A_22 = arith.constant 0 : i32
      %dma_wait3A_23 = arith.constant 0 : i32
      %dma_wait3A_24 = tpu.memref_slice %arg3[%arg1, %dma_wait3A_22, %dma_wait3A_23] : memref<16x160x128xi32, #tpu.memory_space<hbm>> -> memref<1x160x128xi32, #tpu.memory_space<hbm>>
      %dma_wait3A_25 = tpu.memref_squeeze %dma_wait3A_24 : memref<1x160x128xi32, #tpu.memory_space<hbm>> -> memref<160x128xi32, #tpu.memory_space<hbm>>
      tpu.wait_dma2 semaphore(%run_scoped3A_11 : memref<!tpu.dma_semaphore, #tpu.memory_space<semaphore_mem>>) src(%dma_wait3A_25 : memref<160x128xi32, #tpu.memory_space<hbm>>) dst(%arg9 : memref<160x128xi32, #tpu.memory_space<vmem>>)
      tpu.yield
    }) : () -> ()
    "tpu.region"() ({
      %run_scoped3A_11 = tpu.sem_alloc : memref<!tpu.dma_semaphore, #tpu.memory_space<semaphore_mem>>
      tpu.enqueue_dma source(%arg4 : memref<10752xi32, #tpu.memory_space<hbm>>) target(%arg10 : memref<10752xi32, #tpu.memory_space<vmem>>) target_semaphore(%run_scoped3A_11 : memref<!tpu.dma_semaphore, #tpu.memory_space<semaphore_mem>>)
      tpu.wait_dma2 semaphore(%run_scoped3A_11 : memref<!tpu.dma_semaphore, #tpu.memory_space<semaphore_mem>>) src(%arg4 : memref<10752xi32, #tpu.memory_space<hbm>>) dst(%arg10 : memref<10752xi32, #tpu.memory_space<vmem>>)
      tpu.yield
    }) : () -> ()
    "tpu.region"() ({
      %run_scoped3A_11 = tpu.sem_alloc : memref<!tpu.dma_semaphore, #tpu.memory_space<semaphore_mem>>
      tpu.enqueue_dma source(%arg4 : memref<10752xi32, #tpu.memory_space<hbm>>) target(%arg12 : memref<10752xi32, #tpu.memory_space<vmem>>) target_semaphore(%run_scoped3A_11 : memref<!tpu.dma_semaphore, #tpu.memory_space<semaphore_mem>>)
      tpu.wait_dma2 semaphore(%run_scoped3A_11 : memref<!tpu.dma_semaphore, #tpu.memory_space<semaphore_mem>>) src(%arg4 : memref<10752xi32, #tpu.memory_space<hbm>>) dst(%arg12 : memref<10752xi32, #tpu.memory_space<vmem>>)
      tpu.yield
    }) : () -> ()
    "tpu.region"() ({
      %run_scoped3A_11 = tpu.sem_alloc : memref<!tpu.dma_semaphore, #tpu.memory_space<semaphore_mem>>
      tpu.enqueue_dma source(%arg5 : memref<10752xi32, #tpu.memory_space<hbm>>) target(%arg11 : memref<10752xi32, #tpu.memory_space<vmem>>) target_semaphore(%run_scoped3A_11 : memref<!tpu.dma_semaphore, #tpu.memory_space<semaphore_mem>>)
      tpu.wait_dma2 semaphore(%run_scoped3A_11 : memref<!tpu.dma_semaphore, #tpu.memory_space<semaphore_mem>>) src(%arg5 : memref<10752xi32, #tpu.memory_space<hbm>>) dst(%arg11 : memref<10752xi32, #tpu.memory_space<vmem>>)
      tpu.yield
    }) : () -> ()
    "tpu.region"() ({
      %run_scoped3A_11 = tpu.sem_alloc : memref<!tpu.dma_semaphore, #tpu.memory_space<semaphore_mem>>
      tpu.enqueue_dma source(%arg5 : memref<10752xi32, #tpu.memory_space<hbm>>) target(%arg13 : memref<10752xi32, #tpu.memory_space<vmem>>) target_semaphore(%run_scoped3A_11 : memref<!tpu.dma_semaphore, #tpu.memory_space<semaphore_mem>>)
      tpu.wait_dma2 semaphore(%run_scoped3A_11 : memref<!tpu.dma_semaphore, #tpu.memory_space<semaphore_mem>>) src(%arg5 : memref<10752xi32, #tpu.memory_space<hbm>>) dst(%arg13 : memref<10752xi32, #tpu.memory_space<vmem>>)
      tpu.yield
    }) : () -> ()
    %scan3A = arith.constant 0 : i32
    %scan3A_1 = arith.constant 0 : i32
    %scan3A_2 = arith.constant 0 : i32
    %scan3A_3 = arith.constant 1280 : i32
    %scan3A_4 = arith.addi %scan3A_2, %scan3A_3 : i32
    %scan3A_5 = arith.constant 1 : i32
    %scan3A_6:2 = scf.for %scan3A_11 = %scan3A_2 to %scan3A_4 step %scan3A_5 iter_args(%scan3A_12 = %scan3A, %scan3A_13 = %scan3A_1) -> (i32, i32)  : i32 {
      %jit3A = arith.constant 8 : i32
      %div3A = arith.divsi %scan3A_11, %jit3A : i32
      %sign3A = arith.constant 0 : i32
      %sign3A_14 = arith.cmpi sgt, %scan3A_11, %sign3A : i32
      %sign3A_15 = arith.extui %sign3A_14 : i1 to i32
      %sign3A_16 = arith.constant 0 : i32
      %sign3A_17 = arith.cmpi slt, %scan3A_11, %sign3A_16 : i32
      %sign3A_18 = arith.extui %sign3A_17 : i1 to i32
      %sign3A_19 = arith.subi %sign3A_15, %sign3A_18 : i32
      %sign3A_20 = arith.constant 0 : i32
      %sign3A_21 = arith.cmpi sgt, %jit3A, %sign3A_20 : i32
      %sign3A_22 = arith.extui %sign3A_21 : i1 to i32
      %sign3A_23 = arith.constant 0 : i32
      %sign3A_24 = arith.cmpi slt, %jit3A, %sign3A_23 : i32
      %sign3A_25 = arith.extui %sign3A_24 : i1 to i32
      %sign3A_26 = arith.subi %sign3A_22, %sign3A_25 : i32
      %ne3A = arith.cmpi ne, %sign3A_19, %sign3A_26 : i32
      %rem3A = arith.remsi %scan3A_11, %jit3A : i32
      %ne3A_27 = arith.constant 0 : i32
      %ne3A_28 = arith.cmpi ne, %rem3A, %ne3A_27 : i32
      %and3A = arith.andi %ne3A, %ne3A_28 : i1
      %sub3A = arith.constant 1 : i32
      %sub3A_29 = arith.subi %div3A, %sub3A : i32
      %select_n3A = arith.select %and3A, %sub3A_29, %div3A : i32
      %jit3A_30 = arith.constant 8 : i32
      %eq3A = arith.constant 0 : i32
      %eq3A_31 = arith.cmpi eq, %jit3A_30, %eq3A : i32
      %jit3A_32 = arith.constant 1 : i32
      %select_n3A_33 = arith.select %eq3A_31, %jit3A_32, %jit3A_30 : i32
      %rem3A_34 = arith.remsi %scan3A_11, %select_n3A_33 : i32
      %ne3A_35 = arith.constant 0 : i32
      %ne3A_36 = arith.cmpi ne, %rem3A_34, %ne3A_35 : i32
      %lt3A = arith.constant 0 : i32
      %lt3A_37 = arith.cmpi slt, %rem3A_34, %lt3A : i32
      %lt3A_38 = arith.constant 0 : i32
      %lt3A_39 = arith.cmpi slt, %select_n3A_33, %lt3A_38 : i32
      %ne3A_40 = arith.xori %lt3A_37, %lt3A_39 : i1
      %and3A_41 = arith.andi %ne3A_40, %ne3A_36 : i1
      %add3A = arith.addi %rem3A_34, %select_n3A_33 : i32
      %select_n3A_42 = arith.select %and3A_41, %add3A, %rem3A_34 : i32
      %mul3A_43 = arith.constant 16 : i32
      %mul3A_44 = arith.muli %select_n3A_42, %mul3A_43 : i32
      %get3A = arith.index_cast %select_n3A : i32 to index
      %get3A_45 = arith.index_cast %mul3A_44 : i32 to index
      %get3A_46 = tpu.vector_load %arg9[%get3A, %get3A_45] {strides = array<i32>} : memref<160x128xi32, #tpu.memory_space<vmem>>, vector<16xi32>,
      %get3A_47 = arith.index_cast %select_n3A : i32 to index
      %get3A_48 = arith.index_cast %mul3A_44 : i32 to index
      %get3A_49 = tpu.vector_load %arg8[%get3A_47, %get3A_48] {strides = array<i32>} : memref<160x128xi32, #tpu.memory_space<vmem>>, vector<16xi32>,
      %add3A_50 = vector.broadcast %mul3A_0 : i32 to vector<16xi32>
      %add3A_51 = arith.addi %get3A_49, %add3A_50 : vector<16xi32>
      %lt3A_52 = arith.constant 4992 : i32
      %lt3A_53 = vector.broadcast %lt3A_52 : i32 to vector<16xi32>
      %lt3A_54 = arith.cmpi slt, %get3A_46, %lt3A_53 : vector<16xi32>
      %convert_element_type3A = arith.extui %lt3A_54 : vector<16xi1> to vector<16xi32>
      %broadcast_in_dim3A = arith.constant true
      %broadcast_in_dim3A_55 = vector.broadcast %broadcast_in_dim3A : i1 to vector<16xi1>
      %masked_cumsum3A = tpu.scan <sum>, %convert_element_type3A masked %broadcast_in_dim3A_55 : vector<16xi32>, vector<16xi1> -> vector<16xi32>
      %add3A_56 = vector.broadcast %scan3A_12 : i32 to vector<16xi32>
      %add3A_57 = arith.addi %add3A_56, %masked_cumsum3A : vector<16xi32>
      %sub3A_58 = arith.constant 1 : i32
      %sub3A_59 = vector.broadcast %sub3A_58 : i32 to vector<16xi32>
      %sub3A_60 = arith.subi %add3A_57, %sub3A_59 : vector<16xi32>
      %lt3A_61 = arith.constant 10752 : i32
      %lt3A_62 = vector.broadcast %lt3A_61 : i32 to vector<16xi32>
      %lt3A_63 = arith.cmpi slt, %sub3A_60, %lt3A_62 : vector<16xi32>
      %and3A_64 = arith.andi %lt3A_54, %lt3A_63 : vector<16xi1>
      tpu.vector_store_idx %arg10[%sub3A_60], %add3A_51 masked %and3A_64 : memref<10752xi32, #tpu.memory_space<vmem>>[vector<16xi32>], vector<16xi32>, vector<16xi1>
      tpu.vector_store_idx %arg11[%sub3A_60], %get3A_46 masked %and3A_64 : memref<10752xi32, #tpu.memory_space<vmem>>[vector<16xi32>], vector<16xi32>, vector<16xi1>
      %ge3A = arith.constant 4992 : i32
      %ge3A_65 = vector.broadcast %ge3A : i32 to vector<16xi32>
      %ge3A_66 = arith.cmpi sge, %get3A_46, %ge3A_65 : vector<16xi32>
      %lt3A_67 = arith.constant 10000 : i32
      %lt3A_68 = vector.broadcast %lt3A_67 : i32 to vector<16xi32>
      %lt3A_69 = arith.cmpi slt, %get3A_46, %lt3A_68 : vector<16xi32>
      %and3A_70 = arith.andi %ge3A_66, %lt3A_69 : vector<16xi1>
      %convert_element_type3A_71 = arith.extui %and3A_70 : vector<16xi1> to vector<16xi32>
      %broadcast_in_dim3A_72 = arith.constant true
      %broadcast_in_dim3A_73 = vector.broadcast %broadcast_in_dim3A_72 : i1 to vector<16xi1>
      %masked_cumsum3A_74 = tpu.scan <sum>, %convert_element_type3A_71 masked %broadcast_in_dim3A_73 : vector<16xi32>, vector<16xi1> -> vector<16xi32>
      %add3A_75 = vector.broadcast %scan3A_13 : i32 to vector<16xi32>
      %add3A_76 = arith.addi %add3A_75, %masked_cumsum3A_74 : vector<16xi32>
      %sub3A_77 = arith.constant 1 : i32
      %sub3A_78 = vector.broadcast %sub3A_77 : i32 to vector<16xi32>
      %sub3A_79 = arith.subi %add3A_76, %sub3A_78 : vector<16xi32>
      %lt3A_80 = arith.constant 10752 : i32
      %lt3A_81 = vector.broadcast %lt3A_80 : i32 to vector<16xi32>
      %lt3A_82 = arith.cmpi slt, %sub3A_79, %lt3A_81 : vector<16xi32>
      %and3A_83 = arith.andi %and3A_70, %lt3A_82 : vector<16xi1>
      tpu.vector_store_idx %arg12[%sub3A_79], %add3A_51 masked %and3A_83 : memref<10752xi32, #tpu.memory_space<vmem>>[vector<16xi32>], vector<16xi32>, vector<16xi1>
      %sub3A_84 = arith.constant 4992 : i32
      %sub3A_85 = vector.broadcast %sub3A_84 : i32 to vector<16xi32>
      %sub3A_86 = arith.subi %get3A_46, %sub3A_85 : vector<16xi32>
      tpu.vector_store_idx %arg13[%sub3A_79], %sub3A_86 masked %and3A_83 : memref<10752xi32, #tpu.memory_space<vmem>>[vector<16xi32>], vector<16xi32>, vector<16xi1>
      %reduce_max3A = arith.constant true
      %reduce_max3A_87 = vector.broadcast %reduce_max3A : i1 to vector<16xi1>
      %reduce_max3A_88 = arith.constant -2147483648 : i32
      %reduce_max3A_89 = vector.broadcast %reduce_max3A_88 : i32 to vector<16xi32>
      %reduce_max3A_90 = arith.xori %masked_cumsum3A, %reduce_max3A_89 : vector<16xi32>
      %reduce_max3A_91 = tpu.scan <max>, %reduce_max3A_90 masked %reduce_max3A_87 : vector<16xi32>, vector<16xi1> -> vector<16xi32>
      %reduce_max3A_92 = arith.xori %reduce_max3A_91, %reduce_max3A_89 : vector<16xi32>
      %reduce_max3A_93 = vector.extract %reduce_max3A_92[15] : i32 from vector<16xi32>
      %add3A_94 = arith.addi %scan3A_12, %reduce_max3A_93 : i32
      %reduce_max3A_95 = arith.constant true
      %reduce_max3A_96 = vector.broadcast %reduce_max3A_95 : i1 to vector<16xi1>
      %reduce_max3A_97 = arith.constant -2147483648 : i32
      %reduce_max3A_98 = vector.broadcast %reduce_max3A_97 : i32 to vector<16xi32>
      %reduce_max3A_99 = arith.xori %masked_cumsum3A_74, %reduce_max3A_98 : vector<16xi32>
      %reduce_max3A_100 = tpu.scan <max>, %reduce_max3A_99 masked %reduce_max3A_96 : vector<16xi32>, vector<16xi1> -> vector<16xi32>
      %reduce_max3A_101 = arith.xori %reduce_max3A_100, %reduce_max3A_98 : vector<16xi32>
      %reduce_max3A_102 = vector.extract %reduce_max3A_101[15] : i32 from vector<16xi32>
      %add3A_103 = arith.addi %scan3A_13, %reduce_max3A_102 : i32
      scf.yield %add3A_94, %add3A_103 : i32, i32
    }
    %scan3A_7 = arith.constant 1280 : i32
    %run_scoped3A = arith.constant 0 : i32
    "tpu.region"() ({
      %run_scoped3A_11 = tpu.sem_alloc : memref<!tpu.dma_semaphore, #tpu.memory_space<semaphore_mem>>
      %dma_start3A = arith.constant 0 : i32
      %dma_start3A_12 = arith.constant 0 : i32
      %dma_start3A_13 = arith.constant 0 : i32
      %dma_start3A_14 = tpu.memref_slice %arg6[%arg0, %dma_start3A, %dma_start3A_12, %dma_start3A_13] : memref<2x2x16x10752xi32, #tpu.memory_space<hbm>> -> memref<1x2x16x10752xi32, #tpu.memory_space<hbm>>
      %dma_start3A_15 = tpu.memref_squeeze %dma_start3A_14 : memref<1x2x16x10752xi32, #tpu.memory_space<hbm>> -> memref<2x16x10752xi32, #tpu.memory_space<hbm>>
      %dma_start3A_16 = arith.constant 0 : i32
      %dma_start3A_17 = arith.constant 0 : i32
      %dma_start3A_18 = tpu.memref_slice %dma_start3A_15[%run_scoped3A, %dma_start3A_16, %dma_start3A_17] : memref<2x16x10752xi32, #tpu.memory_space<hbm>> -> memref<1x16x10752xi32, #tpu.memory_space<hbm>>
      %dma_start3A_19 = tpu.memref_squeeze %dma_start3A_18 : memref<1x16x10752xi32, #tpu.memory_space<hbm>> -> memref<16x10752xi32, #tpu.memory_space<hbm>>
      %dma_start3A_20 = arith.constant 0 : i32
      %dma_start3A_21 = tpu.memref_slice %dma_start3A_19[%arg1, %dma_start3A_20] : memref<16x10752xi32, #tpu.memory_space<hbm>> -> memref<1x10752xi32, #tpu.memory_space<hbm>>
      %dma_start3A_22 = tpu.memref_squeeze %dma_start3A_21 : memref<1x10752xi32, #tpu.memory_space<hbm>> -> memref<10752xi32, #tpu.memory_space<hbm>>
      %dma_start3A_23 = arith.constant 0 : i32
      %dma_start3A_24 = arith.constant 0 : i32
      %dma_start3A_25 = arith.constant 0 : i32
      %dma_start3A_26 = tpu.memref_slice %arg6[%arg0, %dma_start3A_23, %dma_start3A_24, %dma_start3A_25] : memref<2x2x16x10752xi32, #tpu.memory_space<hbm>> -> memref<1x2x16x10752xi32, #tpu.memory_space<hbm>>
      %dma_start3A_27 = tpu.memref_squeeze %dma_start3A_26 : memref<1x2x16x10752xi32, #tpu.memory_space<hbm>> -> memref<2x16x10752xi32, #tpu.memory_space<hbm>>
      %dma_start3A_28 = arith.constant 0 : i32
      %dma_start3A_29 = arith.constant 0 : i32
      %dma_start3A_30 = tpu.memref_slice %dma_start3A_27[%run_scoped3A, %dma_start3A_28, %dma_start3A_29] : memref<2x16x10752xi32, #tpu.memory_space<hbm>> -> memref<1x16x10752xi32, #tpu.memory_space<hbm>>
      %dma_start3A_31 = tpu.memref_squeeze %dma_start3A_30 : memref<1x16x10752xi32, #tpu.memory_space<hbm>> -> memref<16x10752xi32, #tpu.memory_space<hbm>>
      %dma_start3A_32 = arith.constant 0 : i32
      %dma_start3A_33 = tpu.memref_slice %dma_start3A_31[%arg1, %dma_start3A_32] : memref<16x10752xi32, #tpu.memory_space<hbm>> -> memref<1x10752xi32, #tpu.memory_space<hbm>>
      %dma_start3A_34 = tpu.memref_squeeze %dma_start3A_33 : memref<1x10752xi32, #tpu.memory_space<hbm>> -> memref<10752xi32, #tpu.memory_space<hbm>>
      tpu.enqueue_dma source(%arg10 : memref<10752xi32, #tpu.memory_space<vmem>>) target(%dma_start3A_34 : memref<10752xi32, #tpu.memory_space<hbm>>) target_semaphore(%run_scoped3A_11 : memref<!tpu.dma_semaphore, #tpu.memory_space<semaphore_mem>>)
      %dma_wait3A = arith.constant 0 : i32
      %dma_wait3A_35 = arith.constant 0 : i32
      %dma_wait3A_36 = arith.constant 0 : i32
      %dma_wait3A_37 = tpu.memref_slice %arg6[%arg0, %dma_wait3A, %dma_wait3A_35, %dma_wait3A_36] : memref<2x2x16x10752xi32, #tpu.memory_space<hbm>> -> memref<1x2x16x10752xi32, #tpu.memory_space<hbm>>
      %dma_wait3A_38 = tpu.memref_squeeze %dma_wait3A_37 : memref<1x2x16x10752xi32, #tpu.memory_space<hbm>> -> memref<2x16x10752xi32, #tpu.memory_space<hbm>>
      %dma_wait3A_39 = arith.constant 0 : i32
      %dma_wait3A_40 = arith.constant 0 : i32
      %dma_wait3A_41 = tpu.memref_slice %dma_wait3A_38[%run_scoped3A, %dma_wait3A_39, %dma_wait3A_40] : memref<2x16x10752xi32, #tpu.memory_space<hbm>> -> memref<1x16x10752xi32, #tpu.memory_space<hbm>>
      %dma_wait3A_42 = tpu.memref_squeeze %dma_wait3A_41 : memref<1x16x10752xi32, #tpu.memory_space<hbm>> -> memref<16x10752xi32, #tpu.memory_space<hbm>>
      %dma_wait3A_43 = arith.constant 0 : i32
      %dma_wait3A_44 = tpu.memref_slice %dma_wait3A_42[%arg1, %dma_wait3A_43] : memref<16x10752xi32, #tpu.memory_space<hbm>> -> memref<1x10752xi32, #tpu.memory_space<hbm>>
      %dma_wait3A_45 = tpu.memref_squeeze %dma_wait3A_44 : memref<1x10752xi32, #tpu.memory_space<hbm>> -> memref<10752xi32, #tpu.memory_space<hbm>>
      %dma_wait3A_46 = arith.constant 0 : i32
      %dma_wait3A_47 = arith.constant 0 : i32
      %dma_wait3A_48 = arith.constant 0 : i32
      %dma_wait3A_49 = tpu.memref_slice %arg6[%arg0, %dma_wait3A_46, %dma_wait3A_47, %dma_wait3A_48] : memref<2x2x16x10752xi32, #tpu.memory_space<hbm>> -> memref<1x2x16x10752xi32, #tpu.memory_space<hbm>>
      %dma_wait3A_50 = tpu.memref_squeeze %dma_wait3A_49 : memref<1x2x16x10752xi32, #tpu.memory_space<hbm>> -> memref<2x16x10752xi32, #tpu.memory_space<hbm>>
      %dma_wait3A_51 = arith.constant 0 : i32
      %dma_wait3A_52 = arith.constant 0 : i32
      %dma_wait3A_53 = tpu.memref_slice %dma_wait3A_50[%run_scoped3A, %dma_wait3A_51, %dma_wait3A_52] : memref<2x16x10752xi32, #tpu.memory_space<hbm>> -> memref<1x16x10752xi32, #tpu.memory_space<hbm>>
      %dma_wait3A_54 = tpu.memref_squeeze %dma_wait3A_53 : memref<1x16x10752xi32, #tpu.memory_space<hbm>> -> memref<16x10752xi32, #tpu.memory_space<hbm>>
      %dma_wait3A_55 = arith.constant 0 : i32
      %dma_wait3A_56 = tpu.memref_slice %dma_wait3A_54[%arg1, %dma_wait3A_55] : memref<16x10752xi32, #tpu.memory_space<hbm>> -> memref<1x10752xi32, #tpu.memory_space<hbm>>
      %dma_wait3A_57 = tpu.memref_squeeze %dma_wait3A_56 : memref<1x10752xi32, #tpu.memory_space<hbm>> -> memref<10752xi32, #tpu.memory_space<hbm>>
      tpu.wait_dma2 semaphore(%run_scoped3A_11 : memref<!tpu.dma_semaphore, #tpu.memory_space<semaphore_mem>>) src(%arg10 : memref<10752xi32, #tpu.memory_space<vmem>>) dst(%dma_wait3A_57 : memref<10752xi32, #tpu.memory_space<hbm>>)
      tpu.yield
    }) : () -> ()
    %run_scoped3A_8 = arith.constant 0 : i32
    "tpu.region"() ({
      %run_scoped3A_11 = tpu.sem_alloc : memref<!tpu.dma_semaphore, #tpu.memory_space<semaphore_mem>>
      %dma_start3A = arith.constant 0 : i32
      %dma_start3A_12 = arith.constant 0 : i32
      %dma_start3A_13 = arith.constant 0 : i32
      %dma_start3A_14 = tpu.memref_slice %arg7[%arg0, %dma_start3A, %dma_start3A_12, %dma_start3A_13] : memref<2x2x16x10752xi32, #tpu.memory_space<hbm>> -> memref<1x2x16x10752xi32, #tpu.memory_space<hbm>>
      %dma_start3A_15 = tpu.memref_squeeze %dma_start3A_14 : memref<1x2x16x10752xi32, #tpu.memory_space<hbm>> -> memref<2x16x10752xi32, #tpu.memory_space<hbm>>
      %dma_start3A_16 = arith.constant 0 : i32
      %dma_start3A_17 = arith.constant 0 : i32
      %dma_start3A_18 = tpu.memref_slice %dma_start3A_15[%run_scoped3A_8, %dma_start3A_16, %dma_start3A_17] : memref<2x16x10752xi32, #tpu.memory_space<hbm>> -> memref<1x16x10752xi32, #tpu.memory_space<hbm>>
      %dma_start3A_19 = tpu.memref_squeeze %dma_start3A_18 : memref<1x16x10752xi32, #tpu.memory_space<hbm>> -> memref<16x10752xi32, #tpu.memory_space<hbm>>
      %dma_start3A_20 = arith.constant 0 : i32
      %dma_start3A_21 = tpu.memref_slice %dma_start3A_19[%arg1, %dma_start3A_20] : memref<16x10752xi32, #tpu.memory_space<hbm>> -> memref<1x10752xi32, #tpu.memory_space<hbm>>
      %dma_start3A_22 = tpu.memref_squeeze %dma_start3A_21 : memref<1x10752xi32, #tpu.memory_space<hbm>> -> memref<10752xi32, #tpu.memory_space<hbm>>
      %dma_start3A_23 = arith.constant 0 : i32
      %dma_start3A_24 = arith.constant 0 : i32
      %dma_start3A_25 = arith.constant 0 : i32
      %dma_start3A_26 = tpu.memref_slice %arg7[%arg0, %dma_start3A_23, %dma_start3A_24, %dma_start3A_25] : memref<2x2x16x10752xi32, #tpu.memory_space<hbm>> -> memref<1x2x16x10752xi32, #tpu.memory_space<hbm>>
      %dma_start3A_27 = tpu.memref_squeeze %dma_start3A_26 : memref<1x2x16x10752xi32, #tpu.memory_space<hbm>> -> memref<2x16x10752xi32, #tpu.memory_space<hbm>>
      %dma_start3A_28 = arith.constant 0 : i32
      %dma_start3A_29 = arith.constant 0 : i32
      %dma_start3A_30 = tpu.memref_slice %dma_start3A_27[%run_scoped3A_8, %dma_start3A_28, %dma_start3A_29] : memref<2x16x10752xi32, #tpu.memory_space<hbm>> -> memref<1x16x10752xi32, #tpu.memory_space<hbm>>
      %dma_start3A_31 = tpu.memref_squeeze %dma_start3A_30 : memref<1x16x10752xi32, #tpu.memory_space<hbm>> -> memref<16x10752xi32, #tpu.memory_space<hbm>>
      %dma_start3A_32 = arith.constant 0 : i32
      %dma_start3A_33 = tpu.memref_slice %dma_start3A_31[%arg1, %dma_start3A_32] : memref<16x10752xi32, #tpu.memory_space<hbm>> -> memref<1x10752xi32, #tpu.memory_space<hbm>>
      %dma_start3A_34 = tpu.memref_squeeze %dma_start3A_33 : memref<1x10752xi32, #tpu.memory_space<hbm>> -> memref<10752xi32, #tpu.memory_space<hbm>>
      tpu.enqueue_dma source(%arg11 : memref<10752xi32, #tpu.memory_space<vmem>>) target(%dma_start3A_34 : memref<10752xi32, #tpu.memory_space<hbm>>) target_semaphore(%run_scoped3A_11 : memref<!tpu.dma_semaphore, #tpu.memory_space<semaphore_mem>>)
      %dma_wait3A = arith.constant 0 : i32
      %dma_wait3A_35 = arith.constant 0 : i32
      %dma_wait3A_36 = arith.constant 0 : i32
      %dma_wait3A_37 = tpu.memref_slice %arg7[%arg0, %dma_wait3A, %dma_wait3A_35, %dma_wait3A_36] : memref<2x2x16x10752xi32, #tpu.memory_space<hbm>> -> memref<1x2x16x10752xi32, #tpu.memory_space<hbm>>
      %dma_wait3A_38 = tpu.memref_squeeze %dma_wait3A_37 : memref<1x2x16x10752xi32, #tpu.memory_space<hbm>> -> memref<2x16x10752xi32, #tpu.memory_space<hbm>>
      %dma_wait3A_39 = arith.constant 0 : i32
      %dma_wait3A_40 = arith.constant 0 : i32
      %dma_wait3A_41 = tpu.memref_slice %dma_wait3A_38[%run_scoped3A_8, %dma_wait3A_39, %dma_wait3A_40] : memref<2x16x10752xi32, #tpu.memory_space<hbm>> -> memref<1x16x10752xi32, #tpu.memory_space<hbm>>
      %dma_wait3A_42 = tpu.memref_squeeze %dma_wait3A_41 : memref<1x16x10752xi32, #tpu.memory_space<hbm>> -> memref<16x10752xi32, #tpu.memory_space<hbm>>
      %dma_wait3A_43 = arith.constant 0 : i32
      %dma_wait3A_44 = tpu.memref_slice %dma_wait3A_42[%arg1, %dma_wait3A_43] : memref<16x10752xi32, #tpu.memory_space<hbm>> -> memref<1x10752xi32, #tpu.memory_space<hbm>>
      %dma_wait3A_45 = tpu.memref_squeeze %dma_wait3A_44 : memref<1x10752xi32, #tpu.memory_space<hbm>> -> memref<10752xi32, #tpu.memory_space<hbm>>
      %dma_wait3A_46 = arith.constant 0 : i32
      %dma_wait3A_47 = arith.constant 0 : i32
      %dma_wait3A_48 = arith.constant 0 : i32
      %dma_wait3A_49 = tpu.memref_slice %arg7[%arg0, %dma_wait3A_46, %dma_wait3A_47, %dma_wait3A_48] : memref<2x2x16x10752xi32, #tpu.memory_space<hbm>> -> memref<1x2x16x10752xi32, #tpu.memory_space<hbm>>
      %dma_wait3A_50 = tpu.memref_squeeze %dma_wait3A_49 : memref<1x2x16x10752xi32, #tpu.memory_space<hbm>> -> memref<2x16x10752xi32, #tpu.memory_space<hbm>>
      %dma_wait3A_51 = arith.constant 0 : i32
      %dma_wait3A_52 = arith.constant 0 : i32
      %dma_wait3A_53 = tpu.memref_slice %dma_wait3A_50[%run_scoped3A_8, %dma_wait3A_51, %dma_wait3A_52] : memref<2x16x10752xi32, #tpu.memory_space<hbm>> -> memref<1x16x10752xi32, #tpu.memory_space<hbm>>
      %dma_wait3A_54 = tpu.memref_squeeze %dma_wait3A_53 : memref<1x16x10752xi32, #tpu.memory_space<hbm>> -> memref<16x10752xi32, #tpu.memory_space<hbm>>
      %dma_wait3A_55 = arith.constant 0 : i32
      %dma_wait3A_56 = tpu.memref_slice %dma_wait3A_54[%arg1, %dma_wait3A_55] : memref<16x10752xi32, #tpu.memory_space<hbm>> -> memref<1x10752xi32, #tpu.memory_space<hbm>>
      %dma_wait3A_57 = tpu.memref_squeeze %dma_wait3A_56 : memref<1x10752xi32, #tpu.memory_space<hbm>> -> memref<10752xi32, #tpu.memory_space<hbm>>
      tpu.wait_dma2 semaphore(%run_scoped3A_11 : memref<!tpu.dma_semaphore, #tpu.memory_space<semaphore_mem>>) src(%arg11 : memref<10752xi32, #tpu.memory_space<vmem>>) dst(%dma_wait3A_57 : memref<10752xi32, #tpu.memory_space<hbm>>)
      tpu.yield
    }) : () -> ()
    %run_scoped3A_9 = arith.constant 1 : i32
    "tpu.region"() ({
      %run_scoped3A_11 = tpu.sem_alloc : memref<!tpu.dma_semaphore, #tpu.memory_space<semaphore_mem>>
      %dma_start3A = arith.constant 0 : i32
      %dma_start3A_12 = arith.constant 0 : i32
      %dma_start3A_13 = arith.constant 0 : i32
      %dma_start3A_14 = tpu.memref_slice %arg6[%arg0, %dma_start3A, %dma_start3A_12, %dma_start3A_13] : memref<2x2x16x10752xi32, #tpu.memory_space<hbm>> -> memref<1x2x16x10752xi32, #tpu.memory_space<hbm>>
      %dma_start3A_15 = tpu.memref_squeeze %dma_start3A_14 : memref<1x2x16x10752xi32, #tpu.memory_space<hbm>> -> memref<2x16x10752xi32, #tpu.memory_space<hbm>>
      %dma_start3A_16 = arith.constant 0 : i32
      %dma_start3A_17 = arith.constant 0 : i32
      %dma_start3A_18 = tpu.memref_slice %dma_start3A_15[%run_scoped3A_9, %dma_start3A_16, %dma_start3A_17] : memref<2x16x10752xi32, #tpu.memory_space<hbm>> -> memref<1x16x10752xi32, #tpu.memory_space<hbm>>
      %dma_start3A_19 = tpu.memref_squeeze %dma_start3A_18 : memref<1x16x10752xi32, #tpu.memory_space<hbm>> -> memref<16x10752xi32, #tpu.memory_space<hbm>>
      %dma_start3A_20 = arith.constant 0 : i32
      %dma_start3A_21 = tpu.memref_slice %dma_start3A_19[%arg1, %dma_start3A_20] : memref<16x10752xi32, #tpu.memory_space<hbm>> -> memref<1x10752xi32, #tpu.memory_space<hbm>>
      %dma_start3A_22 = tpu.memref_squeeze %dma_start3A_21 : memref<1x10752xi32, #tpu.memory_space<hbm>> -> memref<10752xi32, #tpu.memory_space<hbm>>
      %dma_start3A_23 = arith.constant 0 : i32
      %dma_start3A_24 = arith.constant 0 : i32
      %dma_start3A_25 = arith.constant 0 : i32
      %dma_start3A_26 = tpu.memref_slice %arg6[%arg0, %dma_start3A_23, %dma_start3A_24, %dma_start3A_25] : memref<2x2x16x10752xi32, #tpu.memory_space<hbm>> -> memref<1x2x16x10752xi32, #tpu.memory_space<hbm>>
      %dma_start3A_27 = tpu.memref_squeeze %dma_start3A_26 : memref<1x2x16x10752xi32, #tpu.memory_space<hbm>> -> memref<2x16x10752xi32, #tpu.memory_space<hbm>>
      %dma_start3A_28 = arith.constant 0 : i32
      %dma_start3A_29 = arith.constant 0 : i32
      %dma_start3A_30 = tpu.memref_slice %dma_start3A_27[%run_scoped3A_9, %dma_start3A_28, %dma_start3A_29] : memref<2x16x10752xi32, #tpu.memory_space<hbm>> -> memref<1x16x10752xi32, #tpu.memory_space<hbm>>
      %dma_start3A_31 = tpu.memref_squeeze %dma_start3A_30 : memref<1x16x10752xi32, #tpu.memory_space<hbm>> -> memref<16x10752xi32, #tpu.memory_space<hbm>>
      %dma_start3A_32 = arith.constant 0 : i32
      %dma_start3A_33 = tpu.memref_slice %dma_start3A_31[%arg1, %dma_start3A_32] : memref<16x10752xi32, #tpu.memory_space<hbm>> -> memref<1x10752xi32, #tpu.memory_space<hbm>>
      %dma_start3A_34 = tpu.memref_squeeze %dma_start3A_33 : memref<1x10752xi32, #tpu.memory_space<hbm>> -> memref<10752xi32, #tpu.memory_space<hbm>>
      tpu.enqueue_dma source(%arg12 : memref<10752xi32, #tpu.memory_space<vmem>>) target(%dma_start3A_34 : memref<10752xi32, #tpu.memory_space<hbm>>) target_semaphore(%run_scoped3A_11 : memref<!tpu.dma_semaphore, #tpu.memory_space<semaphore_mem>>)
      %dma_wait3A = arith.constant 0 : i32
      %dma_wait3A_35 = arith.constant 0 : i32
      %dma_wait3A_36 = arith.constant 0 : i32
      %dma_wait3A_37 = tpu.memref_slice %arg6[%arg0, %dma_wait3A, %dma_wait3A_35, %dma_wait3A_36] : memref<2x2x16x10752xi32, #tpu.memory_space<hbm>> -> memref<1x2x16x10752xi32, #tpu.memory_space<hbm>>
      %dma_wait3A_38 = tpu.memref_squeeze %dma_wait3A_37 : memref<1x2x16x10752xi32, #tpu.memory_space<hbm>> -> memref<2x16x10752xi32, #tpu.memory_space<hbm>>
      %dma_wait3A_39 = arith.constant 0 : i32
      %dma_wait3A_40 = arith.constant 0 : i32
      %dma_wait3A_41 = tpu.memref_slice %dma_wait3A_38[%run_scoped3A_9, %dma_wait3A_39, %dma_wait3A_40] : memref<2x16x10752xi32, #tpu.memory_space<hbm>> -> memref<1x16x10752xi32, #tpu.memory_space<hbm>>
      %dma_wait3A_42 = tpu.memref_squeeze %dma_wait3A_41 : memref<1x16x10752xi32, #tpu.memory_space<hbm>> -> memref<16x10752xi32, #tpu.memory_space<hbm>>
      %dma_wait3A_43 = arith.constant 0 : i32
      %dma_wait3A_44 = tpu.memref_slice %dma_wait3A_42[%arg1, %dma_wait3A_43] : memref<16x10752xi32, #tpu.memory_space<hbm>> -> memref<1x10752xi32, #tpu.memory_space<hbm>>
      %dma_wait3A_45 = tpu.memref_squeeze %dma_wait3A_44 : memref<1x10752xi32, #tpu.memory_space<hbm>> -> memref<10752xi32, #tpu.memory_space<hbm>>
      %dma_wait3A_46 = arith.constant 0 : i32
      %dma_wait3A_47 = arith.constant 0 : i32
      %dma_wait3A_48 = arith.constant 0 : i32
      %dma_wait3A_49 = tpu.memref_slice %arg6[%arg0, %dma_wait3A_46, %dma_wait3A_47, %dma_wait3A_48] : memref<2x2x16x10752xi32, #tpu.memory_space<hbm>> -> memref<1x2x16x10752xi32, #tpu.memory_space<hbm>>
      %dma_wait3A_50 = tpu.memref_squeeze %dma_wait3A_49 : memref<1x2x16x10752xi32, #tpu.memory_space<hbm>> -> memref<2x16x10752xi32, #tpu.memory_space<hbm>>
      %dma_wait3A_51 = arith.constant 0 : i32
      %dma_wait3A_52 = arith.constant 0 : i32
      %dma_wait3A_53 = tpu.memref_slice %dma_wait3A_50[%run_scoped3A_9, %dma_wait3A_51, %dma_wait3A_52] : memref<2x16x10752xi32, #tpu.memory_space<hbm>> -> memref<1x16x10752xi32, #tpu.memory_space<hbm>>
      %dma_wait3A_54 = tpu.memref_squeeze %dma_wait3A_53 : memref<1x16x10752xi32, #tpu.memory_space<hbm>> -> memref<16x10752xi32, #tpu.memory_space<hbm>>
      %dma_wait3A_55 = arith.constant 0 : i32
      %dma_wait3A_56 = tpu.memref_slice %dma_wait3A_54[%arg1, %dma_wait3A_55] : memref<16x10752xi32, #tpu.memory_space<hbm>> -> memref<1x10752xi32, #tpu.memory_space<hbm>>
      %dma_wait3A_57 = tpu.memref_squeeze %dma_wait3A_56 : memref<1x10752xi32, #tpu.memory_space<hbm>> -> memref<10752xi32, #tpu.memory_space<hbm>>
      tpu.wait_dma2 semaphore(%run_scoped3A_11 : memref<!tpu.dma_semaphore, #tpu.memory_space<semaphore_mem>>) src(%arg12 : memref<10752xi32, #tpu.memory_space<vmem>>) dst(%dma_wait3A_57 : memref<10752xi32, #tpu.memory_space<hbm>>)
      tpu.yield
    }) : () -> ()
    %run_scoped3A_10 = arith.constant 1 : i32
    "tpu.region"() ({
      %run_scoped3A_11 = tpu.sem_alloc : memref<!tpu.dma_semaphore, #tpu.memory_space<semaphore_mem>>
      %dma_start3A = arith.constant 0 : i32
      %dma_start3A_12 = arith.constant 0 : i32
      %dma_start3A_13 = arith.constant 0 : i32
      %dma_start3A_14 = tpu.memref_slice %arg7[%arg0, %dma_start3A, %dma_start3A_12, %dma_start3A_13] : memref<2x2x16x10752xi32, #tpu.memory_space<hbm>> -> memref<1x2x16x10752xi32, #tpu.memory_space<hbm>>
      %dma_start3A_15 = tpu.memref_squeeze %dma_start3A_14 : memref<1x2x16x10752xi32, #tpu.memory_space<hbm>> -> memref<2x16x10752xi32, #tpu.memory_space<hbm>>
      %dma_start3A_16 = arith.constant 0 : i32
      %dma_start3A_17 = arith.constant 0 : i32
      %dma_start3A_18 = tpu.memref_slice %dma_start3A_15[%run_scoped3A_10, %dma_start3A_16, %dma_start3A_17] : memref<2x16x10752xi32, #tpu.memory_space<hbm>> -> memref<1x16x10752xi32, #tpu.memory_space<hbm>>
      %dma_start3A_19 = tpu.memref_squeeze %dma_start3A_18 : memref<1x16x10752xi32, #tpu.memory_space<hbm>> -> memref<16x10752xi32, #tpu.memory_space<hbm>>
      %dma_start3A_20 = arith.constant 0 : i32
      %dma_start3A_21 = tpu.memref_slice %dma_start3A_19[%arg1, %dma_start3A_20] : memref<16x10752xi32, #tpu.memory_space<hbm>> -> memref<1x10752xi32, #tpu.memory_space<hbm>>
      %dma_start3A_22 = tpu.memref_squeeze %dma_start3A_21 : memref<1x10752xi32, #tpu.memory_space<hbm>> -> memref<10752xi32, #tpu.memory_space<hbm>>
      %dma_start3A_23 = arith.constant 0 : i32
      %dma_start3A_24 = arith.constant 0 : i32
      %dma_start3A_25 = arith.constant 0 : i32
      %dma_start3A_26 = tpu.memref_slice %arg7[%arg0, %dma_start3A_23, %dma_start3A_24, %dma_start3A_25] : memref<2x2x16x10752xi32, #tpu.memory_space<hbm>> -> memref<1x2x16x10752xi32, #tpu.memory_space<hbm>>
      %dma_start3A_27 = tpu.memref_squeeze %dma_start3A_26 : memref<1x2x16x10752xi32, #tpu.memory_space<hbm>> -> memref<2x16x10752xi32, #tpu.memory_space<hbm>>
      %dma_start3A_28 = arith.constant 0 : i32
      %dma_start3A_29 = arith.constant 0 : i32
      %dma_start3A_30 = tpu.memref_slice %dma_start3A_27[%run_scoped3A_10, %dma_start3A_28, %dma_start3A_29] : memref<2x16x10752xi32, #tpu.memory_space<hbm>> -> memref<1x16x10752xi32, #tpu.memory_space<hbm>>
      %dma_start3A_31 = tpu.memref_squeeze %dma_start3A_30 : memref<1x16x10752xi32, #tpu.memory_space<hbm>> -> memref<16x10752xi32, #tpu.memory_space<hbm>>
      %dma_start3A_32 = arith.constant 0 : i32
      %dma_start3A_33 = tpu.memref_slice %dma_start3A_31[%arg1, %dma_start3A_32] : memref<16x10752xi32, #tpu.memory_space<hbm>> -> memref<1x10752xi32, #tpu.memory_space<hbm>>
      %dma_start3A_34 = tpu.memref_squeeze %dma_start3A_33 : memref<1x10752xi32, #tpu.memory_space<hbm>> -> memref<10752xi32, #tpu.memory_space<hbm>>
      tpu.enqueue_dma source(%arg13 : memref<10752xi32, #tpu.memory_space<vmem>>) target(%dma_start3A_34 : memref<10752xi32, #tpu.memory_space<hbm>>) target_semaphore(%run_scoped3A_11 : memref<!tpu.dma_semaphore, #tpu.memory_space<semaphore_mem>>)
      %dma_wait3A = arith.constant 0 : i32
      %dma_wait3A_35 = arith.constant 0 : i32
      %dma_wait3A_36 = arith.constant 0 : i32
      %dma_wait3A_37 = tpu.memref_slice %arg7[%arg0, %dma_wait3A, %dma_wait3A_35, %dma_wait3A_36] : memref<2x2x16x10752xi32, #tpu.memory_space<hbm>> -> memref<1x2x16x10752xi32, #tpu.memory_space<hbm>>
      %dma_wait3A_38 = tpu.memref_squeeze %dma_wait3A_37 : memref<1x2x16x10752xi32, #tpu.memory_space<hbm>> -> memref<2x16x10752xi32, #tpu.memory_space<hbm>>
      %dma_wait3A_39 = arith.constant 0 : i32
      %dma_wait3A_40 = arith.constant 0 : i32
      %dma_wait3A_41 = tpu.memref_slice %dma_wait3A_38[%run_scoped3A_10, %dma_wait3A_39, %dma_wait3A_40] : memref<2x16x10752xi32, #tpu.memory_space<hbm>> -> memref<1x16x10752xi32, #tpu.memory_space<hbm>>
      %dma_wait3A_42 = tpu.memref_squeeze %dma_wait3A_41 : memref<1x16x10752xi32, #tpu.memory_space<hbm>> -> memref<16x10752xi32, #tpu.memory_space<hbm>>
      %dma_wait3A_43 = arith.constant 0 : i32
      %dma_wait3A_44 = tpu.memref_slice %dma_wait3A_42[%arg1, %dma_wait3A_43] : memref<16x10752xi32, #tpu.memory_space<hbm>> -> memref<1x10752xi32, #tpu.memory_space<hbm>>
      %dma_wait3A_45 = tpu.memref_squeeze %dma_wait3A_44 : memref<1x10752xi32, #tpu.memory_space<hbm>> -> memref<10752xi32, #tpu.memory_space<hbm>>
      %dma_wait3A_46 = arith.constant 0 : i32
      %dma_wait3A_47 = arith.constant 0 : i32
      %dma_wait3A_48 = arith.constant 0 : i32
      %dma_wait3A_49 = tpu.memref_slice %arg7[%arg0, %dma_wait3A_46, %dma_wait3A_47, %dma_wait3A_48] : memref<2x2x16x10752xi32, #tpu.memory_space<hbm>> -> memref<1x2x16x10752xi32, #tpu.memory_space<hbm>>
      %dma_wait3A_50 = tpu.memref_squeeze %dma_wait3A_49 : memref<1x2x16x10752xi32, #tpu.memory_space<hbm>> -> memref<2x16x10752xi32, #tpu.memory_space<hbm>>
      %dma_wait3A_51 = arith.constant 0 : i32
      %dma_wait3A_52 = arith.constant 0 : i32
      %dma_wait3A_53 = tpu.memref_slice %dma_wait3A_50[%run_scoped3A_10, %dma_wait3A_51, %dma_wait3A_52] : memref<2x16x10752xi32, #tpu.memory_space<hbm>> -> memref<1x16x10752xi32, #tpu.memory_space<hbm>>
      %dma_wait3A_54 = tpu.memref_squeeze %dma_wait3A_53 : memref<1x16x10752xi32, #tpu.memory_space<hbm>> -> memref<16x10752xi32, #tpu.memory_space<hbm>>
      %dma_wait3A_55 = arith.constant 0 : i32
      %dma_wait3A_56 = tpu.memref_slice %dma_wait3A_54[%arg1, %dma_wait3A_55] : memref<16x10752xi32, #tpu.memory_space<hbm>> -> memref<1x10752xi32, #tpu.memory_space<hbm>>
      %dma_wait3A_57 = tpu.memref_squeeze %dma_wait3A_56 : memref<1x10752xi32, #tpu.memory_space<hbm>> -> memref<10752xi32, #tpu.memory_space<hbm>>
      tpu.wait_dma2 semaphore(%run_scoped3A_11 : memref<!tpu.dma_semaphore, #tpu.memory_space<semaphore_mem>>) src(%arg13 : memref<10752xi32, #tpu.memory_space<vmem>>) dst(%dma_wait3A_57 : memref<10752xi32, #tpu.memory_space<hbm>>)
      tpu.yield
    }) : () -> ()
    return
  }
}

#map = affine_map<(d0, d1) -> (0, 0)>
#map1 = affine_map<(d0, d1) -> (0, 0, 0, 0, 0)>
module attributes {stable_mosaic.version = 14 : i64} {
  func.func @k(%arg0: i32, %arg1: i32, %arg2: memref<20000x128xf32, #tpu.memory_space<hbm>>, %arg3: memref<2x2x16x84x128xi32, #tpu.memory_space<hbm>>, %arg4: memref<2x2x16x84x128xi32, #tpu.memory_space<hbm>>, %arg5: memref<20000x128xf32, #tpu.memory_space<hbm>>, %arg6: memref<84x128xi32, #tpu.memory_space<vmem>>, %arg7: memref<84x128xi32, #tpu.memory_space<vmem>>, %arg8: memref<5024x128xf32, #tpu.memory_space<vmem_shared>>, %arg9: memref<128x128xf32, #tpu.memory_space<vmem>>, %arg10: memref<128x128xf32, #tpu.memory_space<vmem>>, %arg11: memref<128x128xf32, #tpu.memory_space<vmem>>, %arg12: memref<128x128xf32, #tpu.memory_space<vmem>>, %arg13: memref<!tpu.dma_semaphore, #tpu.memory_space<semaphore_mem>>, %arg14: memref<!tpu.dma_semaphore, #tpu.memory_space<semaphore_mem>>, %arg15: memref<!tpu.dma_semaphore, #tpu.memory_space<semaphore_mem>>, %arg16: memref<!tpu.dma_semaphore, #tpu.memory_space<semaphore_mem>>, %arg17: memref<!tpu.dma_semaphore, #tpu.memory_space<semaphore_mem>>, %arg18: memref<!tpu.dma_semaphore, #tpu.memory_space<semaphore_mem>>, %arg19: memref<!tpu.dma_semaphore, #tpu.memory_space<semaphore_mem>>, %arg20: memref<!tpu.dma_semaphore, #tpu.memory_space<semaphore_mem>>) attributes {dimension_semantics = [#tpu.dimension_semantics<core_parallel>, #tpu.dimension_semantics<subcore_parallel>], iteration_bounds = array<i64: 2, 16>, scalar_prefetch = 0 : i64, scratch_operands = 15 : i64, tpu.core_type = #tpu.core_type<sc_vector_subcore>, window_params = [{transform_indices = #map}, {transform_indices = #map1}, {transform_indices = #map1}, {transform_indices = #map}]} {
    %mul3A = arith.constant 10000 : i32
    %mul3A_0 = arith.muli %arg0, %mul3A : i32
    %add3A = arith.constant 0 : i32
    %add3A_1 = arith.addi %mul3A_0, %add3A : i32
    %mul3A_2 = arith.constant 304 : i32
    %mul3A_3 = arith.muli %arg1, %mul3A_2 : i32
    %add3A_4 = arith.addi %add3A_1, %mul3A_3 : i32
    %add3A_5 = arith.constant 0 : i32
    %add3A_6 = arith.addi %add3A_5, %mul3A_3 : i32
    "tpu.region"() ({
      %run_scoped3A_168 = tpu.sem_alloc : memref<!tpu.dma_semaphore, #tpu.memory_space<semaphore_mem>>
      %dma_start3A_169 = arith.constant 0 : i32
      %dma_start3A_170 = tpu.memref_slice %arg8[%add3A_6, %dma_start3A_169] : memref<5024x128xf32, #tpu.memory_space<vmem_shared>> -> memref<304x128xf32, #tpu.memory_space<vmem_shared>>
      %dma_start3A_171 = arith.constant 0 : i32
      %dma_start3A_172 = tpu.memref_slice %arg2[%add3A_4, %dma_start3A_171] : memref<20000x128xf32, #tpu.memory_space<hbm>> -> memref<304x128xf32, #tpu.memory_space<hbm>>
      tpu.enqueue_dma source(%dma_start3A_172 : memref<304x128xf32, #tpu.memory_space<hbm>>) target(%dma_start3A_170 : memref<304x128xf32, #tpu.memory_space<vmem_shared>>) target_semaphore(%run_scoped3A_168 : memref<!tpu.dma_semaphore, #tpu.memory_space<semaphore_mem>>)
      %dma_wait3A_173 = arith.constant 0 : i32
      %dma_wait3A_174 = tpu.memref_slice %arg8[%add3A_6, %dma_wait3A_173] : memref<5024x128xf32, #tpu.memory_space<vmem_shared>> -> memref<304x128xf32, #tpu.memory_space<vmem_shared>>
      %dma_wait3A_175 = arith.constant 0 : i32
      %dma_wait3A_176 = tpu.memref_slice %arg2[%add3A_4, %dma_wait3A_175] : memref<20000x128xf32, #tpu.memory_space<hbm>> -> memref<304x128xf32, #tpu.memory_space<hbm>>
      tpu.wait_dma2 semaphore(%run_scoped3A_168 : memref<!tpu.dma_semaphore, #tpu.memory_space<semaphore_mem>>) src(%dma_wait3A_176 : memref<304x128xf32, #tpu.memory_space<hbm>>) dst(%dma_wait3A_174 : memref<304x128xf32, #tpu.memory_space<vmem_shared>>)
      tpu.yield
    }) : () -> ()
    %eq3A = arith.constant 15 : i32
    %eq3A_7 = arith.cmpi eq, %arg1, %eq3A : i32
    %convert_element_type3A = arith.extui %eq3A_7 : i1 to i32
    %cond3A = arith.constant 0 : i32
    %cond3A_8 = arith.cmpi ne, %convert_element_type3A, %cond3A : i32
    scf.if %cond3A_8 {
      %add3A_168 = arith.constant 4864 : i32
      %add3A_169 = arith.addi %add3A_1, %add3A_168 : i32
      "tpu.region"() ({
        %run_scoped3A_170 = tpu.sem_alloc : memref<!tpu.dma_semaphore, #tpu.memory_space<semaphore_mem>>
        %dma_start3A_171 = arith.constant 4864 : i32
        %dma_start3A_172 = arith.constant 0 : i32
        %dma_start3A_173 = tpu.memref_slice %arg8[%dma_start3A_171, %dma_start3A_172] : memref<5024x128xf32, #tpu.memory_space<vmem_shared>> -> memref<128x128xf32, #tpu.memory_space<vmem_shared>>
        %dma_start3A_174 = arith.constant 0 : i32
        %dma_start3A_175 = tpu.memref_slice %arg2[%add3A_169, %dma_start3A_174] : memref<20000x128xf32, #tpu.memory_space<hbm>> -> memref<128x128xf32, #tpu.memory_space<hbm>>
        tpu.enqueue_dma source(%dma_start3A_175 : memref<128x128xf32, #tpu.memory_space<hbm>>) target(%dma_start3A_173 : memref<128x128xf32, #tpu.memory_space<vmem_shared>>) target_semaphore(%run_scoped3A_170 : memref<!tpu.dma_semaphore, #tpu.memory_space<semaphore_mem>>)
        %dma_wait3A_176 = arith.constant 4864 : i32
        %dma_wait3A_177 = arith.constant 0 : i32
        %dma_wait3A_178 = tpu.memref_slice %arg8[%dma_wait3A_176, %dma_wait3A_177] : memref<5024x128xf32, #tpu.memory_space<vmem_shared>> -> memref<128x128xf32, #tpu.memory_space<vmem_shared>>
        %dma_wait3A_179 = arith.constant 0 : i32
        %dma_wait3A_180 = tpu.memref_slice %arg2[%add3A_169, %dma_wait3A_179] : memref<20000x128xf32, #tpu.memory_space<hbm>> -> memref<128x128xf32, #tpu.memory_space<hbm>>
        tpu.wait_dma2 semaphore(%run_scoped3A_170 : memref<!tpu.dma_semaphore, #tpu.memory_space<semaphore_mem>>) src(%dma_wait3A_180 : memref<128x128xf32, #tpu.memory_space<hbm>>) dst(%dma_wait3A_178 : memref<128x128xf32, #tpu.memory_space<vmem_shared>>)
        tpu.yield
      }) : () -> ()
    } else {
    }
    %run_scoped3A = arith.constant 0 : i32
    "tpu.region"() ({
      %run_scoped3A_168 = tpu.sem_alloc : memref<!tpu.dma_semaphore, #tpu.memory_space<semaphore_mem>>
      %dma_start3A_169 = arith.constant 0 : i32
      %dma_start3A_170 = arith.constant 0 : i32
      %dma_start3A_171 = arith.constant 0 : i32
      %dma_start3A_172 = arith.constant 0 : i32
      %dma_start3A_173 = tpu.memref_slice %arg3[%arg0, %dma_start3A_169, %dma_start3A_170, %dma_start3A_171, %dma_start3A_172] : memref<2x2x16x84x128xi32, #tpu.memory_space<hbm>> -> memref<1x2x16x84x128xi32, #tpu.memory_space<hbm>>
      %dma_start3A_174 = tpu.memref_squeeze %dma_start3A_173 : memref<1x2x16x84x128xi32, #tpu.memory_space<hbm>> -> memref<2x16x84x128xi32, #tpu.memory_space<hbm>>
      %dma_start3A_175 = arith.constant 0 : i32
      %dma_start3A_176 = arith.constant 0 : i32
      %dma_start3A_177 = arith.constant 0 : i32
      %dma_start3A_178 = tpu.memref_slice %dma_start3A_174[%run_scoped3A, %dma_start3A_175, %dma_start3A_176, %dma_start3A_177] : memref<2x16x84x128xi32, #tpu.memory_space<hbm>> -> memref<1x16x84x128xi32, #tpu.memory_space<hbm>>
      %dma_start3A_179 = tpu.memref_squeeze %dma_start3A_178 : memref<1x16x84x128xi32, #tpu.memory_space<hbm>> -> memref<16x84x128xi32, #tpu.memory_space<hbm>>
      %dma_start3A_180 = arith.constant 0 : i32
      %dma_start3A_181 = arith.constant 0 : i32
      %dma_start3A_182 = tpu.memref_slice %dma_start3A_179[%arg1, %dma_start3A_180, %dma_start3A_181] : memref<16x84x128xi32, #tpu.memory_space<hbm>> -> memref<1x84x128xi32, #tpu.memory_space<hbm>>
      %dma_start3A_183 = tpu.memref_squeeze %dma_start3A_182 : memref<1x84x128xi32, #tpu.memory_space<hbm>> -> memref<84x128xi32, #tpu.memory_space<hbm>>
      %dma_start3A_184 = arith.constant 0 : i32
      %dma_start3A_185 = arith.constant 0 : i32
      %dma_start3A_186 = arith.constant 0 : i32
      %dma_start3A_187 = arith.constant 0 : i32
      %dma_start3A_188 = tpu.memref_slice %arg3[%arg0, %dma_start3A_184, %dma_start3A_185, %dma_start3A_186, %dma_start3A_187] : memref<2x2x16x84x128xi32, #tpu.memory_space<hbm>> -> memref<1x2x16x84x128xi32, #tpu.memory_space<hbm>>
      %dma_start3A_189 = tpu.memref_squeeze %dma_start3A_188 : memref<1x2x16x84x128xi32, #tpu.memory_space<hbm>> -> memref<2x16x84x128xi32, #tpu.memory_space<hbm>>
      %dma_start3A_190 = arith.constant 0 : i32
      %dma_start3A_191 = arith.constant 0 : i32
      %dma_start3A_192 = arith.constant 0 : i32
      %dma_start3A_193 = tpu.memref_slice %dma_start3A_189[%run_scoped3A, %dma_start3A_190, %dma_start3A_191, %dma_start3A_192] : memref<2x16x84x128xi32, #tpu.memory_space<hbm>> -> memref<1x16x84x128xi32, #tpu.memory_space<hbm>>
      %dma_start3A_194 = tpu.memref_squeeze %dma_start3A_193 : memref<1x16x84x128xi32, #tpu.memory_space<hbm>> -> memref<16x84x128xi32, #tpu.memory_space<hbm>>
      %dma_start3A_195 = arith.constant 0 : i32
      %dma_start3A_196 = arith.constant 0 : i32
      %dma_start3A_197 = tpu.memref_slice %dma_start3A_194[%arg1, %dma_start3A_195, %dma_start3A_196] : memref<16x84x128xi32, #tpu.memory_space<hbm>> -> memref<1x84x128xi32, #tpu.memory_space<hbm>>
      %dma_start3A_198 = tpu.memref_squeeze %dma_start3A_197 : memref<1x84x128xi32, #tpu.memory_space<hbm>> -> memref<84x128xi32, #tpu.memory_space<hbm>>
      tpu.enqueue_dma source(%dma_start3A_198 : memref<84x128xi32, #tpu.memory_space<hbm>>) target(%arg6 : memref<84x128xi32, #tpu.memory_space<vmem>>) target_semaphore(%run_scoped3A_168 : memref<!tpu.dma_semaphore, #tpu.memory_space<semaphore_mem>>)
      %dma_wait3A_199 = arith.constant 0 : i32
      %dma_wait3A_200 = arith.constant 0 : i32
      %dma_wait3A_201 = arith.constant 0 : i32
      %dma_wait3A_202 = arith.constant 0 : i32
      %dma_wait3A_203 = tpu.memref_slice %arg3[%arg0, %dma_wait3A_199, %dma_wait3A_200, %dma_wait3A_201, %dma_wait3A_202] : memref<2x2x16x84x128xi32, #tpu.memory_space<hbm>> -> memref<1x2x16x84x128xi32, #tpu.memory_space<hbm>>
      %dma_wait3A_204 = tpu.memref_squeeze %dma_wait3A_203 : memref<1x2x16x84x128xi32, #tpu.memory_space<hbm>> -> memref<2x16x84x128xi32, #tpu.memory_space<hbm>>
      %dma_wait3A_205 = arith.constant 0 : i32
      %dma_wait3A_206 = arith.constant 0 : i32
      %dma_wait3A_207 = arith.constant 0 : i32
      %dma_wait3A_208 = tpu.memref_slice %dma_wait3A_204[%run_scoped3A, %dma_wait3A_205, %dma_wait3A_206, %dma_wait3A_207] : memref<2x16x84x128xi32, #tpu.memory_space<hbm>> -> memref<1x16x84x128xi32, #tpu.memory_space<hbm>>
      %dma_wait3A_209 = tpu.memref_squeeze %dma_wait3A_208 : memref<1x16x84x128xi32, #tpu.memory_space<hbm>> -> memref<16x84x128xi32, #tpu.memory_space<hbm>>
      %dma_wait3A_210 = arith.constant 0 : i32
      %dma_wait3A_211 = arith.constant 0 : i32
      %dma_wait3A_212 = tpu.memref_slice %dma_wait3A_209[%arg1, %dma_wait3A_210, %dma_wait3A_211] : memref<16x84x128xi32, #tpu.memory_space<hbm>> -> memref<1x84x128xi32, #tpu.memory_space<hbm>>
      %dma_wait3A_213 = tpu.memref_squeeze %dma_wait3A_212 : memref<1x84x128xi32, #tpu.memory_space<hbm>> -> memref<84x128xi32, #tpu.memory_space<hbm>>
      %dma_wait3A_214 = arith.constant 0 : i32
      %dma_wait3A_215 = arith.constant 0 : i32
      %dma_wait3A_216 = arith.constant 0 : i32
      %dma_wait3A_217 = arith.constant 0 : i32
      %dma_wait3A_218 = tpu.memref_slice %arg3[%arg0, %dma_wait3A_214, %dma_wait3A_215, %dma_wait3A_216, %dma_wait3A_217] : memref<2x2x16x84x128xi32, #tpu.memory_space<hbm>> -> memref<1x2x16x84x128xi32, #tpu.memory_space<hbm>>
      %dma_wait3A_219 = tpu.memref_squeeze %dma_wait3A_218 : memref<1x2x16x84x128xi32, #tpu.memory_space<hbm>> -> memref<2x16x84x128xi32, #tpu.memory_space<hbm>>
      %dma_wait3A_220 = arith.constant 0 : i32
      %dma_wait3A_221 = arith.constant 0 : i32
      %dma_wait3A_222 = arith.constant 0 : i32
      %dma_wait3A_223 = tpu.memref_slice %dma_wait3A_219[%run_scoped3A, %dma_wait3A_220, %dma_wait3A_221, %dma_wait3A_222] : memref<2x16x84x128xi32, #tpu.memory_space<hbm>> -> memref<1x16x84x128xi32, #tpu.memory_space<hbm>>
      %dma_wait3A_224 = tpu.memref_squeeze %dma_wait3A_223 : memref<1x16x84x128xi32, #tpu.memory_space<hbm>> -> memref<16x84x128xi32, #tpu.memory_space<hbm>>
      %dma_wait3A_225 = arith.constant 0 : i32
      %dma_wait3A_226 = arith.constant 0 : i32
      %dma_wait3A_227 = tpu.memref_slice %dma_wait3A_224[%arg1, %dma_wait3A_225, %dma_wait3A_226] : memref<16x84x128xi32, #tpu.memory_space<hbm>> -> memref<1x84x128xi32, #tpu.memory_space<hbm>>
      %dma_wait3A_228 = tpu.memref_squeeze %dma_wait3A_227 : memref<1x84x128xi32, #tpu.memory_space<hbm>> -> memref<84x128xi32, #tpu.memory_space<hbm>>
      tpu.wait_dma2 semaphore(%run_scoped3A_168 : memref<!tpu.dma_semaphore, #tpu.memory_space<semaphore_mem>>) src(%dma_wait3A_228 : memref<84x128xi32, #tpu.memory_space<hbm>>) dst(%arg6 : memref<84x128xi32, #tpu.memory_space<vmem>>)
      tpu.yield
    }) : () -> ()
    %run_scoped3A_9 = arith.constant 0 : i32
    "tpu.region"() ({
      %run_scoped3A_168 = tpu.sem_alloc : memref<!tpu.dma_semaphore, #tpu.memory_space<semaphore_mem>>
      %dma_start3A_169 = arith.constant 0 : i32
      %dma_start3A_170 = arith.constant 0 : i32
      %dma_start3A_171 = arith.constant 0 : i32
      %dma_start3A_172 = arith.constant 0 : i32
      %dma_start3A_173 = tpu.memref_slice %arg4[%arg0, %dma_start3A_169, %dma_start3A_170, %dma_start3A_171, %dma_start3A_172] : memref<2x2x16x84x128xi32, #tpu.memory_space<hbm>> -> memref<1x2x16x84x128xi32, #tpu.memory_space<hbm>>
      %dma_start3A_174 = tpu.memref_squeeze %dma_start3A_173 : memref<1x2x16x84x128xi32, #tpu.memory_space<hbm>> -> memref<2x16x84x128xi32, #tpu.memory_space<hbm>>
      %dma_start3A_175 = arith.constant 0 : i32
      %dma_start3A_176 = arith.constant 0 : i32
      %dma_start3A_177 = arith.constant 0 : i32
      %dma_start3A_178 = tpu.memref_slice %dma_start3A_174[%run_scoped3A_9, %dma_start3A_175, %dma_start3A_176, %dma_start3A_177] : memref<2x16x84x128xi32, #tpu.memory_space<hbm>> -> memref<1x16x84x128xi32, #tpu.memory_space<hbm>>
      %dma_start3A_179 = tpu.memref_squeeze %dma_start3A_178 : memref<1x16x84x128xi32, #tpu.memory_space<hbm>> -> memref<16x84x128xi32, #tpu.memory_space<hbm>>
      %dma_start3A_180 = arith.constant 0 : i32
      %dma_start3A_181 = arith.constant 0 : i32
      %dma_start3A_182 = tpu.memref_slice %dma_start3A_179[%arg1, %dma_start3A_180, %dma_start3A_181] : memref<16x84x128xi32, #tpu.memory_space<hbm>> -> memref<1x84x128xi32, #tpu.memory_space<hbm>>
      %dma_start3A_183 = tpu.memref_squeeze %dma_start3A_182 : memref<1x84x128xi32, #tpu.memory_space<hbm>> -> memref<84x128xi32, #tpu.memory_space<hbm>>
      %dma_start3A_184 = arith.constant 0 : i32
      %dma_start3A_185 = arith.constant 0 : i32
      %dma_start3A_186 = arith.constant 0 : i32
      %dma_start3A_187 = arith.constant 0 : i32
      %dma_start3A_188 = tpu.memref_slice %arg4[%arg0, %dma_start3A_184, %dma_start3A_185, %dma_start3A_186, %dma_start3A_187] : memref<2x2x16x84x128xi32, #tpu.memory_space<hbm>> -> memref<1x2x16x84x128xi32, #tpu.memory_space<hbm>>
      %dma_start3A_189 = tpu.memref_squeeze %dma_start3A_188 : memref<1x2x16x84x128xi32, #tpu.memory_space<hbm>> -> memref<2x16x84x128xi32, #tpu.memory_space<hbm>>
      %dma_start3A_190 = arith.constant 0 : i32
      %dma_start3A_191 = arith.constant 0 : i32
      %dma_start3A_192 = arith.constant 0 : i32
      %dma_start3A_193 = tpu.memref_slice %dma_start3A_189[%run_scoped3A_9, %dma_start3A_190, %dma_start3A_191, %dma_start3A_192] : memref<2x16x84x128xi32, #tpu.memory_space<hbm>> -> memref<1x16x84x128xi32, #tpu.memory_space<hbm>>
      %dma_start3A_194 = tpu.memref_squeeze %dma_start3A_193 : memref<1x16x84x128xi32, #tpu.memory_space<hbm>> -> memref<16x84x128xi32, #tpu.memory_space<hbm>>
      %dma_start3A_195 = arith.constant 0 : i32
      %dma_start3A_196 = arith.constant 0 : i32
      %dma_start3A_197 = tpu.memref_slice %dma_start3A_194[%arg1, %dma_start3A_195, %dma_start3A_196] : memref<16x84x128xi32, #tpu.memory_space<hbm>> -> memref<1x84x128xi32, #tpu.memory_space<hbm>>
      %dma_start3A_198 = tpu.memref_squeeze %dma_start3A_197 : memref<1x84x128xi32, #tpu.memory_space<hbm>> -> memref<84x128xi32, #tpu.memory_space<hbm>>
      tpu.enqueue_dma source(%dma_start3A_198 : memref<84x128xi32, #tpu.memory_space<hbm>>) target(%arg7 : memref<84x128xi32, #tpu.memory_space<vmem>>) target_semaphore(%run_scoped3A_168 : memref<!tpu.dma_semaphore, #tpu.memory_space<semaphore_mem>>)
      %dma_wait3A_199 = arith.constant 0 : i32
      %dma_wait3A_200 = arith.constant 0 : i32
      %dma_wait3A_201 = arith.constant 0 : i32
      %dma_wait3A_202 = arith.constant 0 : i32
      %dma_wait3A_203 = tpu.memref_slice %arg4[%arg0, %dma_wait3A_199, %dma_wait3A_200, %dma_wait3A_201, %dma_wait3A_202] : memref<2x2x16x84x128xi32, #tpu.memory_space<hbm>> -> memref<1x2x16x84x128xi32, #tpu.memory_space<hbm>>
      %dma_wait3A_204 = tpu.memref_squeeze %dma_wait3A_203 : memref<1x2x16x84x128xi32, #tpu.memory_space<hbm>> -> memref<2x16x84x128xi32, #tpu.memory_space<hbm>>
      %dma_wait3A_205 = arith.constant 0 : i32
      %dma_wait3A_206 = arith.constant 0 : i32
      %dma_wait3A_207 = arith.constant 0 : i32
      %dma_wait3A_208 = tpu.memref_slice %dma_wait3A_204[%run_scoped3A_9, %dma_wait3A_205, %dma_wait3A_206, %dma_wait3A_207] : memref<2x16x84x128xi32, #tpu.memory_space<hbm>> -> memref<1x16x84x128xi32, #tpu.memory_space<hbm>>
      %dma_wait3A_209 = tpu.memref_squeeze %dma_wait3A_208 : memref<1x16x84x128xi32, #tpu.memory_space<hbm>> -> memref<16x84x128xi32, #tpu.memory_space<hbm>>
      %dma_wait3A_210 = arith.constant 0 : i32
      %dma_wait3A_211 = arith.constant 0 : i32
      %dma_wait3A_212 = tpu.memref_slice %dma_wait3A_209[%arg1, %dma_wait3A_210, %dma_wait3A_211] : memref<16x84x128xi32, #tpu.memory_space<hbm>> -> memref<1x84x128xi32, #tpu.memory_space<hbm>>
      %dma_wait3A_213 = tpu.memref_squeeze %dma_wait3A_212 : memref<1x84x128xi32, #tpu.memory_space<hbm>> -> memref<84x128xi32, #tpu.memory_space<hbm>>
      %dma_wait3A_214 = arith.constant 0 : i32
      %dma_wait3A_215 = arith.constant 0 : i32
      %dma_wait3A_216 = arith.constant 0 : i32
      %dma_wait3A_217 = arith.constant 0 : i32
      %dma_wait3A_218 = tpu.memref_slice %arg4[%arg0, %dma_wait3A_214, %dma_wait3A_215, %dma_wait3A_216, %dma_wait3A_217] : memref<2x2x16x84x128xi32, #tpu.memory_space<hbm>> -> memref<1x2x16x84x128xi32, #tpu.memory_space<hbm>>
      %dma_wait3A_219 = tpu.memref_squeeze %dma_wait3A_218 : memref<1x2x16x84x128xi32, #tpu.memory_space<hbm>> -> memref<2x16x84x128xi32, #tpu.memory_space<hbm>>
      %dma_wait3A_220 = arith.constant 0 : i32
      %dma_wait3A_221 = arith.constant 0 : i32
      %dma_wait3A_222 = arith.constant 0 : i32
      %dma_wait3A_223 = tpu.memref_slice %dma_wait3A_219[%run_scoped3A_9, %dma_wait3A_220, %dma_wait3A_221, %dma_wait3A_222] : memref<2x16x84x128xi32, #tpu.memory_space<hbm>> -> memref<1x16x84x128xi32, #tpu.memory_space<hbm>>
      %dma_wait3A_224 = tpu.memref_squeeze %dma_wait3A_223 : memref<1x16x84x128xi32, #tpu.memory_space<hbm>> -> memref<16x84x128xi32, #tpu.memory_space<hbm>>
      %dma_wait3A_225 = arith.constant 0 : i32
      %dma_wait3A_226 = arith.constant 0 : i32
      %dma_wait3A_227 = tpu.memref_slice %dma_wait3A_224[%arg1, %dma_wait3A_225, %dma_wait3A_226] : memref<16x84x128xi32, #tpu.memory_space<hbm>> -> memref<1x84x128xi32, #tpu.memory_space<hbm>>
      %dma_wait3A_228 = tpu.memref_squeeze %dma_wait3A_227 : memref<1x84x128xi32, #tpu.memory_space<hbm>> -> memref<84x128xi32, #tpu.memory_space<hbm>>
      tpu.wait_dma2 semaphore(%run_scoped3A_168 : memref<!tpu.dma_semaphore, #tpu.memory_space<semaphore_mem>>) src(%dma_wait3A_228 : memref<84x128xi32, #tpu.memory_space<hbm>>) dst(%arg7 : memref<84x128xi32, #tpu.memory_space<vmem>>)
      tpu.yield
    }) : () -> ()
    %barrier3A = arith.constant 0 : index
    tpu.barrier barrier_id(%barrier3A)
    %dma_start3A = arith.constant 0 : i32
    %dma_start3A_10 = arith.constant 0 : i32
    %dma_start3A_11 = tpu.memref_slice %arg6[%dma_start3A, %dma_start3A_10] : memref<84x128xi32, #tpu.memory_space<vmem>> -> memref<1x128xi32, #tpu.memory_space<vmem>>
    %dma_start3A_12 = tpu.memref_squeeze %dma_start3A_11 : memref<1x128xi32, #tpu.memory_space<vmem>> -> memref<128xi32, #tpu.memory_space<vmem>>
    %dma_start3A_13 = arith.constant 0 : i32
    %dma_start3A_14 = arith.constant 0 : i32
    %dma_start3A_15 = tpu.memref_slice %arg2[%dma_start3A_13, %dma_start3A_14] : memref<20000x128xf32, #tpu.memory_space<hbm>> -> memref<20000x128xf32, #tpu.memory_space<hbm>>
    tpu.enqueue_indirect_dma source(%dma_start3A_15 : memref<20000x128xf32, #tpu.memory_space<hbm>>) target(%arg9 : memref<128x128xf32, #tpu.memory_space<vmem>>) offsets(%dma_start3A_12 : memref<128xi32, #tpu.memory_space<vmem>>) semaphore(%arg13 : memref<!tpu.dma_semaphore, #tpu.memory_space<semaphore_mem>>)
    %dma_start3A_16 = arith.constant 1 : i32
    %dma_start3A_17 = arith.constant 0 : i32
    %dma_start3A_18 = tpu.memref_slice %arg6[%dma_start3A_16, %dma_start3A_17] : memref<84x128xi32, #tpu.memory_space<vmem>> -> memref<1x128xi32, #tpu.memory_space<vmem>>
    %dma_start3A_19 = tpu.memref_squeeze %dma_start3A_18 : memref<1x128xi32, #tpu.memory_space<vmem>> -> memref<128xi32, #tpu.memory_space<vmem>>
    %dma_start3A_20 = arith.constant 0 : i32
    %dma_start3A_21 = arith.constant 0 : i32
    %dma_start3A_22 = tpu.memref_slice %arg2[%dma_start3A_20, %dma_start3A_21] : memref<20000x128xf32, #tpu.memory_space<hbm>> -> memref<20000x128xf32, #tpu.memory_space<hbm>>
    tpu.enqueue_indirect_dma source(%dma_start3A_22 : memref<20000x128xf32, #tpu.memory_space<hbm>>) target(%arg10 : memref<128x128xf32, #tpu.memory_space<vmem>>) offsets(%dma_start3A_19 : memref<128xi32, #tpu.memory_space<vmem>>) semaphore(%arg14 : memref<!tpu.dma_semaphore, #tpu.memory_space<semaphore_mem>>)
    %dma_start3A_23 = arith.constant 2 : i32
    %dma_start3A_24 = arith.constant 0 : i32
    %dma_start3A_25 = tpu.memref_slice %arg6[%dma_start3A_23, %dma_start3A_24] : memref<84x128xi32, #tpu.memory_space<vmem>> -> memref<1x128xi32, #tpu.memory_space<vmem>>
    %dma_start3A_26 = tpu.memref_squeeze %dma_start3A_25 : memref<1x128xi32, #tpu.memory_space<vmem>> -> memref<128xi32, #tpu.memory_space<vmem>>
    %dma_start3A_27 = arith.constant 0 : i32
    %dma_start3A_28 = arith.constant 0 : i32
    %dma_start3A_29 = tpu.memref_slice %arg2[%dma_start3A_27, %dma_start3A_28] : memref<20000x128xf32, #tpu.memory_space<hbm>> -> memref<20000x128xf32, #tpu.memory_space<hbm>>
    tpu.enqueue_indirect_dma source(%dma_start3A_29 : memref<20000x128xf32, #tpu.memory_space<hbm>>) target(%arg11 : memref<128x128xf32, #tpu.memory_space<vmem>>) offsets(%dma_start3A_26 : memref<128xi32, #tpu.memory_space<vmem>>) semaphore(%arg15 : memref<!tpu.dma_semaphore, #tpu.memory_space<semaphore_mem>>)
    %dma_start3A_30 = arith.constant 3 : i32
    %dma_start3A_31 = arith.constant 0 : i32
    %dma_start3A_32 = tpu.memref_slice %arg6[%dma_start3A_30, %dma_start3A_31] : memref<84x128xi32, #tpu.memory_space<vmem>> -> memref<1x128xi32, #tpu.memory_space<vmem>>
    %dma_start3A_33 = tpu.memref_squeeze %dma_start3A_32 : memref<1x128xi32, #tpu.memory_space<vmem>> -> memref<128xi32, #tpu.memory_space<vmem>>
    %dma_start3A_34 = arith.constant 0 : i32
    %dma_start3A_35 = arith.constant 0 : i32
    %dma_start3A_36 = tpu.memref_slice %arg2[%dma_start3A_34, %dma_start3A_35] : memref<20000x128xf32, #tpu.memory_space<hbm>> -> memref<20000x128xf32, #tpu.memory_space<hbm>>
    tpu.enqueue_indirect_dma source(%dma_start3A_36 : memref<20000x128xf32, #tpu.memory_space<hbm>>) target(%arg12 : memref<128x128xf32, #tpu.memory_space<vmem>>) offsets(%dma_start3A_33 : memref<128xi32, #tpu.memory_space<vmem>>) semaphore(%arg16 : memref<!tpu.dma_semaphore, #tpu.memory_space<semaphore_mem>>)
    %scan3A = arith.constant 0 : i32
    %scan3A_37 = arith.constant 21 : i32
    %scan3A_38 = arith.addi %scan3A, %scan3A_37 : i32
    %scan3A_39 = arith.constant 1 : i32
    scf.for %scan3A_168 = %scan3A to %scan3A_38 step %scan3A_39  : i32 {
      %mul3A_169 = arith.constant 4 : i32
      %mul3A_170 = arith.muli %scan3A_168, %mul3A_169 : i32
      %add3A_171 = arith.constant 0 : i32
      %add3A_172 = arith.addi %add3A_171, %mul3A_170 : i32
      %add3A_173 = arith.constant 0 : i32
      %add3A_174 = arith.addi %add3A_172, %add3A_173 : i32
      %dma_wait3A_175 = arith.constant 0 : i32
      %dma_wait3A_176 = tpu.memref_slice %arg6[%add3A_174, %dma_wait3A_175] : memref<84x128xi32, #tpu.memory_space<vmem>> -> memref<1x128xi32, #tpu.memory_space<vmem>>
      %dma_wait3A_177 = tpu.memref_squeeze %dma_wait3A_176 : memref<1x128xi32, #tpu.memory_space<vmem>> -> memref<128xi32, #tpu.memory_space<vmem>>
      %dma_wait3A_178 = arith.constant 0 : i32
      %dma_wait3A_179 = arith.constant 0 : i32
      %dma_wait3A_180 = tpu.memref_slice %arg2[%dma_wait3A_178, %dma_wait3A_179] : memref<20000x128xf32, #tpu.memory_space<hbm>> -> memref<20000x128xf32, #tpu.memory_space<hbm>>
      tpu.wait_indirect_dma semaphore(%arg13 : memref<!tpu.dma_semaphore, #tpu.memory_space<semaphore_mem>>) src(%dma_wait3A_180 : memref<20000x128xf32, #tpu.memory_space<hbm>>) dst(%arg9 : memref<128x128xf32, #tpu.memory_space<vmem>>)
      %add3A_181 = arith.constant 0 : i32
      %add3A_182 = arith.addi %add3A_172, %add3A_181 : i32
      %dma_start3A_183 = arith.constant 0 : i32
      %dma_start3A_184 = tpu.memref_slice %arg7[%add3A_182, %dma_start3A_183] : memref<84x128xi32, #tpu.memory_space<vmem>> -> memref<1x128xi32, #tpu.memory_space<vmem>>
      %dma_start3A_185 = tpu.memref_squeeze %dma_start3A_184 : memref<1x128xi32, #tpu.memory_space<vmem>> -> memref<128xi32, #tpu.memory_space<vmem>>
      %dma_start3A_186 = arith.constant 0 : i32
      %dma_start3A_187 = arith.constant 0 : i32
      %dma_start3A_188 = tpu.memref_slice %arg8[%dma_start3A_186, %dma_start3A_187] : memref<5024x128xf32, #tpu.memory_space<vmem_shared>> -> memref<5024x128xf32, #tpu.memory_space<vmem_shared>>
      tpu.enqueue_indirect_dma source(%arg9 : memref<128x128xf32, #tpu.memory_space<vmem>>) target(%dma_start3A_188 : memref<5024x128xf32, #tpu.memory_space<vmem_shared>>) offsets(%dma_start3A_185 : memref<128xi32, #tpu.memory_space<vmem>>) semaphore(%arg17 : memref<!tpu.dma_semaphore, #tpu.memory_space<semaphore_mem>>) {add = true}
      %add3A_189 = arith.constant 1 : i32
      %add3A_190 = arith.addi %add3A_172, %add3A_189 : i32
      %dma_wait3A_191 = arith.constant 0 : i32
      %dma_wait3A_192 = tpu.memref_slice %arg6[%add3A_190, %dma_wait3A_191] : memref<84x128xi32, #tpu.memory_space<vmem>> -> memref<1x128xi32, #tpu.memory_space<vmem>>
      %dma_wait3A_193 = tpu.memref_squeeze %dma_wait3A_192 : memref<1x128xi32, #tpu.memory_space<vmem>> -> memref<128xi32, #tpu.memory_space<vmem>>
      %dma_wait3A_194 = arith.constant 0 : i32
      %dma_wait3A_195 = arith.constant 0 : i32
      %dma_wait3A_196 = tpu.memref_slice %arg2[%dma_wait3A_194, %dma_wait3A_195] : memref<20000x128xf32, #tpu.memory_space<hbm>> -> memref<20000x128xf32, #tpu.memory_space<hbm>>
      tpu.wait_indirect_dma semaphore(%arg14 : memref<!tpu.dma_semaphore, #tpu.memory_space<semaphore_mem>>) src(%dma_wait3A_196 : memref<20000x128xf32, #tpu.memory_space<hbm>>) dst(%arg10 : memref<128x128xf32, #tpu.memory_space<vmem>>)
      %add3A_197 = arith.constant 1 : i32
      %add3A_198 = arith.addi %add3A_172, %add3A_197 : i32
      %dma_start3A_199 = arith.constant 0 : i32
      %dma_start3A_200 = tpu.memref_slice %arg7[%add3A_198, %dma_start3A_199] : memref<84x128xi32, #tpu.memory_space<vmem>> -> memref<1x128xi32, #tpu.memory_space<vmem>>
      %dma_start3A_201 = tpu.memref_squeeze %dma_start3A_200 : memref<1x128xi32, #tpu.memory_space<vmem>> -> memref<128xi32, #tpu.memory_space<vmem>>
      %dma_start3A_202 = arith.constant 0 : i32
      %dma_start3A_203 = arith.constant 0 : i32
      %dma_start3A_204 = tpu.memref_slice %arg8[%dma_start3A_202, %dma_start3A_203] : memref<5024x128xf32, #tpu.memory_space<vmem_shared>> -> memref<5024x128xf32, #tpu.memory_space<vmem_shared>>
      tpu.enqueue_indirect_dma source(%arg10 : memref<128x128xf32, #tpu.memory_space<vmem>>) target(%dma_start3A_204 : memref<5024x128xf32, #tpu.memory_space<vmem_shared>>) offsets(%dma_start3A_201 : memref<128xi32, #tpu.memory_space<vmem>>) semaphore(%arg18 : memref<!tpu.dma_semaphore, #tpu.memory_space<semaphore_mem>>) {add = true}
      %add3A_205 = arith.constant 2 : i32
      %add3A_206 = arith.addi %add3A_172, %add3A_205 : i32
      %dma_wait3A_207 = arith.constant 0 : i32
      %dma_wait3A_208 = tpu.memref_slice %arg6[%add3A_206, %dma_wait3A_207] : memref<84x128xi32, #tpu.memory_space<vmem>> -> memref<1x128xi32, #tpu.memory_space<vmem>>
      %dma_wait3A_209 = tpu.memref_squeeze %dma_wait3A_208 : memref<1x128xi32, #tpu.memory_space<vmem>> -> memref<128xi32, #tpu.memory_space<vmem>>
      %dma_wait3A_210 = arith.constant 0 : i32
      %dma_wait3A_211 = arith.constant 0 : i32
      %dma_wait3A_212 = tpu.memref_slice %arg2[%dma_wait3A_210, %dma_wait3A_211] : memref<20000x128xf32, #tpu.memory_space<hbm>> -> memref<20000x128xf32, #tpu.memory_space<hbm>>
      tpu.wait_indirect_dma semaphore(%arg15 : memref<!tpu.dma_semaphore, #tpu.memory_space<semaphore_mem>>) src(%dma_wait3A_212 : memref<20000x128xf32, #tpu.memory_space<hbm>>) dst(%arg11 : memref<128x128xf32, #tpu.memory_space<vmem>>)
      %add3A_213 = arith.constant 2 : i32
      %add3A_214 = arith.addi %add3A_172, %add3A_213 : i32
      %dma_start3A_215 = arith.constant 0 : i32
      %dma_start3A_216 = tpu.memref_slice %arg7[%add3A_214, %dma_start3A_215] : memref<84x128xi32, #tpu.memory_space<vmem>> -> memref<1x128xi32, #tpu.memory_space<vmem>>
      %dma_start3A_217 = tpu.memref_squeeze %dma_start3A_216 : memref<1x128xi32, #tpu.memory_space<vmem>> -> memref<128xi32, #tpu.memory_space<vmem>>
      %dma_start3A_218 = arith.constant 0 : i32
      %dma_start3A_219 = arith.constant 0 : i32
      %dma_start3A_220 = tpu.memref_slice %arg8[%dma_start3A_218, %dma_start3A_219] : memref<5024x128xf32, #tpu.memory_space<vmem_shared>> -> memref<5024x128xf32, #tpu.memory_space<vmem_shared>>
      tpu.enqueue_indirect_dma source(%arg11 : memref<128x128xf32, #tpu.memory_space<vmem>>) target(%dma_start3A_220 : memref<5024x128xf32, #tpu.memory_space<vmem_shared>>) offsets(%dma_start3A_217 : memref<128xi32, #tpu.memory_space<vmem>>) semaphore(%arg19 : memref<!tpu.dma_semaphore, #tpu.memory_space<semaphore_mem>>) {add = true}
      %add3A_221 = arith.constant 3 : i32
      %add3A_222 = arith.addi %add3A_172, %add3A_221 : i32
      %dma_wait3A_223 = arith.constant 0 : i32
      %dma_wait3A_224 = tpu.memref_slice %arg6[%add3A_222, %dma_wait3A_223] : memref<84x128xi32, #tpu.memory_space<vmem>> -> memref<1x128xi32, #tpu.memory_space<vmem>>
      %dma_wait3A_225 = tpu.memref_squeeze %dma_wait3A_224 : memref<1x128xi32, #tpu.memory_space<vmem>> -> memref<128xi32, #tpu.memory_space<vmem>>
      %dma_wait3A_226 = arith.constant 0 : i32
      %dma_wait3A_227 = arith.constant 0 : i32
      %dma_wait3A_228 = tpu.memref_slice %arg2[%dma_wait3A_226, %dma_wait3A_227] : memref<20000x128xf32, #tpu.memory_space<hbm>> -> memref<20000x128xf32, #tpu.memory_space<hbm>>
      tpu.wait_indirect_dma semaphore(%arg16 : memref<!tpu.dma_semaphore, #tpu.memory_space<semaphore_mem>>) src(%dma_wait3A_228 : memref<20000x128xf32, #tpu.memory_space<hbm>>) dst(%arg12 : memref<128x128xf32, #tpu.memory_space<vmem>>)
      %add3A_229 = arith.constant 3 : i32
      %add3A_230 = arith.addi %add3A_172, %add3A_229 : i32
      %dma_start3A_231 = arith.constant 0 : i32
      %dma_start3A_232 = tpu.memref_slice %arg7[%add3A_230, %dma_start3A_231] : memref<84x128xi32, #tpu.memory_space<vmem>> -> memref<1x128xi32, #tpu.memory_space<vmem>>
      %dma_start3A_233 = tpu.memref_squeeze %dma_start3A_232 : memref<1x128xi32, #tpu.memory_space<vmem>> -> memref<128xi32, #tpu.memory_space<vmem>>
      %dma_start3A_234 = arith.constant 0 : i32
      %dma_start3A_235 = arith.constant 0 : i32
      %dma_start3A_236 = tpu.memref_slice %arg8[%dma_start3A_234, %dma_start3A_235] : memref<5024x128xf32, #tpu.memory_space<vmem_shared>> -> memref<5024x128xf32, #tpu.memory_space<vmem_shared>>
      tpu.enqueue_indirect_dma source(%arg12 : memref<128x128xf32, #tpu.memory_space<vmem>>) target(%dma_start3A_236 : memref<5024x128xf32, #tpu.memory_space<vmem_shared>>) offsets(%dma_start3A_233 : memref<128xi32, #tpu.memory_space<vmem>>) semaphore(%arg20 : memref<!tpu.dma_semaphore, #tpu.memory_space<semaphore_mem>>) {add = true}
      %add3A_237 = arith.constant 4 : i32
      %add3A_238 = arith.addi %add3A_172, %add3A_237 : i32
      %add3A_239 = arith.constant 0 : i32
      %add3A_240 = arith.addi %add3A_238, %add3A_239 : i32
      %lt3A = arith.constant 84 : i32
      %lt3A_241 = arith.cmpi slt, %add3A_240, %lt3A : i32
      %convert_element_type3A_242 = arith.extui %lt3A_241 : i1 to i32
      %cond3A_243 = arith.constant 0 : i32
      %cond3A_244 = arith.cmpi ne, %convert_element_type3A_242, %cond3A_243 : i32
      scf.if %cond3A_244 {
        %dma_wait3A_272 = arith.constant 0 : i32
        %dma_wait3A_273 = arith.constant 0 : i32
        %dma_wait3A_274 = tpu.memref_slice %arg7[%dma_wait3A_272, %dma_wait3A_273] : memref<84x128xi32, #tpu.memory_space<vmem>> -> memref<1x128xi32, #tpu.memory_space<vmem>>
        %dma_wait3A_275 = tpu.memref_squeeze %dma_wait3A_274 : memref<1x128xi32, #tpu.memory_space<vmem>> -> memref<128xi32, #tpu.memory_space<vmem>>
        %dma_wait3A_276 = arith.constant 0 : i32
        %dma_wait3A_277 = arith.constant 0 : i32
        %dma_wait3A_278 = tpu.memref_slice %arg8[%dma_wait3A_276, %dma_wait3A_277] : memref<5024x128xf32, #tpu.memory_space<vmem_shared>> -> memref<5024x128xf32, #tpu.memory_space<vmem_shared>>
        tpu.wait_indirect_dma semaphore(%arg17 : memref<!tpu.dma_semaphore, #tpu.memory_space<semaphore_mem>>) src(%arg9 : memref<128x128xf32, #tpu.memory_space<vmem>>) dst(%dma_wait3A_278 : memref<5024x128xf32, #tpu.memory_space<vmem_shared>>)
        %add3A_279 = arith.constant 4 : i32
        %add3A_280 = arith.addi %add3A_172, %add3A_279 : i32
        %add3A_281 = arith.constant 0 : i32
        %add3A_282 = arith.addi %add3A_280, %add3A_281 : i32
        %dma_start3A_283 = arith.constant 0 : i32
        %dma_start3A_284 = tpu.memref_slice %arg6[%add3A_282, %dma_start3A_283] : memref<84x128xi32, #tpu.memory_space<vmem>> -> memref<1x128xi32, #tpu.memory_space<vmem>>
        %dma_start3A_285 = tpu.memref_squeeze %dma_start3A_284 : memref<1x128xi32, #tpu.memory_space<vmem>> -> memref<128xi32, #tpu.memory_space<vmem>>
        %dma_start3A_286 = arith.constant 0 : i32
        %dma_start3A_287 = arith.constant 0 : i32
        %dma_start3A_288 = tpu.memref_slice %arg2[%dma_start3A_286, %dma_start3A_287] : memref<20000x128xf32, #tpu.memory_space<hbm>> -> memref<20000x128xf32, #tpu.memory_space<hbm>>
        tpu.enqueue_indirect_dma source(%dma_start3A_288 : memref<20000x128xf32, #tpu.memory_space<hbm>>) target(%arg9 : memref<128x128xf32, #tpu.memory_space<vmem>>) offsets(%dma_start3A_285 : memref<128xi32, #tpu.memory_space<vmem>>) semaphore(%arg13 : memref<!tpu.dma_semaphore, #tpu.memory_space<semaphore_mem>>)
      } else {
      }
      %add3A_245 = arith.constant 4 : i32
      %add3A_246 = arith.addi %add3A_172, %add3A_245 : i32
      %add3A_247 = arith.constant 1 : i32
      %add3A_248 = arith.addi %add3A_246, %add3A_247 : i32
      %lt3A_249 = arith.constant 84 : i32
      %lt3A_250 = arith.cmpi slt, %add3A_248, %lt3A_249 : i32
      %convert_element_type3A_251 = arith.extui %lt3A_250 : i1 to i32
      %cond3A_252 = arith.constant 0 : i32
      %cond3A_253 = arith.cmpi ne, %convert_element_type3A_251, %cond3A_252 : i32
      scf.if %cond3A_253 {
        %dma_wait3A_272 = arith.constant 0 : i32
        %dma_wait3A_273 = arith.constant 0 : i32
        %dma_wait3A_274 = tpu.memref_slice %arg7[%dma_wait3A_272, %dma_wait3A_273] : memref<84x128xi32, #tpu.memory_space<vmem>> -> memref<1x128xi32, #tpu.memory_space<vmem>>
        %dma_wait3A_275 = tpu.memref_squeeze %dma_wait3A_274 : memref<1x128xi32, #tpu.memory_space<vmem>> -> memref<128xi32, #tpu.memory_space<vmem>>
        %dma_wait3A_276 = arith.constant 0 : i32
        %dma_wait3A_277 = arith.constant 0 : i32
        %dma_wait3A_278 = tpu.memref_slice %arg8[%dma_wait3A_276, %dma_wait3A_277] : memref<5024x128xf32, #tpu.memory_space<vmem_shared>> -> memref<5024x128xf32, #tpu.memory_space<vmem_shared>>
        tpu.wait_indirect_dma semaphore(%arg18 : memref<!tpu.dma_semaphore, #tpu.memory_space<semaphore_mem>>) src(%arg10 : memref<128x128xf32, #tpu.memory_space<vmem>>) dst(%dma_wait3A_278 : memref<5024x128xf32, #tpu.memory_space<vmem_shared>>)
        %add3A_279 = arith.constant 4 : i32
        %add3A_280 = arith.addi %add3A_172, %add3A_279 : i32
        %add3A_281 = arith.constant 1 : i32
        %add3A_282 = arith.addi %add3A_280, %add3A_281 : i32
        %dma_start3A_283 = arith.constant 0 : i32
        %dma_start3A_284 = tpu.memref_slice %arg6[%add3A_282, %dma_start3A_283] : memref<84x128xi32, #tpu.memory_space<vmem>> -> memref<1x128xi32, #tpu.memory_space<vmem>>
        %dma_start3A_285 = tpu.memref_squeeze %dma_start3A_284 : memref<1x128xi32, #tpu.memory_space<vmem>> -> memref<128xi32, #tpu.memory_space<vmem>>
        %dma_start3A_286 = arith.constant 0 : i32
        %dma_start3A_287 = arith.constant 0 : i32
        %dma_start3A_288 = tpu.memref_slice %arg2[%dma_start3A_286, %dma_start3A_287] : memref<20000x128xf32, #tpu.memory_space<hbm>> -> memref<20000x128xf32, #tpu.memory_space<hbm>>
        tpu.enqueue_indirect_dma source(%dma_start3A_288 : memref<20000x128xf32, #tpu.memory_space<hbm>>) target(%arg10 : memref<128x128xf32, #tpu.memory_space<vmem>>) offsets(%dma_start3A_285 : memref<128xi32, #tpu.memory_space<vmem>>) semaphore(%arg14 : memref<!tpu.dma_semaphore, #tpu.memory_space<semaphore_mem>>)
      } else {
      }
      %add3A_254 = arith.constant 4 : i32
      %add3A_255 = arith.addi %add3A_172, %add3A_254 : i32
      %add3A_256 = arith.constant 2 : i32
      %add3A_257 = arith.addi %add3A_255, %add3A_256 : i32
      %lt3A_258 = arith.constant 84 : i32
      %lt3A_259 = arith.cmpi slt, %add3A_257, %lt3A_258 : i32
      %convert_element_type3A_260 = arith.extui %lt3A_259 : i1 to i32
      %cond3A_261 = arith.constant 0 : i32
      %cond3A_262 = arith.cmpi ne, %convert_element_type3A_260, %cond3A_261 : i32
      scf.if %cond3A_262 {
        %dma_wait3A_272 = arith.constant 0 : i32
        %dma_wait3A_273 = arith.constant 0 : i32
        %dma_wait3A_274 = tpu.memref_slice %arg7[%dma_wait3A_272, %dma_wait3A_273] : memref<84x128xi32, #tpu.memory_space<vmem>> -> memref<1x128xi32, #tpu.memory_space<vmem>>
        %dma_wait3A_275 = tpu.memref_squeeze %dma_wait3A_274 : memref<1x128xi32, #tpu.memory_space<vmem>> -> memref<128xi32, #tpu.memory_space<vmem>>
        %dma_wait3A_276 = arith.constant 0 : i32
        %dma_wait3A_277 = arith.constant 0 : i32
        %dma_wait3A_278 = tpu.memref_slice %arg8[%dma_wait3A_276, %dma_wait3A_277] : memref<5024x128xf32, #tpu.memory_space<vmem_shared>> -> memref<5024x128xf32, #tpu.memory_space<vmem_shared>>
        tpu.wait_indirect_dma semaphore(%arg19 : memref<!tpu.dma_semaphore, #tpu.memory_space<semaphore_mem>>) src(%arg11 : memref<128x128xf32, #tpu.memory_space<vmem>>) dst(%dma_wait3A_278 : memref<5024x128xf32, #tpu.memory_space<vmem_shared>>)
        %add3A_279 = arith.constant 4 : i32
        %add3A_280 = arith.addi %add3A_172, %add3A_279 : i32
        %add3A_281 = arith.constant 2 : i32
        %add3A_282 = arith.addi %add3A_280, %add3A_281 : i32
        %dma_start3A_283 = arith.constant 0 : i32
        %dma_start3A_284 = tpu.memref_slice %arg6[%add3A_282, %dma_start3A_283] : memref<84x128xi32, #tpu.memory_space<vmem>> -> memref<1x128xi32, #tpu.memory_space<vmem>>
        %dma_start3A_285 = tpu.memref_squeeze %dma_start3A_284 : memref<1x128xi32, #tpu.memory_space<vmem>> -> memref<128xi32, #tpu.memory_space<vmem>>
        %dma_start3A_286 = arith.constant 0 : i32
        %dma_start3A_287 = arith.constant 0 : i32
        %dma_start3A_288 = tpu.memref_slice %arg2[%dma_start3A_286, %dma_start3A_287] : memref<20000x128xf32, #tpu.memory_space<hbm>> -> memref<20000x128xf32, #tpu.memory_space<hbm>>
        tpu.enqueue_indirect_dma source(%dma_start3A_288 : memref<20000x128xf32, #tpu.memory_space<hbm>>) target(%arg11 : memref<128x128xf32, #tpu.memory_space<vmem>>) offsets(%dma_start3A_285 : memref<128xi32, #tpu.memory_space<vmem>>) semaphore(%arg15 : memref<!tpu.dma_semaphore, #tpu.memory_space<semaphore_mem>>)
      } else {
      }
      %add3A_263 = arith.constant 4 : i32
      %add3A_264 = arith.addi %add3A_172, %add3A_263 : i32
      %add3A_265 = arith.constant 3 : i32
      %add3A_266 = arith.addi %add3A_264, %add3A_265 : i32
      %lt3A_267 = arith.constant 84 : i32
      %lt3A_268 = arith.cmpi slt, %add3A_266, %lt3A_267 : i32
      %convert_element_type3A_269 = arith.extui %lt3A_268 : i1 to i32
      %cond3A_270 = arith.constant 0 : i32
      %cond3A_271 = arith.cmpi ne, %convert_element_type3A_269, %cond3A_270 : i32
      scf.if %cond3A_271 {
        %dma_wait3A_272 = arith.constant 0 : i32
        %dma_wait3A_273 = arith.constant 0 : i32
        %dma_wait3A_274 = tpu.memref_slice %arg7[%dma_wait3A_272, %dma_wait3A_273] : memref<84x128xi32, #tpu.memory_space<vmem>> -> memref<1x128xi32, #tpu.memory_space<vmem>>
        %dma_wait3A_275 = tpu.memref_squeeze %dma_wait3A_274 : memref<1x128xi32, #tpu.memory_space<vmem>> -> memref<128xi32, #tpu.memory_space<vmem>>
        %dma_wait3A_276 = arith.constant 0 : i32
        %dma_wait3A_277 = arith.constant 0 : i32
        %dma_wait3A_278 = tpu.memref_slice %arg8[%dma_wait3A_276, %dma_wait3A_277] : memref<5024x128xf32, #tpu.memory_space<vmem_shared>> -> memref<5024x128xf32, #tpu.memory_space<vmem_shared>>
        tpu.wait_indirect_dma semaphore(%arg20 : memref<!tpu.dma_semaphore, #tpu.memory_space<semaphore_mem>>) src(%arg12 : memref<128x128xf32, #tpu.memory_space<vmem>>) dst(%dma_wait3A_278 : memref<5024x128xf32, #tpu.memory_space<vmem_shared>>)
        %add3A_279 = arith.constant 4 : i32
        %add3A_280 = arith.addi %add3A_172, %add3A_279 : i32
        %add3A_281 = arith.constant 3 : i32
        %add3A_282 = arith.addi %add3A_280, %add3A_281 : i32
        %dma_start3A_283 = arith.constant 0 : i32
        %dma_start3A_284 = tpu.memref_slice %arg6[%add3A_282, %dma_start3A_283] : memref<84x128xi32, #tpu.memory_space<vmem>> -> memref<1x128xi32, #tpu.memory_space<vmem>>
        %dma_start3A_285 = tpu.memref_squeeze %dma_start3A_284 : memref<1x128xi32, #tpu.memory_space<vmem>> -> memref<128xi32, #tpu.memory_space<vmem>>
        %dma_start3A_286 = arith.constant 0 : i32
        %dma_start3A_287 = arith.constant 0 : i32
        %dma_start3A_288 = tpu.memref_slice %arg2[%dma_start3A_286, %dma_start3A_287] : memref<20000x128xf32, #tpu.memory_space<hbm>> -> memref<20000x128xf32, #tpu.memory_space<hbm>>
        tpu.enqueue_indirect_dma source(%dma_start3A_288 : memref<20000x128xf32, #tpu.memory_space<hbm>>) target(%arg12 : memref<128x128xf32, #tpu.memory_space<vmem>>) offsets(%dma_start3A_285 : memref<128xi32, #tpu.memory_space<vmem>>) semaphore(%arg16 : memref<!tpu.dma_semaphore, #tpu.memory_space<semaphore_mem>>)
      } else {
      }
    }
    %scan3A_40 = arith.constant 21 : i32
    %dma_wait3A = arith.constant 0 : i32
    %dma_wait3A_41 = arith.constant 0 : i32
    %dma_wait3A_42 = tpu.memref_slice %arg7[%dma_wait3A, %dma_wait3A_41] : memref<84x128xi32, #tpu.memory_space<vmem>> -> memref<1x128xi32, #tpu.memory_space<vmem>>
    %dma_wait3A_43 = tpu.memref_squeeze %dma_wait3A_42 : memref<1x128xi32, #tpu.memory_space<vmem>> -> memref<128xi32, #tpu.memory_space<vmem>>
    %dma_wait3A_44 = arith.constant 0 : i32
    %dma_wait3A_45 = arith.constant 0 : i32
    %dma_wait3A_46 = tpu.memref_slice %arg8[%dma_wait3A_44, %dma_wait3A_45] : memref<5024x128xf32, #tpu.memory_space<vmem_shared>> -> memref<5024x128xf32, #tpu.memory_space<vmem_shared>>
    tpu.wait_indirect_dma semaphore(%arg17 : memref<!tpu.dma_semaphore, #tpu.memory_space<semaphore_mem>>) src(%arg9 : memref<128x128xf32, #tpu.memory_space<vmem>>) dst(%dma_wait3A_46 : memref<5024x128xf32, #tpu.memory_space<vmem_shared>>)
    %dma_wait3A_47 = arith.constant 0 : i32
    %dma_wait3A_48 = arith.constant 0 : i32
    %dma_wait3A_49 = tpu.memref_slice %arg7[%dma_wait3A_47, %dma_wait3A_48] : memref<84x128xi32, #tpu.memory_space<vmem>> -> memref<1x128xi32, #tpu.memory_space<vmem>>
    %dma_wait3A_50 = tpu.memref_squeeze %dma_wait3A_49 : memref<1x128xi32, #tpu.memory_space<vmem>> -> memref<128xi32, #tpu.memory_space<vmem>>
    %dma_wait3A_51 = arith.constant 0 : i32
    %dma_wait3A_52 = arith.constant 0 : i32
    %dma_wait3A_53 = tpu.memref_slice %arg8[%dma_wait3A_51, %dma_wait3A_52] : memref<5024x128xf32, #tpu.memory_space<vmem_shared>> -> memref<5024x128xf32, #tpu.memory_space<vmem_shared>>
    tpu.wait_indirect_dma semaphore(%arg18 : memref<!tpu.dma_semaphore, #tpu.memory_space<semaphore_mem>>) src(%arg10 : memref<128x128xf32, #tpu.memory_space<vmem>>) dst(%dma_wait3A_53 : memref<5024x128xf32, #tpu.memory_space<vmem_shared>>)
    %dma_wait3A_54 = arith.constant 0 : i32
    %dma_wait3A_55 = arith.constant 0 : i32
    %dma_wait3A_56 = tpu.memref_slice %arg7[%dma_wait3A_54, %dma_wait3A_55] : memref<84x128xi32, #tpu.memory_space<vmem>> -> memref<1x128xi32, #tpu.memory_space<vmem>>
    %dma_wait3A_57 = tpu.memref_squeeze %dma_wait3A_56 : memref<1x128xi32, #tpu.memory_space<vmem>> -> memref<128xi32, #tpu.memory_space<vmem>>
    %dma_wait3A_58 = arith.constant 0 : i32
    %dma_wait3A_59 = arith.constant 0 : i32
    %dma_wait3A_60 = tpu.memref_slice %arg8[%dma_wait3A_58, %dma_wait3A_59] : memref<5024x128xf32, #tpu.memory_space<vmem_shared>> -> memref<5024x128xf32, #tpu.memory_space<vmem_shared>>
    tpu.wait_indirect_dma semaphore(%arg19 : memref<!tpu.dma_semaphore, #tpu.memory_space<semaphore_mem>>) src(%arg11 : memref<128x128xf32, #tpu.memory_space<vmem>>) dst(%dma_wait3A_60 : memref<5024x128xf32, #tpu.memory_space<vmem_shared>>)
    %dma_wait3A_61 = arith.constant 0 : i32
    %dma_wait3A_62 = arith.constant 0 : i32
    %dma_wait3A_63 = tpu.memref_slice %arg7[%dma_wait3A_61, %dma_wait3A_62] : memref<84x128xi32, #tpu.memory_space<vmem>> -> memref<1x128xi32, #tpu.memory_space<vmem>>
    %dma_wait3A_64 = tpu.memref_squeeze %dma_wait3A_63 : memref<1x128xi32, #tpu.memory_space<vmem>> -> memref<128xi32, #tpu.memory_space<vmem>>
    %dma_wait3A_65 = arith.constant 0 : i32
    %dma_wait3A_66 = arith.constant 0 : i32
    %dma_wait3A_67 = tpu.memref_slice %arg8[%dma_wait3A_65, %dma_wait3A_66] : memref<5024x128xf32, #tpu.memory_space<vmem_shared>> -> memref<5024x128xf32, #tpu.memory_space<vmem_shared>>
    tpu.wait_indirect_dma semaphore(%arg20 : memref<!tpu.dma_semaphore, #tpu.memory_space<semaphore_mem>>) src(%arg12 : memref<128x128xf32, #tpu.memory_space<vmem>>) dst(%dma_wait3A_67 : memref<5024x128xf32, #tpu.memory_space<vmem_shared>>)
    %barrier3A_68 = arith.constant 0 : index
    tpu.barrier barrier_id(%barrier3A_68)
    %mul3A_69 = arith.constant 304 : i32
    %mul3A_70 = arith.muli %arg1, %mul3A_69 : i32
    %add3A_71 = arith.constant 0 : i32
    %add3A_72 = arith.addi %add3A_71, %mul3A_70 : i32
    %add3A_73 = arith.addi %add3A_1, %mul3A_70 : i32
    "tpu.region"() ({
      %run_scoped3A_168 = tpu.sem_alloc : memref<!tpu.dma_semaphore, #tpu.memory_space<semaphore_mem>>
      %dma_start3A_169 = arith.constant 0 : i32
      %dma_start3A_170 = tpu.memref_slice %arg5[%add3A_73, %dma_start3A_169] : memref<20000x128xf32, #tpu.memory_space<hbm>> -> memref<304x128xf32, #tpu.memory_space<hbm>>
      %dma_start3A_171 = arith.constant 0 : i32
      %dma_start3A_172 = tpu.memref_slice %arg8[%add3A_72, %dma_start3A_171] : memref<5024x128xf32, #tpu.memory_space<vmem_shared>> -> memref<304x128xf32, #tpu.memory_space<vmem_shared>>
      tpu.enqueue_dma source(%dma_start3A_172 : memref<304x128xf32, #tpu.memory_space<vmem_shared>>) target(%dma_start3A_170 : memref<304x128xf32, #tpu.memory_space<hbm>>) target_semaphore(%run_scoped3A_168 : memref<!tpu.dma_semaphore, #tpu.memory_space<semaphore_mem>>)
      %dma_wait3A_173 = arith.constant 0 : i32
      %dma_wait3A_174 = tpu.memref_slice %arg5[%add3A_73, %dma_wait3A_173] : memref<20000x128xf32, #tpu.memory_space<hbm>> -> memref<304x128xf32, #tpu.memory_space<hbm>>
      %dma_wait3A_175 = arith.constant 0 : i32
      %dma_wait3A_176 = tpu.memref_slice %arg8[%add3A_72, %dma_wait3A_175] : memref<5024x128xf32, #tpu.memory_space<vmem_shared>> -> memref<304x128xf32, #tpu.memory_space<vmem_shared>>
      tpu.wait_dma2 semaphore(%run_scoped3A_168 : memref<!tpu.dma_semaphore, #tpu.memory_space<semaphore_mem>>) src(%dma_wait3A_176 : memref<304x128xf32, #tpu.memory_space<vmem_shared>>) dst(%dma_wait3A_174 : memref<304x128xf32, #tpu.memory_space<hbm>>)
      tpu.yield
    }) : () -> ()
    %eq3A_74 = arith.constant 15 : i32
    %eq3A_75 = arith.cmpi eq, %arg1, %eq3A_74 : i32
    %convert_element_type3A_76 = arith.extui %eq3A_75 : i1 to i32
    %cond3A_77 = arith.constant 0 : i32
    %cond3A_78 = arith.cmpi ne, %convert_element_type3A_76, %cond3A_77 : i32
    scf.if %cond3A_78 {
      %add3A_168 = arith.constant 4864 : i32
      %add3A_169 = arith.addi %add3A_1, %add3A_168 : i32
      "tpu.region"() ({
        %run_scoped3A_170 = tpu.sem_alloc : memref<!tpu.dma_semaphore, #tpu.memory_space<semaphore_mem>>
        %dma_start3A_171 = arith.constant 0 : i32
        %dma_start3A_172 = tpu.memref_slice %arg5[%add3A_169, %dma_start3A_171] : memref<20000x128xf32, #tpu.memory_space<hbm>> -> memref<128x128xf32, #tpu.memory_space<hbm>>
        %dma_start3A_173 = arith.constant 4864 : i32
        %dma_start3A_174 = arith.constant 0 : i32
        %dma_start3A_175 = tpu.memref_slice %arg8[%dma_start3A_173, %dma_start3A_174] : memref<5024x128xf32, #tpu.memory_space<vmem_shared>> -> memref<128x128xf32, #tpu.memory_space<vmem_shared>>
        tpu.enqueue_dma source(%dma_start3A_175 : memref<128x128xf32, #tpu.memory_space<vmem_shared>>) target(%dma_start3A_172 : memref<128x128xf32, #tpu.memory_space<hbm>>) target_semaphore(%run_scoped3A_170 : memref<!tpu.dma_semaphore, #tpu.memory_space<semaphore_mem>>)
        %dma_wait3A_176 = arith.constant 0 : i32
        %dma_wait3A_177 = tpu.memref_slice %arg5[%add3A_169, %dma_wait3A_176] : memref<20000x128xf32, #tpu.memory_space<hbm>> -> memref<128x128xf32, #tpu.memory_space<hbm>>
        %dma_wait3A_178 = arith.constant 4864 : i32
        %dma_wait3A_179 = arith.constant 0 : i32
        %dma_wait3A_180 = tpu.memref_slice %arg8[%dma_wait3A_178, %dma_wait3A_179] : memref<5024x128xf32, #tpu.memory_space<vmem_shared>> -> memref<128x128xf32, #tpu.memory_space<vmem_shared>>
        tpu.wait_dma2 semaphore(%run_scoped3A_170 : memref<!tpu.dma_semaphore, #tpu.memory_space<semaphore_mem>>) src(%dma_wait3A_180 : memref<128x128xf32, #tpu.memory_space<vmem_shared>>) dst(%dma_wait3A_177 : memref<128x128xf32, #tpu.memory_space<hbm>>)
        tpu.yield
      }) : () -> ()
    } else {
    }
    %mul3A_79 = arith.constant 10000 : i32
    %mul3A_80 = arith.muli %arg0, %mul3A_79 : i32
    %add3A_81 = arith.constant 4992 : i32
    %add3A_82 = arith.addi %mul3A_80, %add3A_81 : i32
    %mul3A_83 = arith.constant 304 : i32
    %mul3A_84 = arith.muli %arg1, %mul3A_83 : i32
    %add3A_85 = arith.addi %add3A_82, %mul3A_84 : i32
    %add3A_86 = arith.constant 0 : i32
    %add3A_87 = arith.addi %add3A_86, %mul3A_84 : i32
    "tpu.region"() ({
      %run_scoped3A_168 = tpu.sem_alloc : memref<!tpu.dma_semaphore, #tpu.memory_space<semaphore_mem>>
      %dma_start3A_169 = arith.constant 0 : i32
      %dma_start3A_170 = tpu.memref_slice %arg8[%add3A_87, %dma_start3A_169] : memref<5024x128xf32, #tpu.memory_space<vmem_shared>> -> memref<304x128xf32, #tpu.memory_space<vmem_shared>>
      %dma_start3A_171 = arith.constant 0 : i32
      %dma_start3A_172 = tpu.memref_slice %arg2[%add3A_85, %dma_start3A_171] : memref<20000x128xf32, #tpu.memory_space<hbm>> -> memref<304x128xf32, #tpu.memory_space<hbm>>
      tpu.enqueue_dma source(%dma_start3A_172 : memref<304x128xf32, #tpu.memory_space<hbm>>) target(%dma_start3A_170 : memref<304x128xf32, #tpu.memory_space<vmem_shared>>) target_semaphore(%run_scoped3A_168 : memref<!tpu.dma_semaphore, #tpu.memory_space<semaphore_mem>>)
      %dma_wait3A_173 = arith.constant 0 : i32
      %dma_wait3A_174 = tpu.memref_slice %arg8[%add3A_87, %dma_wait3A_173] : memref<5024x128xf32, #tpu.memory_space<vmem_shared>> -> memref<304x128xf32, #tpu.memory_space<vmem_shared>>
      %dma_wait3A_175 = arith.constant 0 : i32
      %dma_wait3A_176 = tpu.memref_slice %arg2[%add3A_85, %dma_wait3A_175] : memref<20000x128xf32, #tpu.memory_space<hbm>> -> memref<304x128xf32, #tpu.memory_space<hbm>>
      tpu.wait_dma2 semaphore(%run_scoped3A_168 : memref<!tpu.dma_semaphore, #tpu.memory_space<semaphore_mem>>) src(%dma_wait3A_176 : memref<304x128xf32, #tpu.memory_space<hbm>>) dst(%dma_wait3A_174 : memref<304x128xf32, #tpu.memory_space<vmem_shared>>)
      tpu.yield
    }) : () -> ()
    %eq3A_88 = arith.constant 15 : i32
    %eq3A_89 = arith.cmpi eq, %arg1, %eq3A_88 : i32
    %convert_element_type3A_90 = arith.extui %eq3A_89 : i1 to i32
    %cond3A_91 = arith.constant 0 : i32
    %cond3A_92 = arith.cmpi ne, %convert_element_type3A_90, %cond3A_91 : i32
    scf.if %cond3A_92 {
      %add3A_168 = arith.constant 4864 : i32
      %add3A_169 = arith.addi %add3A_82, %add3A_168 : i32
      "tpu.region"() ({
        %run_scoped3A_170 = tpu.sem_alloc : memref<!tpu.dma_semaphore, #tpu.memory_space<semaphore_mem>>
        %dma_start3A_171 = arith.constant 4864 : i32
        %dma_start3A_172 = arith.constant 0 : i32
        %dma_start3A_173 = tpu.memref_slice %arg8[%dma_start3A_171, %dma_start3A_172] : memref<5024x128xf32, #tpu.memory_space<vmem_shared>> -> memref<144x128xf32, #tpu.memory_space<vmem_shared>>
        %dma_start3A_174 = arith.constant 0 : i32
        %dma_start3A_175 = tpu.memref_slice %arg2[%add3A_169, %dma_start3A_174] : memref<20000x128xf32, #tpu.memory_space<hbm>> -> memref<144x128xf32, #tpu.memory_space<hbm>>
        tpu.enqueue_dma source(%dma_start3A_175 : memref<144x128xf32, #tpu.memory_space<hbm>>) target(%dma_start3A_173 : memref<144x128xf32, #tpu.memory_space<vmem_shared>>) target_semaphore(%run_scoped3A_170 : memref<!tpu.dma_semaphore, #tpu.memory_space<semaphore_mem>>)
        %dma_wait3A_176 = arith.constant 4864 : i32
        %dma_wait3A_177 = arith.constant 0 : i32
        %dma_wait3A_178 = tpu.memref_slice %arg8[%dma_wait3A_176, %dma_wait3A_177] : memref<5024x128xf32, #tpu.memory_space<vmem_shared>> -> memref<144x128xf32, #tpu.memory_space<vmem_shared>>
        %dma_wait3A_179 = arith.constant 0 : i32
        %dma_wait3A_180 = tpu.memref_slice %arg2[%add3A_169, %dma_wait3A_179] : memref<20000x128xf32, #tpu.memory_space<hbm>> -> memref<144x128xf32, #tpu.memory_space<hbm>>
        tpu.wait_dma2 semaphore(%run_scoped3A_170 : memref<!tpu.dma_semaphore, #tpu.memory_space<semaphore_mem>>) src(%dma_wait3A_180 : memref<144x128xf32, #tpu.memory_space<hbm>>) dst(%dma_wait3A_178 : memref<144x128xf32, #tpu.memory_space<vmem_shared>>)
        tpu.yield
      }) : () -> ()
    } else {
    }
    %run_scoped3A_93 = arith.constant 1 : i32
    "tpu.region"() ({
      %run_scoped3A_168 = tpu.sem_alloc : memref<!tpu.dma_semaphore, #tpu.memory_space<semaphore_mem>>
      %dma_start3A_169 = arith.constant 0 : i32
      %dma_start3A_170 = arith.constant 0 : i32
      %dma_start3A_171 = arith.constant 0 : i32
      %dma_start3A_172 = arith.constant 0 : i32
      %dma_start3A_173 = tpu.memref_slice %arg3[%arg0, %dma_start3A_169, %dma_start3A_170, %dma_start3A_171, %dma_start3A_172] : memref<2x2x16x84x128xi32, #tpu.memory_space<hbm>> -> memref<1x2x16x84x128xi32, #tpu.memory_space<hbm>>
      %dma_start3A_174 = tpu.memref_squeeze %dma_start3A_173 : memref<1x2x16x84x128xi32, #tpu.memory_space<hbm>> -> memref<2x16x84x128xi32, #tpu.memory_space<hbm>>
      %dma_start3A_175 = arith.constant 0 : i32
      %dma_start3A_176 = arith.constant 0 : i32
      %dma_start3A_177 = arith.constant 0 : i32
      %dma_start3A_178 = tpu.memref_slice %dma_start3A_174[%run_scoped3A_93, %dma_start3A_175, %dma_start3A_176, %dma_start3A_177] : memref<2x16x84x128xi32, #tpu.memory_space<hbm>> -> memref<1x16x84x128xi32, #tpu.memory_space<hbm>>
      %dma_start3A_179 = tpu.memref_squeeze %dma_start3A_178 : memref<1x16x84x128xi32, #tpu.memory_space<hbm>> -> memref<16x84x128xi32, #tpu.memory_space<hbm>>
      %dma_start3A_180 = arith.constant 0 : i32
      %dma_start3A_181 = arith.constant 0 : i32
      %dma_start3A_182 = tpu.memref_slice %dma_start3A_179[%arg1, %dma_start3A_180, %dma_start3A_181] : memref<16x84x128xi32, #tpu.memory_space<hbm>> -> memref<1x84x128xi32, #tpu.memory_space<hbm>>
      %dma_start3A_183 = tpu.memref_squeeze %dma_start3A_182 : memref<1x84x128xi32, #tpu.memory_space<hbm>> -> memref<84x128xi32, #tpu.memory_space<hbm>>
      %dma_start3A_184 = arith.constant 0 : i32
      %dma_start3A_185 = arith.constant 0 : i32
      %dma_start3A_186 = arith.constant 0 : i32
      %dma_start3A_187 = arith.constant 0 : i32
      %dma_start3A_188 = tpu.memref_slice %arg3[%arg0, %dma_start3A_184, %dma_start3A_185, %dma_start3A_186, %dma_start3A_187] : memref<2x2x16x84x128xi32, #tpu.memory_space<hbm>> -> memref<1x2x16x84x128xi32, #tpu.memory_space<hbm>>
      %dma_start3A_189 = tpu.memref_squeeze %dma_start3A_188 : memref<1x2x16x84x128xi32, #tpu.memory_space<hbm>> -> memref<2x16x84x128xi32, #tpu.memory_space<hbm>>
      %dma_start3A_190 = arith.constant 0 : i32
      %dma_start3A_191 = arith.constant 0 : i32
      %dma_start3A_192 = arith.constant 0 : i32
      %dma_start3A_193 = tpu.memref_slice %dma_start3A_189[%run_scoped3A_93, %dma_start3A_190, %dma_start3A_191, %dma_start3A_192] : memref<2x16x84x128xi32, #tpu.memory_space<hbm>> -> memref<1x16x84x128xi32, #tpu.memory_space<hbm>>
      %dma_start3A_194 = tpu.memref_squeeze %dma_start3A_193 : memref<1x16x84x128xi32, #tpu.memory_space<hbm>> -> memref<16x84x128xi32, #tpu.memory_space<hbm>>
      %dma_start3A_195 = arith.constant 0 : i32
      %dma_start3A_196 = arith.constant 0 : i32
      %dma_start3A_197 = tpu.memref_slice %dma_start3A_194[%arg1, %dma_start3A_195, %dma_start3A_196] : memref<16x84x128xi32, #tpu.memory_space<hbm>> -> memref<1x84x128xi32, #tpu.memory_space<hbm>>
      %dma_start3A_198 = tpu.memref_squeeze %dma_start3A_197 : memref<1x84x128xi32, #tpu.memory_space<hbm>> -> memref<84x128xi32, #tpu.memory_space<hbm>>
      tpu.enqueue_dma source(%dma_start3A_198 : memref<84x128xi32, #tpu.memory_space<hbm>>) target(%arg6 : memref<84x128xi32, #tpu.memory_space<vmem>>) target_semaphore(%run_scoped3A_168 : memref<!tpu.dma_semaphore, #tpu.memory_space<semaphore_mem>>)
      %dma_wait3A_199 = arith.constant 0 : i32
      %dma_wait3A_200 = arith.constant 0 : i32
      %dma_wait3A_201 = arith.constant 0 : i32
      %dma_wait3A_202 = arith.constant 0 : i32
      %dma_wait3A_203 = tpu.memref_slice %arg3[%arg0, %dma_wait3A_199, %dma_wait3A_200, %dma_wait3A_201, %dma_wait3A_202] : memref<2x2x16x84x128xi32, #tpu.memory_space<hbm>> -> memref<1x2x16x84x128xi32, #tpu.memory_space<hbm>>
      %dma_wait3A_204 = tpu.memref_squeeze %dma_wait3A_203 : memref<1x2x16x84x128xi32, #tpu.memory_space<hbm>> -> memref<2x16x84x128xi32, #tpu.memory_space<hbm>>
      %dma_wait3A_205 = arith.constant 0 : i32
      %dma_wait3A_206 = arith.constant 0 : i32
      %dma_wait3A_207 = arith.constant 0 : i32
      %dma_wait3A_208 = tpu.memref_slice %dma_wait3A_204[%run_scoped3A_93, %dma_wait3A_205, %dma_wait3A_206, %dma_wait3A_207] : memref<2x16x84x128xi32, #tpu.memory_space<hbm>> -> memref<1x16x84x128xi32, #tpu.memory_space<hbm>>
      %dma_wait3A_209 = tpu.memref_squeeze %dma_wait3A_208 : memref<1x16x84x128xi32, #tpu.memory_space<hbm>> -> memref<16x84x128xi32, #tpu.memory_space<hbm>>
      %dma_wait3A_210 = arith.constant 0 : i32
      %dma_wait3A_211 = arith.constant 0 : i32
      %dma_wait3A_212 = tpu.memref_slice %dma_wait3A_209[%arg1, %dma_wait3A_210, %dma_wait3A_211] : memref<16x84x128xi32, #tpu.memory_space<hbm>> -> memref<1x84x128xi32, #tpu.memory_space<hbm>>
      %dma_wait3A_213 = tpu.memref_squeeze %dma_wait3A_212 : memref<1x84x128xi32, #tpu.memory_space<hbm>> -> memref<84x128xi32, #tpu.memory_space<hbm>>
      %dma_wait3A_214 = arith.constant 0 : i32
      %dma_wait3A_215 = arith.constant 0 : i32
      %dma_wait3A_216 = arith.constant 0 : i32
      %dma_wait3A_217 = arith.constant 0 : i32
      %dma_wait3A_218 = tpu.memref_slice %arg3[%arg0, %dma_wait3A_214, %dma_wait3A_215, %dma_wait3A_216, %dma_wait3A_217] : memref<2x2x16x84x128xi32, #tpu.memory_space<hbm>> -> memref<1x2x16x84x128xi32, #tpu.memory_space<hbm>>
      %dma_wait3A_219 = tpu.memref_squeeze %dma_wait3A_218 : memref<1x2x16x84x128xi32, #tpu.memory_space<hbm>> -> memref<2x16x84x128xi32, #tpu.memory_space<hbm>>
      %dma_wait3A_220 = arith.constant 0 : i32
      %dma_wait3A_221 = arith.constant 0 : i32
      %dma_wait3A_222 = arith.constant 0 : i32
      %dma_wait3A_223 = tpu.memref_slice %dma_wait3A_219[%run_scoped3A_93, %dma_wait3A_220, %dma_wait3A_221, %dma_wait3A_222] : memref<2x16x84x128xi32, #tpu.memory_space<hbm>> -> memref<1x16x84x128xi32, #tpu.memory_space<hbm>>
      %dma_wait3A_224 = tpu.memref_squeeze %dma_wait3A_223 : memref<1x16x84x128xi32, #tpu.memory_space<hbm>> -> memref<16x84x128xi32, #tpu.memory_space<hbm>>
      %dma_wait3A_225 = arith.constant 0 : i32
      %dma_wait3A_226 = arith.constant 0 : i32
      %dma_wait3A_227 = tpu.memref_slice %dma_wait3A_224[%arg1, %dma_wait3A_225, %dma_wait3A_226] : memref<16x84x128xi32, #tpu.memory_space<hbm>> -> memref<1x84x128xi32, #tpu.memory_space<hbm>>
      %dma_wait3A_228 = tpu.memref_squeeze %dma_wait3A_227 : memref<1x84x128xi32, #tpu.memory_space<hbm>> -> memref<84x128xi32, #tpu.memory_space<hbm>>
      tpu.wait_dma2 semaphore(%run_scoped3A_168 : memref<!tpu.dma_semaphore, #tpu.memory_space<semaphore_mem>>) src(%dma_wait3A_228 : memref<84x128xi32, #tpu.memory_space<hbm>>) dst(%arg6 : memref<84x128xi32, #tpu.memory_space<vmem>>)
      tpu.yield
    }) : () -> ()
    %run_scoped3A_94 = arith.constant 1 : i32
    "tpu.region"() ({
      %run_scoped3A_168 = tpu.sem_alloc : memref<!tpu.dma_semaphore, #tpu.memory_space<semaphore_mem>>
      %dma_start3A_169 = arith.constant 0 : i32
      %dma_start3A_170 = arith.constant 0 : i32
      %dma_start3A_171 = arith.constant 0 : i32
      %dma_start3A_172 = arith.constant 0 : i32
      %dma_start3A_173 = tpu.memref_slice %arg4[%arg0, %dma_start3A_169, %dma_start3A_170, %dma_start3A_171, %dma_start3A_172] : memref<2x2x16x84x128xi32, #tpu.memory_space<hbm>> -> memref<1x2x16x84x128xi32, #tpu.memory_space<hbm>>
      %dma_start3A_174 = tpu.memref_squeeze %dma_start3A_173 : memref<1x2x16x84x128xi32, #tpu.memory_space<hbm>> -> memref<2x16x84x128xi32, #tpu.memory_space<hbm>>
      %dma_start3A_175 = arith.constant 0 : i32
      %dma_start3A_176 = arith.constant 0 : i32
      %dma_start3A_177 = arith.constant 0 : i32
      %dma_start3A_178 = tpu.memref_slice %dma_start3A_174[%run_scoped3A_94, %dma_start3A_175, %dma_start3A_176, %dma_start3A_177] : memref<2x16x84x128xi32, #tpu.memory_space<hbm>> -> memref<1x16x84x128xi32, #tpu.memory_space<hbm>>
      %dma_start3A_179 = tpu.memref_squeeze %dma_start3A_178 : memref<1x16x84x128xi32, #tpu.memory_space<hbm>> -> memref<16x84x128xi32, #tpu.memory_space<hbm>>
      %dma_start3A_180 = arith.constant 0 : i32
      %dma_start3A_181 = arith.constant 0 : i32
      %dma_start3A_182 = tpu.memref_slice %dma_start3A_179[%arg1, %dma_start3A_180, %dma_start3A_181] : memref<16x84x128xi32, #tpu.memory_space<hbm>> -> memref<1x84x128xi32, #tpu.memory_space<hbm>>
      %dma_start3A_183 = tpu.memref_squeeze %dma_start3A_182 : memref<1x84x128xi32, #tpu.memory_space<hbm>> -> memref<84x128xi32, #tpu.memory_space<hbm>>
      %dma_start3A_184 = arith.constant 0 : i32
      %dma_start3A_185 = arith.constant 0 : i32
      %dma_start3A_186 = arith.constant 0 : i32
      %dma_start3A_187 = arith.constant 0 : i32
      %dma_start3A_188 = tpu.memref_slice %arg4[%arg0, %dma_start3A_184, %dma_start3A_185, %dma_start3A_186, %dma_start3A_187] : memref<2x2x16x84x128xi32, #tpu.memory_space<hbm>> -> memref<1x2x16x84x128xi32, #tpu.memory_space<hbm>>
      %dma_start3A_189 = tpu.memref_squeeze %dma_start3A_188 : memref<1x2x16x84x128xi32, #tpu.memory_space<hbm>> -> memref<2x16x84x128xi32, #tpu.memory_space<hbm>>
      %dma_start3A_190 = arith.constant 0 : i32
      %dma_start3A_191 = arith.constant 0 : i32
      %dma_start3A_192 = arith.constant 0 : i32
      %dma_start3A_193 = tpu.memref_slice %dma_start3A_189[%run_scoped3A_94, %dma_start3A_190, %dma_start3A_191, %dma_start3A_192] : memref<2x16x84x128xi32, #tpu.memory_space<hbm>> -> memref<1x16x84x128xi32, #tpu.memory_space<hbm>>
      %dma_start3A_194 = tpu.memref_squeeze %dma_start3A_193 : memref<1x16x84x128xi32, #tpu.memory_space<hbm>> -> memref<16x84x128xi32, #tpu.memory_space<hbm>>
      %dma_start3A_195 = arith.constant 0 : i32
      %dma_start3A_196 = arith.constant 0 : i32
      %dma_start3A_197 = tpu.memref_slice %dma_start3A_194[%arg1, %dma_start3A_195, %dma_start3A_196] : memref<16x84x128xi32, #tpu.memory_space<hbm>> -> memref<1x84x128xi32, #tpu.memory_space<hbm>>
      %dma_start3A_198 = tpu.memref_squeeze %dma_start3A_197 : memref<1x84x128xi32, #tpu.memory_space<hbm>> -> memref<84x128xi32, #tpu.memory_space<hbm>>
      tpu.enqueue_dma source(%dma_start3A_198 : memref<84x128xi32, #tpu.memory_space<hbm>>) target(%arg7 : memref<84x128xi32, #tpu.memory_space<vmem>>) target_semaphore(%run_scoped3A_168 : memref<!tpu.dma_semaphore, #tpu.memory_space<semaphore_mem>>)
      %dma_wait3A_199 = arith.constant 0 : i32
      %dma_wait3A_200 = arith.constant 0 : i32
      %dma_wait3A_201 = arith.constant 0 : i32
      %dma_wait3A_202 = arith.constant 0 : i32
      %dma_wait3A_203 = tpu.memref_slice %arg4[%arg0, %dma_wait3A_199, %dma_wait3A_200, %dma_wait3A_201, %dma_wait3A_202] : memref<2x2x16x84x128xi32, #tpu.memory_space<hbm>> -> memref<1x2x16x84x128xi32, #tpu.memory_space<hbm>>
      %dma_wait3A_204 = tpu.memref_squeeze %dma_wait3A_203 : memref<1x2x16x84x128xi32, #tpu.memory_space<hbm>> -> memref<2x16x84x128xi32, #tpu.memory_space<hbm>>
      %dma_wait3A_205 = arith.constant 0 : i32
      %dma_wait3A_206 = arith.constant 0 : i32
      %dma_wait3A_207 = arith.constant 0 : i32
      %dma_wait3A_208 = tpu.memref_slice %dma_wait3A_204[%run_scoped3A_94, %dma_wait3A_205, %dma_wait3A_206, %dma_wait3A_207] : memref<2x16x84x128xi32, #tpu.memory_space<hbm>> -> memref<1x16x84x128xi32, #tpu.memory_space<hbm>>
      %dma_wait3A_209 = tpu.memref_squeeze %dma_wait3A_208 : memref<1x16x84x128xi32, #tpu.memory_space<hbm>> -> memref<16x84x128xi32, #tpu.memory_space<hbm>>
      %dma_wait3A_210 = arith.constant 0 : i32
      %dma_wait3A_211 = arith.constant 0 : i32
      %dma_wait3A_212 = tpu.memref_slice %dma_wait3A_209[%arg1, %dma_wait3A_210, %dma_wait3A_211] : memref<16x84x128xi32, #tpu.memory_space<hbm>> -> memref<1x84x128xi32, #tpu.memory_space<hbm>>
      %dma_wait3A_213 = tpu.memref_squeeze %dma_wait3A_212 : memref<1x84x128xi32, #tpu.memory_space<hbm>> -> memref<84x128xi32, #tpu.memory_space<hbm>>
      %dma_wait3A_214 = arith.constant 0 : i32
      %dma_wait3A_215 = arith.constant 0 : i32
      %dma_wait3A_216 = arith.constant 0 : i32
      %dma_wait3A_217 = arith.constant 0 : i32
      %dma_wait3A_218 = tpu.memref_slice %arg4[%arg0, %dma_wait3A_214, %dma_wait3A_215, %dma_wait3A_216, %dma_wait3A_217] : memref<2x2x16x84x128xi32, #tpu.memory_space<hbm>> -> memref<1x2x16x84x128xi32, #tpu.memory_space<hbm>>
      %dma_wait3A_219 = tpu.memref_squeeze %dma_wait3A_218 : memref<1x2x16x84x128xi32, #tpu.memory_space<hbm>> -> memref<2x16x84x128xi32, #tpu.memory_space<hbm>>
      %dma_wait3A_220 = arith.constant 0 : i32
      %dma_wait3A_221 = arith.constant 0 : i32
      %dma_wait3A_222 = arith.constant 0 : i32
      %dma_wait3A_223 = tpu.memref_slice %dma_wait3A_219[%run_scoped3A_94, %dma_wait3A_220, %dma_wait3A_221, %dma_wait3A_222] : memref<2x16x84x128xi32, #tpu.memory_space<hbm>> -> memref<1x16x84x128xi32, #tpu.memory_space<hbm>>
      %dma_wait3A_224 = tpu.memref_squeeze %dma_wait3A_223 : memref<1x16x84x128xi32, #tpu.memory_space<hbm>> -> memref<16x84x128xi32, #tpu.memory_space<hbm>>
      %dma_wait3A_225 = arith.constant 0 : i32
      %dma_wait3A_226 = arith.constant 0 : i32
      %dma_wait3A_227 = tpu.memref_slice %dma_wait3A_224[%arg1, %dma_wait3A_225, %dma_wait3A_226] : memref<16x84x128xi32, #tpu.memory_space<hbm>> -> memref<1x84x128xi32, #tpu.memory_space<hbm>>
      %dma_wait3A_228 = tpu.memref_squeeze %dma_wait3A_227 : memref<1x84x128xi32, #tpu.memory_space<hbm>> -> memref<84x128xi32, #tpu.memory_space<hbm>>
      tpu.wait_dma2 semaphore(%run_scoped3A_168 : memref<!tpu.dma_semaphore, #tpu.memory_space<semaphore_mem>>) src(%dma_wait3A_228 : memref<84x128xi32, #tpu.memory_space<hbm>>) dst(%arg7 : memref<84x128xi32, #tpu.memory_space<vmem>>)
      tpu.yield
    }) : () -> ()
    %barrier3A_95 = arith.constant 0 : index
    tpu.barrier barrier_id(%barrier3A_95)
    %dma_start3A_96 = arith.constant 0 : i32
    %dma_start3A_97 = arith.constant 0 : i32
    %dma_start3A_98 = tpu.memref_slice %arg6[%dma_start3A_96, %dma_start3A_97] : memref<84x128xi32, #tpu.memory_space<vmem>> -> memref<1x128xi32, #tpu.memory_space<vmem>>
    %dma_start3A_99 = tpu.memref_squeeze %dma_start3A_98 : memref<1x128xi32, #tpu.memory_space<vmem>> -> memref<128xi32, #tpu.memory_space<vmem>>
    %dma_start3A_100 = arith.constant 0 : i32
    %dma_start3A_101 = arith.constant 0 : i32
    %dma_start3A_102 = tpu.memref_slice %arg2[%dma_start3A_100, %dma_start3A_101] : memref<20000x128xf32, #tpu.memory_space<hbm>> -> memref<20000x128xf32, #tpu.memory_space<hbm>>
    tpu.enqueue_indirect_dma source(%dma_start3A_102 : memref<20000x128xf32, #tpu.memory_space<hbm>>) target(%arg9 : memref<128x128xf32, #tpu.memory_space<vmem>>) offsets(%dma_start3A_99 : memref<128xi32, #tpu.memory_space<vmem>>) semaphore(%arg13 : memref<!tpu.dma_semaphore, #tpu.memory_space<semaphore_mem>>)
    %dma_start3A_103 = arith.constant 1 : i32
    %dma_start3A_104 = arith.constant 0 : i32
    %dma_start3A_105 = tpu.memref_slice %arg6[%dma_start3A_103, %dma_start3A_104] : memref<84x128xi32, #tpu.memory_space<vmem>> -> memref<1x128xi32, #tpu.memory_space<vmem>>
    %dma_start3A_106 = tpu.memref_squeeze %dma_start3A_105 : memref<1x128xi32, #tpu.memory_space<vmem>> -> memref<128xi32, #tpu.memory_space<vmem>>
    %dma_start3A_107 = arith.constant 0 : i32
    %dma_start3A_108 = arith.constant 0 : i32
    %dma_start3A_109 = tpu.memref_slice %arg2[%dma_start3A_107, %dma_start3A_108] : memref<20000x128xf32, #tpu.memory_space<hbm>> -> memref<20000x128xf32, #tpu.memory_space<hbm>>
    tpu.enqueue_indirect_dma source(%dma_start3A_109 : memref<20000x128xf32, #tpu.memory_space<hbm>>) target(%arg10 : memref<128x128xf32, #tpu.memory_space<vmem>>) offsets(%dma_start3A_106 : memref<128xi32, #tpu.memory_space<vmem>>) semaphore(%arg14 : memref<!tpu.dma_semaphore, #tpu.memory_space<semaphore_mem>>)
    %dma_start3A_110 = arith.constant 2 : i32
    %dma_start3A_111 = arith.constant 0 : i32
    %dma_start3A_112 = tpu.memref_slice %arg6[%dma_start3A_110, %dma_start3A_111] : memref<84x128xi32, #tpu.memory_space<vmem>> -> memref<1x128xi32, #tpu.memory_space<vmem>>
    %dma_start3A_113 = tpu.memref_squeeze %dma_start3A_112 : memref<1x128xi32, #tpu.memory_space<vmem>> -> memref<128xi32, #tpu.memory_space<vmem>>
    %dma_start3A_114 = arith.constant 0 : i32
    %dma_start3A_115 = arith.constant 0 : i32
    %dma_start3A_116 = tpu.memref_slice %arg2[%dma_start3A_114, %dma_start3A_115] : memref<20000x128xf32, #tpu.memory_space<hbm>> -> memref<20000x128xf32, #tpu.memory_space<hbm>>
    tpu.enqueue_indirect_dma source(%dma_start3A_116 : memref<20000x128xf32, #tpu.memory_space<hbm>>) target(%arg11 : memref<128x128xf32, #tpu.memory_space<vmem>>) offsets(%dma_start3A_113 : memref<128xi32, #tpu.memory_space<vmem>>) semaphore(%arg15 : memref<!tpu.dma_semaphore, #tpu.memory_space<semaphore_mem>>)
    %dma_start3A_117 = arith.constant 3 : i32
    %dma_start3A_118 = arith.constant 0 : i32
    %dma_start3A_119 = tpu.memref_slice %arg6[%dma_start3A_117, %dma_start3A_118] : memref<84x128xi32, #tpu.memory_space<vmem>> -> memref<1x128xi32, #tpu.memory_space<vmem>>
    %dma_start3A_120 = tpu.memref_squeeze %dma_start3A_119 : memref<1x128xi32, #tpu.memory_space<vmem>> -> memref<128xi32, #tpu.memory_space<vmem>>
    %dma_start3A_121 = arith.constant 0 : i32
    %dma_start3A_122 = arith.constant 0 : i32
    %dma_start3A_123 = tpu.memref_slice %arg2[%dma_start3A_121, %dma_start3A_122] : memref<20000x128xf32, #tpu.memory_space<hbm>> -> memref<20000x128xf32, #tpu.memory_space<hbm>>
    tpu.enqueue_indirect_dma source(%dma_start3A_123 : memref<20000x128xf32, #tpu.memory_space<hbm>>) target(%arg12 : memref<128x128xf32, #tpu.memory_space<vmem>>) offsets(%dma_start3A_120 : memref<128xi32, #tpu.memory_space<vmem>>) semaphore(%arg16 : memref<!tpu.dma_semaphore, #tpu.memory_space<semaphore_mem>>)
    %scan3A_124 = arith.constant 0 : i32
    %scan3A_125 = arith.constant 21 : i32
    %scan3A_126 = arith.addi %scan3A_124, %scan3A_125 : i32
    %scan3A_127 = arith.constant 1 : i32
    scf.for %scan3A_168 = %scan3A_124 to %scan3A_126 step %scan3A_127  : i32 {
      %mul3A_169 = arith.constant 4 : i32
      %mul3A_170 = arith.muli %scan3A_168, %mul3A_169 : i32
      %add3A_171 = arith.constant 0 : i32
      %add3A_172 = arith.addi %add3A_171, %mul3A_170 : i32
      %add3A_173 = arith.constant 0 : i32
      %add3A_174 = arith.addi %add3A_172, %add3A_173 : i32
      %dma_wait3A_175 = arith.constant 0 : i32
      %dma_wait3A_176 = tpu.memref_slice %arg6[%add3A_174, %dma_wait3A_175] : memref<84x128xi32, #tpu.memory_space<vmem>> -> memref<1x128xi32, #tpu.memory_space<vmem>>
      %dma_wait3A_177 = tpu.memref_squeeze %dma_wait3A_176 : memref<1x128xi32, #tpu.memory_space<vmem>> -> memref<128xi32, #tpu.memory_space<vmem>>
      %dma_wait3A_178 = arith.constant 0 : i32
      %dma_wait3A_179 = arith.constant 0 : i32
      %dma_wait3A_180 = tpu.memref_slice %arg2[%dma_wait3A_178, %dma_wait3A_179] : memref<20000x128xf32, #tpu.memory_space<hbm>> -> memref<20000x128xf32, #tpu.memory_space<hbm>>
      tpu.wait_indirect_dma semaphore(%arg13 : memref<!tpu.dma_semaphore, #tpu.memory_space<semaphore_mem>>) src(%dma_wait3A_180 : memref<20000x128xf32, #tpu.memory_space<hbm>>) dst(%arg9 : memref<128x128xf32, #tpu.memory_space<vmem>>)
      %add3A_181 = arith.constant 0 : i32
      %add3A_182 = arith.addi %add3A_172, %add3A_181 : i32
      %dma_start3A_183 = arith.constant 0 : i32
      %dma_start3A_184 = tpu.memref_slice %arg7[%add3A_182, %dma_start3A_183] : memref<84x128xi32, #tpu.memory_space<vmem>> -> memref<1x128xi32, #tpu.memory_space<vmem>>
      %dma_start3A_185 = tpu.memref_squeeze %dma_start3A_184 : memref<1x128xi32, #tpu.memory_space<vmem>> -> memref<128xi32, #tpu.memory_space<vmem>>
      %dma_start3A_186 = arith.constant 0 : i32
      %dma_start3A_187 = arith.constant 0 : i32
      %dma_start3A_188 = tpu.memref_slice %arg8[%dma_start3A_186, %dma_start3A_187] : memref<5024x128xf32, #tpu.memory_space<vmem_shared>> -> memref<5024x128xf32, #tpu.memory_space<vmem_shared>>
      tpu.enqueue_indirect_dma source(%arg9 : memref<128x128xf32, #tpu.memory_space<vmem>>) target(%dma_start3A_188 : memref<5024x128xf32, #tpu.memory_space<vmem_shared>>) offsets(%dma_start3A_185 : memref<128xi32, #tpu.memory_space<vmem>>) semaphore(%arg17 : memref<!tpu.dma_semaphore, #tpu.memory_space<semaphore_mem>>) {add = true}
      %add3A_189 = arith.constant 1 : i32
      %add3A_190 = arith.addi %add3A_172, %add3A_189 : i32
      %dma_wait3A_191 = arith.constant 0 : i32
      %dma_wait3A_192 = tpu.memref_slice %arg6[%add3A_190, %dma_wait3A_191] : memref<84x128xi32, #tpu.memory_space<vmem>> -> memref<1x128xi32, #tpu.memory_space<vmem>>
      %dma_wait3A_193 = tpu.memref_squeeze %dma_wait3A_192 : memref<1x128xi32, #tpu.memory_space<vmem>> -> memref<128xi32, #tpu.memory_space<vmem>>
      %dma_wait3A_194 = arith.constant 0 : i32
      %dma_wait3A_195 = arith.constant 0 : i32
      %dma_wait3A_196 = tpu.memref_slice %arg2[%dma_wait3A_194, %dma_wait3A_195] : memref<20000x128xf32, #tpu.memory_space<hbm>> -> memref<20000x128xf32, #tpu.memory_space<hbm>>
      tpu.wait_indirect_dma semaphore(%arg14 : memref<!tpu.dma_semaphore, #tpu.memory_space<semaphore_mem>>) src(%dma_wait3A_196 : memref<20000x128xf32, #tpu.memory_space<hbm>>) dst(%arg10 : memref<128x128xf32, #tpu.memory_space<vmem>>)
      %add3A_197 = arith.constant 1 : i32
      %add3A_198 = arith.addi %add3A_172, %add3A_197 : i32
      %dma_start3A_199 = arith.constant 0 : i32
      %dma_start3A_200 = tpu.memref_slice %arg7[%add3A_198, %dma_start3A_199] : memref<84x128xi32, #tpu.memory_space<vmem>> -> memref<1x128xi32, #tpu.memory_space<vmem>>
      %dma_start3A_201 = tpu.memref_squeeze %dma_start3A_200 : memref<1x128xi32, #tpu.memory_space<vmem>> -> memref<128xi32, #tpu.memory_space<vmem>>
      %dma_start3A_202 = arith.constant 0 : i32
      %dma_start3A_203 = arith.constant 0 : i32
      %dma_start3A_204 = tpu.memref_slice %arg8[%dma_start3A_202, %dma_start3A_203] : memref<5024x128xf32, #tpu.memory_space<vmem_shared>> -> memref<5024x128xf32, #tpu.memory_space<vmem_shared>>
      tpu.enqueue_indirect_dma source(%arg10 : memref<128x128xf32, #tpu.memory_space<vmem>>) target(%dma_start3A_204 : memref<5024x128xf32, #tpu.memory_space<vmem_shared>>) offsets(%dma_start3A_201 : memref<128xi32, #tpu.memory_space<vmem>>) semaphore(%arg18 : memref<!tpu.dma_semaphore, #tpu.memory_space<semaphore_mem>>) {add = true}
      %add3A_205 = arith.constant 2 : i32
      %add3A_206 = arith.addi %add3A_172, %add3A_205 : i32
      %dma_wait3A_207 = arith.constant 0 : i32
      %dma_wait3A_208 = tpu.memref_slice %arg6[%add3A_206, %dma_wait3A_207] : memref<84x128xi32, #tpu.memory_space<vmem>> -> memref<1x128xi32, #tpu.memory_space<vmem>>
      %dma_wait3A_209 = tpu.memref_squeeze %dma_wait3A_208 : memref<1x128xi32, #tpu.memory_space<vmem>> -> memref<128xi32, #tpu.memory_space<vmem>>
      %dma_wait3A_210 = arith.constant 0 : i32
      %dma_wait3A_211 = arith.constant 0 : i32
      %dma_wait3A_212 = tpu.memref_slice %arg2[%dma_wait3A_210, %dma_wait3A_211] : memref<20000x128xf32, #tpu.memory_space<hbm>> -> memref<20000x128xf32, #tpu.memory_space<hbm>>
      tpu.wait_indirect_dma semaphore(%arg15 : memref<!tpu.dma_semaphore, #tpu.memory_space<semaphore_mem>>) src(%dma_wait3A_212 : memref<20000x128xf32, #tpu.memory_space<hbm>>) dst(%arg11 : memref<128x128xf32, #tpu.memory_space<vmem>>)
      %add3A_213 = arith.constant 2 : i32
      %add3A_214 = arith.addi %add3A_172, %add3A_213 : i32
      %dma_start3A_215 = arith.constant 0 : i32
      %dma_start3A_216 = tpu.memref_slice %arg7[%add3A_214, %dma_start3A_215] : memref<84x128xi32, #tpu.memory_space<vmem>> -> memref<1x128xi32, #tpu.memory_space<vmem>>
      %dma_start3A_217 = tpu.memref_squeeze %dma_start3A_216 : memref<1x128xi32, #tpu.memory_space<vmem>> -> memref<128xi32, #tpu.memory_space<vmem>>
      %dma_start3A_218 = arith.constant 0 : i32
      %dma_start3A_219 = arith.constant 0 : i32
      %dma_start3A_220 = tpu.memref_slice %arg8[%dma_start3A_218, %dma_start3A_219] : memref<5024x128xf32, #tpu.memory_space<vmem_shared>> -> memref<5024x128xf32, #tpu.memory_space<vmem_shared>>
      tpu.enqueue_indirect_dma source(%arg11 : memref<128x128xf32, #tpu.memory_space<vmem>>) target(%dma_start3A_220 : memref<5024x128xf32, #tpu.memory_space<vmem_shared>>) offsets(%dma_start3A_217 : memref<128xi32, #tpu.memory_space<vmem>>) semaphore(%arg19 : memref<!tpu.dma_semaphore, #tpu.memory_space<semaphore_mem>>) {add = true}
      %add3A_221 = arith.constant 3 : i32
      %add3A_222 = arith.addi %add3A_172, %add3A_221 : i32
      %dma_wait3A_223 = arith.constant 0 : i32
      %dma_wait3A_224 = tpu.memref_slice %arg6[%add3A_222, %dma_wait3A_223] : memref<84x128xi32, #tpu.memory_space<vmem>> -> memref<1x128xi32, #tpu.memory_space<vmem>>
      %dma_wait3A_225 = tpu.memref_squeeze %dma_wait3A_224 : memref<1x128xi32, #tpu.memory_space<vmem>> -> memref<128xi32, #tpu.memory_space<vmem>>
      %dma_wait3A_226 = arith.constant 0 : i32
      %dma_wait3A_227 = arith.constant 0 : i32
      %dma_wait3A_228 = tpu.memref_slice %arg2[%dma_wait3A_226, %dma_wait3A_227] : memref<20000x128xf32, #tpu.memory_space<hbm>> -> memref<20000x128xf32, #tpu.memory_space<hbm>>
      tpu.wait_indirect_dma semaphore(%arg16 : memref<!tpu.dma_semaphore, #tpu.memory_space<semaphore_mem>>) src(%dma_wait3A_228 : memref<20000x128xf32, #tpu.memory_space<hbm>>) dst(%arg12 : memref<128x128xf32, #tpu.memory_space<vmem>>)
      %add3A_229 = arith.constant 3 : i32
      %add3A_230 = arith.addi %add3A_172, %add3A_229 : i32
      %dma_start3A_231 = arith.constant 0 : i32
      %dma_start3A_232 = tpu.memref_slice %arg7[%add3A_230, %dma_start3A_231] : memref<84x128xi32, #tpu.memory_space<vmem>> -> memref<1x128xi32, #tpu.memory_space<vmem>>
      %dma_start3A_233 = tpu.memref_squeeze %dma_start3A_232 : memref<1x128xi32, #tpu.memory_space<vmem>> -> memref<128xi32, #tpu.memory_space<vmem>>
      %dma_start3A_234 = arith.constant 0 : i32
      %dma_start3A_235 = arith.constant 0 : i32
      %dma_start3A_236 = tpu.memref_slice %arg8[%dma_start3A_234, %dma_start3A_235] : memref<5024x128xf32, #tpu.memory_space<vmem_shared>> -> memref<5024x128xf32, #tpu.memory_space<vmem_shared>>
      tpu.enqueue_indirect_dma source(%arg12 : memref<128x128xf32, #tpu.memory_space<vmem>>) target(%dma_start3A_236 : memref<5024x128xf32, #tpu.memory_space<vmem_shared>>) offsets(%dma_start3A_233 : memref<128xi32, #tpu.memory_space<vmem>>) semaphore(%arg20 : memref<!tpu.dma_semaphore, #tpu.memory_space<semaphore_mem>>) {add = true}
      %add3A_237 = arith.constant 4 : i32
      %add3A_238 = arith.addi %add3A_172, %add3A_237 : i32
      %add3A_239 = arith.constant 0 : i32
      %add3A_240 = arith.addi %add3A_238, %add3A_239 : i32
      %lt3A = arith.constant 84 : i32
      %lt3A_241 = arith.cmpi slt, %add3A_240, %lt3A : i32
      %convert_element_type3A_242 = arith.extui %lt3A_241 : i1 to i32
      %cond3A_243 = arith.constant 0 : i32
      %cond3A_244 = arith.cmpi ne, %convert_element_type3A_242, %cond3A_243 : i32
      scf.if %cond3A_244 {
        %dma_wait3A_272 = arith.constant 0 : i32
        %dma_wait3A_273 = arith.constant 0 : i32
        %dma_wait3A_274 = tpu.memref_slice %arg7[%dma_wait3A_272, %dma_wait3A_273] : memref<84x128xi32, #tpu.memory_space<vmem>> -> memref<1x128xi32, #tpu.memory_space<vmem>>
        %dma_wait3A_275 = tpu.memref_squeeze %dma_wait3A_274 : memref<1x128xi32, #tpu.memory_space<vmem>> -> memref<128xi32, #tpu.memory_space<vmem>>
        %dma_wait3A_276 = arith.constant 0 : i32
        %dma_wait3A_277 = arith.constant 0 : i32
        %dma_wait3A_278 = tpu.memref_slice %arg8[%dma_wait3A_276, %dma_wait3A_277] : memref<5024x128xf32, #tpu.memory_space<vmem_shared>> -> memref<5024x128xf32, #tpu.memory_space<vmem_shared>>
        tpu.wait_indirect_dma semaphore(%arg17 : memref<!tpu.dma_semaphore, #tpu.memory_space<semaphore_mem>>) src(%arg9 : memref<128x128xf32, #tpu.memory_space<vmem>>) dst(%dma_wait3A_278 : memref<5024x128xf32, #tpu.memory_space<vmem_shared>>)
        %add3A_279 = arith.constant 4 : i32
        %add3A_280 = arith.addi %add3A_172, %add3A_279 : i32
        %add3A_281 = arith.constant 0 : i32
        %add3A_282 = arith.addi %add3A_280, %add3A_281 : i32
        %dma_start3A_283 = arith.constant 0 : i32
        %dma_start3A_284 = tpu.memref_slice %arg6[%add3A_282, %dma_start3A_283] : memref<84x128xi32, #tpu.memory_space<vmem>> -> memref<1x128xi32, #tpu.memory_space<vmem>>
        %dma_start3A_285 = tpu.memref_squeeze %dma_start3A_284 : memref<1x128xi32, #tpu.memory_space<vmem>> -> memref<128xi32, #tpu.memory_space<vmem>>
        %dma_start3A_286 = arith.constant 0 : i32
        %dma_start3A_287 = arith.constant 0 : i32
        %dma_start3A_288 = tpu.memref_slice %arg2[%dma_start3A_286, %dma_start3A_287] : memref<20000x128xf32, #tpu.memory_space<hbm>> -> memref<20000x128xf32, #tpu.memory_space<hbm>>
        tpu.enqueue_indirect_dma source(%dma_start3A_288 : memref<20000x128xf32, #tpu.memory_space<hbm>>) target(%arg9 : memref<128x128xf32, #tpu.memory_space<vmem>>) offsets(%dma_start3A_285 : memref<128xi32, #tpu.memory_space<vmem>>) semaphore(%arg13 : memref<!tpu.dma_semaphore, #tpu.memory_space<semaphore_mem>>)
      } else {
      }
      %add3A_245 = arith.constant 4 : i32
      %add3A_246 = arith.addi %add3A_172, %add3A_245 : i32
      %add3A_247 = arith.constant 1 : i32
      %add3A_248 = arith.addi %add3A_246, %add3A_247 : i32
      %lt3A_249 = arith.constant 84 : i32
      %lt3A_250 = arith.cmpi slt, %add3A_248, %lt3A_249 : i32
      %convert_element_type3A_251 = arith.extui %lt3A_250 : i1 to i32
      %cond3A_252 = arith.constant 0 : i32
      %cond3A_253 = arith.cmpi ne, %convert_element_type3A_251, %cond3A_252 : i32
      scf.if %cond3A_253 {
        %dma_wait3A_272 = arith.constant 0 : i32
        %dma_wait3A_273 = arith.constant 0 : i32
        %dma_wait3A_274 = tpu.memref_slice %arg7[%dma_wait3A_272, %dma_wait3A_273] : memref<84x128xi32, #tpu.memory_space<vmem>> -> memref<1x128xi32, #tpu.memory_space<vmem>>
        %dma_wait3A_275 = tpu.memref_squeeze %dma_wait3A_274 : memref<1x128xi32, #tpu.memory_space<vmem>> -> memref<128xi32, #tpu.memory_space<vmem>>
        %dma_wait3A_276 = arith.constant 0 : i32
        %dma_wait3A_277 = arith.constant 0 : i32
        %dma_wait3A_278 = tpu.memref_slice %arg8[%dma_wait3A_276, %dma_wait3A_277] : memref<5024x128xf32, #tpu.memory_space<vmem_shared>> -> memref<5024x128xf32, #tpu.memory_space<vmem_shared>>
        tpu.wait_indirect_dma semaphore(%arg18 : memref<!tpu.dma_semaphore, #tpu.memory_space<semaphore_mem>>) src(%arg10 : memref<128x128xf32, #tpu.memory_space<vmem>>) dst(%dma_wait3A_278 : memref<5024x128xf32, #tpu.memory_space<vmem_shared>>)
        %add3A_279 = arith.constant 4 : i32
        %add3A_280 = arith.addi %add3A_172, %add3A_279 : i32
        %add3A_281 = arith.constant 1 : i32
        %add3A_282 = arith.addi %add3A_280, %add3A_281 : i32
        %dma_start3A_283 = arith.constant 0 : i32
        %dma_start3A_284 = tpu.memref_slice %arg6[%add3A_282, %dma_start3A_283] : memref<84x128xi32, #tpu.memory_space<vmem>> -> memref<1x128xi32, #tpu.memory_space<vmem>>
        %dma_start3A_285 = tpu.memref_squeeze %dma_start3A_284 : memref<1x128xi32, #tpu.memory_space<vmem>> -> memref<128xi32, #tpu.memory_space<vmem>>
        %dma_start3A_286 = arith.constant 0 : i32
        %dma_start3A_287 = arith.constant 0 : i32
        %dma_start3A_288 = tpu.memref_slice %arg2[%dma_start3A_286, %dma_start3A_287] : memref<20000x128xf32, #tpu.memory_space<hbm>> -> memref<20000x128xf32, #tpu.memory_space<hbm>>
        tpu.enqueue_indirect_dma source(%dma_start3A_288 : memref<20000x128xf32, #tpu.memory_space<hbm>>) target(%arg10 : memref<128x128xf32, #tpu.memory_space<vmem>>) offsets(%dma_start3A_285 : memref<128xi32, #tpu.memory_space<vmem>>) semaphore(%arg14 : memref<!tpu.dma_semaphore, #tpu.memory_space<semaphore_mem>>)
      } else {
      }
      %add3A_254 = arith.constant 4 : i32
      %add3A_255 = arith.addi %add3A_172, %add3A_254 : i32
      %add3A_256 = arith.constant 2 : i32
      %add3A_257 = arith.addi %add3A_255, %add3A_256 : i32
      %lt3A_258 = arith.constant 84 : i32
      %lt3A_259 = arith.cmpi slt, %add3A_257, %lt3A_258 : i32
      %convert_element_type3A_260 = arith.extui %lt3A_259 : i1 to i32
      %cond3A_261 = arith.constant 0 : i32
      %cond3A_262 = arith.cmpi ne, %convert_element_type3A_260, %cond3A_261 : i32
      scf.if %cond3A_262 {
        %dma_wait3A_272 = arith.constant 0 : i32
        %dma_wait3A_273 = arith.constant 0 : i32
        %dma_wait3A_274 = tpu.memref_slice %arg7[%dma_wait3A_272, %dma_wait3A_273] : memref<84x128xi32, #tpu.memory_space<vmem>> -> memref<1x128xi32, #tpu.memory_space<vmem>>
        %dma_wait3A_275 = tpu.memref_squeeze %dma_wait3A_274 : memref<1x128xi32, #tpu.memory_space<vmem>> -> memref<128xi32, #tpu.memory_space<vmem>>
        %dma_wait3A_276 = arith.constant 0 : i32
        %dma_wait3A_277 = arith.constant 0 : i32
        %dma_wait3A_278 = tpu.memref_slice %arg8[%dma_wait3A_276, %dma_wait3A_277] : memref<5024x128xf32, #tpu.memory_space<vmem_shared>> -> memref<5024x128xf32, #tpu.memory_space<vmem_shared>>
        tpu.wait_indirect_dma semaphore(%arg19 : memref<!tpu.dma_semaphore, #tpu.memory_space<semaphore_mem>>) src(%arg11 : memref<128x128xf32, #tpu.memory_space<vmem>>) dst(%dma_wait3A_278 : memref<5024x128xf32, #tpu.memory_space<vmem_shared>>)
        %add3A_279 = arith.constant 4 : i32
        %add3A_280 = arith.addi %add3A_172, %add3A_279 : i32
        %add3A_281 = arith.constant 2 : i32
        %add3A_282 = arith.addi %add3A_280, %add3A_281 : i32
        %dma_start3A_283 = arith.constant 0 : i32
        %dma_start3A_284 = tpu.memref_slice %arg6[%add3A_282, %dma_start3A_283] : memref<84x128xi32, #tpu.memory_space<vmem>> -> memref<1x128xi32, #tpu.memory_space<vmem>>
        %dma_start3A_285 = tpu.memref_squeeze %dma_start3A_284 : memref<1x128xi32, #tpu.memory_space<vmem>> -> memref<128xi32, #tpu.memory_space<vmem>>
        %dma_start3A_286 = arith.constant 0 : i32
        %dma_start3A_287 = arith.constant 0 : i32
        %dma_start3A_288 = tpu.memref_slice %arg2[%dma_start3A_286, %dma_start3A_287] : memref<20000x128xf32, #tpu.memory_space<hbm>> -> memref<20000x128xf32, #tpu.memory_space<hbm>>
        tpu.enqueue_indirect_dma source(%dma_start3A_288 : memref<20000x128xf32, #tpu.memory_space<hbm>>) target(%arg11 : memref<128x128xf32, #tpu.memory_space<vmem>>) offsets(%dma_start3A_285 : memref<128xi32, #tpu.memory_space<vmem>>) semaphore(%arg15 : memref<!tpu.dma_semaphore, #tpu.memory_space<semaphore_mem>>)
      } else {
      }
      %add3A_263 = arith.constant 4 : i32
      %add3A_264 = arith.addi %add3A_172, %add3A_263 : i32
      %add3A_265 = arith.constant 3 : i32
      %add3A_266 = arith.addi %add3A_264, %add3A_265 : i32
      %lt3A_267 = arith.constant 84 : i32
      %lt3A_268 = arith.cmpi slt, %add3A_266, %lt3A_267 : i32
      %convert_element_type3A_269 = arith.extui %lt3A_268 : i1 to i32
      %cond3A_270 = arith.constant 0 : i32
      %cond3A_271 = arith.cmpi ne, %convert_element_type3A_269, %cond3A_270 : i32
      scf.if %cond3A_271 {
        %dma_wait3A_272 = arith.constant 0 : i32
        %dma_wait3A_273 = arith.constant 0 : i32
        %dma_wait3A_274 = tpu.memref_slice %arg7[%dma_wait3A_272, %dma_wait3A_273] : memref<84x128xi32, #tpu.memory_space<vmem>> -> memref<1x128xi32, #tpu.memory_space<vmem>>
        %dma_wait3A_275 = tpu.memref_squeeze %dma_wait3A_274 : memref<1x128xi32, #tpu.memory_space<vmem>> -> memref<128xi32, #tpu.memory_space<vmem>>
        %dma_wait3A_276 = arith.constant 0 : i32
        %dma_wait3A_277 = arith.constant 0 : i32
        %dma_wait3A_278 = tpu.memref_slice %arg8[%dma_wait3A_276, %dma_wait3A_277] : memref<5024x128xf32, #tpu.memory_space<vmem_shared>> -> memref<5024x128xf32, #tpu.memory_space<vmem_shared>>
        tpu.wait_indirect_dma semaphore(%arg20 : memref<!tpu.dma_semaphore, #tpu.memory_space<semaphore_mem>>) src(%arg12 : memref<128x128xf32, #tpu.memory_space<vmem>>) dst(%dma_wait3A_278 : memref<5024x128xf32, #tpu.memory_space<vmem_shared>>)
        %add3A_279 = arith.constant 4 : i32
        %add3A_280 = arith.addi %add3A_172, %add3A_279 : i32
        %add3A_281 = arith.constant 3 : i32
        %add3A_282 = arith.addi %add3A_280, %add3A_281 : i32
        %dma_start3A_283 = arith.constant 0 : i32
        %dma_start3A_284 = tpu.memref_slice %arg6[%add3A_282, %dma_start3A_283] : memref<84x128xi32, #tpu.memory_space<vmem>> -> memref<1x128xi32, #tpu.memory_space<vmem>>
        %dma_start3A_285 = tpu.memref_squeeze %dma_start3A_284 : memref<1x128xi32, #tpu.memory_space<vmem>> -> memref<128xi32, #tpu.memory_space<vmem>>
        %dma_start3A_286 = arith.constant 0 : i32
        %dma_start3A_287 = arith.constant 0 : i32
        %dma_start3A_288 = tpu.memref_slice %arg2[%dma_start3A_286, %dma_start3A_287] : memref<20000x128xf32, #tpu.memory_space<hbm>> -> memref<20000x128xf32, #tpu.memory_space<hbm>>
        tpu.enqueue_indirect_dma source(%dma_start3A_288 : memref<20000x128xf32, #tpu.memory_space<hbm>>) target(%arg12 : memref<128x128xf32, #tpu.memory_space<vmem>>) offsets(%dma_start3A_285 : memref<128xi32, #tpu.memory_space<vmem>>) semaphore(%arg16 : memref<!tpu.dma_semaphore, #tpu.memory_space<semaphore_mem>>)
      } else {
      }
    }
    %scan3A_128 = arith.constant 21 : i32
    %dma_wait3A_129 = arith.constant 0 : i32
    %dma_wait3A_130 = arith.constant 0 : i32
    %dma_wait3A_131 = tpu.memref_slice %arg7[%dma_wait3A_129, %dma_wait3A_130] : memref<84x128xi32, #tpu.memory_space<vmem>> -> memref<1x128xi32, #tpu.memory_space<vmem>>
    %dma_wait3A_132 = tpu.memref_squeeze %dma_wait3A_131 : memref<1x128xi32, #tpu.memory_space<vmem>> -> memref<128xi32, #tpu.memory_space<vmem>>
    %dma_wait3A_133 = arith.constant 0 : i32
    %dma_wait3A_134 = arith.constant 0 : i32
    %dma_wait3A_135 = tpu.memref_slice %arg8[%dma_wait3A_133, %dma_wait3A_134] : memref<5024x128xf32, #tpu.memory_space<vmem_shared>> -> memref<5024x128xf32, #tpu.memory_space<vmem_shared>>
    tpu.wait_indirect_dma semaphore(%arg17 : memref<!tpu.dma_semaphore, #tpu.memory_space<semaphore_mem>>) src(%arg9 : memref<128x128xf32, #tpu.memory_space<vmem>>) dst(%dma_wait3A_135 : memref<5024x128xf32, #tpu.memory_space<vmem_shared>>)
    %dma_wait3A_136 = arith.constant 0 : i32
    %dma_wait3A_137 = arith.constant 0 : i32
    %dma_wait3A_138 = tpu.memref_slice %arg7[%dma_wait3A_136, %dma_wait3A_137] : memref<84x128xi32, #tpu.memory_space<vmem>> -> memref<1x128xi32, #tpu.memory_space<vmem>>
    %dma_wait3A_139 = tpu.memref_squeeze %dma_wait3A_138 : memref<1x128xi32, #tpu.memory_space<vmem>> -> memref<128xi32, #tpu.memory_space<vmem>>
    %dma_wait3A_140 = arith.constant 0 : i32
    %dma_wait3A_141 = arith.constant 0 : i32
    %dma_wait3A_142 = tpu.memref_slice %arg8[%dma_wait3A_140, %dma_wait3A_141] : memref<5024x128xf32, #tpu.memory_space<vmem_shared>> -> memref<5024x128xf32, #tpu.memory_space<vmem_shared>>
    tpu.wait_indirect_dma semaphore(%arg18 : memref<!tpu.dma_semaphore, #tpu.memory_space<semaphore_mem>>) src(%arg10 : memref<128x128xf32, #tpu.memory_space<vmem>>) dst(%dma_wait3A_142 : memref<5024x128xf32, #tpu.memory_space<vmem_shared>>)
    %dma_wait3A_143 = arith.constant 0 : i32
    %dma_wait3A_144 = arith.constant 0 : i32
    %dma_wait3A_145 = tpu.memref_slice %arg7[%dma_wait3A_143, %dma_wait3A_144] : memref<84x128xi32, #tpu.memory_space<vmem>> -> memref<1x128xi32, #tpu.memory_space<vmem>>
    %dma_wait3A_146 = tpu.memref_squeeze %dma_wait3A_145 : memref<1x128xi32, #tpu.memory_space<vmem>> -> memref<128xi32, #tpu.memory_space<vmem>>
    %dma_wait3A_147 = arith.constant 0 : i32
    %dma_wait3A_148 = arith.constant 0 : i32
    %dma_wait3A_149 = tpu.memref_slice %arg8[%dma_wait3A_147, %dma_wait3A_148] : memref<5024x128xf32, #tpu.memory_space<vmem_shared>> -> memref<5024x128xf32, #tpu.memory_space<vmem_shared>>
    tpu.wait_indirect_dma semaphore(%arg19 : memref<!tpu.dma_semaphore, #tpu.memory_space<semaphore_mem>>) src(%arg11 : memref<128x128xf32, #tpu.memory_space<vmem>>) dst(%dma_wait3A_149 : memref<5024x128xf32, #tpu.memory_space<vmem_shared>>)
    %dma_wait3A_150 = arith.constant 0 : i32
    %dma_wait3A_151 = arith.constant 0 : i32
    %dma_wait3A_152 = tpu.memref_slice %arg7[%dma_wait3A_150, %dma_wait3A_151] : memref<84x128xi32, #tpu.memory_space<vmem>> -> memref<1x128xi32, #tpu.memory_space<vmem>>
    %dma_wait3A_153 = tpu.memref_squeeze %dma_wait3A_152 : memref<1x128xi32, #tpu.memory_space<vmem>> -> memref<128xi32, #tpu.memory_space<vmem>>
    %dma_wait3A_154 = arith.constant 0 : i32
    %dma_wait3A_155 = arith.constant 0 : i32
    %dma_wait3A_156 = tpu.memref_slice %arg8[%dma_wait3A_154, %dma_wait3A_155] : memref<5024x128xf32, #tpu.memory_space<vmem_shared>> -> memref<5024x128xf32, #tpu.memory_space<vmem_shared>>
    tpu.wait_indirect_dma semaphore(%arg20 : memref<!tpu.dma_semaphore, #tpu.memory_space<semaphore_mem>>) src(%arg12 : memref<128x128xf32, #tpu.memory_space<vmem>>) dst(%dma_wait3A_156 : memref<5024x128xf32, #tpu.memory_space<vmem_shared>>)
    %barrier3A_157 = arith.constant 0 : index
    tpu.barrier barrier_id(%barrier3A_157)
    %mul3A_158 = arith.constant 304 : i32
    %mul3A_159 = arith.muli %arg1, %mul3A_158 : i32
    %add3A_160 = arith.constant 0 : i32
    %add3A_161 = arith.addi %add3A_160, %mul3A_159 : i32
    %add3A_162 = arith.addi %add3A_82, %mul3A_159 : i32
    "tpu.region"() ({
      %run_scoped3A_168 = tpu.sem_alloc : memref<!tpu.dma_semaphore, #tpu.memory_space<semaphore_mem>>
      %dma_start3A_169 = arith.constant 0 : i32
      %dma_start3A_170 = tpu.memref_slice %arg5[%add3A_162, %dma_start3A_169] : memref<20000x128xf32, #tpu.memory_space<hbm>> -> memref<304x128xf32, #tpu.memory_space<hbm>>
      %dma_start3A_171 = arith.constant 0 : i32
      %dma_start3A_172 = tpu.memref_slice %arg8[%add3A_161, %dma_start3A_171] : memref<5024x128xf32, #tpu.memory_space<vmem_shared>> -> memref<304x128xf32, #tpu.memory_space<vmem_shared>>
      tpu.enqueue_dma source(%dma_start3A_172 : memref<304x128xf32, #tpu.memory_space<vmem_shared>>) target(%dma_start3A_170 : memref<304x128xf32, #tpu.memory_space<hbm>>) target_semaphore(%run_scoped3A_168 : memref<!tpu.dma_semaphore, #tpu.memory_space<semaphore_mem>>)
      %dma_wait3A_173 = arith.constant 0 : i32
      %dma_wait3A_174 = tpu.memref_slice %arg5[%add3A_162, %dma_wait3A_173] : memref<20000x128xf32, #tpu.memory_space<hbm>> -> memref<304x128xf32, #tpu.memory_space<hbm>>
      %dma_wait3A_175 = arith.constant 0 : i32
      %dma_wait3A_176 = tpu.memref_slice %arg8[%add3A_161, %dma_wait3A_175] : memref<5024x128xf32, #tpu.memory_space<vmem_shared>> -> memref<304x128xf32, #tpu.memory_space<vmem_shared>>
      tpu.wait_dma2 semaphore(%run_scoped3A_168 : memref<!tpu.dma_semaphore, #tpu.memory_space<semaphore_mem>>) src(%dma_wait3A_176 : memref<304x128xf32, #tpu.memory_space<vmem_shared>>) dst(%dma_wait3A_174 : memref<304x128xf32, #tpu.memory_space<hbm>>)
      tpu.yield
    }) : () -> ()
    %eq3A_163 = arith.constant 15 : i32
    %eq3A_164 = arith.cmpi eq, %arg1, %eq3A_163 : i32
    %convert_element_type3A_165 = arith.extui %eq3A_164 : i1 to i32
    %cond3A_166 = arith.constant 0 : i32
    %cond3A_167 = arith.cmpi ne, %convert_element_type3A_165, %cond3A_166 : i32
    scf.if %cond3A_167 {
      %add3A_168 = arith.constant 4864 : i32
      %add3A_169 = arith.addi %add3A_82, %add3A_168 : i32
      "tpu.region"() ({
        %run_scoped3A_170 = tpu.sem_alloc : memref<!tpu.dma_semaphore, #tpu.memory_space<semaphore_mem>>
        %dma_start3A_171 = arith.constant 0 : i32
        %dma_start3A_172 = tpu.memref_slice %arg5[%add3A_169, %dma_start3A_171] : memref<20000x128xf32, #tpu.memory_space<hbm>> -> memref<144x128xf32, #tpu.memory_space<hbm>>
        %dma_start3A_173 = arith.constant 4864 : i32
        %dma_start3A_174 = arith.constant 0 : i32
        %dma_start3A_175 = tpu.memref_slice %arg8[%dma_start3A_173, %dma_start3A_174] : memref<5024x128xf32, #tpu.memory_space<vmem_shared>> -> memref<144x128xf32, #tpu.memory_space<vmem_shared>>
        tpu.enqueue_dma source(%dma_start3A_175 : memref<144x128xf32, #tpu.memory_space<vmem_shared>>) target(%dma_start3A_172 : memref<144x128xf32, #tpu.memory_space<hbm>>) target_semaphore(%run_scoped3A_170 : memref<!tpu.dma_semaphore, #tpu.memory_space<semaphore_mem>>)
        %dma_wait3A_176 = arith.constant 0 : i32
        %dma_wait3A_177 = tpu.memref_slice %arg5[%add3A_169, %dma_wait3A_176] : memref<20000x128xf32, #tpu.memory_space<hbm>> -> memref<144x128xf32, #tpu.memory_space<hbm>>
        %dma_wait3A_178 = arith.constant 4864 : i32
        %dma_wait3A_179 = arith.constant 0 : i32
        %dma_wait3A_180 = tpu.memref_slice %arg8[%dma_wait3A_178, %dma_wait3A_179] : memref<5024x128xf32, #tpu.memory_space<vmem_shared>> -> memref<144x128xf32, #tpu.memory_space<vmem_shared>>
        tpu.wait_dma2 semaphore(%run_scoped3A_170 : memref<!tpu.dma_semaphore, #tpu.memory_space<semaphore_mem>>) src(%dma_wait3A_180 : memref<144x128xf32, #tpu.memory_space<vmem_shared>>) dst(%dma_wait3A_177 : memref<144x128xf32, #tpu.memory_space<hbm>>)
        tpu.yield
      }) : () -> ()
    } else {
    }
    return
  }
}

#map = affine_map<(d0, d1) -> (0, 0, 0, 0, 0)>
#map1 = affine_map<(d0, d1) -> (0, 0)>
module attributes {stable_mosaic.version = 14 : i64} {
  func.func @k(%arg0: i32, %arg1: i32, %arg2: memref<2x2x16x84x128xi32, #tpu.memory_space<hbm>>, %arg3: memref<128x128xf32, #tpu.memory_space<hbm>>, %arg4: memref<5024x128xf32, #tpu.memory_space<hbm>>, %arg5: memref<10000x128xf32, #tpu.memory_space<hbm>>, %arg6: memref<84x128xi32, #tpu.memory_space<vmem>>, %arg7: memref<128x128xf32, #tpu.memory_space<vmem>>, %arg8: memref<5024x128xf32, #tpu.memory_space<vmem_shared>>, %arg9: memref<!tpu.dma_semaphore, #tpu.memory_space<semaphore_mem>>) attributes {dimension_semantics = [#tpu.dimension_semantics<core_parallel>, #tpu.dimension_semantics<subcore_parallel>], iteration_bounds = array<i64: 2, 16>, scalar_prefetch = 0 : i64, scratch_operands = 4 : i64, tpu.core_type = #tpu.core_type<sc_vector_subcore>, window_params = [{transform_indices = #map}, {transform_indices = #map1}, {transform_indices = #map1}, {transform_indices = #map1}]} {
    %mul3A = arith.constant 304 : i32
    %mul3A_0 = arith.muli %arg1, %mul3A : i32
    %add3A = arith.constant 0 : i32
    %add3A_1 = arith.addi %add3A, %mul3A_0 : i32
    %add3A_2 = arith.constant 0 : i32
    %add3A_3 = arith.addi %add3A_2, %mul3A_0 : i32
    "tpu.region"() ({
      %run_scoped3A = tpu.sem_alloc : memref<!tpu.dma_semaphore, #tpu.memory_space<semaphore_mem>>
      %dma_start3A = arith.constant 0 : i32
      %dma_start3A_76 = tpu.memref_slice %arg8[%add3A_3, %dma_start3A] : memref<5024x128xf32, #tpu.memory_space<vmem_shared>> -> memref<304x128xf32, #tpu.memory_space<vmem_shared>>
      %dma_start3A_77 = arith.constant 0 : i32
      %dma_start3A_78 = tpu.memref_slice %arg4[%add3A_1, %dma_start3A_77] : memref<5024x128xf32, #tpu.memory_space<hbm>> -> memref<304x128xf32, #tpu.memory_space<hbm>>
      tpu.enqueue_dma source(%dma_start3A_78 : memref<304x128xf32, #tpu.memory_space<hbm>>) target(%dma_start3A_76 : memref<304x128xf32, #tpu.memory_space<vmem_shared>>) target_semaphore(%run_scoped3A : memref<!tpu.dma_semaphore, #tpu.memory_space<semaphore_mem>>)
      %dma_wait3A_79 = arith.constant 0 : i32
      %dma_wait3A_80 = tpu.memref_slice %arg8[%add3A_3, %dma_wait3A_79] : memref<5024x128xf32, #tpu.memory_space<vmem_shared>> -> memref<304x128xf32, #tpu.memory_space<vmem_shared>>
      %dma_wait3A_81 = arith.constant 0 : i32
      %dma_wait3A_82 = tpu.memref_slice %arg4[%add3A_1, %dma_wait3A_81] : memref<5024x128xf32, #tpu.memory_space<hbm>> -> memref<304x128xf32, #tpu.memory_space<hbm>>
      tpu.wait_dma2 semaphore(%run_scoped3A : memref<!tpu.dma_semaphore, #tpu.memory_space<semaphore_mem>>) src(%dma_wait3A_82 : memref<304x128xf32, #tpu.memory_space<hbm>>) dst(%dma_wait3A_80 : memref<304x128xf32, #tpu.memory_space<vmem_shared>>)
      tpu.yield
    }) : () -> ()
    %eq3A = arith.constant 15 : i32
    %eq3A_4 = arith.cmpi eq, %arg1, %eq3A : i32
    %convert_element_type3A = arith.extui %eq3A_4 : i1 to i32
    %cond3A = arith.constant 0 : i32
    %cond3A_5 = arith.cmpi ne, %convert_element_type3A, %cond3A : i32
    scf.if %cond3A_5 {
      "tpu.region"() ({
        %run_scoped3A = tpu.sem_alloc : memref<!tpu.dma_semaphore, #tpu.memory_space<semaphore_mem>>
        %dma_start3A = arith.constant 4864 : i32
        %dma_start3A_76 = arith.constant 0 : i32
        %dma_start3A_77 = tpu.memref_slice %arg8[%dma_start3A, %dma_start3A_76] : memref<5024x128xf32, #tpu.memory_space<vmem_shared>> -> memref<160x128xf32, #tpu.memory_space<vmem_shared>>
        %dma_start3A_78 = arith.constant 4864 : i32
        %dma_start3A_79 = arith.constant 0 : i32
        %dma_start3A_80 = tpu.memref_slice %arg4[%dma_start3A_78, %dma_start3A_79] : memref<5024x128xf32, #tpu.memory_space<hbm>> -> memref<160x128xf32, #tpu.memory_space<hbm>>
        tpu.enqueue_dma source(%dma_start3A_80 : memref<160x128xf32, #tpu.memory_space<hbm>>) target(%dma_start3A_77 : memref<160x128xf32, #tpu.memory_space<vmem_shared>>) target_semaphore(%run_scoped3A : memref<!tpu.dma_semaphore, #tpu.memory_space<semaphore_mem>>)
        %dma_wait3A_81 = arith.constant 4864 : i32
        %dma_wait3A_82 = arith.constant 0 : i32
        %dma_wait3A_83 = tpu.memref_slice %arg8[%dma_wait3A_81, %dma_wait3A_82] : memref<5024x128xf32, #tpu.memory_space<vmem_shared>> -> memref<160x128xf32, #tpu.memory_space<vmem_shared>>
        %dma_wait3A_84 = arith.constant 4864 : i32
        %dma_wait3A_85 = arith.constant 0 : i32
        %dma_wait3A_86 = tpu.memref_slice %arg4[%dma_wait3A_84, %dma_wait3A_85] : memref<5024x128xf32, #tpu.memory_space<hbm>> -> memref<160x128xf32, #tpu.memory_space<hbm>>
        tpu.wait_dma2 semaphore(%run_scoped3A : memref<!tpu.dma_semaphore, #tpu.memory_space<semaphore_mem>>) src(%dma_wait3A_86 : memref<160x128xf32, #tpu.memory_space<hbm>>) dst(%dma_wait3A_83 : memref<160x128xf32, #tpu.memory_space<vmem_shared>>)
        tpu.yield
      }) : () -> ()
    } else {
    }
    "tpu.region"() ({
      %run_scoped3A = tpu.sem_alloc : memref<!tpu.dma_semaphore, #tpu.memory_space<semaphore_mem>>
      tpu.enqueue_dma source(%arg3 : memref<128x128xf32, #tpu.memory_space<hbm>>) target(%arg7 : memref<128x128xf32, #tpu.memory_space<vmem>>) target_semaphore(%run_scoped3A : memref<!tpu.dma_semaphore, #tpu.memory_space<semaphore_mem>>)
      tpu.wait_dma2 semaphore(%run_scoped3A : memref<!tpu.dma_semaphore, #tpu.memory_space<semaphore_mem>>) src(%arg3 : memref<128x128xf32, #tpu.memory_space<hbm>>) dst(%arg7 : memref<128x128xf32, #tpu.memory_space<vmem>>)
      tpu.yield
    }) : () -> ()
    "tpu.region"() ({
      %run_scoped3A = tpu.sem_alloc : memref<!tpu.dma_semaphore, #tpu.memory_space<semaphore_mem>>
      %dma_start3A = arith.constant 0 : i32
      %dma_start3A_76 = arith.constant 0 : i32
      %dma_start3A_77 = arith.constant 0 : i32
      %dma_start3A_78 = arith.constant 0 : i32
      %dma_start3A_79 = tpu.memref_slice %arg2[%arg0, %dma_start3A, %dma_start3A_76, %dma_start3A_77, %dma_start3A_78] : memref<2x2x16x84x128xi32, #tpu.memory_space<hbm>> -> memref<1x2x16x84x128xi32, #tpu.memory_space<hbm>>
      %dma_start3A_80 = tpu.memref_squeeze %dma_start3A_79 : memref<1x2x16x84x128xi32, #tpu.memory_space<hbm>> -> memref<2x16x84x128xi32, #tpu.memory_space<hbm>>
      %dma_start3A_81 = arith.constant 0 : i32
      %dma_start3A_82 = arith.constant 0 : i32
      %dma_start3A_83 = arith.constant 0 : i32
      %dma_start3A_84 = tpu.memref_slice %dma_start3A_80[%arg0, %dma_start3A_81, %dma_start3A_82, %dma_start3A_83] : memref<2x16x84x128xi32, #tpu.memory_space<hbm>> -> memref<1x16x84x128xi32, #tpu.memory_space<hbm>>
      %dma_start3A_85 = tpu.memref_squeeze %dma_start3A_84 : memref<1x16x84x128xi32, #tpu.memory_space<hbm>> -> memref<16x84x128xi32, #tpu.memory_space<hbm>>
      %dma_start3A_86 = arith.constant 0 : i32
      %dma_start3A_87 = arith.constant 0 : i32
      %dma_start3A_88 = tpu.memref_slice %dma_start3A_85[%arg1, %dma_start3A_86, %dma_start3A_87] : memref<16x84x128xi32, #tpu.memory_space<hbm>> -> memref<1x84x128xi32, #tpu.memory_space<hbm>>
      %dma_start3A_89 = tpu.memref_squeeze %dma_start3A_88 : memref<1x84x128xi32, #tpu.memory_space<hbm>> -> memref<84x128xi32, #tpu.memory_space<hbm>>
      %dma_start3A_90 = arith.constant 0 : i32
      %dma_start3A_91 = arith.constant 0 : i32
      %dma_start3A_92 = arith.constant 0 : i32
      %dma_start3A_93 = arith.constant 0 : i32
      %dma_start3A_94 = tpu.memref_slice %arg2[%arg0, %dma_start3A_90, %dma_start3A_91, %dma_start3A_92, %dma_start3A_93] : memref<2x2x16x84x128xi32, #tpu.memory_space<hbm>> -> memref<1x2x16x84x128xi32, #tpu.memory_space<hbm>>
      %dma_start3A_95 = tpu.memref_squeeze %dma_start3A_94 : memref<1x2x16x84x128xi32, #tpu.memory_space<hbm>> -> memref<2x16x84x128xi32, #tpu.memory_space<hbm>>
      %dma_start3A_96 = arith.constant 0 : i32
      %dma_start3A_97 = arith.constant 0 : i32
      %dma_start3A_98 = arith.constant 0 : i32
      %dma_start3A_99 = tpu.memref_slice %dma_start3A_95[%arg0, %dma_start3A_96, %dma_start3A_97, %dma_start3A_98] : memref<2x16x84x128xi32, #tpu.memory_space<hbm>> -> memref<1x16x84x128xi32, #tpu.memory_space<hbm>>
      %dma_start3A_100 = tpu.memref_squeeze %dma_start3A_99 : memref<1x16x84x128xi32, #tpu.memory_space<hbm>> -> memref<16x84x128xi32, #tpu.memory_space<hbm>>
      %dma_start3A_101 = arith.constant 0 : i32
      %dma_start3A_102 = arith.constant 0 : i32
      %dma_start3A_103 = tpu.memref_slice %dma_start3A_100[%arg1, %dma_start3A_101, %dma_start3A_102] : memref<16x84x128xi32, #tpu.memory_space<hbm>> -> memref<1x84x128xi32, #tpu.memory_space<hbm>>
      %dma_start3A_104 = tpu.memref_squeeze %dma_start3A_103 : memref<1x84x128xi32, #tpu.memory_space<hbm>> -> memref<84x128xi32, #tpu.memory_space<hbm>>
      tpu.enqueue_dma source(%dma_start3A_104 : memref<84x128xi32, #tpu.memory_space<hbm>>) target(%arg6 : memref<84x128xi32, #tpu.memory_space<vmem>>) target_semaphore(%run_scoped3A : memref<!tpu.dma_semaphore, #tpu.memory_space<semaphore_mem>>)
      %dma_wait3A_105 = arith.constant 0 : i32
      %dma_wait3A_106 = arith.constant 0 : i32
      %dma_wait3A_107 = arith.constant 0 : i32
      %dma_wait3A_108 = arith.constant 0 : i32
      %dma_wait3A_109 = tpu.memref_slice %arg2[%arg0, %dma_wait3A_105, %dma_wait3A_106, %dma_wait3A_107, %dma_wait3A_108] : memref<2x2x16x84x128xi32, #tpu.memory_space<hbm>> -> memref<1x2x16x84x128xi32, #tpu.memory_space<hbm>>
      %dma_wait3A_110 = tpu.memref_squeeze %dma_wait3A_109 : memref<1x2x16x84x128xi32, #tpu.memory_space<hbm>> -> memref<2x16x84x128xi32, #tpu.memory_space<hbm>>
      %dma_wait3A_111 = arith.constant 0 : i32
      %dma_wait3A_112 = arith.constant 0 : i32
      %dma_wait3A_113 = arith.constant 0 : i32
      %dma_wait3A_114 = tpu.memref_slice %dma_wait3A_110[%arg0, %dma_wait3A_111, %dma_wait3A_112, %dma_wait3A_113] : memref<2x16x84x128xi32, #tpu.memory_space<hbm>> -> memref<1x16x84x128xi32, #tpu.memory_space<hbm>>
      %dma_wait3A_115 = tpu.memref_squeeze %dma_wait3A_114 : memref<1x16x84x128xi32, #tpu.memory_space<hbm>> -> memref<16x84x128xi32, #tpu.memory_space<hbm>>
      %dma_wait3A_116 = arith.constant 0 : i32
      %dma_wait3A_117 = arith.constant 0 : i32
      %dma_wait3A_118 = tpu.memref_slice %dma_wait3A_115[%arg1, %dma_wait3A_116, %dma_wait3A_117] : memref<16x84x128xi32, #tpu.memory_space<hbm>> -> memref<1x84x128xi32, #tpu.memory_space<hbm>>
      %dma_wait3A_119 = tpu.memref_squeeze %dma_wait3A_118 : memref<1x84x128xi32, #tpu.memory_space<hbm>> -> memref<84x128xi32, #tpu.memory_space<hbm>>
      %dma_wait3A_120 = arith.constant 0 : i32
      %dma_wait3A_121 = arith.constant 0 : i32
      %dma_wait3A_122 = arith.constant 0 : i32
      %dma_wait3A_123 = arith.constant 0 : i32
      %dma_wait3A_124 = tpu.memref_slice %arg2[%arg0, %dma_wait3A_120, %dma_wait3A_121, %dma_wait3A_122, %dma_wait3A_123] : memref<2x2x16x84x128xi32, #tpu.memory_space<hbm>> -> memref<1x2x16x84x128xi32, #tpu.memory_space<hbm>>
      %dma_wait3A_125 = tpu.memref_squeeze %dma_wait3A_124 : memref<1x2x16x84x128xi32, #tpu.memory_space<hbm>> -> memref<2x16x84x128xi32, #tpu.memory_space<hbm>>
      %dma_wait3A_126 = arith.constant 0 : i32
      %dma_wait3A_127 = arith.constant 0 : i32
      %dma_wait3A_128 = arith.constant 0 : i32
      %dma_wait3A_129 = tpu.memref_slice %dma_wait3A_125[%arg0, %dma_wait3A_126, %dma_wait3A_127, %dma_wait3A_128] : memref<2x16x84x128xi32, #tpu.memory_space<hbm>> -> memref<1x16x84x128xi32, #tpu.memory_space<hbm>>
      %dma_wait3A_130 = tpu.memref_squeeze %dma_wait3A_129 : memref<1x16x84x128xi32, #tpu.memory_space<hbm>> -> memref<16x84x128xi32, #tpu.memory_space<hbm>>
      %dma_wait3A_131 = arith.constant 0 : i32
      %dma_wait3A_132 = arith.constant 0 : i32
      %dma_wait3A_133 = tpu.memref_slice %dma_wait3A_130[%arg1, %dma_wait3A_131, %dma_wait3A_132] : memref<16x84x128xi32, #tpu.memory_space<hbm>> -> memref<1x84x128xi32, #tpu.memory_space<hbm>>
      %dma_wait3A_134 = tpu.memref_squeeze %dma_wait3A_133 : memref<1x84x128xi32, #tpu.memory_space<hbm>> -> memref<84x128xi32, #tpu.memory_space<hbm>>
      tpu.wait_dma2 semaphore(%run_scoped3A : memref<!tpu.dma_semaphore, #tpu.memory_space<semaphore_mem>>) src(%dma_wait3A_134 : memref<84x128xi32, #tpu.memory_space<hbm>>) dst(%arg6 : memref<84x128xi32, #tpu.memory_space<vmem>>)
      tpu.yield
    }) : () -> ()
    %barrier3A = arith.constant 0 : index
    tpu.barrier barrier_id(%barrier3A)
    %scan3A = arith.constant 0 : i32
    %scan3A_6 = arith.constant 84 : i32
    %scan3A_7 = arith.addi %scan3A, %scan3A_6 : i32
    %scan3A_8 = arith.constant 1 : i32
    scf.for %scan3A_76 = %scan3A to %scan3A_7 step %scan3A_8  : i32 {
      %mul3A_77 = arith.constant 1 : i32
      %mul3A_78 = arith.muli %scan3A_76, %mul3A_77 : i32
      %add3A_79 = arith.constant 0 : i32
      %add3A_80 = arith.addi %add3A_79, %mul3A_78 : i32
      %ge3A = arith.constant 8 : i32
      %ge3A_81 = arith.cmpi sge, %add3A_80, %ge3A : i32
      %convert_element_type3A_82 = arith.extui %ge3A_81 : i1 to i32
      %cond3A_83 = arith.constant 0 : i32
      %cond3A_84 = arith.cmpi ne, %convert_element_type3A_82, %cond3A_83 : i32
      scf.if %cond3A_84 {
        %dma_wait3A_90 = arith.constant 0 : i32
        %dma_wait3A_91 = arith.constant 0 : i32
        %dma_wait3A_92 = tpu.memref_slice %arg6[%dma_wait3A_90, %dma_wait3A_91] : memref<84x128xi32, #tpu.memory_space<vmem>> -> memref<1x128xi32, #tpu.memory_space<vmem>>
        %dma_wait3A_93 = tpu.memref_squeeze %dma_wait3A_92 : memref<1x128xi32, #tpu.memory_space<vmem>> -> memref<128xi32, #tpu.memory_space<vmem>>
        %dma_wait3A_94 = arith.constant 0 : i32
        %dma_wait3A_95 = arith.constant 0 : i32
        %dma_wait3A_96 = tpu.memref_slice %arg8[%dma_wait3A_94, %dma_wait3A_95] : memref<5024x128xf32, #tpu.memory_space<vmem_shared>> -> memref<5024x128xf32, #tpu.memory_space<vmem_shared>>
        tpu.wait_indirect_dma semaphore(%arg9 : memref<!tpu.dma_semaphore, #tpu.memory_space<semaphore_mem>>) src(%arg7 : memref<128x128xf32, #tpu.memory_space<vmem>>) dst(%dma_wait3A_96 : memref<5024x128xf32, #tpu.memory_space<vmem_shared>>)
      } else {
      }
      %dma_start3A = arith.constant 0 : i32
      %dma_start3A_85 = tpu.memref_slice %arg6[%add3A_80, %dma_start3A] : memref<84x128xi32, #tpu.memory_space<vmem>> -> memref<1x128xi32, #tpu.memory_space<vmem>>
      %dma_start3A_86 = tpu.memref_squeeze %dma_start3A_85 : memref<1x128xi32, #tpu.memory_space<vmem>> -> memref<128xi32, #tpu.memory_space<vmem>>
      %dma_start3A_87 = arith.constant 0 : i32
      %dma_start3A_88 = arith.constant 0 : i32
      %dma_start3A_89 = tpu.memref_slice %arg8[%dma_start3A_87, %dma_start3A_88] : memref<5024x128xf32, #tpu.memory_space<vmem_shared>> -> memref<5024x128xf32, #tpu.memory_space<vmem_shared>>
      tpu.enqueue_indirect_dma source(%arg7 : memref<128x128xf32, #tpu.memory_space<vmem>>) target(%dma_start3A_89 : memref<5024x128xf32, #tpu.memory_space<vmem_shared>>) offsets(%dma_start3A_86 : memref<128xi32, #tpu.memory_space<vmem>>) semaphore(%arg9 : memref<!tpu.dma_semaphore, #tpu.memory_space<semaphore_mem>>) {add = true}
    }
    %scan3A_9 = arith.constant 84 : i32
    %dma_wait3A = arith.constant 0 : i32
    %dma_wait3A_10 = arith.constant 0 : i32
    %dma_wait3A_11 = tpu.memref_slice %arg6[%dma_wait3A, %dma_wait3A_10] : memref<84x128xi32, #tpu.memory_space<vmem>> -> memref<1x128xi32, #tpu.memory_space<vmem>>
    %dma_wait3A_12 = tpu.memref_squeeze %dma_wait3A_11 : memref<1x128xi32, #tpu.memory_space<vmem>> -> memref<128xi32, #tpu.memory_space<vmem>>
    %dma_wait3A_13 = arith.constant 0 : i32
    %dma_wait3A_14 = arith.constant 0 : i32
    %dma_wait3A_15 = tpu.memref_slice %arg8[%dma_wait3A_13, %dma_wait3A_14] : memref<5024x128xf32, #tpu.memory_space<vmem_shared>> -> memref<5024x128xf32, #tpu.memory_space<vmem_shared>>
    tpu.wait_indirect_dma semaphore(%arg9 : memref<!tpu.dma_semaphore, #tpu.memory_space<semaphore_mem>>) src(%arg7 : memref<128x128xf32, #tpu.memory_space<vmem>>) dst(%dma_wait3A_15 : memref<5024x128xf32, #tpu.memory_space<vmem_shared>>)
    %dma_wait3A_16 = arith.constant 0 : i32
    %dma_wait3A_17 = arith.constant 0 : i32
    %dma_wait3A_18 = tpu.memref_slice %arg6[%dma_wait3A_16, %dma_wait3A_17] : memref<84x128xi32, #tpu.memory_space<vmem>> -> memref<1x128xi32, #tpu.memory_space<vmem>>
    %dma_wait3A_19 = tpu.memref_squeeze %dma_wait3A_18 : memref<1x128xi32, #tpu.memory_space<vmem>> -> memref<128xi32, #tpu.memory_space<vmem>>
    %dma_wait3A_20 = arith.constant 0 : i32
    %dma_wait3A_21 = arith.constant 0 : i32
    %dma_wait3A_22 = tpu.memref_slice %arg8[%dma_wait3A_20, %dma_wait3A_21] : memref<5024x128xf32, #tpu.memory_space<vmem_shared>> -> memref<5024x128xf32, #tpu.memory_space<vmem_shared>>
    tpu.wait_indirect_dma semaphore(%arg9 : memref<!tpu.dma_semaphore, #tpu.memory_space<semaphore_mem>>) src(%arg7 : memref<128x128xf32, #tpu.memory_space<vmem>>) dst(%dma_wait3A_22 : memref<5024x128xf32, #tpu.memory_space<vmem_shared>>)
    %dma_wait3A_23 = arith.constant 0 : i32
    %dma_wait3A_24 = arith.constant 0 : i32
    %dma_wait3A_25 = tpu.memref_slice %arg6[%dma_wait3A_23, %dma_wait3A_24] : memref<84x128xi32, #tpu.memory_space<vmem>> -> memref<1x128xi32, #tpu.memory_space<vmem>>
    %dma_wait3A_26 = tpu.memref_squeeze %dma_wait3A_25 : memref<1x128xi32, #tpu.memory_space<vmem>> -> memref<128xi32, #tpu.memory_space<vmem>>
    %dma_wait3A_27 = arith.constant 0 : i32
    %dma_wait3A_28 = arith.constant 0 : i32
    %dma_wait3A_29 = tpu.memref_slice %arg8[%dma_wait3A_27, %dma_wait3A_28] : memref<5024x128xf32, #tpu.memory_space<vmem_shared>> -> memref<5024x128xf32, #tpu.memory_space<vmem_shared>>
    tpu.wait_indirect_dma semaphore(%arg9 : memref<!tpu.dma_semaphore, #tpu.memory_space<semaphore_mem>>) src(%arg7 : memref<128x128xf32, #tpu.memory_space<vmem>>) dst(%dma_wait3A_29 : memref<5024x128xf32, #tpu.memory_space<vmem_shared>>)
    %dma_wait3A_30 = arith.constant 0 : i32
    %dma_wait3A_31 = arith.constant 0 : i32
    %dma_wait3A_32 = tpu.memref_slice %arg6[%dma_wait3A_30, %dma_wait3A_31] : memref<84x128xi32, #tpu.memory_space<vmem>> -> memref<1x128xi32, #tpu.memory_space<vmem>>
    %dma_wait3A_33 = tpu.memref_squeeze %dma_wait3A_32 : memref<1x128xi32, #tpu.memory_space<vmem>> -> memref<128xi32, #tpu.memory_space<vmem>>
    %dma_wait3A_34 = arith.constant 0 : i32
    %dma_wait3A_35 = arith.constant 0 : i32
    %dma_wait3A_36 = tpu.memref_slice %arg8[%dma_wait3A_34, %dma_wait3A_35] : memref<5024x128xf32, #tpu.memory_space<vmem_shared>> -> memref<5024x128xf32, #tpu.memory_space<vmem_shared>>
    tpu.wait_indirect_dma semaphore(%arg9 : memref<!tpu.dma_semaphore, #tpu.memory_space<semaphore_mem>>) src(%arg7 : memref<128x128xf32, #tpu.memory_space<vmem>>) dst(%dma_wait3A_36 : memref<5024x128xf32, #tpu.memory_space<vmem_shared>>)
    %dma_wait3A_37 = arith.constant 0 : i32
    %dma_wait3A_38 = arith.constant 0 : i32
    %dma_wait3A_39 = tpu.memref_slice %arg6[%dma_wait3A_37, %dma_wait3A_38] : memref<84x128xi32, #tpu.memory_space<vmem>> -> memref<1x128xi32, #tpu.memory_space<vmem>>
    %dma_wait3A_40 = tpu.memref_squeeze %dma_wait3A_39 : memref<1x128xi32, #tpu.memory_space<vmem>> -> memref<128xi32, #tpu.memory_space<vmem>>
    %dma_wait3A_41 = arith.constant 0 : i32
    %dma_wait3A_42 = arith.constant 0 : i32
    %dma_wait3A_43 = tpu.memref_slice %arg8[%dma_wait3A_41, %dma_wait3A_42] : memref<5024x128xf32, #tpu.memory_space<vmem_shared>> -> memref<5024x128xf32, #tpu.memory_space<vmem_shared>>
    tpu.wait_indirect_dma semaphore(%arg9 : memref<!tpu.dma_semaphore, #tpu.memory_space<semaphore_mem>>) src(%arg7 : memref<128x128xf32, #tpu.memory_space<vmem>>) dst(%dma_wait3A_43 : memref<5024x128xf32, #tpu.memory_space<vmem_shared>>)
    %dma_wait3A_44 = arith.constant 0 : i32
    %dma_wait3A_45 = arith.constant 0 : i32
    %dma_wait3A_46 = tpu.memref_slice %arg6[%dma_wait3A_44, %dma_wait3A_45] : memref<84x128xi32, #tpu.memory_space<vmem>> -> memref<1x128xi32, #tpu.memory_space<vmem>>
    %dma_wait3A_47 = tpu.memref_squeeze %dma_wait3A_46 : memref<1x128xi32, #tpu.memory_space<vmem>> -> memref<128xi32, #tpu.memory_space<vmem>>
    %dma_wait3A_48 = arith.constant 0 : i32
    %dma_wait3A_49 = arith.constant 0 : i32
    %dma_wait3A_50 = tpu.memref_slice %arg8[%dma_wait3A_48, %dma_wait3A_49] : memref<5024x128xf32, #tpu.memory_space<vmem_shared>> -> memref<5024x128xf32, #tpu.memory_space<vmem_shared>>
    tpu.wait_indirect_dma semaphore(%arg9 : memref<!tpu.dma_semaphore, #tpu.memory_space<semaphore_mem>>) src(%arg7 : memref<128x128xf32, #tpu.memory_space<vmem>>) dst(%dma_wait3A_50 : memref<5024x128xf32, #tpu.memory_space<vmem_shared>>)
    %dma_wait3A_51 = arith.constant 0 : i32
    %dma_wait3A_52 = arith.constant 0 : i32
    %dma_wait3A_53 = tpu.memref_slice %arg6[%dma_wait3A_51, %dma_wait3A_52] : memref<84x128xi32, #tpu.memory_space<vmem>> -> memref<1x128xi32, #tpu.memory_space<vmem>>
    %dma_wait3A_54 = tpu.memref_squeeze %dma_wait3A_53 : memref<1x128xi32, #tpu.memory_space<vmem>> -> memref<128xi32, #tpu.memory_space<vmem>>
    %dma_wait3A_55 = arith.constant 0 : i32
    %dma_wait3A_56 = arith.constant 0 : i32
    %dma_wait3A_57 = tpu.memref_slice %arg8[%dma_wait3A_55, %dma_wait3A_56] : memref<5024x128xf32, #tpu.memory_space<vmem_shared>> -> memref<5024x128xf32, #tpu.memory_space<vmem_shared>>
    tpu.wait_indirect_dma semaphore(%arg9 : memref<!tpu.dma_semaphore, #tpu.memory_space<semaphore_mem>>) src(%arg7 : memref<128x128xf32, #tpu.memory_space<vmem>>) dst(%dma_wait3A_57 : memref<5024x128xf32, #tpu.memory_space<vmem_shared>>)
    %dma_wait3A_58 = arith.constant 0 : i32
    %dma_wait3A_59 = arith.constant 0 : i32
    %dma_wait3A_60 = tpu.memref_slice %arg6[%dma_wait3A_58, %dma_wait3A_59] : memref<84x128xi32, #tpu.memory_space<vmem>> -> memref<1x128xi32, #tpu.memory_space<vmem>>
    %dma_wait3A_61 = tpu.memref_squeeze %dma_wait3A_60 : memref<1x128xi32, #tpu.memory_space<vmem>> -> memref<128xi32, #tpu.memory_space<vmem>>
    %dma_wait3A_62 = arith.constant 0 : i32
    %dma_wait3A_63 = arith.constant 0 : i32
    %dma_wait3A_64 = tpu.memref_slice %arg8[%dma_wait3A_62, %dma_wait3A_63] : memref<5024x128xf32, #tpu.memory_space<vmem_shared>> -> memref<5024x128xf32, #tpu.memory_space<vmem_shared>>
    tpu.wait_indirect_dma semaphore(%arg9 : memref<!tpu.dma_semaphore, #tpu.memory_space<semaphore_mem>>) src(%arg7 : memref<128x128xf32, #tpu.memory_space<vmem>>) dst(%dma_wait3A_64 : memref<5024x128xf32, #tpu.memory_space<vmem_shared>>)
    %barrier3A_65 = arith.constant 0 : index
    tpu.barrier barrier_id(%barrier3A_65)
    %eq3A_66 = arith.constant 0 : i32
    %eq3A_67 = arith.cmpi eq, %arg0, %eq3A_66 : i32
    %convert_element_type3A_68 = arith.extui %eq3A_67 : i1 to i32
    %cond3A_69 = arith.constant 0 : i32
    %cond3A_70 = arith.cmpi ne, %convert_element_type3A_68, %cond3A_69 : i32
    scf.if %cond3A_70 {
      %mul3A_76 = arith.constant 304 : i32
      %mul3A_77 = arith.muli %arg1, %mul3A_76 : i32
      %add3A_78 = arith.constant 0 : i32
      %add3A_79 = arith.addi %add3A_78, %mul3A_77 : i32
      %add3A_80 = arith.constant 0 : i32
      %add3A_81 = arith.addi %add3A_80, %mul3A_77 : i32
      "tpu.region"() ({
        %run_scoped3A = tpu.sem_alloc : memref<!tpu.dma_semaphore, #tpu.memory_space<semaphore_mem>>
        %dma_start3A = arith.constant 0 : i32
        %dma_start3A_87 = tpu.memref_slice %arg5[%add3A_81, %dma_start3A] : memref<10000x128xf32, #tpu.memory_space<hbm>> -> memref<304x128xf32, #tpu.memory_space<hbm>>
        %dma_start3A_88 = arith.constant 0 : i32
        %dma_start3A_89 = tpu.memref_slice %arg8[%add3A_79, %dma_start3A_88] : memref<5024x128xf32, #tpu.memory_space<vmem_shared>> -> memref<304x128xf32, #tpu.memory_space<vmem_shared>>
        tpu.enqueue_dma source(%dma_start3A_89 : memref<304x128xf32, #tpu.memory_space<vmem_shared>>) target(%dma_start3A_87 : memref<304x128xf32, #tpu.memory_space<hbm>>) target_semaphore(%run_scoped3A : memref<!tpu.dma_semaphore, #tpu.memory_space<semaphore_mem>>)
        %dma_wait3A_90 = arith.constant 0 : i32
        %dma_wait3A_91 = tpu.memref_slice %arg5[%add3A_81, %dma_wait3A_90] : memref<10000x128xf32, #tpu.memory_space<hbm>> -> memref<304x128xf32, #tpu.memory_space<hbm>>
        %dma_wait3A_92 = arith.constant 0 : i32
        %dma_wait3A_93 = tpu.memref_slice %arg8[%add3A_79, %dma_wait3A_92] : memref<5024x128xf32, #tpu.memory_space<vmem_shared>> -> memref<304x128xf32, #tpu.memory_space<vmem_shared>>
        tpu.wait_dma2 semaphore(%run_scoped3A : memref<!tpu.dma_semaphore, #tpu.memory_space<semaphore_mem>>) src(%dma_wait3A_93 : memref<304x128xf32, #tpu.memory_space<vmem_shared>>) dst(%dma_wait3A_91 : memref<304x128xf32, #tpu.memory_space<hbm>>)
        tpu.yield
      }) : () -> ()
      %eq3A_82 = arith.constant 15 : i32
      %eq3A_83 = arith.cmpi eq, %arg1, %eq3A_82 : i32
      %convert_element_type3A_84 = arith.extui %eq3A_83 : i1 to i32
      %cond3A_85 = arith.constant 0 : i32
      %cond3A_86 = arith.cmpi ne, %convert_element_type3A_84, %cond3A_85 : i32
      scf.if %cond3A_86 {
        "tpu.region"() ({
          %run_scoped3A = tpu.sem_alloc : memref<!tpu.dma_semaphore, #tpu.memory_space<semaphore_mem>>
          %dma_start3A = arith.constant 4864 : i32
          %dma_start3A_87 = arith.constant 0 : i32
          %dma_start3A_88 = tpu.memref_slice %arg5[%dma_start3A, %dma_start3A_87] : memref<10000x128xf32, #tpu.memory_space<hbm>> -> memref<128x128xf32, #tpu.memory_space<hbm>>
          %dma_start3A_89 = arith.constant 4864 : i32
          %dma_start3A_90 = arith.constant 0 : i32
          %dma_start3A_91 = tpu.memref_slice %arg8[%dma_start3A_89, %dma_start3A_90] : memref<5024x128xf32, #tpu.memory_space<vmem_shared>> -> memref<128x128xf32, #tpu.memory_space<vmem_shared>>
          tpu.enqueue_dma source(%dma_start3A_91 : memref<128x128xf32, #tpu.memory_space<vmem_shared>>) target(%dma_start3A_88 : memref<128x128xf32, #tpu.memory_space<hbm>>) target_semaphore(%run_scoped3A : memref<!tpu.dma_semaphore, #tpu.memory_space<semaphore_mem>>)
          %dma_wait3A_92 = arith.constant 4864 : i32
          %dma_wait3A_93 = arith.constant 0 : i32
          %dma_wait3A_94 = tpu.memref_slice %arg5[%dma_wait3A_92, %dma_wait3A_93] : memref<10000x128xf32, #tpu.memory_space<hbm>> -> memref<128x128xf32, #tpu.memory_space<hbm>>
          %dma_wait3A_95 = arith.constant 4864 : i32
          %dma_wait3A_96 = arith.constant 0 : i32
          %dma_wait3A_97 = tpu.memref_slice %arg8[%dma_wait3A_95, %dma_wait3A_96] : memref<5024x128xf32, #tpu.memory_space<vmem_shared>> -> memref<128x128xf32, #tpu.memory_space<vmem_shared>>
          tpu.wait_dma2 semaphore(%run_scoped3A : memref<!tpu.dma_semaphore, #tpu.memory_space<semaphore_mem>>) src(%dma_wait3A_97 : memref<128x128xf32, #tpu.memory_space<vmem_shared>>) dst(%dma_wait3A_94 : memref<128x128xf32, #tpu.memory_space<hbm>>)
          tpu.yield
        }) : () -> ()
      } else {
      }
    } else {
    }
    %eq3A_71 = arith.constant 1 : i32
    %eq3A_72 = arith.cmpi eq, %arg0, %eq3A_71 : i32
    %convert_element_type3A_73 = arith.extui %eq3A_72 : i1 to i32
    %cond3A_74 = arith.constant 0 : i32
    %cond3A_75 = arith.cmpi ne, %convert_element_type3A_73, %cond3A_74 : i32
    scf.if %cond3A_75 {
      %mul3A_76 = arith.constant 304 : i32
      %mul3A_77 = arith.muli %arg1, %mul3A_76 : i32
      %add3A_78 = arith.constant 0 : i32
      %add3A_79 = arith.addi %add3A_78, %mul3A_77 : i32
      %add3A_80 = arith.constant 4992 : i32
      %add3A_81 = arith.addi %add3A_80, %mul3A_77 : i32
      "tpu.region"() ({
        %run_scoped3A = tpu.sem_alloc : memref<!tpu.dma_semaphore, #tpu.memory_space<semaphore_mem>>
        %dma_start3A = arith.constant 0 : i32
        %dma_start3A_87 = tpu.memref_slice %arg5[%add3A_81, %dma_start3A] : memref<10000x128xf32, #tpu.memory_space<hbm>> -> memref<304x128xf32, #tpu.memory_space<hbm>>
        %dma_start3A_88 = arith.constant 0 : i32
        %dma_start3A_89 = tpu.memref_slice %arg8[%add3A_79, %dma_start3A_88] : memref<5024x128xf32, #tpu.memory_space<vmem_shared>> -> memref<304x128xf32, #tpu.memory_space<vmem_shared>>
        tpu.enqueue_dma source(%dma_start3A_89 : memref<304x128xf32, #tpu.memory_space<vmem_shared>>) target(%dma_start3A_87 : memref<304x128xf32, #tpu.memory_space<hbm>>) target_semaphore(%run_scoped3A : memref<!tpu.dma_semaphore, #tpu.memory_space<semaphore_mem>>)
        %dma_wait3A_90 = arith.constant 0 : i32
        %dma_wait3A_91 = tpu.memref_slice %arg5[%add3A_81, %dma_wait3A_90] : memref<10000x128xf32, #tpu.memory_space<hbm>> -> memref<304x128xf32, #tpu.memory_space<hbm>>
        %dma_wait3A_92 = arith.constant 0 : i32
        %dma_wait3A_93 = tpu.memref_slice %arg8[%add3A_79, %dma_wait3A_92] : memref<5024x128xf32, #tpu.memory_space<vmem_shared>> -> memref<304x128xf32, #tpu.memory_space<vmem_shared>>
        tpu.wait_dma2 semaphore(%run_scoped3A : memref<!tpu.dma_semaphore, #tpu.memory_space<semaphore_mem>>) src(%dma_wait3A_93 : memref<304x128xf32, #tpu.memory_space<vmem_shared>>) dst(%dma_wait3A_91 : memref<304x128xf32, #tpu.memory_space<hbm>>)
        tpu.yield
      }) : () -> ()
      %eq3A_82 = arith.constant 15 : i32
      %eq3A_83 = arith.cmpi eq, %arg1, %eq3A_82 : i32
      %convert_element_type3A_84 = arith.extui %eq3A_83 : i1 to i32
      %cond3A_85 = arith.constant 0 : i32
      %cond3A_86 = arith.cmpi ne, %convert_element_type3A_84, %cond3A_85 : i32
      scf.if %cond3A_86 {
        "tpu.region"() ({
          %run_scoped3A = tpu.sem_alloc : memref<!tpu.dma_semaphore, #tpu.memory_space<semaphore_mem>>
          %dma_start3A = arith.constant 9856 : i32
          %dma_start3A_87 = arith.constant 0 : i32
          %dma_start3A_88 = tpu.memref_slice %arg5[%dma_start3A, %dma_start3A_87] : memref<10000x128xf32, #tpu.memory_space<hbm>> -> memref<144x128xf32, #tpu.memory_space<hbm>>
          %dma_start3A_89 = arith.constant 4864 : i32
          %dma_start3A_90 = arith.constant 0 : i32
          %dma_start3A_91 = tpu.memref_slice %arg8[%dma_start3A_89, %dma_start3A_90] : memref<5024x128xf32, #tpu.memory_space<vmem_shared>> -> memref<144x128xf32, #tpu.memory_space<vmem_shared>>
          tpu.enqueue_dma source(%dma_start3A_91 : memref<144x128xf32, #tpu.memory_space<vmem_shared>>) target(%dma_start3A_88 : memref<144x128xf32, #tpu.memory_space<hbm>>) target_semaphore(%run_scoped3A : memref<!tpu.dma_semaphore, #tpu.memory_space<semaphore_mem>>)
          %dma_wait3A_92 = arith.constant 9856 : i32
          %dma_wait3A_93 = arith.constant 0 : i32
          %dma_wait3A_94 = tpu.memref_slice %arg5[%dma_wait3A_92, %dma_wait3A_93] : memref<10000x128xf32, #tpu.memory_space<hbm>> -> memref<144x128xf32, #tpu.memory_space<hbm>>
          %dma_wait3A_95 = arith.constant 4864 : i32
          %dma_wait3A_96 = arith.constant 0 : i32
          %dma_wait3A_97 = tpu.memref_slice %arg8[%dma_wait3A_95, %dma_wait3A_96] : memref<5024x128xf32, #tpu.memory_space<vmem_shared>> -> memref<144x128xf32, #tpu.memory_space<vmem_shared>>
          tpu.wait_dma2 semaphore(%run_scoped3A : memref<!tpu.dma_semaphore, #tpu.memory_space<semaphore_mem>>) src(%dma_wait3A_97 : memref<144x128xf32, #tpu.memory_space<vmem_shared>>) dst(%dma_wait3A_94 : memref<144x128xf32, #tpu.memory_space<hbm>>)
          tpu.yield
        }) : () -> ()
      } else {
      }
    } else {
    }
    return
  }
}

#map = affine_map<(d0, d1) -> (0, 0)>
#map1 = affine_map<(d0, d1) -> (0, 0, 0, 0, 0)>
module attributes {stable_mosaic.version = 14 : i64} {
  func.func @k(%arg0: i32, %arg1: i32, %arg2: memref<20000x128xf32, #tpu.memory_space<hbm>>, %arg3: memref<2x2x16x84x128xi32, #tpu.memory_space<hbm>>, %arg4: memref<2x2x16x84x128xi32, #tpu.memory_space<hbm>>, %arg5: memref<20000x128xf32, #tpu.memory_space<hbm>>, %arg6: memref<84x128xi32, #tpu.memory_space<vmem>>, %arg7: memref<84x128xi32, #tpu.memory_space<vmem>>, %arg8: memref<5024x128xf32, #tpu.memory_space<vmem_shared>>, %arg9: memref<128x128xf32, #tpu.memory_space<vmem>>, %arg10: memref<128x128xf32, #tpu.memory_space<vmem>>, %arg11: memref<128x128xf32, #tpu.memory_space<vmem>>, %arg12: memref<128x128xf32, #tpu.memory_space<vmem>>, %arg13: memref<!tpu.dma_semaphore, #tpu.memory_space<semaphore_mem>>, %arg14: memref<!tpu.dma_semaphore, #tpu.memory_space<semaphore_mem>>, %arg15: memref<!tpu.dma_semaphore, #tpu.memory_space<semaphore_mem>>, %arg16: memref<!tpu.dma_semaphore, #tpu.memory_space<semaphore_mem>>, %arg17: memref<!tpu.dma_semaphore, #tpu.memory_space<semaphore_mem>>, %arg18: memref<!tpu.dma_semaphore, #tpu.memory_space<semaphore_mem>>, %arg19: memref<!tpu.dma_semaphore, #tpu.memory_space<semaphore_mem>>, %arg20: memref<!tpu.dma_semaphore, #tpu.memory_space<semaphore_mem>>) attributes {dimension_semantics = [#tpu.dimension_semantics<core_parallel>, #tpu.dimension_semantics<subcore_parallel>], iteration_bounds = array<i64: 2, 16>, scalar_prefetch = 0 : i64, scratch_operands = 15 : i64, tpu.core_type = #tpu.core_type<sc_vector_subcore>, window_params = [{transform_indices = #map}, {transform_indices = #map1}, {transform_indices = #map1}, {transform_indices = #map}]} {
    %mul3A = arith.constant 10000 : i32
    %mul3A_0 = arith.muli %arg0, %mul3A : i32
    %add3A = arith.constant 0 : i32
    %add3A_1 = arith.addi %mul3A_0, %add3A : i32
    %mul3A_2 = arith.constant 304 : i32
    %mul3A_3 = arith.muli %arg1, %mul3A_2 : i32
    %add3A_4 = arith.addi %add3A_1, %mul3A_3 : i32
    %add3A_5 = arith.constant 0 : i32
    %add3A_6 = arith.addi %add3A_5, %mul3A_3 : i32
    "tpu.region"() ({
      %run_scoped3A_168 = tpu.sem_alloc : memref<!tpu.dma_semaphore, #tpu.memory_space<semaphore_mem>>
      %dma_start3A_169 = arith.constant 0 : i32
      %dma_start3A_170 = tpu.memref_slice %arg8[%add3A_6, %dma_start3A_169] : memref<5024x128xf32, #tpu.memory_space<vmem_shared>> -> memref<304x128xf32, #tpu.memory_space<vmem_shared>>
      %dma_start3A_171 = arith.constant 0 : i32
      %dma_start3A_172 = tpu.memref_slice %arg2[%add3A_4, %dma_start3A_171] : memref<20000x128xf32, #tpu.memory_space<hbm>> -> memref<304x128xf32, #tpu.memory_space<hbm>>
      tpu.enqueue_dma source(%dma_start3A_172 : memref<304x128xf32, #tpu.memory_space<hbm>>) target(%dma_start3A_170 : memref<304x128xf32, #tpu.memory_space<vmem_shared>>) target_semaphore(%run_scoped3A_168 : memref<!tpu.dma_semaphore, #tpu.memory_space<semaphore_mem>>)
      %dma_wait3A_173 = arith.constant 0 : i32
      %dma_wait3A_174 = tpu.memref_slice %arg8[%add3A_6, %dma_wait3A_173] : memref<5024x128xf32, #tpu.memory_space<vmem_shared>> -> memref<304x128xf32, #tpu.memory_space<vmem_shared>>
      %dma_wait3A_175 = arith.constant 0 : i32
      %dma_wait3A_176 = tpu.memref_slice %arg2[%add3A_4, %dma_wait3A_175] : memref<20000x128xf32, #tpu.memory_space<hbm>> -> memref<304x128xf32, #tpu.memory_space<hbm>>
      tpu.wait_dma2 semaphore(%run_scoped3A_168 : memref<!tpu.dma_semaphore, #tpu.memory_space<semaphore_mem>>) src(%dma_wait3A_176 : memref<304x128xf32, #tpu.memory_space<hbm>>) dst(%dma_wait3A_174 : memref<304x128xf32, #tpu.memory_space<vmem_shared>>)
      tpu.yield
    }) : () -> ()
    %eq3A = arith.constant 15 : i32
    %eq3A_7 = arith.cmpi eq, %arg1, %eq3A : i32
    %convert_element_type3A = arith.extui %eq3A_7 : i1 to i32
    %cond3A = arith.constant 0 : i32
    %cond3A_8 = arith.cmpi ne, %convert_element_type3A, %cond3A : i32
    scf.if %cond3A_8 {
      %add3A_168 = arith.constant 4864 : i32
      %add3A_169 = arith.addi %add3A_1, %add3A_168 : i32
      "tpu.region"() ({
        %run_scoped3A_170 = tpu.sem_alloc : memref<!tpu.dma_semaphore, #tpu.memory_space<semaphore_mem>>
        %dma_start3A_171 = arith.constant 4864 : i32
        %dma_start3A_172 = arith.constant 0 : i32
        %dma_start3A_173 = tpu.memref_slice %arg8[%dma_start3A_171, %dma_start3A_172] : memref<5024x128xf32, #tpu.memory_space<vmem_shared>> -> memref<128x128xf32, #tpu.memory_space<vmem_shared>>
        %dma_start3A_174 = arith.constant 0 : i32
        %dma_start3A_175 = tpu.memref_slice %arg2[%add3A_169, %dma_start3A_174] : memref<20000x128xf32, #tpu.memory_space<hbm>> -> memref<128x128xf32, #tpu.memory_space<hbm>>
        tpu.enqueue_dma source(%dma_start3A_175 : memref<128x128xf32, #tpu.memory_space<hbm>>) target(%dma_start3A_173 : memref<128x128xf32, #tpu.memory_space<vmem_shared>>) target_semaphore(%run_scoped3A_170 : memref<!tpu.dma_semaphore, #tpu.memory_space<semaphore_mem>>)
        %dma_wait3A_176 = arith.constant 4864 : i32
        %dma_wait3A_177 = arith.constant 0 : i32
        %dma_wait3A_178 = tpu.memref_slice %arg8[%dma_wait3A_176, %dma_wait3A_177] : memref<5024x128xf32, #tpu.memory_space<vmem_shared>> -> memref<128x128xf32, #tpu.memory_space<vmem_shared>>
        %dma_wait3A_179 = arith.constant 0 : i32
        %dma_wait3A_180 = tpu.memref_slice %arg2[%add3A_169, %dma_wait3A_179] : memref<20000x128xf32, #tpu.memory_space<hbm>> -> memref<128x128xf32, #tpu.memory_space<hbm>>
        tpu.wait_dma2 semaphore(%run_scoped3A_170 : memref<!tpu.dma_semaphore, #tpu.memory_space<semaphore_mem>>) src(%dma_wait3A_180 : memref<128x128xf32, #tpu.memory_space<hbm>>) dst(%dma_wait3A_178 : memref<128x128xf32, #tpu.memory_space<vmem_shared>>)
        tpu.yield
      }) : () -> ()
    } else {
    }
    %run_scoped3A = arith.constant 0 : i32
    "tpu.region"() ({
      %run_scoped3A_168 = tpu.sem_alloc : memref<!tpu.dma_semaphore, #tpu.memory_space<semaphore_mem>>
      %dma_start3A_169 = arith.constant 0 : i32
      %dma_start3A_170 = arith.constant 0 : i32
      %dma_start3A_171 = arith.constant 0 : i32
      %dma_start3A_172 = arith.constant 0 : i32
      %dma_start3A_173 = tpu.memref_slice %arg3[%arg0, %dma_start3A_169, %dma_start3A_170, %dma_start3A_171, %dma_start3A_172] : memref<2x2x16x84x128xi32, #tpu.memory_space<hbm>> -> memref<1x2x16x84x128xi32, #tpu.memory_space<hbm>>
      %dma_start3A_174 = tpu.memref_squeeze %dma_start3A_173 : memref<1x2x16x84x128xi32, #tpu.memory_space<hbm>> -> memref<2x16x84x128xi32, #tpu.memory_space<hbm>>
      %dma_start3A_175 = arith.constant 0 : i32
      %dma_start3A_176 = arith.constant 0 : i32
      %dma_start3A_177 = arith.constant 0 : i32
      %dma_start3A_178 = tpu.memref_slice %dma_start3A_174[%run_scoped3A, %dma_start3A_175, %dma_start3A_176, %dma_start3A_177] : memref<2x16x84x128xi32, #tpu.memory_space<hbm>> -> memref<1x16x84x128xi32, #tpu.memory_space<hbm>>
      %dma_start3A_179 = tpu.memref_squeeze %dma_start3A_178 : memref<1x16x84x128xi32, #tpu.memory_space<hbm>> -> memref<16x84x128xi32, #tpu.memory_space<hbm>>
      %dma_start3A_180 = arith.constant 0 : i32
      %dma_start3A_181 = arith.constant 0 : i32
      %dma_start3A_182 = tpu.memref_slice %dma_start3A_179[%arg1, %dma_start3A_180, %dma_start3A_181] : memref<16x84x128xi32, #tpu.memory_space<hbm>> -> memref<1x84x128xi32, #tpu.memory_space<hbm>>
      %dma_start3A_183 = tpu.memref_squeeze %dma_start3A_182 : memref<1x84x128xi32, #tpu.memory_space<hbm>> -> memref<84x128xi32, #tpu.memory_space<hbm>>
      %dma_start3A_184 = arith.constant 0 : i32
      %dma_start3A_185 = arith.constant 0 : i32
      %dma_start3A_186 = arith.constant 0 : i32
      %dma_start3A_187 = arith.constant 0 : i32
      %dma_start3A_188 = tpu.memref_slice %arg3[%arg0, %dma_start3A_184, %dma_start3A_185, %dma_start3A_186, %dma_start3A_187] : memref<2x2x16x84x128xi32, #tpu.memory_space<hbm>> -> memref<1x2x16x84x128xi32, #tpu.memory_space<hbm>>
      %dma_start3A_189 = tpu.memref_squeeze %dma_start3A_188 : memref<1x2x16x84x128xi32, #tpu.memory_space<hbm>> -> memref<2x16x84x128xi32, #tpu.memory_space<hbm>>
      %dma_start3A_190 = arith.constant 0 : i32
      %dma_start3A_191 = arith.constant 0 : i32
      %dma_start3A_192 = arith.constant 0 : i32
      %dma_start3A_193 = tpu.memref_slice %dma_start3A_189[%run_scoped3A, %dma_start3A_190, %dma_start3A_191, %dma_start3A_192] : memref<2x16x84x128xi32, #tpu.memory_space<hbm>> -> memref<1x16x84x128xi32, #tpu.memory_space<hbm>>
      %dma_start3A_194 = tpu.memref_squeeze %dma_start3A_193 : memref<1x16x84x128xi32, #tpu.memory_space<hbm>> -> memref<16x84x128xi32, #tpu.memory_space<hbm>>
      %dma_start3A_195 = arith.constant 0 : i32
      %dma_start3A_196 = arith.constant 0 : i32
      %dma_start3A_197 = tpu.memref_slice %dma_start3A_194[%arg1, %dma_start3A_195, %dma_start3A_196] : memref<16x84x128xi32, #tpu.memory_space<hbm>> -> memref<1x84x128xi32, #tpu.memory_space<hbm>>
      %dma_start3A_198 = tpu.memref_squeeze %dma_start3A_197 : memref<1x84x128xi32, #tpu.memory_space<hbm>> -> memref<84x128xi32, #tpu.memory_space<hbm>>
      tpu.enqueue_dma source(%dma_start3A_198 : memref<84x128xi32, #tpu.memory_space<hbm>>) target(%arg6 : memref<84x128xi32, #tpu.memory_space<vmem>>) target_semaphore(%run_scoped3A_168 : memref<!tpu.dma_semaphore, #tpu.memory_space<semaphore_mem>>)
      %dma_wait3A_199 = arith.constant 0 : i32
      %dma_wait3A_200 = arith.constant 0 : i32
      %dma_wait3A_201 = arith.constant 0 : i32
      %dma_wait3A_202 = arith.constant 0 : i32
      %dma_wait3A_203 = tpu.memref_slice %arg3[%arg0, %dma_wait3A_199, %dma_wait3A_200, %dma_wait3A_201, %dma_wait3A_202] : memref<2x2x16x84x128xi32, #tpu.memory_space<hbm>> -> memref<1x2x16x84x128xi32, #tpu.memory_space<hbm>>
      %dma_wait3A_204 = tpu.memref_squeeze %dma_wait3A_203 : memref<1x2x16x84x128xi32, #tpu.memory_space<hbm>> -> memref<2x16x84x128xi32, #tpu.memory_space<hbm>>
      %dma_wait3A_205 = arith.constant 0 : i32
      %dma_wait3A_206 = arith.constant 0 : i32
      %dma_wait3A_207 = arith.constant 0 : i32
      %dma_wait3A_208 = tpu.memref_slice %dma_wait3A_204[%run_scoped3A, %dma_wait3A_205, %dma_wait3A_206, %dma_wait3A_207] : memref<2x16x84x128xi32, #tpu.memory_space<hbm>> -> memref<1x16x84x128xi32, #tpu.memory_space<hbm>>
      %dma_wait3A_209 = tpu.memref_squeeze %dma_wait3A_208 : memref<1x16x84x128xi32, #tpu.memory_space<hbm>> -> memref<16x84x128xi32, #tpu.memory_space<hbm>>
      %dma_wait3A_210 = arith.constant 0 : i32
      %dma_wait3A_211 = arith.constant 0 : i32
      %dma_wait3A_212 = tpu.memref_slice %dma_wait3A_209[%arg1, %dma_wait3A_210, %dma_wait3A_211] : memref<16x84x128xi32, #tpu.memory_space<hbm>> -> memref<1x84x128xi32, #tpu.memory_space<hbm>>
      %dma_wait3A_213 = tpu.memref_squeeze %dma_wait3A_212 : memref<1x84x128xi32, #tpu.memory_space<hbm>> -> memref<84x128xi32, #tpu.memory_space<hbm>>
      %dma_wait3A_214 = arith.constant 0 : i32
      %dma_wait3A_215 = arith.constant 0 : i32
      %dma_wait3A_216 = arith.constant 0 : i32
      %dma_wait3A_217 = arith.constant 0 : i32
      %dma_wait3A_218 = tpu.memref_slice %arg3[%arg0, %dma_wait3A_214, %dma_wait3A_215, %dma_wait3A_216, %dma_wait3A_217] : memref<2x2x16x84x128xi32, #tpu.memory_space<hbm>> -> memref<1x2x16x84x128xi32, #tpu.memory_space<hbm>>
      %dma_wait3A_219 = tpu.memref_squeeze %dma_wait3A_218 : memref<1x2x16x84x128xi32, #tpu.memory_space<hbm>> -> memref<2x16x84x128xi32, #tpu.memory_space<hbm>>
      %dma_wait3A_220 = arith.constant 0 : i32
      %dma_wait3A_221 = arith.constant 0 : i32
      %dma_wait3A_222 = arith.constant 0 : i32
      %dma_wait3A_223 = tpu.memref_slice %dma_wait3A_219[%run_scoped3A, %dma_wait3A_220, %dma_wait3A_221, %dma_wait3A_222] : memref<2x16x84x128xi32, #tpu.memory_space<hbm>> -> memref<1x16x84x128xi32, #tpu.memory_space<hbm>>
      %dma_wait3A_224 = tpu.memref_squeeze %dma_wait3A_223 : memref<1x16x84x128xi32, #tpu.memory_space<hbm>> -> memref<16x84x128xi32, #tpu.memory_space<hbm>>
      %dma_wait3A_225 = arith.constant 0 : i32
      %dma_wait3A_226 = arith.constant 0 : i32
      %dma_wait3A_227 = tpu.memref_slice %dma_wait3A_224[%arg1, %dma_wait3A_225, %dma_wait3A_226] : memref<16x84x128xi32, #tpu.memory_space<hbm>> -> memref<1x84x128xi32, #tpu.memory_space<hbm>>
      %dma_wait3A_228 = tpu.memref_squeeze %dma_wait3A_227 : memref<1x84x128xi32, #tpu.memory_space<hbm>> -> memref<84x128xi32, #tpu.memory_space<hbm>>
      tpu.wait_dma2 semaphore(%run_scoped3A_168 : memref<!tpu.dma_semaphore, #tpu.memory_space<semaphore_mem>>) src(%dma_wait3A_228 : memref<84x128xi32, #tpu.memory_space<hbm>>) dst(%arg6 : memref<84x128xi32, #tpu.memory_space<vmem>>)
      tpu.yield
    }) : () -> ()
    %run_scoped3A_9 = arith.constant 0 : i32
    "tpu.region"() ({
      %run_scoped3A_168 = tpu.sem_alloc : memref<!tpu.dma_semaphore, #tpu.memory_space<semaphore_mem>>
      %dma_start3A_169 = arith.constant 0 : i32
      %dma_start3A_170 = arith.constant 0 : i32
      %dma_start3A_171 = arith.constant 0 : i32
      %dma_start3A_172 = arith.constant 0 : i32
      %dma_start3A_173 = tpu.memref_slice %arg4[%arg0, %dma_start3A_169, %dma_start3A_170, %dma_start3A_171, %dma_start3A_172] : memref<2x2x16x84x128xi32, #tpu.memory_space<hbm>> -> memref<1x2x16x84x128xi32, #tpu.memory_space<hbm>>
      %dma_start3A_174 = tpu.memref_squeeze %dma_start3A_173 : memref<1x2x16x84x128xi32, #tpu.memory_space<hbm>> -> memref<2x16x84x128xi32, #tpu.memory_space<hbm>>
      %dma_start3A_175 = arith.constant 0 : i32
      %dma_start3A_176 = arith.constant 0 : i32
      %dma_start3A_177 = arith.constant 0 : i32
      %dma_start3A_178 = tpu.memref_slice %dma_start3A_174[%run_scoped3A_9, %dma_start3A_175, %dma_start3A_176, %dma_start3A_177] : memref<2x16x84x128xi32, #tpu.memory_space<hbm>> -> memref<1x16x84x128xi32, #tpu.memory_space<hbm>>
      %dma_start3A_179 = tpu.memref_squeeze %dma_start3A_178 : memref<1x16x84x128xi32, #tpu.memory_space<hbm>> -> memref<16x84x128xi32, #tpu.memory_space<hbm>>
      %dma_start3A_180 = arith.constant 0 : i32
      %dma_start3A_181 = arith.constant 0 : i32
      %dma_start3A_182 = tpu.memref_slice %dma_start3A_179[%arg1, %dma_start3A_180, %dma_start3A_181] : memref<16x84x128xi32, #tpu.memory_space<hbm>> -> memref<1x84x128xi32, #tpu.memory_space<hbm>>
      %dma_start3A_183 = tpu.memref_squeeze %dma_start3A_182 : memref<1x84x128xi32, #tpu.memory_space<hbm>> -> memref<84x128xi32, #tpu.memory_space<hbm>>
      %dma_start3A_184 = arith.constant 0 : i32
      %dma_start3A_185 = arith.constant 0 : i32
      %dma_start3A_186 = arith.constant 0 : i32
      %dma_start3A_187 = arith.constant 0 : i32
      %dma_start3A_188 = tpu.memref_slice %arg4[%arg0, %dma_start3A_184, %dma_start3A_185, %dma_start3A_186, %dma_start3A_187] : memref<2x2x16x84x128xi32, #tpu.memory_space<hbm>> -> memref<1x2x16x84x128xi32, #tpu.memory_space<hbm>>
      %dma_start3A_189 = tpu.memref_squeeze %dma_start3A_188 : memref<1x2x16x84x128xi32, #tpu.memory_space<hbm>> -> memref<2x16x84x128xi32, #tpu.memory_space<hbm>>
      %dma_start3A_190 = arith.constant 0 : i32
      %dma_start3A_191 = arith.constant 0 : i32
      %dma_start3A_192 = arith.constant 0 : i32
      %dma_start3A_193 = tpu.memref_slice %dma_start3A_189[%run_scoped3A_9, %dma_start3A_190, %dma_start3A_191, %dma_start3A_192] : memref<2x16x84x128xi32, #tpu.memory_space<hbm>> -> memref<1x16x84x128xi32, #tpu.memory_space<hbm>>
      %dma_start3A_194 = tpu.memref_squeeze %dma_start3A_193 : memref<1x16x84x128xi32, #tpu.memory_space<hbm>> -> memref<16x84x128xi32, #tpu.memory_space<hbm>>
      %dma_start3A_195 = arith.constant 0 : i32
      %dma_start3A_196 = arith.constant 0 : i32
      %dma_start3A_197 = tpu.memref_slice %dma_start3A_194[%arg1, %dma_start3A_195, %dma_start3A_196] : memref<16x84x128xi32, #tpu.memory_space<hbm>> -> memref<1x84x128xi32, #tpu.memory_space<hbm>>
      %dma_start3A_198 = tpu.memref_squeeze %dma_start3A_197 : memref<1x84x128xi32, #tpu.memory_space<hbm>> -> memref<84x128xi32, #tpu.memory_space<hbm>>
      tpu.enqueue_dma source(%dma_start3A_198 : memref<84x128xi32, #tpu.memory_space<hbm>>) target(%arg7 : memref<84x128xi32, #tpu.memory_space<vmem>>) target_semaphore(%run_scoped3A_168 : memref<!tpu.dma_semaphore, #tpu.memory_space<semaphore_mem>>)
      %dma_wait3A_199 = arith.constant 0 : i32
      %dma_wait3A_200 = arith.constant 0 : i32
      %dma_wait3A_201 = arith.constant 0 : i32
      %dma_wait3A_202 = arith.constant 0 : i32
      %dma_wait3A_203 = tpu.memref_slice %arg4[%arg0, %dma_wait3A_199, %dma_wait3A_200, %dma_wait3A_201, %dma_wait3A_202] : memref<2x2x16x84x128xi32, #tpu.memory_space<hbm>> -> memref<1x2x16x84x128xi32, #tpu.memory_space<hbm>>
      %dma_wait3A_204 = tpu.memref_squeeze %dma_wait3A_203 : memref<1x2x16x84x128xi32, #tpu.memory_space<hbm>> -> memref<2x16x84x128xi32, #tpu.memory_space<hbm>>
      %dma_wait3A_205 = arith.constant 0 : i32
      %dma_wait3A_206 = arith.constant 0 : i32
      %dma_wait3A_207 = arith.constant 0 : i32
      %dma_wait3A_208 = tpu.memref_slice %dma_wait3A_204[%run_scoped3A_9, %dma_wait3A_205, %dma_wait3A_206, %dma_wait3A_207] : memref<2x16x84x128xi32, #tpu.memory_space<hbm>> -> memref<1x16x84x128xi32, #tpu.memory_space<hbm>>
      %dma_wait3A_209 = tpu.memref_squeeze %dma_wait3A_208 : memref<1x16x84x128xi32, #tpu.memory_space<hbm>> -> memref<16x84x128xi32, #tpu.memory_space<hbm>>
      %dma_wait3A_210 = arith.constant 0 : i32
      %dma_wait3A_211 = arith.constant 0 : i32
      %dma_wait3A_212 = tpu.memref_slice %dma_wait3A_209[%arg1, %dma_wait3A_210, %dma_wait3A_211] : memref<16x84x128xi32, #tpu.memory_space<hbm>> -> memref<1x84x128xi32, #tpu.memory_space<hbm>>
      %dma_wait3A_213 = tpu.memref_squeeze %dma_wait3A_212 : memref<1x84x128xi32, #tpu.memory_space<hbm>> -> memref<84x128xi32, #tpu.memory_space<hbm>>
      %dma_wait3A_214 = arith.constant 0 : i32
      %dma_wait3A_215 = arith.constant 0 : i32
      %dma_wait3A_216 = arith.constant 0 : i32
      %dma_wait3A_217 = arith.constant 0 : i32
      %dma_wait3A_218 = tpu.memref_slice %arg4[%arg0, %dma_wait3A_214, %dma_wait3A_215, %dma_wait3A_216, %dma_wait3A_217] : memref<2x2x16x84x128xi32, #tpu.memory_space<hbm>> -> memref<1x2x16x84x128xi32, #tpu.memory_space<hbm>>
      %dma_wait3A_219 = tpu.memref_squeeze %dma_wait3A_218 : memref<1x2x16x84x128xi32, #tpu.memory_space<hbm>> -> memref<2x16x84x128xi32, #tpu.memory_space<hbm>>
      %dma_wait3A_220 = arith.constant 0 : i32
      %dma_wait3A_221 = arith.constant 0 : i32
      %dma_wait3A_222 = arith.constant 0 : i32
      %dma_wait3A_223 = tpu.memref_slice %dma_wait3A_219[%run_scoped3A_9, %dma_wait3A_220, %dma_wait3A_221, %dma_wait3A_222] : memref<2x16x84x128xi32, #tpu.memory_space<hbm>> -> memref<1x16x84x128xi32, #tpu.memory_space<hbm>>
      %dma_wait3A_224 = tpu.memref_squeeze %dma_wait3A_223 : memref<1x16x84x128xi32, #tpu.memory_space<hbm>> -> memref<16x84x128xi32, #tpu.memory_space<hbm>>
      %dma_wait3A_225 = arith.constant 0 : i32
      %dma_wait3A_226 = arith.constant 0 : i32
      %dma_wait3A_227 = tpu.memref_slice %dma_wait3A_224[%arg1, %dma_wait3A_225, %dma_wait3A_226] : memref<16x84x128xi32, #tpu.memory_space<hbm>> -> memref<1x84x128xi32, #tpu.memory_space<hbm>>
      %dma_wait3A_228 = tpu.memref_squeeze %dma_wait3A_227 : memref<1x84x128xi32, #tpu.memory_space<hbm>> -> memref<84x128xi32, #tpu.memory_space<hbm>>
      tpu.wait_dma2 semaphore(%run_scoped3A_168 : memref<!tpu.dma_semaphore, #tpu.memory_space<semaphore_mem>>) src(%dma_wait3A_228 : memref<84x128xi32, #tpu.memory_space<hbm>>) dst(%arg7 : memref<84x128xi32, #tpu.memory_space<vmem>>)
      tpu.yield
    }) : () -> ()
    %barrier3A = arith.constant 0 : index
    tpu.barrier barrier_id(%barrier3A)
    %dma_start3A = arith.constant 0 : i32
    %dma_start3A_10 = arith.constant 0 : i32
    %dma_start3A_11 = tpu.memref_slice %arg6[%dma_start3A, %dma_start3A_10] : memref<84x128xi32, #tpu.memory_space<vmem>> -> memref<1x128xi32, #tpu.memory_space<vmem>>
    %dma_start3A_12 = tpu.memref_squeeze %dma_start3A_11 : memref<1x128xi32, #tpu.memory_space<vmem>> -> memref<128xi32, #tpu.memory_space<vmem>>
    %dma_start3A_13 = arith.constant 0 : i32
    %dma_start3A_14 = arith.constant 0 : i32
    %dma_start3A_15 = tpu.memref_slice %arg2[%dma_start3A_13, %dma_start3A_14] : memref<20000x128xf32, #tpu.memory_space<hbm>> -> memref<20000x128xf32, #tpu.memory_space<hbm>>
    tpu.enqueue_indirect_dma source(%dma_start3A_15 : memref<20000x128xf32, #tpu.memory_space<hbm>>) target(%arg9 : memref<128x128xf32, #tpu.memory_space<vmem>>) offsets(%dma_start3A_12 : memref<128xi32, #tpu.memory_space<vmem>>) semaphore(%arg13 : memref<!tpu.dma_semaphore, #tpu.memory_space<semaphore_mem>>)
    %dma_start3A_16 = arith.constant 1 : i32
    %dma_start3A_17 = arith.constant 0 : i32
    %dma_start3A_18 = tpu.memref_slice %arg6[%dma_start3A_16, %dma_start3A_17] : memref<84x128xi32, #tpu.memory_space<vmem>> -> memref<1x128xi32, #tpu.memory_space<vmem>>
    %dma_start3A_19 = tpu.memref_squeeze %dma_start3A_18 : memref<1x128xi32, #tpu.memory_space<vmem>> -> memref<128xi32, #tpu.memory_space<vmem>>
    %dma_start3A_20 = arith.constant 0 : i32
    %dma_start3A_21 = arith.constant 0 : i32
    %dma_start3A_22 = tpu.memref_slice %arg2[%dma_start3A_20, %dma_start3A_21] : memref<20000x128xf32, #tpu.memory_space<hbm>> -> memref<20000x128xf32, #tpu.memory_space<hbm>>
    tpu.enqueue_indirect_dma source(%dma_start3A_22 : memref<20000x128xf32, #tpu.memory_space<hbm>>) target(%arg10 : memref<128x128xf32, #tpu.memory_space<vmem>>) offsets(%dma_start3A_19 : memref<128xi32, #tpu.memory_space<vmem>>) semaphore(%arg14 : memref<!tpu.dma_semaphore, #tpu.memory_space<semaphore_mem>>)
    %dma_start3A_23 = arith.constant 2 : i32
    %dma_start3A_24 = arith.constant 0 : i32
    %dma_start3A_25 = tpu.memref_slice %arg6[%dma_start3A_23, %dma_start3A_24] : memref<84x128xi32, #tpu.memory_space<vmem>> -> memref<1x128xi32, #tpu.memory_space<vmem>>
    %dma_start3A_26 = tpu.memref_squeeze %dma_start3A_25 : memref<1x128xi32, #tpu.memory_space<vmem>> -> memref<128xi32, #tpu.memory_space<vmem>>
    %dma_start3A_27 = arith.constant 0 : i32
    %dma_start3A_28 = arith.constant 0 : i32
    %dma_start3A_29 = tpu.memref_slice %arg2[%dma_start3A_27, %dma_start3A_28] : memref<20000x128xf32, #tpu.memory_space<hbm>> -> memref<20000x128xf32, #tpu.memory_space<hbm>>
    tpu.enqueue_indirect_dma source(%dma_start3A_29 : memref<20000x128xf32, #tpu.memory_space<hbm>>) target(%arg11 : memref<128x128xf32, #tpu.memory_space<vmem>>) offsets(%dma_start3A_26 : memref<128xi32, #tpu.memory_space<vmem>>) semaphore(%arg15 : memref<!tpu.dma_semaphore, #tpu.memory_space<semaphore_mem>>)
    %dma_start3A_30 = arith.constant 3 : i32
    %dma_start3A_31 = arith.constant 0 : i32
    %dma_start3A_32 = tpu.memref_slice %arg6[%dma_start3A_30, %dma_start3A_31] : memref<84x128xi32, #tpu.memory_space<vmem>> -> memref<1x128xi32, #tpu.memory_space<vmem>>
    %dma_start3A_33 = tpu.memref_squeeze %dma_start3A_32 : memref<1x128xi32, #tpu.memory_space<vmem>> -> memref<128xi32, #tpu.memory_space<vmem>>
    %dma_start3A_34 = arith.constant 0 : i32
    %dma_start3A_35 = arith.constant 0 : i32
    %dma_start3A_36 = tpu.memref_slice %arg2[%dma_start3A_34, %dma_start3A_35] : memref<20000x128xf32, #tpu.memory_space<hbm>> -> memref<20000x128xf32, #tpu.memory_space<hbm>>
    tpu.enqueue_indirect_dma source(%dma_start3A_36 : memref<20000x128xf32, #tpu.memory_space<hbm>>) target(%arg12 : memref<128x128xf32, #tpu.memory_space<vmem>>) offsets(%dma_start3A_33 : memref<128xi32, #tpu.memory_space<vmem>>) semaphore(%arg16 : memref<!tpu.dma_semaphore, #tpu.memory_space<semaphore_mem>>)
    %scan3A = arith.constant 0 : i32
    %scan3A_37 = arith.constant 21 : i32
    %scan3A_38 = arith.addi %scan3A, %scan3A_37 : i32
    %scan3A_39 = arith.constant 1 : i32
    scf.for %scan3A_168 = %scan3A to %scan3A_38 step %scan3A_39  : i32 {
      %mul3A_169 = arith.constant 4 : i32
      %mul3A_170 = arith.muli %scan3A_168, %mul3A_169 : i32
      %add3A_171 = arith.constant 0 : i32
      %add3A_172 = arith.addi %add3A_171, %mul3A_170 : i32
      %add3A_173 = arith.constant 0 : i32
      %add3A_174 = arith.addi %add3A_172, %add3A_173 : i32
      %dma_wait3A_175 = arith.constant 0 : i32
      %dma_wait3A_176 = tpu.memref_slice %arg6[%add3A_174, %dma_wait3A_175] : memref<84x128xi32, #tpu.memory_space<vmem>> -> memref<1x128xi32, #tpu.memory_space<vmem>>
      %dma_wait3A_177 = tpu.memref_squeeze %dma_wait3A_176 : memref<1x128xi32, #tpu.memory_space<vmem>> -> memref<128xi32, #tpu.memory_space<vmem>>
      %dma_wait3A_178 = arith.constant 0 : i32
      %dma_wait3A_179 = arith.constant 0 : i32
      %dma_wait3A_180 = tpu.memref_slice %arg2[%dma_wait3A_178, %dma_wait3A_179] : memref<20000x128xf32, #tpu.memory_space<hbm>> -> memref<20000x128xf32, #tpu.memory_space<hbm>>
      tpu.wait_indirect_dma semaphore(%arg13 : memref<!tpu.dma_semaphore, #tpu.memory_space<semaphore_mem>>) src(%dma_wait3A_180 : memref<20000x128xf32, #tpu.memory_space<hbm>>) dst(%arg9 : memref<128x128xf32, #tpu.memory_space<vmem>>)
      %add3A_181 = arith.constant 0 : i32
      %add3A_182 = arith.addi %add3A_172, %add3A_181 : i32
      %dma_start3A_183 = arith.constant 0 : i32
      %dma_start3A_184 = tpu.memref_slice %arg7[%add3A_182, %dma_start3A_183] : memref<84x128xi32, #tpu.memory_space<vmem>> -> memref<1x128xi32, #tpu.memory_space<vmem>>
      %dma_start3A_185 = tpu.memref_squeeze %dma_start3A_184 : memref<1x128xi32, #tpu.memory_space<vmem>> -> memref<128xi32, #tpu.memory_space<vmem>>
      %dma_start3A_186 = arith.constant 0 : i32
      %dma_start3A_187 = arith.constant 0 : i32
      %dma_start3A_188 = tpu.memref_slice %arg8[%dma_start3A_186, %dma_start3A_187] : memref<5024x128xf32, #tpu.memory_space<vmem_shared>> -> memref<5024x128xf32, #tpu.memory_space<vmem_shared>>
      tpu.enqueue_indirect_dma source(%arg9 : memref<128x128xf32, #tpu.memory_space<vmem>>) target(%dma_start3A_188 : memref<5024x128xf32, #tpu.memory_space<vmem_shared>>) offsets(%dma_start3A_185 : memref<128xi32, #tpu.memory_space<vmem>>) semaphore(%arg17 : memref<!tpu.dma_semaphore, #tpu.memory_space<semaphore_mem>>) {add = true}
      %add3A_189 = arith.constant 1 : i32
      %add3A_190 = arith.addi %add3A_172, %add3A_189 : i32
      %dma_wait3A_191 = arith.constant 0 : i32
      %dma_wait3A_192 = tpu.memref_slice %arg6[%add3A_190, %dma_wait3A_191] : memref<84x128xi32, #tpu.memory_space<vmem>> -> memref<1x128xi32, #tpu.memory_space<vmem>>
      %dma_wait3A_193 = tpu.memref_squeeze %dma_wait3A_192 : memref<1x128xi32, #tpu.memory_space<vmem>> -> memref<128xi32, #tpu.memory_space<vmem>>
      %dma_wait3A_194 = arith.constant 0 : i32
      %dma_wait3A_195 = arith.constant 0 : i32
      %dma_wait3A_196 = tpu.memref_slice %arg2[%dma_wait3A_194, %dma_wait3A_195] : memref<20000x128xf32, #tpu.memory_space<hbm>> -> memref<20000x128xf32, #tpu.memory_space<hbm>>
      tpu.wait_indirect_dma semaphore(%arg14 : memref<!tpu.dma_semaphore, #tpu.memory_space<semaphore_mem>>) src(%dma_wait3A_196 : memref<20000x128xf32, #tpu.memory_space<hbm>>) dst(%arg10 : memref<128x128xf32, #tpu.memory_space<vmem>>)
      %add3A_197 = arith.constant 1 : i32
      %add3A_198 = arith.addi %add3A_172, %add3A_197 : i32
      %dma_start3A_199 = arith.constant 0 : i32
      %dma_start3A_200 = tpu.memref_slice %arg7[%add3A_198, %dma_start3A_199] : memref<84x128xi32, #tpu.memory_space<vmem>> -> memref<1x128xi32, #tpu.memory_space<vmem>>
      %dma_start3A_201 = tpu.memref_squeeze %dma_start3A_200 : memref<1x128xi32, #tpu.memory_space<vmem>> -> memref<128xi32, #tpu.memory_space<vmem>>
      %dma_start3A_202 = arith.constant 0 : i32
      %dma_start3A_203 = arith.constant 0 : i32
      %dma_start3A_204 = tpu.memref_slice %arg8[%dma_start3A_202, %dma_start3A_203] : memref<5024x128xf32, #tpu.memory_space<vmem_shared>> -> memref<5024x128xf32, #tpu.memory_space<vmem_shared>>
      tpu.enqueue_indirect_dma source(%arg10 : memref<128x128xf32, #tpu.memory_space<vmem>>) target(%dma_start3A_204 : memref<5024x128xf32, #tpu.memory_space<vmem_shared>>) offsets(%dma_start3A_201 : memref<128xi32, #tpu.memory_space<vmem>>) semaphore(%arg18 : memref<!tpu.dma_semaphore, #tpu.memory_space<semaphore_mem>>) {add = true}
      %add3A_205 = arith.constant 2 : i32
      %add3A_206 = arith.addi %add3A_172, %add3A_205 : i32
      %dma_wait3A_207 = arith.constant 0 : i32
      %dma_wait3A_208 = tpu.memref_slice %arg6[%add3A_206, %dma_wait3A_207] : memref<84x128xi32, #tpu.memory_space<vmem>> -> memref<1x128xi32, #tpu.memory_space<vmem>>
      %dma_wait3A_209 = tpu.memref_squeeze %dma_wait3A_208 : memref<1x128xi32, #tpu.memory_space<vmem>> -> memref<128xi32, #tpu.memory_space<vmem>>
      %dma_wait3A_210 = arith.constant 0 : i32
      %dma_wait3A_211 = arith.constant 0 : i32
      %dma_wait3A_212 = tpu.memref_slice %arg2[%dma_wait3A_210, %dma_wait3A_211] : memref<20000x128xf32, #tpu.memory_space<hbm>> -> memref<20000x128xf32, #tpu.memory_space<hbm>>
      tpu.wait_indirect_dma semaphore(%arg15 : memref<!tpu.dma_semaphore, #tpu.memory_space<semaphore_mem>>) src(%dma_wait3A_212 : memref<20000x128xf32, #tpu.memory_space<hbm>>) dst(%arg11 : memref<128x128xf32, #tpu.memory_space<vmem>>)
      %add3A_213 = arith.constant 2 : i32
      %add3A_214 = arith.addi %add3A_172, %add3A_213 : i32
      %dma_start3A_215 = arith.constant 0 : i32
      %dma_start3A_216 = tpu.memref_slice %arg7[%add3A_214, %dma_start3A_215] : memref<84x128xi32, #tpu.memory_space<vmem>> -> memref<1x128xi32, #tpu.memory_space<vmem>>
      %dma_start3A_217 = tpu.memref_squeeze %dma_start3A_216 : memref<1x128xi32, #tpu.memory_space<vmem>> -> memref<128xi32, #tpu.memory_space<vmem>>
      %dma_start3A_218 = arith.constant 0 : i32
      %dma_start3A_219 = arith.constant 0 : i32
      %dma_start3A_220 = tpu.memref_slice %arg8[%dma_start3A_218, %dma_start3A_219] : memref<5024x128xf32, #tpu.memory_space<vmem_shared>> -> memref<5024x128xf32, #tpu.memory_space<vmem_shared>>
      tpu.enqueue_indirect_dma source(%arg11 : memref<128x128xf32, #tpu.memory_space<vmem>>) target(%dma_start3A_220 : memref<5024x128xf32, #tpu.memory_space<vmem_shared>>) offsets(%dma_start3A_217 : memref<128xi32, #tpu.memory_space<vmem>>) semaphore(%arg19 : memref<!tpu.dma_semaphore, #tpu.memory_space<semaphore_mem>>) {add = true}
      %add3A_221 = arith.constant 3 : i32
      %add3A_222 = arith.addi %add3A_172, %add3A_221 : i32
      %dma_wait3A_223 = arith.constant 0 : i32
      %dma_wait3A_224 = tpu.memref_slice %arg6[%add3A_222, %dma_wait3A_223] : memref<84x128xi32, #tpu.memory_space<vmem>> -> memref<1x128xi32, #tpu.memory_space<vmem>>
      %dma_wait3A_225 = tpu.memref_squeeze %dma_wait3A_224 : memref<1x128xi32, #tpu.memory_space<vmem>> -> memref<128xi32, #tpu.memory_space<vmem>>
      %dma_wait3A_226 = arith.constant 0 : i32
      %dma_wait3A_227 = arith.constant 0 : i32
      %dma_wait3A_228 = tpu.memref_slice %arg2[%dma_wait3A_226, %dma_wait3A_227] : memref<20000x128xf32, #tpu.memory_space<hbm>> -> memref<20000x128xf32, #tpu.memory_space<hbm>>
      tpu.wait_indirect_dma semaphore(%arg16 : memref<!tpu.dma_semaphore, #tpu.memory_space<semaphore_mem>>) src(%dma_wait3A_228 : memref<20000x128xf32, #tpu.memory_space<hbm>>) dst(%arg12 : memref<128x128xf32, #tpu.memory_space<vmem>>)
      %add3A_229 = arith.constant 3 : i32
      %add3A_230 = arith.addi %add3A_172, %add3A_229 : i32
      %dma_start3A_231 = arith.constant 0 : i32
      %dma_start3A_232 = tpu.memref_slice %arg7[%add3A_230, %dma_start3A_231] : memref<84x128xi32, #tpu.memory_space<vmem>> -> memref<1x128xi32, #tpu.memory_space<vmem>>
      %dma_start3A_233 = tpu.memref_squeeze %dma_start3A_232 : memref<1x128xi32, #tpu.memory_space<vmem>> -> memref<128xi32, #tpu.memory_space<vmem>>
      %dma_start3A_234 = arith.constant 0 : i32
      %dma_start3A_235 = arith.constant 0 : i32
      %dma_start3A_236 = tpu.memref_slice %arg8[%dma_start3A_234, %dma_start3A_235] : memref<5024x128xf32, #tpu.memory_space<vmem_shared>> -> memref<5024x128xf32, #tpu.memory_space<vmem_shared>>
      tpu.enqueue_indirect_dma source(%arg12 : memref<128x128xf32, #tpu.memory_space<vmem>>) target(%dma_start3A_236 : memref<5024x128xf32, #tpu.memory_space<vmem_shared>>) offsets(%dma_start3A_233 : memref<128xi32, #tpu.memory_space<vmem>>) semaphore(%arg20 : memref<!tpu.dma_semaphore, #tpu.memory_space<semaphore_mem>>) {add = true}
      %add3A_237 = arith.constant 4 : i32
      %add3A_238 = arith.addi %add3A_172, %add3A_237 : i32
      %add3A_239 = arith.constant 0 : i32
      %add3A_240 = arith.addi %add3A_238, %add3A_239 : i32
      %lt3A = arith.constant 84 : i32
      %lt3A_241 = arith.cmpi slt, %add3A_240, %lt3A : i32
      %convert_element_type3A_242 = arith.extui %lt3A_241 : i1 to i32
      %cond3A_243 = arith.constant 0 : i32
      %cond3A_244 = arith.cmpi ne, %convert_element_type3A_242, %cond3A_243 : i32
      scf.if %cond3A_244 {
        %dma_wait3A_272 = arith.constant 0 : i32
        %dma_wait3A_273 = arith.constant 0 : i32
        %dma_wait3A_274 = tpu.memref_slice %arg7[%dma_wait3A_272, %dma_wait3A_273] : memref<84x128xi32, #tpu.memory_space<vmem>> -> memref<1x128xi32, #tpu.memory_space<vmem>>
        %dma_wait3A_275 = tpu.memref_squeeze %dma_wait3A_274 : memref<1x128xi32, #tpu.memory_space<vmem>> -> memref<128xi32, #tpu.memory_space<vmem>>
        %dma_wait3A_276 = arith.constant 0 : i32
        %dma_wait3A_277 = arith.constant 0 : i32
        %dma_wait3A_278 = tpu.memref_slice %arg8[%dma_wait3A_276, %dma_wait3A_277] : memref<5024x128xf32, #tpu.memory_space<vmem_shared>> -> memref<5024x128xf32, #tpu.memory_space<vmem_shared>>
        tpu.wait_indirect_dma semaphore(%arg17 : memref<!tpu.dma_semaphore, #tpu.memory_space<semaphore_mem>>) src(%arg9 : memref<128x128xf32, #tpu.memory_space<vmem>>) dst(%dma_wait3A_278 : memref<5024x128xf32, #tpu.memory_space<vmem_shared>>)
        %add3A_279 = arith.constant 4 : i32
        %add3A_280 = arith.addi %add3A_172, %add3A_279 : i32
        %add3A_281 = arith.constant 0 : i32
        %add3A_282 = arith.addi %add3A_280, %add3A_281 : i32
        %dma_start3A_283 = arith.constant 0 : i32
        %dma_start3A_284 = tpu.memref_slice %arg6[%add3A_282, %dma_start3A_283] : memref<84x128xi32, #tpu.memory_space<vmem>> -> memref<1x128xi32, #tpu.memory_space<vmem>>
        %dma_start3A_285 = tpu.memref_squeeze %dma_start3A_284 : memref<1x128xi32, #tpu.memory_space<vmem>> -> memref<128xi32, #tpu.memory_space<vmem>>
        %dma_start3A_286 = arith.constant 0 : i32
        %dma_start3A_287 = arith.constant 0 : i32
        %dma_start3A_288 = tpu.memref_slice %arg2[%dma_start3A_286, %dma_start3A_287] : memref<20000x128xf32, #tpu.memory_space<hbm>> -> memref<20000x128xf32, #tpu.memory_space<hbm>>
        tpu.enqueue_indirect_dma source(%dma_start3A_288 : memref<20000x128xf32, #tpu.memory_space<hbm>>) target(%arg9 : memref<128x128xf32, #tpu.memory_space<vmem>>) offsets(%dma_start3A_285 : memref<128xi32, #tpu.memory_space<vmem>>) semaphore(%arg13 : memref<!tpu.dma_semaphore, #tpu.memory_space<semaphore_mem>>)
      } else {
      }
      %add3A_245 = arith.constant 4 : i32
      %add3A_246 = arith.addi %add3A_172, %add3A_245 : i32
      %add3A_247 = arith.constant 1 : i32
      %add3A_248 = arith.addi %add3A_246, %add3A_247 : i32
      %lt3A_249 = arith.constant 84 : i32
      %lt3A_250 = arith.cmpi slt, %add3A_248, %lt3A_249 : i32
      %convert_element_type3A_251 = arith.extui %lt3A_250 : i1 to i32
      %cond3A_252 = arith.constant 0 : i32
      %cond3A_253 = arith.cmpi ne, %convert_element_type3A_251, %cond3A_252 : i32
      scf.if %cond3A_253 {
        %dma_wait3A_272 = arith.constant 0 : i32
        %dma_wait3A_273 = arith.constant 0 : i32
        %dma_wait3A_274 = tpu.memref_slice %arg7[%dma_wait3A_272, %dma_wait3A_273] : memref<84x128xi32, #tpu.memory_space<vmem>> -> memref<1x128xi32, #tpu.memory_space<vmem>>
        %dma_wait3A_275 = tpu.memref_squeeze %dma_wait3A_274 : memref<1x128xi32, #tpu.memory_space<vmem>> -> memref<128xi32, #tpu.memory_space<vmem>>
        %dma_wait3A_276 = arith.constant 0 : i32
        %dma_wait3A_277 = arith.constant 0 : i32
        %dma_wait3A_278 = tpu.memref_slice %arg8[%dma_wait3A_276, %dma_wait3A_277] : memref<5024x128xf32, #tpu.memory_space<vmem_shared>> -> memref<5024x128xf32, #tpu.memory_space<vmem_shared>>
        tpu.wait_indirect_dma semaphore(%arg18 : memref<!tpu.dma_semaphore, #tpu.memory_space<semaphore_mem>>) src(%arg10 : memref<128x128xf32, #tpu.memory_space<vmem>>) dst(%dma_wait3A_278 : memref<5024x128xf32, #tpu.memory_space<vmem_shared>>)
        %add3A_279 = arith.constant 4 : i32
        %add3A_280 = arith.addi %add3A_172, %add3A_279 : i32
        %add3A_281 = arith.constant 1 : i32
        %add3A_282 = arith.addi %add3A_280, %add3A_281 : i32
        %dma_start3A_283 = arith.constant 0 : i32
        %dma_start3A_284 = tpu.memref_slice %arg6[%add3A_282, %dma_start3A_283] : memref<84x128xi32, #tpu.memory_space<vmem>> -> memref<1x128xi32, #tpu.memory_space<vmem>>
        %dma_start3A_285 = tpu.memref_squeeze %dma_start3A_284 : memref<1x128xi32, #tpu.memory_space<vmem>> -> memref<128xi32, #tpu.memory_space<vmem>>
        %dma_start3A_286 = arith.constant 0 : i32
        %dma_start3A_287 = arith.constant 0 : i32
        %dma_start3A_288 = tpu.memref_slice %arg2[%dma_start3A_286, %dma_start3A_287] : memref<20000x128xf32, #tpu.memory_space<hbm>> -> memref<20000x128xf32, #tpu.memory_space<hbm>>
        tpu.enqueue_indirect_dma source(%dma_start3A_288 : memref<20000x128xf32, #tpu.memory_space<hbm>>) target(%arg10 : memref<128x128xf32, #tpu.memory_space<vmem>>) offsets(%dma_start3A_285 : memref<128xi32, #tpu.memory_space<vmem>>) semaphore(%arg14 : memref<!tpu.dma_semaphore, #tpu.memory_space<semaphore_mem>>)
      } else {
      }
      %add3A_254 = arith.constant 4 : i32
      %add3A_255 = arith.addi %add3A_172, %add3A_254 : i32
      %add3A_256 = arith.constant 2 : i32
      %add3A_257 = arith.addi %add3A_255, %add3A_256 : i32
      %lt3A_258 = arith.constant 84 : i32
      %lt3A_259 = arith.cmpi slt, %add3A_257, %lt3A_258 : i32
      %convert_element_type3A_260 = arith.extui %lt3A_259 : i1 to i32
      %cond3A_261 = arith.constant 0 : i32
      %cond3A_262 = arith.cmpi ne, %convert_element_type3A_260, %cond3A_261 : i32
      scf.if %cond3A_262 {
        %dma_wait3A_272 = arith.constant 0 : i32
        %dma_wait3A_273 = arith.constant 0 : i32
        %dma_wait3A_274 = tpu.memref_slice %arg7[%dma_wait3A_272, %dma_wait3A_273] : memref<84x128xi32, #tpu.memory_space<vmem>> -> memref<1x128xi32, #tpu.memory_space<vmem>>
        %dma_wait3A_275 = tpu.memref_squeeze %dma_wait3A_274 : memref<1x128xi32, #tpu.memory_space<vmem>> -> memref<128xi32, #tpu.memory_space<vmem>>
        %dma_wait3A_276 = arith.constant 0 : i32
        %dma_wait3A_277 = arith.constant 0 : i32
        %dma_wait3A_278 = tpu.memref_slice %arg8[%dma_wait3A_276, %dma_wait3A_277] : memref<5024x128xf32, #tpu.memory_space<vmem_shared>> -> memref<5024x128xf32, #tpu.memory_space<vmem_shared>>
        tpu.wait_indirect_dma semaphore(%arg19 : memref<!tpu.dma_semaphore, #tpu.memory_space<semaphore_mem>>) src(%arg11 : memref<128x128xf32, #tpu.memory_space<vmem>>) dst(%dma_wait3A_278 : memref<5024x128xf32, #tpu.memory_space<vmem_shared>>)
        %add3A_279 = arith.constant 4 : i32
        %add3A_280 = arith.addi %add3A_172, %add3A_279 : i32
        %add3A_281 = arith.constant 2 : i32
        %add3A_282 = arith.addi %add3A_280, %add3A_281 : i32
        %dma_start3A_283 = arith.constant 0 : i32
        %dma_start3A_284 = tpu.memref_slice %arg6[%add3A_282, %dma_start3A_283] : memref<84x128xi32, #tpu.memory_space<vmem>> -> memref<1x128xi32, #tpu.memory_space<vmem>>
        %dma_start3A_285 = tpu.memref_squeeze %dma_start3A_284 : memref<1x128xi32, #tpu.memory_space<vmem>> -> memref<128xi32, #tpu.memory_space<vmem>>
        %dma_start3A_286 = arith.constant 0 : i32
        %dma_start3A_287 = arith.constant 0 : i32
        %dma_start3A_288 = tpu.memref_slice %arg2[%dma_start3A_286, %dma_start3A_287] : memref<20000x128xf32, #tpu.memory_space<hbm>> -> memref<20000x128xf32, #tpu.memory_space<hbm>>
        tpu.enqueue_indirect_dma source(%dma_start3A_288 : memref<20000x128xf32, #tpu.memory_space<hbm>>) target(%arg11 : memref<128x128xf32, #tpu.memory_space<vmem>>) offsets(%dma_start3A_285 : memref<128xi32, #tpu.memory_space<vmem>>) semaphore(%arg15 : memref<!tpu.dma_semaphore, #tpu.memory_space<semaphore_mem>>)
      } else {
      }
      %add3A_263 = arith.constant 4 : i32
      %add3A_264 = arith.addi %add3A_172, %add3A_263 : i32
      %add3A_265 = arith.constant 3 : i32
      %add3A_266 = arith.addi %add3A_264, %add3A_265 : i32
      %lt3A_267 = arith.constant 84 : i32
      %lt3A_268 = arith.cmpi slt, %add3A_266, %lt3A_267 : i32
      %convert_element_type3A_269 = arith.extui %lt3A_268 : i1 to i32
      %cond3A_270 = arith.constant 0 : i32
      %cond3A_271 = arith.cmpi ne, %convert_element_type3A_269, %cond3A_270 : i32
      scf.if %cond3A_271 {
        %dma_wait3A_272 = arith.constant 0 : i32
        %dma_wait3A_273 = arith.constant 0 : i32
        %dma_wait3A_274 = tpu.memref_slice %arg7[%dma_wait3A_272, %dma_wait3A_273] : memref<84x128xi32, #tpu.memory_space<vmem>> -> memref<1x128xi32, #tpu.memory_space<vmem>>
        %dma_wait3A_275 = tpu.memref_squeeze %dma_wait3A_274 : memref<1x128xi32, #tpu.memory_space<vmem>> -> memref<128xi32, #tpu.memory_space<vmem>>
        %dma_wait3A_276 = arith.constant 0 : i32
        %dma_wait3A_277 = arith.constant 0 : i32
        %dma_wait3A_278 = tpu.memref_slice %arg8[%dma_wait3A_276, %dma_wait3A_277] : memref<5024x128xf32, #tpu.memory_space<vmem_shared>> -> memref<5024x128xf32, #tpu.memory_space<vmem_shared>>
        tpu.wait_indirect_dma semaphore(%arg20 : memref<!tpu.dma_semaphore, #tpu.memory_space<semaphore_mem>>) src(%arg12 : memref<128x128xf32, #tpu.memory_space<vmem>>) dst(%dma_wait3A_278 : memref<5024x128xf32, #tpu.memory_space<vmem_shared>>)
        %add3A_279 = arith.constant 4 : i32
        %add3A_280 = arith.addi %add3A_172, %add3A_279 : i32
        %add3A_281 = arith.constant 3 : i32
        %add3A_282 = arith.addi %add3A_280, %add3A_281 : i32
        %dma_start3A_283 = arith.constant 0 : i32
        %dma_start3A_284 = tpu.memref_slice %arg6[%add3A_282, %dma_start3A_283] : memref<84x128xi32, #tpu.memory_space<vmem>> -> memref<1x128xi32, #tpu.memory_space<vmem>>
        %dma_start3A_285 = tpu.memref_squeeze %dma_start3A_284 : memref<1x128xi32, #tpu.memory_space<vmem>> -> memref<128xi32, #tpu.memory_space<vmem>>
        %dma_start3A_286 = arith.constant 0 : i32
        %dma_start3A_287 = arith.constant 0 : i32
        %dma_start3A_288 = tpu.memref_slice %arg2[%dma_start3A_286, %dma_start3A_287] : memref<20000x128xf32, #tpu.memory_space<hbm>> -> memref<20000x128xf32, #tpu.memory_space<hbm>>
        tpu.enqueue_indirect_dma source(%dma_start3A_288 : memref<20000x128xf32, #tpu.memory_space<hbm>>) target(%arg12 : memref<128x128xf32, #tpu.memory_space<vmem>>) offsets(%dma_start3A_285 : memref<128xi32, #tpu.memory_space<vmem>>) semaphore(%arg16 : memref<!tpu.dma_semaphore, #tpu.memory_space<semaphore_mem>>)
      } else {
      }
    }
    %scan3A_40 = arith.constant 21 : i32
    %dma_wait3A = arith.constant 0 : i32
    %dma_wait3A_41 = arith.constant 0 : i32
    %dma_wait3A_42 = tpu.memref_slice %arg7[%dma_wait3A, %dma_wait3A_41] : memref<84x128xi32, #tpu.memory_space<vmem>> -> memref<1x128xi32, #tpu.memory_space<vmem>>
    %dma_wait3A_43 = tpu.memref_squeeze %dma_wait3A_42 : memref<1x128xi32, #tpu.memory_space<vmem>> -> memref<128xi32, #tpu.memory_space<vmem>>
    %dma_wait3A_44 = arith.constant 0 : i32
    %dma_wait3A_45 = arith.constant 0 : i32
    %dma_wait3A_46 = tpu.memref_slice %arg8[%dma_wait3A_44, %dma_wait3A_45] : memref<5024x128xf32, #tpu.memory_space<vmem_shared>> -> memref<5024x128xf32, #tpu.memory_space<vmem_shared>>
    tpu.wait_indirect_dma semaphore(%arg17 : memref<!tpu.dma_semaphore, #tpu.memory_space<semaphore_mem>>) src(%arg9 : memref<128x128xf32, #tpu.memory_space<vmem>>) dst(%dma_wait3A_46 : memref<5024x128xf32, #tpu.memory_space<vmem_shared>>)
    %dma_wait3A_47 = arith.constant 0 : i32
    %dma_wait3A_48 = arith.constant 0 : i32
    %dma_wait3A_49 = tpu.memref_slice %arg7[%dma_wait3A_47, %dma_wait3A_48] : memref<84x128xi32, #tpu.memory_space<vmem>> -> memref<1x128xi32, #tpu.memory_space<vmem>>
    %dma_wait3A_50 = tpu.memref_squeeze %dma_wait3A_49 : memref<1x128xi32, #tpu.memory_space<vmem>> -> memref<128xi32, #tpu.memory_space<vmem>>
    %dma_wait3A_51 = arith.constant 0 : i32
    %dma_wait3A_52 = arith.constant 0 : i32
    %dma_wait3A_53 = tpu.memref_slice %arg8[%dma_wait3A_51, %dma_wait3A_52] : memref<5024x128xf32, #tpu.memory_space<vmem_shared>> -> memref<5024x128xf32, #tpu.memory_space<vmem_shared>>
    tpu.wait_indirect_dma semaphore(%arg18 : memref<!tpu.dma_semaphore, #tpu.memory_space<semaphore_mem>>) src(%arg10 : memref<128x128xf32, #tpu.memory_space<vmem>>) dst(%dma_wait3A_53 : memref<5024x128xf32, #tpu.memory_space<vmem_shared>>)
    %dma_wait3A_54 = arith.constant 0 : i32
    %dma_wait3A_55 = arith.constant 0 : i32
    %dma_wait3A_56 = tpu.memref_slice %arg7[%dma_wait3A_54, %dma_wait3A_55] : memref<84x128xi32, #tpu.memory_space<vmem>> -> memref<1x128xi32, #tpu.memory_space<vmem>>
    %dma_wait3A_57 = tpu.memref_squeeze %dma_wait3A_56 : memref<1x128xi32, #tpu.memory_space<vmem>> -> memref<128xi32, #tpu.memory_space<vmem>>
    %dma_wait3A_58 = arith.constant 0 : i32
    %dma_wait3A_59 = arith.constant 0 : i32
    %dma_wait3A_60 = tpu.memref_slice %arg8[%dma_wait3A_58, %dma_wait3A_59] : memref<5024x128xf32, #tpu.memory_space<vmem_shared>> -> memref<5024x128xf32, #tpu.memory_space<vmem_shared>>
    tpu.wait_indirect_dma semaphore(%arg19 : memref<!tpu.dma_semaphore, #tpu.memory_space<semaphore_mem>>) src(%arg11 : memref<128x128xf32, #tpu.memory_space<vmem>>) dst(%dma_wait3A_60 : memref<5024x128xf32, #tpu.memory_space<vmem_shared>>)
    %dma_wait3A_61 = arith.constant 0 : i32
    %dma_wait3A_62 = arith.constant 0 : i32
    %dma_wait3A_63 = tpu.memref_slice %arg7[%dma_wait3A_61, %dma_wait3A_62] : memref<84x128xi32, #tpu.memory_space<vmem>> -> memref<1x128xi32, #tpu.memory_space<vmem>>
    %dma_wait3A_64 = tpu.memref_squeeze %dma_wait3A_63 : memref<1x128xi32, #tpu.memory_space<vmem>> -> memref<128xi32, #tpu.memory_space<vmem>>
    %dma_wait3A_65 = arith.constant 0 : i32
    %dma_wait3A_66 = arith.constant 0 : i32
    %dma_wait3A_67 = tpu.memref_slice %arg8[%dma_wait3A_65, %dma_wait3A_66] : memref<5024x128xf32, #tpu.memory_space<vmem_shared>> -> memref<5024x128xf32, #tpu.memory_space<vmem_shared>>
    tpu.wait_indirect_dma semaphore(%arg20 : memref<!tpu.dma_semaphore, #tpu.memory_space<semaphore_mem>>) src(%arg12 : memref<128x128xf32, #tpu.memory_space<vmem>>) dst(%dma_wait3A_67 : memref<5024x128xf32, #tpu.memory_space<vmem_shared>>)
    %barrier3A_68 = arith.constant 0 : index
    tpu.barrier barrier_id(%barrier3A_68)
    %mul3A_69 = arith.constant 304 : i32
    %mul3A_70 = arith.muli %arg1, %mul3A_69 : i32
    %add3A_71 = arith.constant 0 : i32
    %add3A_72 = arith.addi %add3A_71, %mul3A_70 : i32
    %add3A_73 = arith.addi %add3A_1, %mul3A_70 : i32
    "tpu.region"() ({
      %run_scoped3A_168 = tpu.sem_alloc : memref<!tpu.dma_semaphore, #tpu.memory_space<semaphore_mem>>
      %dma_start3A_169 = arith.constant 0 : i32
      %dma_start3A_170 = tpu.memref_slice %arg5[%add3A_73, %dma_start3A_169] : memref<20000x128xf32, #tpu.memory_space<hbm>> -> memref<304x128xf32, #tpu.memory_space<hbm>>
      %dma_start3A_171 = arith.constant 0 : i32
      %dma_start3A_172 = tpu.memref_slice %arg8[%add3A_72, %dma_start3A_171] : memref<5024x128xf32, #tpu.memory_space<vmem_shared>> -> memref<304x128xf32, #tpu.memory_space<vmem_shared>>
      tpu.enqueue_dma source(%dma_start3A_172 : memref<304x128xf32, #tpu.memory_space<vmem_shared>>) target(%dma_start3A_170 : memref<304x128xf32, #tpu.memory_space<hbm>>) target_semaphore(%run_scoped3A_168 : memref<!tpu.dma_semaphore, #tpu.memory_space<semaphore_mem>>)
      %dma_wait3A_173 = arith.constant 0 : i32
      %dma_wait3A_174 = tpu.memref_slice %arg5[%add3A_73, %dma_wait3A_173] : memref<20000x128xf32, #tpu.memory_space<hbm>> -> memref<304x128xf32, #tpu.memory_space<hbm>>
      %dma_wait3A_175 = arith.constant 0 : i32
      %dma_wait3A_176 = tpu.memref_slice %arg8[%add3A_72, %dma_wait3A_175] : memref<5024x128xf32, #tpu.memory_space<vmem_shared>> -> memref<304x128xf32, #tpu.memory_space<vmem_shared>>
      tpu.wait_dma2 semaphore(%run_scoped3A_168 : memref<!tpu.dma_semaphore, #tpu.memory_space<semaphore_mem>>) src(%dma_wait3A_176 : memref<304x128xf32, #tpu.memory_space<vmem_shared>>) dst(%dma_wait3A_174 : memref<304x128xf32, #tpu.memory_space<hbm>>)
      tpu.yield
    }) : () -> ()
    %eq3A_74 = arith.constant 15 : i32
    %eq3A_75 = arith.cmpi eq, %arg1, %eq3A_74 : i32
    %convert_element_type3A_76 = arith.extui %eq3A_75 : i1 to i32
    %cond3A_77 = arith.constant 0 : i32
    %cond3A_78 = arith.cmpi ne, %convert_element_type3A_76, %cond3A_77 : i32
    scf.if %cond3A_78 {
      %add3A_168 = arith.constant 4864 : i32
      %add3A_169 = arith.addi %add3A_1, %add3A_168 : i32
      "tpu.region"() ({
        %run_scoped3A_170 = tpu.sem_alloc : memref<!tpu.dma_semaphore, #tpu.memory_space<semaphore_mem>>
        %dma_start3A_171 = arith.constant 0 : i32
        %dma_start3A_172 = tpu.memref_slice %arg5[%add3A_169, %dma_start3A_171] : memref<20000x128xf32, #tpu.memory_space<hbm>> -> memref<128x128xf32, #tpu.memory_space<hbm>>
        %dma_start3A_173 = arith.constant 4864 : i32
        %dma_start3A_174 = arith.constant 0 : i32
        %dma_start3A_175 = tpu.memref_slice %arg8[%dma_start3A_173, %dma_start3A_174] : memref<5024x128xf32, #tpu.memory_space<vmem_shared>> -> memref<128x128xf32, #tpu.memory_space<vmem_shared>>
        tpu.enqueue_dma source(%dma_start3A_175 : memref<128x128xf32, #tpu.memory_space<vmem_shared>>) target(%dma_start3A_172 : memref<128x128xf32, #tpu.memory_space<hbm>>) target_semaphore(%run_scoped3A_170 : memref<!tpu.dma_semaphore, #tpu.memory_space<semaphore_mem>>)
        %dma_wait3A_176 = arith.constant 0 : i32
        %dma_wait3A_177 = tpu.memref_slice %arg5[%add3A_169, %dma_wait3A_176] : memref<20000x128xf32, #tpu.memory_space<hbm>> -> memref<128x128xf32, #tpu.memory_space<hbm>>
        %dma_wait3A_178 = arith.constant 4864 : i32
        %dma_wait3A_179 = arith.constant 0 : i32
        %dma_wait3A_180 = tpu.memref_slice %arg8[%dma_wait3A_178, %dma_wait3A_179] : memref<5024x128xf32, #tpu.memory_space<vmem_shared>> -> memref<128x128xf32, #tpu.memory_space<vmem_shared>>
        tpu.wait_dma2 semaphore(%run_scoped3A_170 : memref<!tpu.dma_semaphore, #tpu.memory_space<semaphore_mem>>) src(%dma_wait3A_180 : memref<128x128xf32, #tpu.memory_space<vmem_shared>>) dst(%dma_wait3A_177 : memref<128x128xf32, #tpu.memory_space<hbm>>)
        tpu.yield
      }) : () -> ()
    } else {
    }
    %mul3A_79 = arith.constant 10000 : i32
    %mul3A_80 = arith.muli %arg0, %mul3A_79 : i32
    %add3A_81 = arith.constant 4992 : i32
    %add3A_82 = arith.addi %mul3A_80, %add3A_81 : i32
    %mul3A_83 = arith.constant 304 : i32
    %mul3A_84 = arith.muli %arg1, %mul3A_83 : i32
    %add3A_85 = arith.addi %add3A_82, %mul3A_84 : i32
    %add3A_86 = arith.constant 0 : i32
    %add3A_87 = arith.addi %add3A_86, %mul3A_84 : i32
    "tpu.region"() ({
      %run_scoped3A_168 = tpu.sem_alloc : memref<!tpu.dma_semaphore, #tpu.memory_space<semaphore_mem>>
      %dma_start3A_169 = arith.constant 0 : i32
      %dma_start3A_170 = tpu.memref_slice %arg8[%add3A_87, %dma_start3A_169] : memref<5024x128xf32, #tpu.memory_space<vmem_shared>> -> memref<304x128xf32, #tpu.memory_space<vmem_shared>>
      %dma_start3A_171 = arith.constant 0 : i32
      %dma_start3A_172 = tpu.memref_slice %arg2[%add3A_85, %dma_start3A_171] : memref<20000x128xf32, #tpu.memory_space<hbm>> -> memref<304x128xf32, #tpu.memory_space<hbm>>
      tpu.enqueue_dma source(%dma_start3A_172 : memref<304x128xf32, #tpu.memory_space<hbm>>) target(%dma_start3A_170 : memref<304x128xf32, #tpu.memory_space<vmem_shared>>) target_semaphore(%run_scoped3A_168 : memref<!tpu.dma_semaphore, #tpu.memory_space<semaphore_mem>>)
      %dma_wait3A_173 = arith.constant 0 : i32
      %dma_wait3A_174 = tpu.memref_slice %arg8[%add3A_87, %dma_wait3A_173] : memref<5024x128xf32, #tpu.memory_space<vmem_shared>> -> memref<304x128xf32, #tpu.memory_space<vmem_shared>>
      %dma_wait3A_175 = arith.constant 0 : i32
      %dma_wait3A_176 = tpu.memref_slice %arg2[%add3A_85, %dma_wait3A_175] : memref<20000x128xf32, #tpu.memory_space<hbm>> -> memref<304x128xf32, #tpu.memory_space<hbm>>
      tpu.wait_dma2 semaphore(%run_scoped3A_168 : memref<!tpu.dma_semaphore, #tpu.memory_space<semaphore_mem>>) src(%dma_wait3A_176 : memref<304x128xf32, #tpu.memory_space<hbm>>) dst(%dma_wait3A_174 : memref<304x128xf32, #tpu.memory_space<vmem_shared>>)
      tpu.yield
    }) : () -> ()
    %eq3A_88 = arith.constant 15 : i32
    %eq3A_89 = arith.cmpi eq, %arg1, %eq3A_88 : i32
    %convert_element_type3A_90 = arith.extui %eq3A_89 : i1 to i32
    %cond3A_91 = arith.constant 0 : i32
    %cond3A_92 = arith.cmpi ne, %convert_element_type3A_90, %cond3A_91 : i32
    scf.if %cond3A_92 {
      %add3A_168 = arith.constant 4864 : i32
      %add3A_169 = arith.addi %add3A_82, %add3A_168 : i32
      "tpu.region"() ({
        %run_scoped3A_170 = tpu.sem_alloc : memref<!tpu.dma_semaphore, #tpu.memory_space<semaphore_mem>>
        %dma_start3A_171 = arith.constant 4864 : i32
        %dma_start3A_172 = arith.constant 0 : i32
        %dma_start3A_173 = tpu.memref_slice %arg8[%dma_start3A_171, %dma_start3A_172] : memref<5024x128xf32, #tpu.memory_space<vmem_shared>> -> memref<144x128xf32, #tpu.memory_space<vmem_shared>>
        %dma_start3A_174 = arith.constant 0 : i32
        %dma_start3A_175 = tpu.memref_slice %arg2[%add3A_169, %dma_start3A_174] : memref<20000x128xf32, #tpu.memory_space<hbm>> -> memref<144x128xf32, #tpu.memory_space<hbm>>
        tpu.enqueue_dma source(%dma_start3A_175 : memref<144x128xf32, #tpu.memory_space<hbm>>) target(%dma_start3A_173 : memref<144x128xf32, #tpu.memory_space<vmem_shared>>) target_semaphore(%run_scoped3A_170 : memref<!tpu.dma_semaphore, #tpu.memory_space<semaphore_mem>>)
        %dma_wait3A_176 = arith.constant 4864 : i32
        %dma_wait3A_177 = arith.constant 0 : i32
        %dma_wait3A_178 = tpu.memref_slice %arg8[%dma_wait3A_176, %dma_wait3A_177] : memref<5024x128xf32, #tpu.memory_space<vmem_shared>> -> memref<144x128xf32, #tpu.memory_space<vmem_shared>>
        %dma_wait3A_179 = arith.constant 0 : i32
        %dma_wait3A_180 = tpu.memref_slice %arg2[%add3A_169, %dma_wait3A_179] : memref<20000x128xf32, #tpu.memory_space<hbm>> -> memref<144x128xf32, #tpu.memory_space<hbm>>
        tpu.wait_dma2 semaphore(%run_scoped3A_170 : memref<!tpu.dma_semaphore, #tpu.memory_space<semaphore_mem>>) src(%dma_wait3A_180 : memref<144x128xf32, #tpu.memory_space<hbm>>) dst(%dma_wait3A_178 : memref<144x128xf32, #tpu.memory_space<vmem_shared>>)
        tpu.yield
      }) : () -> ()
    } else {
    }
    %run_scoped3A_93 = arith.constant 1 : i32
    "tpu.region"() ({
      %run_scoped3A_168 = tpu.sem_alloc : memref<!tpu.dma_semaphore, #tpu.memory_space<semaphore_mem>>
      %dma_start3A_169 = arith.constant 0 : i32
      %dma_start3A_170 = arith.constant 0 : i32
      %dma_start3A_171 = arith.constant 0 : i32
      %dma_start3A_172 = arith.constant 0 : i32
      %dma_start3A_173 = tpu.memref_slice %arg3[%arg0, %dma_start3A_169, %dma_start3A_170, %dma_start3A_171, %dma_start3A_172] : memref<2x2x16x84x128xi32, #tpu.memory_space<hbm>> -> memref<1x2x16x84x128xi32, #tpu.memory_space<hbm>>
      %dma_start3A_174 = tpu.memref_squeeze %dma_start3A_173 : memref<1x2x16x84x128xi32, #tpu.memory_space<hbm>> -> memref<2x16x84x128xi32, #tpu.memory_space<hbm>>
      %dma_start3A_175 = arith.constant 0 : i32
      %dma_start3A_176 = arith.constant 0 : i32
      %dma_start3A_177 = arith.constant 0 : i32
      %dma_start3A_178 = tpu.memref_slice %dma_start3A_174[%run_scoped3A_93, %dma_start3A_175, %dma_start3A_176, %dma_start3A_177] : memref<2x16x84x128xi32, #tpu.memory_space<hbm>> -> memref<1x16x84x128xi32, #tpu.memory_space<hbm>>
      %dma_start3A_179 = tpu.memref_squeeze %dma_start3A_178 : memref<1x16x84x128xi32, #tpu.memory_space<hbm>> -> memref<16x84x128xi32, #tpu.memory_space<hbm>>
      %dma_start3A_180 = arith.constant 0 : i32
      %dma_start3A_181 = arith.constant 0 : i32
      %dma_start3A_182 = tpu.memref_slice %dma_start3A_179[%arg1, %dma_start3A_180, %dma_start3A_181] : memref<16x84x128xi32, #tpu.memory_space<hbm>> -> memref<1x84x128xi32, #tpu.memory_space<hbm>>
      %dma_start3A_183 = tpu.memref_squeeze %dma_start3A_182 : memref<1x84x128xi32, #tpu.memory_space<hbm>> -> memref<84x128xi32, #tpu.memory_space<hbm>>
      %dma_start3A_184 = arith.constant 0 : i32
      %dma_start3A_185 = arith.constant 0 : i32
      %dma_start3A_186 = arith.constant 0 : i32
      %dma_start3A_187 = arith.constant 0 : i32
      %dma_start3A_188 = tpu.memref_slice %arg3[%arg0, %dma_start3A_184, %dma_start3A_185, %dma_start3A_186, %dma_start3A_187] : memref<2x2x16x84x128xi32, #tpu.memory_space<hbm>> -> memref<1x2x16x84x128xi32, #tpu.memory_space<hbm>>
      %dma_start3A_189 = tpu.memref_squeeze %dma_start3A_188 : memref<1x2x16x84x128xi32, #tpu.memory_space<hbm>> -> memref<2x16x84x128xi32, #tpu.memory_space<hbm>>
      %dma_start3A_190 = arith.constant 0 : i32
      %dma_start3A_191 = arith.constant 0 : i32
      %dma_start3A_192 = arith.constant 0 : i32
      %dma_start3A_193 = tpu.memref_slice %dma_start3A_189[%run_scoped3A_93, %dma_start3A_190, %dma_start3A_191, %dma_start3A_192] : memref<2x16x84x128xi32, #tpu.memory_space<hbm>> -> memref<1x16x84x128xi32, #tpu.memory_space<hbm>>
      %dma_start3A_194 = tpu.memref_squeeze %dma_start3A_193 : memref<1x16x84x128xi32, #tpu.memory_space<hbm>> -> memref<16x84x128xi32, #tpu.memory_space<hbm>>
      %dma_start3A_195 = arith.constant 0 : i32
      %dma_start3A_196 = arith.constant 0 : i32
      %dma_start3A_197 = tpu.memref_slice %dma_start3A_194[%arg1, %dma_start3A_195, %dma_start3A_196] : memref<16x84x128xi32, #tpu.memory_space<hbm>> -> memref<1x84x128xi32, #tpu.memory_space<hbm>>
      %dma_start3A_198 = tpu.memref_squeeze %dma_start3A_197 : memref<1x84x128xi32, #tpu.memory_space<hbm>> -> memref<84x128xi32, #tpu.memory_space<hbm>>
      tpu.enqueue_dma source(%dma_start3A_198 : memref<84x128xi32, #tpu.memory_space<hbm>>) target(%arg6 : memref<84x128xi32, #tpu.memory_space<vmem>>) target_semaphore(%run_scoped3A_168 : memref<!tpu.dma_semaphore, #tpu.memory_space<semaphore_mem>>)
      %dma_wait3A_199 = arith.constant 0 : i32
      %dma_wait3A_200 = arith.constant 0 : i32
      %dma_wait3A_201 = arith.constant 0 : i32
      %dma_wait3A_202 = arith.constant 0 : i32
      %dma_wait3A_203 = tpu.memref_slice %arg3[%arg0, %dma_wait3A_199, %dma_wait3A_200, %dma_wait3A_201, %dma_wait3A_202] : memref<2x2x16x84x128xi32, #tpu.memory_space<hbm>> -> memref<1x2x16x84x128xi32, #tpu.memory_space<hbm>>
      %dma_wait3A_204 = tpu.memref_squeeze %dma_wait3A_203 : memref<1x2x16x84x128xi32, #tpu.memory_space<hbm>> -> memref<2x16x84x128xi32, #tpu.memory_space<hbm>>
      %dma_wait3A_205 = arith.constant 0 : i32
      %dma_wait3A_206 = arith.constant 0 : i32
      %dma_wait3A_207 = arith.constant 0 : i32
      %dma_wait3A_208 = tpu.memref_slice %dma_wait3A_204[%run_scoped3A_93, %dma_wait3A_205, %dma_wait3A_206, %dma_wait3A_207] : memref<2x16x84x128xi32, #tpu.memory_space<hbm>> -> memref<1x16x84x128xi32, #tpu.memory_space<hbm>>
      %dma_wait3A_209 = tpu.memref_squeeze %dma_wait3A_208 : memref<1x16x84x128xi32, #tpu.memory_space<hbm>> -> memref<16x84x128xi32, #tpu.memory_space<hbm>>
      %dma_wait3A_210 = arith.constant 0 : i32
      %dma_wait3A_211 = arith.constant 0 : i32
      %dma_wait3A_212 = tpu.memref_slice %dma_wait3A_209[%arg1, %dma_wait3A_210, %dma_wait3A_211] : memref<16x84x128xi32, #tpu.memory_space<hbm>> -> memref<1x84x128xi32, #tpu.memory_space<hbm>>
      %dma_wait3A_213 = tpu.memref_squeeze %dma_wait3A_212 : memref<1x84x128xi32, #tpu.memory_space<hbm>> -> memref<84x128xi32, #tpu.memory_space<hbm>>
      %dma_wait3A_214 = arith.constant 0 : i32
      %dma_wait3A_215 = arith.constant 0 : i32
      %dma_wait3A_216 = arith.constant 0 : i32
      %dma_wait3A_217 = arith.constant 0 : i32
      %dma_wait3A_218 = tpu.memref_slice %arg3[%arg0, %dma_wait3A_214, %dma_wait3A_215, %dma_wait3A_216, %dma_wait3A_217] : memref<2x2x16x84x128xi32, #tpu.memory_space<hbm>> -> memref<1x2x16x84x128xi32, #tpu.memory_space<hbm>>
      %dma_wait3A_219 = tpu.memref_squeeze %dma_wait3A_218 : memref<1x2x16x84x128xi32, #tpu.memory_space<hbm>> -> memref<2x16x84x128xi32, #tpu.memory_space<hbm>>
      %dma_wait3A_220 = arith.constant 0 : i32
      %dma_wait3A_221 = arith.constant 0 : i32
      %dma_wait3A_222 = arith.constant 0 : i32
      %dma_wait3A_223 = tpu.memref_slice %dma_wait3A_219[%run_scoped3A_93, %dma_wait3A_220, %dma_wait3A_221, %dma_wait3A_222] : memref<2x16x84x128xi32, #tpu.memory_space<hbm>> -> memref<1x16x84x128xi32, #tpu.memory_space<hbm>>
      %dma_wait3A_224 = tpu.memref_squeeze %dma_wait3A_223 : memref<1x16x84x128xi32, #tpu.memory_space<hbm>> -> memref<16x84x128xi32, #tpu.memory_space<hbm>>
      %dma_wait3A_225 = arith.constant 0 : i32
      %dma_wait3A_226 = arith.constant 0 : i32
      %dma_wait3A_227 = tpu.memref_slice %dma_wait3A_224[%arg1, %dma_wait3A_225, %dma_wait3A_226] : memref<16x84x128xi32, #tpu.memory_space<hbm>> -> memref<1x84x128xi32, #tpu.memory_space<hbm>>
      %dma_wait3A_228 = tpu.memref_squeeze %dma_wait3A_227 : memref<1x84x128xi32, #tpu.memory_space<hbm>> -> memref<84x128xi32, #tpu.memory_space<hbm>>
      tpu.wait_dma2 semaphore(%run_scoped3A_168 : memref<!tpu.dma_semaphore, #tpu.memory_space<semaphore_mem>>) src(%dma_wait3A_228 : memref<84x128xi32, #tpu.memory_space<hbm>>) dst(%arg6 : memref<84x128xi32, #tpu.memory_space<vmem>>)
      tpu.yield
    }) : () -> ()
    %run_scoped3A_94 = arith.constant 1 : i32
    "tpu.region"() ({
      %run_scoped3A_168 = tpu.sem_alloc : memref<!tpu.dma_semaphore, #tpu.memory_space<semaphore_mem>>
      %dma_start3A_169 = arith.constant 0 : i32
      %dma_start3A_170 = arith.constant 0 : i32
      %dma_start3A_171 = arith.constant 0 : i32
      %dma_start3A_172 = arith.constant 0 : i32
      %dma_start3A_173 = tpu.memref_slice %arg4[%arg0, %dma_start3A_169, %dma_start3A_170, %dma_start3A_171, %dma_start3A_172] : memref<2x2x16x84x128xi32, #tpu.memory_space<hbm>> -> memref<1x2x16x84x128xi32, #tpu.memory_space<hbm>>
      %dma_start3A_174 = tpu.memref_squeeze %dma_start3A_173 : memref<1x2x16x84x128xi32, #tpu.memory_space<hbm>> -> memref<2x16x84x128xi32, #tpu.memory_space<hbm>>
      %dma_start3A_175 = arith.constant 0 : i32
      %dma_start3A_176 = arith.constant 0 : i32
      %dma_start3A_177 = arith.constant 0 : i32
      %dma_start3A_178 = tpu.memref_slice %dma_start3A_174[%run_scoped3A_94, %dma_start3A_175, %dma_start3A_176, %dma_start3A_177] : memref<2x16x84x128xi32, #tpu.memory_space<hbm>> -> memref<1x16x84x128xi32, #tpu.memory_space<hbm>>
      %dma_start3A_179 = tpu.memref_squeeze %dma_start3A_178 : memref<1x16x84x128xi32, #tpu.memory_space<hbm>> -> memref<16x84x128xi32, #tpu.memory_space<hbm>>
      %dma_start3A_180 = arith.constant 0 : i32
      %dma_start3A_181 = arith.constant 0 : i32
      %dma_start3A_182 = tpu.memref_slice %dma_start3A_179[%arg1, %dma_start3A_180, %dma_start3A_181] : memref<16x84x128xi32, #tpu.memory_space<hbm>> -> memref<1x84x128xi32, #tpu.memory_space<hbm>>
      %dma_start3A_183 = tpu.memref_squeeze %dma_start3A_182 : memref<1x84x128xi32, #tpu.memory_space<hbm>> -> memref<84x128xi32, #tpu.memory_space<hbm>>
      %dma_start3A_184 = arith.constant 0 : i32
      %dma_start3A_185 = arith.constant 0 : i32
      %dma_start3A_186 = arith.constant 0 : i32
      %dma_start3A_187 = arith.constant 0 : i32
      %dma_start3A_188 = tpu.memref_slice %arg4[%arg0, %dma_start3A_184, %dma_start3A_185, %dma_start3A_186, %dma_start3A_187] : memref<2x2x16x84x128xi32, #tpu.memory_space<hbm>> -> memref<1x2x16x84x128xi32, #tpu.memory_space<hbm>>
      %dma_start3A_189 = tpu.memref_squeeze %dma_start3A_188 : memref<1x2x16x84x128xi32, #tpu.memory_space<hbm>> -> memref<2x16x84x128xi32, #tpu.memory_space<hbm>>
      %dma_start3A_190 = arith.constant 0 : i32
      %dma_start3A_191 = arith.constant 0 : i32
      %dma_start3A_192 = arith.constant 0 : i32
      %dma_start3A_193 = tpu.memref_slice %dma_start3A_189[%run_scoped3A_94, %dma_start3A_190, %dma_start3A_191, %dma_start3A_192] : memref<2x16x84x128xi32, #tpu.memory_space<hbm>> -> memref<1x16x84x128xi32, #tpu.memory_space<hbm>>
      %dma_start3A_194 = tpu.memref_squeeze %dma_start3A_193 : memref<1x16x84x128xi32, #tpu.memory_space<hbm>> -> memref<16x84x128xi32, #tpu.memory_space<hbm>>
      %dma_start3A_195 = arith.constant 0 : i32
      %dma_start3A_196 = arith.constant 0 : i32
      %dma_start3A_197 = tpu.memref_slice %dma_start3A_194[%arg1, %dma_start3A_195, %dma_start3A_196] : memref<16x84x128xi32, #tpu.memory_space<hbm>> -> memref<1x84x128xi32, #tpu.memory_space<hbm>>
      %dma_start3A_198 = tpu.memref_squeeze %dma_start3A_197 : memref<1x84x128xi32, #tpu.memory_space<hbm>> -> memref<84x128xi32, #tpu.memory_space<hbm>>
      tpu.enqueue_dma source(%dma_start3A_198 : memref<84x128xi32, #tpu.memory_space<hbm>>) target(%arg7 : memref<84x128xi32, #tpu.memory_space<vmem>>) target_semaphore(%run_scoped3A_168 : memref<!tpu.dma_semaphore, #tpu.memory_space<semaphore_mem>>)
      %dma_wait3A_199 = arith.constant 0 : i32
      %dma_wait3A_200 = arith.constant 0 : i32
      %dma_wait3A_201 = arith.constant 0 : i32
      %dma_wait3A_202 = arith.constant 0 : i32
      %dma_wait3A_203 = tpu.memref_slice %arg4[%arg0, %dma_wait3A_199, %dma_wait3A_200, %dma_wait3A_201, %dma_wait3A_202] : memref<2x2x16x84x128xi32, #tpu.memory_space<hbm>> -> memref<1x2x16x84x128xi32, #tpu.memory_space<hbm>>
      %dma_wait3A_204 = tpu.memref_squeeze %dma_wait3A_203 : memref<1x2x16x84x128xi32, #tpu.memory_space<hbm>> -> memref<2x16x84x128xi32, #tpu.memory_space<hbm>>
      %dma_wait3A_205 = arith.constant 0 : i32
      %dma_wait3A_206 = arith.constant 0 : i32
      %dma_wait3A_207 = arith.constant 0 : i32
      %dma_wait3A_208 = tpu.memref_slice %dma_wait3A_204[%run_scoped3A_94, %dma_wait3A_205, %dma_wait3A_206, %dma_wait3A_207] : memref<2x16x84x128xi32, #tpu.memory_space<hbm>> -> memref<1x16x84x128xi32, #tpu.memory_space<hbm>>
      %dma_wait3A_209 = tpu.memref_squeeze %dma_wait3A_208 : memref<1x16x84x128xi32, #tpu.memory_space<hbm>> -> memref<16x84x128xi32, #tpu.memory_space<hbm>>
      %dma_wait3A_210 = arith.constant 0 : i32
      %dma_wait3A_211 = arith.constant 0 : i32
      %dma_wait3A_212 = tpu.memref_slice %dma_wait3A_209[%arg1, %dma_wait3A_210, %dma_wait3A_211] : memref<16x84x128xi32, #tpu.memory_space<hbm>> -> memref<1x84x128xi32, #tpu.memory_space<hbm>>
      %dma_wait3A_213 = tpu.memref_squeeze %dma_wait3A_212 : memref<1x84x128xi32, #tpu.memory_space<hbm>> -> memref<84x128xi32, #tpu.memory_space<hbm>>
      %dma_wait3A_214 = arith.constant 0 : i32
      %dma_wait3A_215 = arith.constant 0 : i32
      %dma_wait3A_216 = arith.constant 0 : i32
      %dma_wait3A_217 = arith.constant 0 : i32
      %dma_wait3A_218 = tpu.memref_slice %arg4[%arg0, %dma_wait3A_214, %dma_wait3A_215, %dma_wait3A_216, %dma_wait3A_217] : memref<2x2x16x84x128xi32, #tpu.memory_space<hbm>> -> memref<1x2x16x84x128xi32, #tpu.memory_space<hbm>>
      %dma_wait3A_219 = tpu.memref_squeeze %dma_wait3A_218 : memref<1x2x16x84x128xi32, #tpu.memory_space<hbm>> -> memref<2x16x84x128xi32, #tpu.memory_space<hbm>>
      %dma_wait3A_220 = arith.constant 0 : i32
      %dma_wait3A_221 = arith.constant 0 : i32
      %dma_wait3A_222 = arith.constant 0 : i32
      %dma_wait3A_223 = tpu.memref_slice %dma_wait3A_219[%run_scoped3A_94, %dma_wait3A_220, %dma_wait3A_221, %dma_wait3A_222] : memref<2x16x84x128xi32, #tpu.memory_space<hbm>> -> memref<1x16x84x128xi32, #tpu.memory_space<hbm>>
      %dma_wait3A_224 = tpu.memref_squeeze %dma_wait3A_223 : memref<1x16x84x128xi32, #tpu.memory_space<hbm>> -> memref<16x84x128xi32, #tpu.memory_space<hbm>>
      %dma_wait3A_225 = arith.constant 0 : i32
      %dma_wait3A_226 = arith.constant 0 : i32
      %dma_wait3A_227 = tpu.memref_slice %dma_wait3A_224[%arg1, %dma_wait3A_225, %dma_wait3A_226] : memref<16x84x128xi32, #tpu.memory_space<hbm>> -> memref<1x84x128xi32, #tpu.memory_space<hbm>>
      %dma_wait3A_228 = tpu.memref_squeeze %dma_wait3A_227 : memref<1x84x128xi32, #tpu.memory_space<hbm>> -> memref<84x128xi32, #tpu.memory_space<hbm>>
      tpu.wait_dma2 semaphore(%run_scoped3A_168 : memref<!tpu.dma_semaphore, #tpu.memory_space<semaphore_mem>>) src(%dma_wait3A_228 : memref<84x128xi32, #tpu.memory_space<hbm>>) dst(%arg7 : memref<84x128xi32, #tpu.memory_space<vmem>>)
      tpu.yield
    }) : () -> ()
    %barrier3A_95 = arith.constant 0 : index
    tpu.barrier barrier_id(%barrier3A_95)
    %dma_start3A_96 = arith.constant 0 : i32
    %dma_start3A_97 = arith.constant 0 : i32
    %dma_start3A_98 = tpu.memref_slice %arg6[%dma_start3A_96, %dma_start3A_97] : memref<84x128xi32, #tpu.memory_space<vmem>> -> memref<1x128xi32, #tpu.memory_space<vmem>>
    %dma_start3A_99 = tpu.memref_squeeze %dma_start3A_98 : memref<1x128xi32, #tpu.memory_space<vmem>> -> memref<128xi32, #tpu.memory_space<vmem>>
    %dma_start3A_100 = arith.constant 0 : i32
    %dma_start3A_101 = arith.constant 0 : i32
    %dma_start3A_102 = tpu.memref_slice %arg2[%dma_start3A_100, %dma_start3A_101] : memref<20000x128xf32, #tpu.memory_space<hbm>> -> memref<20000x128xf32, #tpu.memory_space<hbm>>
    tpu.enqueue_indirect_dma source(%dma_start3A_102 : memref<20000x128xf32, #tpu.memory_space<hbm>>) target(%arg9 : memref<128x128xf32, #tpu.memory_space<vmem>>) offsets(%dma_start3A_99 : memref<128xi32, #tpu.memory_space<vmem>>) semaphore(%arg13 : memref<!tpu.dma_semaphore, #tpu.memory_space<semaphore_mem>>)
    %dma_start3A_103 = arith.constant 1 : i32
    %dma_start3A_104 = arith.constant 0 : i32
    %dma_start3A_105 = tpu.memref_slice %arg6[%dma_start3A_103, %dma_start3A_104] : memref<84x128xi32, #tpu.memory_space<vmem>> -> memref<1x128xi32, #tpu.memory_space<vmem>>
    %dma_start3A_106 = tpu.memref_squeeze %dma_start3A_105 : memref<1x128xi32, #tpu.memory_space<vmem>> -> memref<128xi32, #tpu.memory_space<vmem>>
    %dma_start3A_107 = arith.constant 0 : i32
    %dma_start3A_108 = arith.constant 0 : i32
    %dma_start3A_109 = tpu.memref_slice %arg2[%dma_start3A_107, %dma_start3A_108] : memref<20000x128xf32, #tpu.memory_space<hbm>> -> memref<20000x128xf32, #tpu.memory_space<hbm>>
    tpu.enqueue_indirect_dma source(%dma_start3A_109 : memref<20000x128xf32, #tpu.memory_space<hbm>>) target(%arg10 : memref<128x128xf32, #tpu.memory_space<vmem>>) offsets(%dma_start3A_106 : memref<128xi32, #tpu.memory_space<vmem>>) semaphore(%arg14 : memref<!tpu.dma_semaphore, #tpu.memory_space<semaphore_mem>>)
    %dma_start3A_110 = arith.constant 2 : i32
    %dma_start3A_111 = arith.constant 0 : i32
    %dma_start3A_112 = tpu.memref_slice %arg6[%dma_start3A_110, %dma_start3A_111] : memref<84x128xi32, #tpu.memory_space<vmem>> -> memref<1x128xi32, #tpu.memory_space<vmem>>
    %dma_start3A_113 = tpu.memref_squeeze %dma_start3A_112 : memref<1x128xi32, #tpu.memory_space<vmem>> -> memref<128xi32, #tpu.memory_space<vmem>>
    %dma_start3A_114 = arith.constant 0 : i32
    %dma_start3A_115 = arith.constant 0 : i32
    %dma_start3A_116 = tpu.memref_slice %arg2[%dma_start3A_114, %dma_start3A_115] : memref<20000x128xf32, #tpu.memory_space<hbm>> -> memref<20000x128xf32, #tpu.memory_space<hbm>>
    tpu.enqueue_indirect_dma source(%dma_start3A_116 : memref<20000x128xf32, #tpu.memory_space<hbm>>) target(%arg11 : memref<128x128xf32, #tpu.memory_space<vmem>>) offsets(%dma_start3A_113 : memref<128xi32, #tpu.memory_space<vmem>>) semaphore(%arg15 : memref<!tpu.dma_semaphore, #tpu.memory_space<semaphore_mem>>)
    %dma_start3A_117 = arith.constant 3 : i32
    %dma_start3A_118 = arith.constant 0 : i32
    %dma_start3A_119 = tpu.memref_slice %arg6[%dma_start3A_117, %dma_start3A_118] : memref<84x128xi32, #tpu.memory_space<vmem>> -> memref<1x128xi32, #tpu.memory_space<vmem>>
    %dma_start3A_120 = tpu.memref_squeeze %dma_start3A_119 : memref<1x128xi32, #tpu.memory_space<vmem>> -> memref<128xi32, #tpu.memory_space<vmem>>
    %dma_start3A_121 = arith.constant 0 : i32
    %dma_start3A_122 = arith.constant 0 : i32
    %dma_start3A_123 = tpu.memref_slice %arg2[%dma_start3A_121, %dma_start3A_122] : memref<20000x128xf32, #tpu.memory_space<hbm>> -> memref<20000x128xf32, #tpu.memory_space<hbm>>
    tpu.enqueue_indirect_dma source(%dma_start3A_123 : memref<20000x128xf32, #tpu.memory_space<hbm>>) target(%arg12 : memref<128x128xf32, #tpu.memory_space<vmem>>) offsets(%dma_start3A_120 : memref<128xi32, #tpu.memory_space<vmem>>) semaphore(%arg16 : memref<!tpu.dma_semaphore, #tpu.memory_space<semaphore_mem>>)
    %scan3A_124 = arith.constant 0 : i32
    %scan3A_125 = arith.constant 21 : i32
    %scan3A_126 = arith.addi %scan3A_124, %scan3A_125 : i32
    %scan3A_127 = arith.constant 1 : i32
    scf.for %scan3A_168 = %scan3A_124 to %scan3A_126 step %scan3A_127  : i32 {
      %mul3A_169 = arith.constant 4 : i32
      %mul3A_170 = arith.muli %scan3A_168, %mul3A_169 : i32
      %add3A_171 = arith.constant 0 : i32
      %add3A_172 = arith.addi %add3A_171, %mul3A_170 : i32
      %add3A_173 = arith.constant 0 : i32
      %add3A_174 = arith.addi %add3A_172, %add3A_173 : i32
      %dma_wait3A_175 = arith.constant 0 : i32
      %dma_wait3A_176 = tpu.memref_slice %arg6[%add3A_174, %dma_wait3A_175] : memref<84x128xi32, #tpu.memory_space<vmem>> -> memref<1x128xi32, #tpu.memory_space<vmem>>
      %dma_wait3A_177 = tpu.memref_squeeze %dma_wait3A_176 : memref<1x128xi32, #tpu.memory_space<vmem>> -> memref<128xi32, #tpu.memory_space<vmem>>
      %dma_wait3A_178 = arith.constant 0 : i32
      %dma_wait3A_179 = arith.constant 0 : i32
      %dma_wait3A_180 = tpu.memref_slice %arg2[%dma_wait3A_178, %dma_wait3A_179] : memref<20000x128xf32, #tpu.memory_space<hbm>> -> memref<20000x128xf32, #tpu.memory_space<hbm>>
      tpu.wait_indirect_dma semaphore(%arg13 : memref<!tpu.dma_semaphore, #tpu.memory_space<semaphore_mem>>) src(%dma_wait3A_180 : memref<20000x128xf32, #tpu.memory_space<hbm>>) dst(%arg9 : memref<128x128xf32, #tpu.memory_space<vmem>>)
      %add3A_181 = arith.constant 0 : i32
      %add3A_182 = arith.addi %add3A_172, %add3A_181 : i32
      %dma_start3A_183 = arith.constant 0 : i32
      %dma_start3A_184 = tpu.memref_slice %arg7[%add3A_182, %dma_start3A_183] : memref<84x128xi32, #tpu.memory_space<vmem>> -> memref<1x128xi32, #tpu.memory_space<vmem>>
      %dma_start3A_185 = tpu.memref_squeeze %dma_start3A_184 : memref<1x128xi32, #tpu.memory_space<vmem>> -> memref<128xi32, #tpu.memory_space<vmem>>
      %dma_start3A_186 = arith.constant 0 : i32
      %dma_start3A_187 = arith.constant 0 : i32
      %dma_start3A_188 = tpu.memref_slice %arg8[%dma_start3A_186, %dma_start3A_187] : memref<5024x128xf32, #tpu.memory_space<vmem_shared>> -> memref<5024x128xf32, #tpu.memory_space<vmem_shared>>
      tpu.enqueue_indirect_dma source(%arg9 : memref<128x128xf32, #tpu.memory_space<vmem>>) target(%dma_start3A_188 : memref<5024x128xf32, #tpu.memory_space<vmem_shared>>) offsets(%dma_start3A_185 : memref<128xi32, #tpu.memory_space<vmem>>) semaphore(%arg17 : memref<!tpu.dma_semaphore, #tpu.memory_space<semaphore_mem>>) {add = true}
      %add3A_189 = arith.constant 1 : i32
      %add3A_190 = arith.addi %add3A_172, %add3A_189 : i32
      %dma_wait3A_191 = arith.constant 0 : i32
      %dma_wait3A_192 = tpu.memref_slice %arg6[%add3A_190, %dma_wait3A_191] : memref<84x128xi32, #tpu.memory_space<vmem>> -> memref<1x128xi32, #tpu.memory_space<vmem>>
      %dma_wait3A_193 = tpu.memref_squeeze %dma_wait3A_192 : memref<1x128xi32, #tpu.memory_space<vmem>> -> memref<128xi32, #tpu.memory_space<vmem>>
      %dma_wait3A_194 = arith.constant 0 : i32
      %dma_wait3A_195 = arith.constant 0 : i32
      %dma_wait3A_196 = tpu.memref_slice %arg2[%dma_wait3A_194, %dma_wait3A_195] : memref<20000x128xf32, #tpu.memory_space<hbm>> -> memref<20000x128xf32, #tpu.memory_space<hbm>>
      tpu.wait_indirect_dma semaphore(%arg14 : memref<!tpu.dma_semaphore, #tpu.memory_space<semaphore_mem>>) src(%dma_wait3A_196 : memref<20000x128xf32, #tpu.memory_space<hbm>>) dst(%arg10 : memref<128x128xf32, #tpu.memory_space<vmem>>)
      %add3A_197 = arith.constant 1 : i32
      %add3A_198 = arith.addi %add3A_172, %add3A_197 : i32
      %dma_start3A_199 = arith.constant 0 : i32
      %dma_start3A_200 = tpu.memref_slice %arg7[%add3A_198, %dma_start3A_199] : memref<84x128xi32, #tpu.memory_space<vmem>> -> memref<1x128xi32, #tpu.memory_space<vmem>>
      %dma_start3A_201 = tpu.memref_squeeze %dma_start3A_200 : memref<1x128xi32, #tpu.memory_space<vmem>> -> memref<128xi32, #tpu.memory_space<vmem>>
      %dma_start3A_202 = arith.constant 0 : i32
      %dma_start3A_203 = arith.constant 0 : i32
      %dma_start3A_204 = tpu.memref_slice %arg8[%dma_start3A_202, %dma_start3A_203] : memref<5024x128xf32, #tpu.memory_space<vmem_shared>> -> memref<5024x128xf32, #tpu.memory_space<vmem_shared>>
      tpu.enqueue_indirect_dma source(%arg10 : memref<128x128xf32, #tpu.memory_space<vmem>>) target(%dma_start3A_204 : memref<5024x128xf32, #tpu.memory_space<vmem_shared>>) offsets(%dma_start3A_201 : memref<128xi32, #tpu.memory_space<vmem>>) semaphore(%arg18 : memref<!tpu.dma_semaphore, #tpu.memory_space<semaphore_mem>>) {add = true}
      %add3A_205 = arith.constant 2 : i32
      %add3A_206 = arith.addi %add3A_172, %add3A_205 : i32
      %dma_wait3A_207 = arith.constant 0 : i32
      %dma_wait3A_208 = tpu.memref_slice %arg6[%add3A_206, %dma_wait3A_207] : memref<84x128xi32, #tpu.memory_space<vmem>> -> memref<1x128xi32, #tpu.memory_space<vmem>>
      %dma_wait3A_209 = tpu.memref_squeeze %dma_wait3A_208 : memref<1x128xi32, #tpu.memory_space<vmem>> -> memref<128xi32, #tpu.memory_space<vmem>>
      %dma_wait3A_210 = arith.constant 0 : i32
      %dma_wait3A_211 = arith.constant 0 : i32
      %dma_wait3A_212 = tpu.memref_slice %arg2[%dma_wait3A_210, %dma_wait3A_211] : memref<20000x128xf32, #tpu.memory_space<hbm>> -> memref<20000x128xf32, #tpu.memory_space<hbm>>
      tpu.wait_indirect_dma semaphore(%arg15 : memref<!tpu.dma_semaphore, #tpu.memory_space<semaphore_mem>>) src(%dma_wait3A_212 : memref<20000x128xf32, #tpu.memory_space<hbm>>) dst(%arg11 : memref<128x128xf32, #tpu.memory_space<vmem>>)
      %add3A_213 = arith.constant 2 : i32
      %add3A_214 = arith.addi %add3A_172, %add3A_213 : i32
      %dma_start3A_215 = arith.constant 0 : i32
      %dma_start3A_216 = tpu.memref_slice %arg7[%add3A_214, %dma_start3A_215] : memref<84x128xi32, #tpu.memory_space<vmem>> -> memref<1x128xi32, #tpu.memory_space<vmem>>
      %dma_start3A_217 = tpu.memref_squeeze %dma_start3A_216 : memref<1x128xi32, #tpu.memory_space<vmem>> -> memref<128xi32, #tpu.memory_space<vmem>>
      %dma_start3A_218 = arith.constant 0 : i32
      %dma_start3A_219 = arith.constant 0 : i32
      %dma_start3A_220 = tpu.memref_slice %arg8[%dma_start3A_218, %dma_start3A_219] : memref<5024x128xf32, #tpu.memory_space<vmem_shared>> -> memref<5024x128xf32, #tpu.memory_space<vmem_shared>>
      tpu.enqueue_indirect_dma source(%arg11 : memref<128x128xf32, #tpu.memory_space<vmem>>) target(%dma_start3A_220 : memref<5024x128xf32, #tpu.memory_space<vmem_shared>>) offsets(%dma_start3A_217 : memref<128xi32, #tpu.memory_space<vmem>>) semaphore(%arg19 : memref<!tpu.dma_semaphore, #tpu.memory_space<semaphore_mem>>) {add = true}
      %add3A_221 = arith.constant 3 : i32
      %add3A_222 = arith.addi %add3A_172, %add3A_221 : i32
      %dma_wait3A_223 = arith.constant 0 : i32
      %dma_wait3A_224 = tpu.memref_slice %arg6[%add3A_222, %dma_wait3A_223] : memref<84x128xi32, #tpu.memory_space<vmem>> -> memref<1x128xi32, #tpu.memory_space<vmem>>
      %dma_wait3A_225 = tpu.memref_squeeze %dma_wait3A_224 : memref<1x128xi32, #tpu.memory_space<vmem>> -> memref<128xi32, #tpu.memory_space<vmem>>
      %dma_wait3A_226 = arith.constant 0 : i32
      %dma_wait3A_227 = arith.constant 0 : i32
      %dma_wait3A_228 = tpu.memref_slice %arg2[%dma_wait3A_226, %dma_wait3A_227] : memref<20000x128xf32, #tpu.memory_space<hbm>> -> memref<20000x128xf32, #tpu.memory_space<hbm>>
      tpu.wait_indirect_dma semaphore(%arg16 : memref<!tpu.dma_semaphore, #tpu.memory_space<semaphore_mem>>) src(%dma_wait3A_228 : memref<20000x128xf32, #tpu.memory_space<hbm>>) dst(%arg12 : memref<128x128xf32, #tpu.memory_space<vmem>>)
      %add3A_229 = arith.constant 3 : i32
      %add3A_230 = arith.addi %add3A_172, %add3A_229 : i32
      %dma_start3A_231 = arith.constant 0 : i32
      %dma_start3A_232 = tpu.memref_slice %arg7[%add3A_230, %dma_start3A_231] : memref<84x128xi32, #tpu.memory_space<vmem>> -> memref<1x128xi32, #tpu.memory_space<vmem>>
      %dma_start3A_233 = tpu.memref_squeeze %dma_start3A_232 : memref<1x128xi32, #tpu.memory_space<vmem>> -> memref<128xi32, #tpu.memory_space<vmem>>
      %dma_start3A_234 = arith.constant 0 : i32
      %dma_start3A_235 = arith.constant 0 : i32
      %dma_start3A_236 = tpu.memref_slice %arg8[%dma_start3A_234, %dma_start3A_235] : memref<5024x128xf32, #tpu.memory_space<vmem_shared>> -> memref<5024x128xf32, #tpu.memory_space<vmem_shared>>
      tpu.enqueue_indirect_dma source(%arg12 : memref<128x128xf32, #tpu.memory_space<vmem>>) target(%dma_start3A_236 : memref<5024x128xf32, #tpu.memory_space<vmem_shared>>) offsets(%dma_start3A_233 : memref<128xi32, #tpu.memory_space<vmem>>) semaphore(%arg20 : memref<!tpu.dma_semaphore, #tpu.memory_space<semaphore_mem>>) {add = true}
      %add3A_237 = arith.constant 4 : i32
      %add3A_238 = arith.addi %add3A_172, %add3A_237 : i32
      %add3A_239 = arith.constant 0 : i32
      %add3A_240 = arith.addi %add3A_238, %add3A_239 : i32
      %lt3A = arith.constant 84 : i32
      %lt3A_241 = arith.cmpi slt, %add3A_240, %lt3A : i32
      %convert_element_type3A_242 = arith.extui %lt3A_241 : i1 to i32
      %cond3A_243 = arith.constant 0 : i32
      %cond3A_244 = arith.cmpi ne, %convert_element_type3A_242, %cond3A_243 : i32
      scf.if %cond3A_244 {
        %dma_wait3A_272 = arith.constant 0 : i32
        %dma_wait3A_273 = arith.constant 0 : i32
        %dma_wait3A_274 = tpu.memref_slice %arg7[%dma_wait3A_272, %dma_wait3A_273] : memref<84x128xi32, #tpu.memory_space<vmem>> -> memref<1x128xi32, #tpu.memory_space<vmem>>
        %dma_wait3A_275 = tpu.memref_squeeze %dma_wait3A_274 : memref<1x128xi32, #tpu.memory_space<vmem>> -> memref<128xi32, #tpu.memory_space<vmem>>
        %dma_wait3A_276 = arith.constant 0 : i32
        %dma_wait3A_277 = arith.constant 0 : i32
        %dma_wait3A_278 = tpu.memref_slice %arg8[%dma_wait3A_276, %dma_wait3A_277] : memref<5024x128xf32, #tpu.memory_space<vmem_shared>> -> memref<5024x128xf32, #tpu.memory_space<vmem_shared>>
        tpu.wait_indirect_dma semaphore(%arg17 : memref<!tpu.dma_semaphore, #tpu.memory_space<semaphore_mem>>) src(%arg9 : memref<128x128xf32, #tpu.memory_space<vmem>>) dst(%dma_wait3A_278 : memref<5024x128xf32, #tpu.memory_space<vmem_shared>>)
        %add3A_279 = arith.constant 4 : i32
        %add3A_280 = arith.addi %add3A_172, %add3A_279 : i32
        %add3A_281 = arith.constant 0 : i32
        %add3A_282 = arith.addi %add3A_280, %add3A_281 : i32
        %dma_start3A_283 = arith.constant 0 : i32
        %dma_start3A_284 = tpu.memref_slice %arg6[%add3A_282, %dma_start3A_283] : memref<84x128xi32, #tpu.memory_space<vmem>> -> memref<1x128xi32, #tpu.memory_space<vmem>>
        %dma_start3A_285 = tpu.memref_squeeze %dma_start3A_284 : memref<1x128xi32, #tpu.memory_space<vmem>> -> memref<128xi32, #tpu.memory_space<vmem>>
        %dma_start3A_286 = arith.constant 0 : i32
        %dma_start3A_287 = arith.constant 0 : i32
        %dma_start3A_288 = tpu.memref_slice %arg2[%dma_start3A_286, %dma_start3A_287] : memref<20000x128xf32, #tpu.memory_space<hbm>> -> memref<20000x128xf32, #tpu.memory_space<hbm>>
        tpu.enqueue_indirect_dma source(%dma_start3A_288 : memref<20000x128xf32, #tpu.memory_space<hbm>>) target(%arg9 : memref<128x128xf32, #tpu.memory_space<vmem>>) offsets(%dma_start3A_285 : memref<128xi32, #tpu.memory_space<vmem>>) semaphore(%arg13 : memref<!tpu.dma_semaphore, #tpu.memory_space<semaphore_mem>>)
      } else {
      }
      %add3A_245 = arith.constant 4 : i32
      %add3A_246 = arith.addi %add3A_172, %add3A_245 : i32
      %add3A_247 = arith.constant 1 : i32
      %add3A_248 = arith.addi %add3A_246, %add3A_247 : i32
      %lt3A_249 = arith.constant 84 : i32
      %lt3A_250 = arith.cmpi slt, %add3A_248, %lt3A_249 : i32
      %convert_element_type3A_251 = arith.extui %lt3A_250 : i1 to i32
      %cond3A_252 = arith.constant 0 : i32
      %cond3A_253 = arith.cmpi ne, %convert_element_type3A_251, %cond3A_252 : i32
      scf.if %cond3A_253 {
        %dma_wait3A_272 = arith.constant 0 : i32
        %dma_wait3A_273 = arith.constant 0 : i32
        %dma_wait3A_274 = tpu.memref_slice %arg7[%dma_wait3A_272, %dma_wait3A_273] : memref<84x128xi32, #tpu.memory_space<vmem>> -> memref<1x128xi32, #tpu.memory_space<vmem>>
        %dma_wait3A_275 = tpu.memref_squeeze %dma_wait3A_274 : memref<1x128xi32, #tpu.memory_space<vmem>> -> memref<128xi32, #tpu.memory_space<vmem>>
        %dma_wait3A_276 = arith.constant 0 : i32
        %dma_wait3A_277 = arith.constant 0 : i32
        %dma_wait3A_278 = tpu.memref_slice %arg8[%dma_wait3A_276, %dma_wait3A_277] : memref<5024x128xf32, #tpu.memory_space<vmem_shared>> -> memref<5024x128xf32, #tpu.memory_space<vmem_shared>>
        tpu.wait_indirect_dma semaphore(%arg18 : memref<!tpu.dma_semaphore, #tpu.memory_space<semaphore_mem>>) src(%arg10 : memref<128x128xf32, #tpu.memory_space<vmem>>) dst(%dma_wait3A_278 : memref<5024x128xf32, #tpu.memory_space<vmem_shared>>)
        %add3A_279 = arith.constant 4 : i32
        %add3A_280 = arith.addi %add3A_172, %add3A_279 : i32
        %add3A_281 = arith.constant 1 : i32
        %add3A_282 = arith.addi %add3A_280, %add3A_281 : i32
        %dma_start3A_283 = arith.constant 0 : i32
        %dma_start3A_284 = tpu.memref_slice %arg6[%add3A_282, %dma_start3A_283] : memref<84x128xi32, #tpu.memory_space<vmem>> -> memref<1x128xi32, #tpu.memory_space<vmem>>
        %dma_start3A_285 = tpu.memref_squeeze %dma_start3A_284 : memref<1x128xi32, #tpu.memory_space<vmem>> -> memref<128xi32, #tpu.memory_space<vmem>>
        %dma_start3A_286 = arith.constant 0 : i32
        %dma_start3A_287 = arith.constant 0 : i32
        %dma_start3A_288 = tpu.memref_slice %arg2[%dma_start3A_286, %dma_start3A_287] : memref<20000x128xf32, #tpu.memory_space<hbm>> -> memref<20000x128xf32, #tpu.memory_space<hbm>>
        tpu.enqueue_indirect_dma source(%dma_start3A_288 : memref<20000x128xf32, #tpu.memory_space<hbm>>) target(%arg10 : memref<128x128xf32, #tpu.memory_space<vmem>>) offsets(%dma_start3A_285 : memref<128xi32, #tpu.memory_space<vmem>>) semaphore(%arg14 : memref<!tpu.dma_semaphore, #tpu.memory_space<semaphore_mem>>)
      } else {
      }
      %add3A_254 = arith.constant 4 : i32
      %add3A_255 = arith.addi %add3A_172, %add3A_254 : i32
      %add3A_256 = arith.constant 2 : i32
      %add3A_257 = arith.addi %add3A_255, %add3A_256 : i32
      %lt3A_258 = arith.constant 84 : i32
      %lt3A_259 = arith.cmpi slt, %add3A_257, %lt3A_258 : i32
      %convert_element_type3A_260 = arith.extui %lt3A_259 : i1 to i32
      %cond3A_261 = arith.constant 0 : i32
      %cond3A_262 = arith.cmpi ne, %convert_element_type3A_260, %cond3A_261 : i32
      scf.if %cond3A_262 {
        %dma_wait3A_272 = arith.constant 0 : i32
        %dma_wait3A_273 = arith.constant 0 : i32
        %dma_wait3A_274 = tpu.memref_slice %arg7[%dma_wait3A_272, %dma_wait3A_273] : memref<84x128xi32, #tpu.memory_space<vmem>> -> memref<1x128xi32, #tpu.memory_space<vmem>>
        %dma_wait3A_275 = tpu.memref_squeeze %dma_wait3A_274 : memref<1x128xi32, #tpu.memory_space<vmem>> -> memref<128xi32, #tpu.memory_space<vmem>>
        %dma_wait3A_276 = arith.constant 0 : i32
        %dma_wait3A_277 = arith.constant 0 : i32
        %dma_wait3A_278 = tpu.memref_slice %arg8[%dma_wait3A_276, %dma_wait3A_277] : memref<5024x128xf32, #tpu.memory_space<vmem_shared>> -> memref<5024x128xf32, #tpu.memory_space<vmem_shared>>
        tpu.wait_indirect_dma semaphore(%arg19 : memref<!tpu.dma_semaphore, #tpu.memory_space<semaphore_mem>>) src(%arg11 : memref<128x128xf32, #tpu.memory_space<vmem>>) dst(%dma_wait3A_278 : memref<5024x128xf32, #tpu.memory_space<vmem_shared>>)
        %add3A_279 = arith.constant 4 : i32
        %add3A_280 = arith.addi %add3A_172, %add3A_279 : i32
        %add3A_281 = arith.constant 2 : i32
        %add3A_282 = arith.addi %add3A_280, %add3A_281 : i32
        %dma_start3A_283 = arith.constant 0 : i32
        %dma_start3A_284 = tpu.memref_slice %arg6[%add3A_282, %dma_start3A_283] : memref<84x128xi32, #tpu.memory_space<vmem>> -> memref<1x128xi32, #tpu.memory_space<vmem>>
        %dma_start3A_285 = tpu.memref_squeeze %dma_start3A_284 : memref<1x128xi32, #tpu.memory_space<vmem>> -> memref<128xi32, #tpu.memory_space<vmem>>
        %dma_start3A_286 = arith.constant 0 : i32
        %dma_start3A_287 = arith.constant 0 : i32
        %dma_start3A_288 = tpu.memref_slice %arg2[%dma_start3A_286, %dma_start3A_287] : memref<20000x128xf32, #tpu.memory_space<hbm>> -> memref<20000x128xf32, #tpu.memory_space<hbm>>
        tpu.enqueue_indirect_dma source(%dma_start3A_288 : memref<20000x128xf32, #tpu.memory_space<hbm>>) target(%arg11 : memref<128x128xf32, #tpu.memory_space<vmem>>) offsets(%dma_start3A_285 : memref<128xi32, #tpu.memory_space<vmem>>) semaphore(%arg15 : memref<!tpu.dma_semaphore, #tpu.memory_space<semaphore_mem>>)
      } else {
      }
      %add3A_263 = arith.constant 4 : i32
      %add3A_264 = arith.addi %add3A_172, %add3A_263 : i32
      %add3A_265 = arith.constant 3 : i32
      %add3A_266 = arith.addi %add3A_264, %add3A_265 : i32
      %lt3A_267 = arith.constant 84 : i32
      %lt3A_268 = arith.cmpi slt, %add3A_266, %lt3A_267 : i32
      %convert_element_type3A_269 = arith.extui %lt3A_268 : i1 to i32
      %cond3A_270 = arith.constant 0 : i32
      %cond3A_271 = arith.cmpi ne, %convert_element_type3A_269, %cond3A_270 : i32
      scf.if %cond3A_271 {
        %dma_wait3A_272 = arith.constant 0 : i32
        %dma_wait3A_273 = arith.constant 0 : i32
        %dma_wait3A_274 = tpu.memref_slice %arg7[%dma_wait3A_272, %dma_wait3A_273] : memref<84x128xi32, #tpu.memory_space<vmem>> -> memref<1x128xi32, #tpu.memory_space<vmem>>
        %dma_wait3A_275 = tpu.memref_squeeze %dma_wait3A_274 : memref<1x128xi32, #tpu.memory_space<vmem>> -> memref<128xi32, #tpu.memory_space<vmem>>
        %dma_wait3A_276 = arith.constant 0 : i32
        %dma_wait3A_277 = arith.constant 0 : i32
        %dma_wait3A_278 = tpu.memref_slice %arg8[%dma_wait3A_276, %dma_wait3A_277] : memref<5024x128xf32, #tpu.memory_space<vmem_shared>> -> memref<5024x128xf32, #tpu.memory_space<vmem_shared>>
        tpu.wait_indirect_dma semaphore(%arg20 : memref<!tpu.dma_semaphore, #tpu.memory_space<semaphore_mem>>) src(%arg12 : memref<128x128xf32, #tpu.memory_space<vmem>>) dst(%dma_wait3A_278 : memref<5024x128xf32, #tpu.memory_space<vmem_shared>>)
        %add3A_279 = arith.constant 4 : i32
        %add3A_280 = arith.addi %add3A_172, %add3A_279 : i32
        %add3A_281 = arith.constant 3 : i32
        %add3A_282 = arith.addi %add3A_280, %add3A_281 : i32
        %dma_start3A_283 = arith.constant 0 : i32
        %dma_start3A_284 = tpu.memref_slice %arg6[%add3A_282, %dma_start3A_283] : memref<84x128xi32, #tpu.memory_space<vmem>> -> memref<1x128xi32, #tpu.memory_space<vmem>>
        %dma_start3A_285 = tpu.memref_squeeze %dma_start3A_284 : memref<1x128xi32, #tpu.memory_space<vmem>> -> memref<128xi32, #tpu.memory_space<vmem>>
        %dma_start3A_286 = arith.constant 0 : i32
        %dma_start3A_287 = arith.constant 0 : i32
        %dma_start3A_288 = tpu.memref_slice %arg2[%dma_start3A_286, %dma_start3A_287] : memref<20000x128xf32, #tpu.memory_space<hbm>> -> memref<20000x128xf32, #tpu.memory_space<hbm>>
        tpu.enqueue_indirect_dma source(%dma_start3A_288 : memref<20000x128xf32, #tpu.memory_space<hbm>>) target(%arg12 : memref<128x128xf32, #tpu.memory_space<vmem>>) offsets(%dma_start3A_285 : memref<128xi32, #tpu.memory_space<vmem>>) semaphore(%arg16 : memref<!tpu.dma_semaphore, #tpu.memory_space<semaphore_mem>>)
      } else {
      }
    }
    %scan3A_128 = arith.constant 21 : i32
    %dma_wait3A_129 = arith.constant 0 : i32
    %dma_wait3A_130 = arith.constant 0 : i32
    %dma_wait3A_131 = tpu.memref_slice %arg7[%dma_wait3A_129, %dma_wait3A_130] : memref<84x128xi32, #tpu.memory_space<vmem>> -> memref<1x128xi32, #tpu.memory_space<vmem>>
    %dma_wait3A_132 = tpu.memref_squeeze %dma_wait3A_131 : memref<1x128xi32, #tpu.memory_space<vmem>> -> memref<128xi32, #tpu.memory_space<vmem>>
    %dma_wait3A_133 = arith.constant 0 : i32
    %dma_wait3A_134 = arith.constant 0 : i32
    %dma_wait3A_135 = tpu.memref_slice %arg8[%dma_wait3A_133, %dma_wait3A_134] : memref<5024x128xf32, #tpu.memory_space<vmem_shared>> -> memref<5024x128xf32, #tpu.memory_space<vmem_shared>>
    tpu.wait_indirect_dma semaphore(%arg17 : memref<!tpu.dma_semaphore, #tpu.memory_space<semaphore_mem>>) src(%arg9 : memref<128x128xf32, #tpu.memory_space<vmem>>) dst(%dma_wait3A_135 : memref<5024x128xf32, #tpu.memory_space<vmem_shared>>)
    %dma_wait3A_136 = arith.constant 0 : i32
    %dma_wait3A_137 = arith.constant 0 : i32
    %dma_wait3A_138 = tpu.memref_slice %arg7[%dma_wait3A_136, %dma_wait3A_137] : memref<84x128xi32, #tpu.memory_space<vmem>> -> memref<1x128xi32, #tpu.memory_space<vmem>>
    %dma_wait3A_139 = tpu.memref_squeeze %dma_wait3A_138 : memref<1x128xi32, #tpu.memory_space<vmem>> -> memref<128xi32, #tpu.memory_space<vmem>>
    %dma_wait3A_140 = arith.constant 0 : i32
    %dma_wait3A_141 = arith.constant 0 : i32
    %dma_wait3A_142 = tpu.memref_slice %arg8[%dma_wait3A_140, %dma_wait3A_141] : memref<5024x128xf32, #tpu.memory_space<vmem_shared>> -> memref<5024x128xf32, #tpu.memory_space<vmem_shared>>
    tpu.wait_indirect_dma semaphore(%arg18 : memref<!tpu.dma_semaphore, #tpu.memory_space<semaphore_mem>>) src(%arg10 : memref<128x128xf32, #tpu.memory_space<vmem>>) dst(%dma_wait3A_142 : memref<5024x128xf32, #tpu.memory_space<vmem_shared>>)
    %dma_wait3A_143 = arith.constant 0 : i32
    %dma_wait3A_144 = arith.constant 0 : i32
    %dma_wait3A_145 = tpu.memref_slice %arg7[%dma_wait3A_143, %dma_wait3A_144] : memref<84x128xi32, #tpu.memory_space<vmem>> -> memref<1x128xi32, #tpu.memory_space<vmem>>
    %dma_wait3A_146 = tpu.memref_squeeze %dma_wait3A_145 : memref<1x128xi32, #tpu.memory_space<vmem>> -> memref<128xi32, #tpu.memory_space<vmem>>
    %dma_wait3A_147 = arith.constant 0 : i32
    %dma_wait3A_148 = arith.constant 0 : i32
    %dma_wait3A_149 = tpu.memref_slice %arg8[%dma_wait3A_147, %dma_wait3A_148] : memref<5024x128xf32, #tpu.memory_space<vmem_shared>> -> memref<5024x128xf32, #tpu.memory_space<vmem_shared>>
    tpu.wait_indirect_dma semaphore(%arg19 : memref<!tpu.dma_semaphore, #tpu.memory_space<semaphore_mem>>) src(%arg11 : memref<128x128xf32, #tpu.memory_space<vmem>>) dst(%dma_wait3A_149 : memref<5024x128xf32, #tpu.memory_space<vmem_shared>>)
    %dma_wait3A_150 = arith.constant 0 : i32
    %dma_wait3A_151 = arith.constant 0 : i32
    %dma_wait3A_152 = tpu.memref_slice %arg7[%dma_wait3A_150, %dma_wait3A_151] : memref<84x128xi32, #tpu.memory_space<vmem>> -> memref<1x128xi32, #tpu.memory_space<vmem>>
    %dma_wait3A_153 = tpu.memref_squeeze %dma_wait3A_152 : memref<1x128xi32, #tpu.memory_space<vmem>> -> memref<128xi32, #tpu.memory_space<vmem>>
    %dma_wait3A_154 = arith.constant 0 : i32
    %dma_wait3A_155 = arith.constant 0 : i32
    %dma_wait3A_156 = tpu.memref_slice %arg8[%dma_wait3A_154, %dma_wait3A_155] : memref<5024x128xf32, #tpu.memory_space<vmem_shared>> -> memref<5024x128xf32, #tpu.memory_space<vmem_shared>>
    tpu.wait_indirect_dma semaphore(%arg20 : memref<!tpu.dma_semaphore, #tpu.memory_space<semaphore_mem>>) src(%arg12 : memref<128x128xf32, #tpu.memory_space<vmem>>) dst(%dma_wait3A_156 : memref<5024x128xf32, #tpu.memory_space<vmem_shared>>)
    %barrier3A_157 = arith.constant 0 : index
    tpu.barrier barrier_id(%barrier3A_157)
    %mul3A_158 = arith.constant 304 : i32
    %mul3A_159 = arith.muli %arg1, %mul3A_158 : i32
    %add3A_160 = arith.constant 0 : i32
    %add3A_161 = arith.addi %add3A_160, %mul3A_159 : i32
    %add3A_162 = arith.addi %add3A_82, %mul3A_159 : i32
    "tpu.region"() ({
      %run_scoped3A_168 = tpu.sem_alloc : memref<!tpu.dma_semaphore, #tpu.memory_space<semaphore_mem>>
      %dma_start3A_169 = arith.constant 0 : i32
      %dma_start3A_170 = tpu.memref_slice %arg5[%add3A_162, %dma_start3A_169] : memref<20000x128xf32, #tpu.memory_space<hbm>> -> memref<304x128xf32, #tpu.memory_space<hbm>>
      %dma_start3A_171 = arith.constant 0 : i32
      %dma_start3A_172 = tpu.memref_slice %arg8[%add3A_161, %dma_start3A_171] : memref<5024x128xf32, #tpu.memory_space<vmem_shared>> -> memref<304x128xf32, #tpu.memory_space<vmem_shared>>
      tpu.enqueue_dma source(%dma_start3A_172 : memref<304x128xf32, #tpu.memory_space<vmem_shared>>) target(%dma_start3A_170 : memref<304x128xf32, #tpu.memory_space<hbm>>) target_semaphore(%run_scoped3A_168 : memref<!tpu.dma_semaphore, #tpu.memory_space<semaphore_mem>>)
      %dma_wait3A_173 = arith.constant 0 : i32
      %dma_wait3A_174 = tpu.memref_slice %arg5[%add3A_162, %dma_wait3A_173] : memref<20000x128xf32, #tpu.memory_space<hbm>> -> memref<304x128xf32, #tpu.memory_space<hbm>>
      %dma_wait3A_175 = arith.constant 0 : i32
      %dma_wait3A_176 = tpu.memref_slice %arg8[%add3A_161, %dma_wait3A_175] : memref<5024x128xf32, #tpu.memory_space<vmem_shared>> -> memref<304x128xf32, #tpu.memory_space<vmem_shared>>
      tpu.wait_dma2 semaphore(%run_scoped3A_168 : memref<!tpu.dma_semaphore, #tpu.memory_space<semaphore_mem>>) src(%dma_wait3A_176 : memref<304x128xf32, #tpu.memory_space<vmem_shared>>) dst(%dma_wait3A_174 : memref<304x128xf32, #tpu.memory_space<hbm>>)
      tpu.yield
    }) : () -> ()
    %eq3A_163 = arith.constant 15 : i32
    %eq3A_164 = arith.cmpi eq, %arg1, %eq3A_163 : i32
    %convert_element_type3A_165 = arith.extui %eq3A_164 : i1 to i32
    %cond3A_166 = arith.constant 0 : i32
    %cond3A_167 = arith.cmpi ne, %convert_element_type3A_165, %cond3A_166 : i32
    scf.if %cond3A_167 {
      %add3A_168 = arith.constant 4864 : i32
      %add3A_169 = arith.addi %add3A_82, %add3A_168 : i32
      "tpu.region"() ({
        %run_scoped3A_170 = tpu.sem_alloc : memref<!tpu.dma_semaphore, #tpu.memory_space<semaphore_mem>>
        %dma_start3A_171 = arith.constant 0 : i32
        %dma_start3A_172 = tpu.memref_slice %arg5[%add3A_169, %dma_start3A_171] : memref<20000x128xf32, #tpu.memory_space<hbm>> -> memref<144x128xf32, #tpu.memory_space<hbm>>
        %dma_start3A_173 = arith.constant 4864 : i32
        %dma_start3A_174 = arith.constant 0 : i32
        %dma_start3A_175 = tpu.memref_slice %arg8[%dma_start3A_173, %dma_start3A_174] : memref<5024x128xf32, #tpu.memory_space<vmem_shared>> -> memref<144x128xf32, #tpu.memory_space<vmem_shared>>
        tpu.enqueue_dma source(%dma_start3A_175 : memref<144x128xf32, #tpu.memory_space<vmem_shared>>) target(%dma_start3A_172 : memref<144x128xf32, #tpu.memory_space<hbm>>) target_semaphore(%run_scoped3A_170 : memref<!tpu.dma_semaphore, #tpu.memory_space<semaphore_mem>>)
        %dma_wait3A_176 = arith.constant 0 : i32
        %dma_wait3A_177 = tpu.memref_slice %arg5[%add3A_169, %dma_wait3A_176] : memref<20000x128xf32, #tpu.memory_space<hbm>> -> memref<144x128xf32, #tpu.memory_space<hbm>>
        %dma_wait3A_178 = arith.constant 4864 : i32
        %dma_wait3A_179 = arith.constant 0 : i32
        %dma_wait3A_180 = tpu.memref_slice %arg8[%dma_wait3A_178, %dma_wait3A_179] : memref<5024x128xf32, #tpu.memory_space<vmem_shared>> -> memref<144x128xf32, #tpu.memory_space<vmem_shared>>
        tpu.wait_dma2 semaphore(%run_scoped3A_170 : memref<!tpu.dma_semaphore, #tpu.memory_space<semaphore_mem>>) src(%dma_wait3A_180 : memref<144x128xf32, #tpu.memory_space<vmem_shared>>) dst(%dma_wait3A_177 : memref<144x128xf32, #tpu.memory_space<hbm>>)
        tpu.yield
      }) : () -> ()
    } else {
    }
    return
  }
}

module attributes {stable_mosaic.version = 14 : i64} {
  func.func @_tc1_body(%arg0: i32, %arg1: memref<1000x128xf32, #tpu.memory_space<vmem>>, %arg2: memref<1000x128xf32, #tpu.memory_space<vmem>>, %arg3: memref<128x256xf32, #tpu.memory_space<vmem>>, %arg4: memref<2x1000x128xf32, #tpu.memory_space<vmem>>) attributes {dimension_semantics = [#tpu.dimension_semantics<arbitrary>], iteration_bounds = array<i64: 10>, scalar_prefetch = 0 : i64, scratch_operands = 0 : i64, tpu.core_type = #tpu.core_type<tc>, window_params = [{transform_indices = @transform_0, window_bounds = array<i64: 1000, 128>}, {transform_indices = @transform_1, window_bounds = array<i64: 1000, 128>}, {pipeline_mode = #tpu.pipeline_mode<synchronous>, transform_indices = @transform_2, window_bounds = array<i64: 128, 256>}, {transform_indices = @transform_3, window_bounds = array<i64: 2, 1000, 128>}]} {
    %get3A = arith.constant 0 : index
    %get3A_0 = arith.constant 0 : index
    %get3A_1 = vector.load %arg1[%get3A, %get3A_0] : memref<1000x128xf32, #tpu.memory_space<vmem>>, vector<1000x128xf32>
    %reduce_sum3A = arith.constant dense<0.000000e+00> : vector<1000xf32>
    %reduce_sum3A_2 = vector.multi_reduction <add>, %get3A_1, %reduce_sum3A [1] : vector<1000x128xf32> to vector<1000xf32>
    %mul3A = arith.constant 7.812500e-03 : f32
    %mul3A_3 = vector.broadcast %mul3A : f32 to vector<1000xf32>
    %mul3A_4 = arith.mulf %reduce_sum3A_2, %mul3A_3 : vector<1000xf32>
    %add3A = arith.constant 1.000000e+00 : f32
    %add3A_5 = vector.broadcast %add3A : f32 to vector<1000xf32>
    %add3A_6 = arith.addf %mul3A_4, %add3A_5 : vector<1000xf32>
    %rsqrt3A = math.rsqrt %add3A_6 : vector<1000xf32>
    %broadcast_in_dim3A = vector.shape_cast %rsqrt3A : vector<1000xf32> to vector<1000x1xf32>
    %get3A_7 = arith.constant 0 : index
    %get3A_8 = arith.constant 0 : index
    %get3A_9 = vector.load %arg2[%get3A_7, %get3A_8] : memref<1000x128xf32, #tpu.memory_space<vmem>>, vector<1000x128xf32>
    %get3A_10 = arith.constant 0 : index
    %get3A_11 = arith.constant 0 : index
    %get3A_12 = vector.load %arg3[%get3A_10, %get3A_11] : memref<128x256xf32, #tpu.memory_space<vmem>>, vector<128x256xf32>
    %dot_general3A = arith.constant dense<0.000000e+00> : vector<1000x256xf32>
    %dot_general3A_13 = tpu.matmul %get3A_9, %get3A_12, %dot_general3A {dimension_numbers = #tpu.dot_dimension_numbers<[1], [0], [0], [1], [0, 0, 1, 1], [], []>, transpose_lhs_hint = false} : vector<1000x128xf32>, vector<128x256xf32>, vector<1000x256xf32> -> vector<1000x256xf32>
    %mul3A_14 = vector.broadcast %broadcast_in_dim3A : vector<1000x1xf32> to vector<1000x256xf32>
    %mul3A_15 = arith.mulf %dot_general3A_13, %mul3A_14 : vector<1000x256xf32>
    %slice3A = vector.extract_strided_slice %mul3A_15 {offsets = [0, 0], sizes = [1000, 128], strides = [1, 1]} : vector<1000x256xf32> to vector<1000x128xf32>
    %swap3A = arith.constant 0 : index
    %swap3A_16 = arith.constant 0 : index
    %swap3A_17 = arith.constant 0 : index
    %swap3A_18 = vector.load %arg4[%swap3A, %swap3A_16, %swap3A_17] : memref<2x1000x128xf32, #tpu.memory_space<vmem>>, vector<1x1000x128xf32>
    %swap3A_19 = vector.shape_cast %swap3A_18 : vector<1x1000x128xf32> to vector<1000x128xf32>
    %swap3A_20 = vector.shape_cast %slice3A : vector<1000x128xf32> to vector<1x1000x128xf32>
    tpu.vector_store %arg4[%swap3A, %swap3A_16, %swap3A_17], %swap3A_20 {strides = array<i32>} : memref<2x1000x128xf32, #tpu.memory_space<vmem>>, vector<1x1000x128xf32>,
    %slice3A_21 = vector.extract_strided_slice %mul3A_15 {offsets = [0, 128], sizes = [1000, 128], strides = [1, 1]} : vector<1000x256xf32> to vector<1000x128xf32>
    %swap3A_22 = arith.constant 1 : index
    %swap3A_23 = arith.constant 0 : index
    %swap3A_24 = arith.constant 0 : index
    %swap3A_25 = vector.load %arg4[%swap3A_22, %swap3A_23, %swap3A_24] : memref<2x1000x128xf32, #tpu.memory_space<vmem>>, vector<1x1000x128xf32>
    %swap3A_26 = vector.shape_cast %swap3A_25 : vector<1x1000x128xf32> to vector<1000x128xf32>
    %swap3A_27 = vector.shape_cast %slice3A_21 : vector<1000x128xf32> to vector<1x1000x128xf32>
    tpu.vector_store %arg4[%swap3A_22, %swap3A_23, %swap3A_24], %swap3A_27 {strides = array<i32>} : memref<2x1000x128xf32, #tpu.memory_space<vmem>>, vector<1x1000x128xf32>,
    return
  }
  func.func @transform_0(%arg0: i32) -> (i32, i32) {
    %c0_i32 = arith.constant 0 : i32
    %c0_i32_0 = arith.constant 0 : i32
    return %arg0, %c0_i32 : i32, i32
  }
  func.func @transform_1(%arg0: i32) -> (i32, i32) {
    %c0_i32 = arith.constant 0 : i32
    %c0_i32_0 = arith.constant 0 : i32
    return %arg0, %c0_i32 : i32, i32
  }
  func.func @transform_2(%arg0: i32) -> (i32, i32) {
    %c0_i32 = arith.constant 0 : i32
    %c0_i32_0 = arith.constant 0 : i32
    %c0_i32_1 = arith.constant 0 : i32
    return %c0_i32, %c0_i32_0 : i32, i32
  }
  func.func @transform_3(%arg0: i32) -> (i32, i32, i32) {
    %c0_i32 = arith.constant 0 : i32
    %c0_i32_0 = arith.constant 0 : i32
    %c0_i32_1 = arith.constant 0 : i32
    return %c0_i32, %arg0, %c0_i32_0 : i32, i32, i32
  }
}

module attributes {stable_mosaic.version = 14 : i64} {
  func.func @_tc2_body(%arg0: i32, %arg1: memref<1000x128xf32, #tpu.memory_space<vmem>>, %arg2: memref<2x1000x128xf32, #tpu.memory_space<vmem>>, %arg3: memref<1x256xf32, #tpu.memory_space<vmem>>, %arg4: memref<256x256xf32, #tpu.memory_space<vmem>>, %arg5: memref<2x1000x128xf32, #tpu.memory_space<vmem>>) attributes {dimension_semantics = [#tpu.dimension_semantics<arbitrary>], iteration_bounds = array<i64: 10>, scalar_prefetch = 0 : i64, scratch_operands = 0 : i64, tpu.core_type = #tpu.core_type<tc>, window_params = [{transform_indices = @transform_0, window_bounds = array<i64: 1000, 128>}, {transform_indices = @transform_1, window_bounds = array<i64: 2, 1000, 128>}, {pipeline_mode = #tpu.pipeline_mode<synchronous>, transform_indices = @transform_2, window_bounds = array<i64: 1, 256>}, {pipeline_mode = #tpu.pipeline_mode<synchronous>, transform_indices = @transform_3, window_bounds = array<i64: 256, 256>}, {transform_indices = @transform_4, window_bounds = array<i64: 2, 1000, 128>}]} {
    %get3A = arith.constant 0 : index
    %get3A_0 = arith.constant 0 : index
    %get3A_1 = vector.load %arg1[%get3A, %get3A_0] : memref<1000x128xf32, #tpu.memory_space<vmem>>, vector<1000x128xf32>
    %reduce_sum3A = arith.constant dense<0.000000e+00> : vector<1000xf32>
    %reduce_sum3A_2 = vector.multi_reduction <add>, %get3A_1, %reduce_sum3A [1] : vector<1000x128xf32> to vector<1000xf32>
    %mul3A = arith.constant 7.812500e-03 : f32
    %mul3A_3 = vector.broadcast %mul3A : f32 to vector<1000xf32>
    %mul3A_4 = arith.mulf %reduce_sum3A_2, %mul3A_3 : vector<1000xf32>
    %add3A = arith.constant 1.000000e+00 : f32
    %add3A_5 = vector.broadcast %add3A : f32 to vector<1000xf32>
    %add3A_6 = arith.addf %mul3A_4, %add3A_5 : vector<1000xf32>
    %rsqrt3A = math.rsqrt %add3A_6 : vector<1000xf32>
    %broadcast_in_dim3A = vector.shape_cast %rsqrt3A : vector<1000xf32> to vector<1000x1xf32>
    %get3A_7 = arith.constant 0 : index
    %get3A_8 = arith.constant 0 : index
    %get3A_9 = arith.constant 0 : index
    %get3A_10 = vector.load %arg2[%get3A_7, %get3A_8, %get3A_9] : memref<2x1000x128xf32, #tpu.memory_space<vmem>>, vector<1x1000x128xf32>
    %get3A_11 = vector.shape_cast %get3A_10 : vector<1x1000x128xf32> to vector<1000x128xf32>
    %get3A_12 = arith.constant 1 : index
    %get3A_13 = arith.constant 0 : index
    %get3A_14 = arith.constant 0 : index
    %get3A_15 = vector.load %arg2[%get3A_12, %get3A_13, %get3A_14] : memref<2x1000x128xf32, #tpu.memory_space<vmem>>, vector<1x1000x128xf32>
    %get3A_16 = vector.shape_cast %get3A_15 : vector<1x1000x128xf32> to vector<1000x128xf32>
    %concatenate3A = tpu.concatenate %get3A_11, %get3A_16 in 1 : vector<1000x128xf32>, vector<1000x128xf32> -> vector<1000x256xf32>
    %mul3A_17 = vector.broadcast %broadcast_in_dim3A : vector<1000x1xf32> to vector<1000x256xf32>
    %mul3A_18 = arith.mulf %concatenate3A, %mul3A_17 : vector<1000x256xf32>
    %get3A_19 = arith.constant 0 : index
    %get3A_20 = arith.constant 0 : index
    %get3A_21 = vector.load %arg3[%get3A_19, %get3A_20] : memref<1x256xf32, #tpu.memory_space<vmem>>, vector<1x256xf32>
    %add3A_22 = vector.broadcast %get3A_21 : vector<1x256xf32> to vector<1000x256xf32>
    %add3A_23 = arith.addf %mul3A_18, %add3A_22 : vector<1000x256xf32>
    %max3A = arith.constant 0.000000e+00 : f32
    %max3A_24 = vector.broadcast %max3A : f32 to vector<1000x256xf32>
    %max3A_25 = arith.maximumf %add3A_23, %max3A_24 : vector<1000x256xf32>
    %get3A_26 = arith.constant 0 : index
    %get3A_27 = arith.constant 0 : index
    %get3A_28 = vector.load %arg4[%get3A_26, %get3A_27] : memref<256x256xf32, #tpu.memory_space<vmem>>, vector<256x256xf32>
    %dot_general3A = arith.constant dense<0.000000e+00> : vector<1000x256xf32>
    %dot_general3A_29 = tpu.matmul %max3A_25, %get3A_28, %dot_general3A {dimension_numbers = #tpu.dot_dimension_numbers<[1], [0], [0], [1], [0, 0, 1, 1], [], []>, transpose_lhs_hint = false} : vector<1000x256xf32>, vector<256x256xf32>, vector<1000x256xf32> -> vector<1000x256xf32>
    %mul3A_30 = vector.broadcast %broadcast_in_dim3A : vector<1000x1xf32> to vector<1000x256xf32>
    %mul3A_31 = arith.mulf %dot_general3A_29, %mul3A_30 : vector<1000x256xf32>
    %slice3A = vector.extract_strided_slice %mul3A_31 {offsets = [0, 0], sizes = [1000, 128], strides = [1, 1]} : vector<1000x256xf32> to vector<1000x128xf32>
    %swap3A = arith.constant 0 : index
    %swap3A_32 = arith.constant 0 : index
    %swap3A_33 = arith.constant 0 : index
    %swap3A_34 = vector.load %arg5[%swap3A, %swap3A_32, %swap3A_33] : memref<2x1000x128xf32, #tpu.memory_space<vmem>>, vector<1x1000x128xf32>
    %swap3A_35 = vector.shape_cast %swap3A_34 : vector<1x1000x128xf32> to vector<1000x128xf32>
    %swap3A_36 = vector.shape_cast %slice3A : vector<1000x128xf32> to vector<1x1000x128xf32>
    tpu.vector_store %arg5[%swap3A, %swap3A_32, %swap3A_33], %swap3A_36 {strides = array<i32>} : memref<2x1000x128xf32, #tpu.memory_space<vmem>>, vector<1x1000x128xf32>,
    %slice3A_37 = vector.extract_strided_slice %mul3A_31 {offsets = [0, 128], sizes = [1000, 128], strides = [1, 1]} : vector<1000x256xf32> to vector<1000x128xf32>
    %swap3A_38 = arith.constant 1 : index
    %swap3A_39 = arith.constant 0 : index
    %swap3A_40 = arith.constant 0 : index
    %swap3A_41 = vector.load %arg5[%swap3A_38, %swap3A_39, %swap3A_40] : memref<2x1000x128xf32, #tpu.memory_space<vmem>>, vector<1x1000x128xf32>
    %swap3A_42 = vector.shape_cast %swap3A_41 : vector<1x1000x128xf32> to vector<1000x128xf32>
    %swap3A_43 = vector.shape_cast %slice3A_37 : vector<1000x128xf32> to vector<1x1000x128xf32>
    tpu.vector_store %arg5[%swap3A_38, %swap3A_39, %swap3A_40], %swap3A_43 {strides = array<i32>} : memref<2x1000x128xf32, #tpu.memory_space<vmem>>, vector<1x1000x128xf32>,
    return
  }
  func.func @transform_0(%arg0: i32) -> (i32, i32) {
    %c0_i32 = arith.constant 0 : i32
    %c0_i32_0 = arith.constant 0 : i32
    return %arg0, %c0_i32 : i32, i32
  }
  func.func @transform_1(%arg0: i32) -> (i32, i32, i32) {
    %c0_i32 = arith.constant 0 : i32
    %c0_i32_0 = arith.constant 0 : i32
    %c0_i32_1 = arith.constant 0 : i32
    return %c0_i32, %arg0, %c0_i32_0 : i32, i32, i32
  }
  func.func @transform_2(%arg0: i32) -> (i32, i32) {
    %c0_i32 = arith.constant 0 : i32
    %c0_i32_0 = arith.constant 0 : i32
    %c0_i32_1 = arith.constant 0 : i32
    return %c0_i32, %c0_i32_0 : i32, i32
  }
  func.func @transform_3(%arg0: i32) -> (i32, i32) {
    %c0_i32 = arith.constant 0 : i32
    %c0_i32_0 = arith.constant 0 : i32
    %c0_i32_1 = arith.constant 0 : i32
    return %c0_i32, %c0_i32_0 : i32, i32
  }
  func.func @transform_4(%arg0: i32) -> (i32, i32, i32) {
    %c0_i32 = arith.constant 0 : i32
    %c0_i32_0 = arith.constant 0 : i32
    %c0_i32_1 = arith.constant 0 : i32
    return %c0_i32, %arg0, %c0_i32_0 : i32, i32, i32
  }
}

module attributes {stable_mosaic.version = 14 : i64} {
  func.func @_tc3_body(%arg0: i32, %arg1: memref<1000x128xf32, #tpu.memory_space<vmem>>, %arg2: memref<2x1000x128xf32, #tpu.memory_space<vmem>>, %arg3: memref<1x256xf32, #tpu.memory_space<vmem>>, %arg4: memref<256x128xf32, #tpu.memory_space<vmem>>, %arg5: memref<1x128xf32, #tpu.memory_space<vmem>>, %arg6: memref<1000x128xf32, #tpu.memory_space<vmem>>) attributes {dimension_semantics = [#tpu.dimension_semantics<arbitrary>], iteration_bounds = array<i64: 10>, scalar_prefetch = 0 : i64, scratch_operands = 0 : i64, tpu.core_type = #tpu.core_type<tc>, window_params = [{transform_indices = @transform_0, window_bounds = array<i64: 1000, 128>}, {transform_indices = @transform_1, window_bounds = array<i64: 2, 1000, 128>}, {pipeline_mode = #tpu.pipeline_mode<synchronous>, transform_indices = @transform_2, window_bounds = array<i64: 1, 256>}, {pipeline_mode = #tpu.pipeline_mode<synchronous>, transform_indices = @transform_3, window_bounds = array<i64: 256, 128>}, {pipeline_mode = #tpu.pipeline_mode<synchronous>, transform_indices = @transform_4, window_bounds = array<i64: 1, 128>}, {transform_indices = @transform_5, window_bounds = array<i64: 1000, 128>}]} {
    %get3A = arith.constant 0 : index
    %get3A_0 = arith.constant 0 : index
    %get3A_1 = vector.load %arg1[%get3A, %get3A_0] : memref<1000x128xf32, #tpu.memory_space<vmem>>, vector<1000x128xf32>
    %reduce_sum3A = arith.constant dense<0.000000e+00> : vector<1000xf32>
    %reduce_sum3A_2 = vector.multi_reduction <add>, %get3A_1, %reduce_sum3A [1] : vector<1000x128xf32> to vector<1000xf32>
    %mul3A = arith.constant 7.812500e-03 : f32
    %mul3A_3 = vector.broadcast %mul3A : f32 to vector<1000xf32>
    %mul3A_4 = arith.mulf %reduce_sum3A_2, %mul3A_3 : vector<1000xf32>
    %add3A = arith.constant 1.000000e+00 : f32
    %add3A_5 = vector.broadcast %add3A : f32 to vector<1000xf32>
    %add3A_6 = arith.addf %mul3A_4, %add3A_5 : vector<1000xf32>
    %rsqrt3A = math.rsqrt %add3A_6 : vector<1000xf32>
    %broadcast_in_dim3A = vector.shape_cast %rsqrt3A : vector<1000xf32> to vector<1000x1xf32>
    %get3A_7 = arith.constant 0 : index
    %get3A_8 = arith.constant 0 : index
    %get3A_9 = arith.constant 0 : index
    %get3A_10 = vector.load %arg2[%get3A_7, %get3A_8, %get3A_9] : memref<2x1000x128xf32, #tpu.memory_space<vmem>>, vector<1x1000x128xf32>
    %get3A_11 = vector.shape_cast %get3A_10 : vector<1x1000x128xf32> to vector<1000x128xf32>
    %get3A_12 = arith.constant 1 : index
    %get3A_13 = arith.constant 0 : index
    %get3A_14 = arith.constant 0 : index
    %get3A_15 = vector.load %arg2[%get3A_12, %get3A_13, %get3A_14] : memref<2x1000x128xf32, #tpu.memory_space<vmem>>, vector<1x1000x128xf32>
    %get3A_16 = vector.shape_cast %get3A_15 : vector<1x1000x128xf32> to vector<1000x128xf32>
    %concatenate3A = tpu.concatenate %get3A_11, %get3A_16 in 1 : vector<1000x128xf32>, vector<1000x128xf32> -> vector<1000x256xf32>
    %mul3A_17 = vector.broadcast %broadcast_in_dim3A : vector<1000x1xf32> to vector<1000x256xf32>
    %mul3A_18 = arith.mulf %concatenate3A, %mul3A_17 : vector<1000x256xf32>
    %get3A_19 = arith.constant 0 : index
    %get3A_20 = arith.constant 0 : index
    %get3A_21 = vector.load %arg3[%get3A_19, %get3A_20] : memref<1x256xf32, #tpu.memory_space<vmem>>, vector<1x256xf32>
    %add3A_22 = vector.broadcast %get3A_21 : vector<1x256xf32> to vector<1000x256xf32>
    %add3A_23 = arith.addf %mul3A_18, %add3A_22 : vector<1000x256xf32>
    %max3A = arith.constant 0.000000e+00 : f32
    %max3A_24 = vector.broadcast %max3A : f32 to vector<1000x256xf32>
    %max3A_25 = arith.maximumf %add3A_23, %max3A_24 : vector<1000x256xf32>
    %get3A_26 = arith.constant 0 : index
    %get3A_27 = arith.constant 0 : index
    %get3A_28 = vector.load %arg4[%get3A_26, %get3A_27] : memref<256x128xf32, #tpu.memory_space<vmem>>, vector<256x128xf32>
    %dot_general3A = arith.constant dense<0.000000e+00> : vector<1000x128xf32>
    %dot_general3A_29 = tpu.matmul %max3A_25, %get3A_28, %dot_general3A {dimension_numbers = #tpu.dot_dimension_numbers<[1], [0], [0], [1], [0, 0, 1, 1], [], []>, transpose_lhs_hint = false} : vector<1000x256xf32>, vector<256x128xf32>, vector<1000x128xf32> -> vector<1000x128xf32>
    %get3A_30 = arith.constant 0 : index
    %get3A_31 = arith.constant 0 : index
    %get3A_32 = vector.load %arg5[%get3A_30, %get3A_31] : memref<1x128xf32, #tpu.memory_space<vmem>>, vector<1x128xf32>
    %add3A_33 = vector.broadcast %get3A_32 : vector<1x128xf32> to vector<1000x128xf32>
    %add3A_34 = arith.addf %dot_general3A_29, %add3A_33 : vector<1000x128xf32>
    %swap3A = arith.constant 0 : index
    %swap3A_35 = arith.constant 0 : index
    %swap3A_36 = vector.load %arg6[%swap3A, %swap3A_35] : memref<1000x128xf32, #tpu.memory_space<vmem>>, vector<1000x128xf32>
    tpu.vector_store %arg6[%swap3A, %swap3A_35], %add3A_34 {strides = array<i32>} : memref<1000x128xf32, #tpu.memory_space<vmem>>, vector<1000x128xf32>,
    return
  }
  func.func @transform_0(%arg0: i32) -> (i32, i32) {
    %c0_i32 = arith.constant 0 : i32
    %c0_i32_0 = arith.constant 0 : i32
    return %arg0, %c0_i32 : i32, i32
  }
  func.func @transform_1(%arg0: i32) -> (i32, i32, i32) {
    %c0_i32 = arith.constant 0 : i32
    %c0_i32_0 = arith.constant 0 : i32
    %c0_i32_1 = arith.constant 0 : i32
    return %c0_i32, %arg0, %c0_i32_0 : i32, i32, i32
  }
  func.func @transform_2(%arg0: i32) -> (i32, i32) {
    %c0_i32 = arith.constant 0 : i32
    %c0_i32_0 = arith.constant 0 : i32
    %c0_i32_1 = arith.constant 0 : i32
    return %c0_i32, %c0_i32_0 : i32, i32
  }
  func.func @transform_3(%arg0: i32) -> (i32, i32) {
    %c0_i32 = arith.constant 0 : i32
    %c0_i32_0 = arith.constant 0 : i32
    %c0_i32_1 = arith.constant 0 : i32
    return %c0_i32, %c0_i32_0 : i32, i32
  }
  func.func @transform_4(%arg0: i32) -> (i32, i32) {
    %c0_i32 = arith.constant 0 : i32
    %c0_i32_0 = arith.constant 0 : i32
    %c0_i32_1 = arith.constant 0 : i32
    return %c0_i32, %c0_i32_0 : i32, i32
  }
  func.func @transform_5(%arg0: i32) -> (i32, i32) {
    %c0_i32 = arith.constant 0 : i32
    %c0_i32_0 = arith.constant 0 : i32
    return %arg0, %c0_i32 : i32, i32
  }
}

</mosaic_0001>

<sc_bundles>
// kernel: kernel.12.cloned.1.call-start
scs
__scs_entry_jumppad:
0x0: {  	(pc) =	sbr.rel $0x88, $3  }
0x1: {  	(tag) =	ssettag $0x0;
	lr =	simm.s32 $0x1  }
0x2: {  	[smem:$0x3F99] =	sst lr;
	_ =	strace $0xD0000000  }
0x3: {  	_ = 	snop  }
0x4: {  	_ = 	snop  }
0x5: {  	_ = 	snop  }
0x6: {  	_ = 	snop  }
0x7: {  	_ = 	snop  }
__scs_overlays_trampoline_lowered:
0x8: {  	[smem:$0x3FA8] =	sst s0  }
0x9: {  	[smem:$0x3FA9] =	sst s1  }
0xa: {  	[smem:$0x3FAA] =	sst s2  }
0xb: {  	[smem:$0x3FAB] =	sst s3  }
0xc: {  	[smem:$0x3FAC] =	sst s4  }
0xd: {  	[smem:$0x3FAD] =	sst s5  }
0xe: {  	[smem:$0x3FAE] =	sst s6  }
0xf: {  	[smem:$0x3FAF] =	sst s7  }
0x10: {  	[smem:$0x3FB0] =	sst s8  }
0x11: {  	[smem:$0x3FB1] =	sst s9;
	s0 =	simm.s32 @!p0 $0x0  }
0x12: {  	s1 =	sld [smem:$0x3F97];
	s0 =	simm.s32 @p0 $0x1  }
0x13: {  	[smem:$0x3FB2] =	sst s0;
	s0 =	simm.s32 @!p1 $0x0  }
0x14: {  	s2 =	sld [smem:$0x3F96];
	s0 =	simm.s32 @p1 $0x1  }
0x15: {  	[smem:$0x3FB3] =	sst s0;
	s0 =	simm.s32 @!p2 $0x0  }
0x16: {  	s3 =	sld [smem:$0x3FDB];
	s0 =	simm.s32 @p2 $0x1  }
0x17: {  	s4 =	simm.s32 $0x1BF5;
	[smem:$0x3FB5] =	sst s0  }
0x18: {  	s0 =	sld [smem:$0x3F98];
	_ =	swait.ge [sflag:s4], $0x0  }
0x19: {  	s7 =	sld [smem:$0x3F99]  }
0x1a: {  	s8 =	sadd.s32 $0xFFFFE003, lr  }
0x1b: {  	s9 =	sadd.s32 $0xFFFFFEF7, lr;
	s5 =	simm.s32 $0xFFFFFFFF;
	p2 =	slt.u32 s8, $0xFFFFF086  }
0x1c: {  	p1 =	slt.u32 s9, $0xF7A;
	s5 =	simm.s32 @!p2 $0x0  }
0x1d: {  	s5 =	simm.s32 @p1 $0x1;
	p0 =	seq.s32 s7, s2  }
0x1e: {  	s7 =	smul.u32 @!p0 $0xF7A, s2;
	p2 =	seq.s32 @!p0 s5, $0x0  }
0x1f: {  	s9 =	smul.u32 $0xF7A, s1;
	s8 =	simm.s32 @!p0 $0x1BF5;
	p2 =	por !p2, p0  }
0x20: {  	[sflag:s8] =	ssyncset.s32 @!p0 $0xFFFFF086;
	s6 =	sadd.s32 @!p0 s3, s7;
	s7 =	simm.s32 @!p0 $0x108  }
0x21: {  	s3 =	sadd.s32 s3, s9;
	s6 =	sadd.s32 @!p0 $0x88, s6;
	s7 =	simm.s32 @p2 $0x1082  }
0x22: {  	[simem:s7], [sflag:s8] =	dma.local @!p0 [hbm:s6], $0xF7A  }
0x23: {  	s9 =	sor.u32 $0xD0000000, s2;
	s6 =	simm.s32 $0x108;
	_ =	swait.ge @!p0 [sflag:s8], $0x0  }
0x24: {  	s3 =	sadd.s32 $0x88, s3;
	s6 =	simm.s32 @!p1 $0x1082;
	[sflag:s4] =	ssyncset.s32 $0xFFFFF086  }
0x25: {  	[simem:s6], [sflag:s4] =	dma.local [hbm:s3], $0xF7A  }
0x26: {  	[smem:$0x3F99] =	sst s1;
	(tag) =	ssettag s2;
	_ =	strace s9  }
0x27: {  	s1 =	sld [smem:$0x3FA9]  }
0x28: {  	s2 =	sld [smem:$0x3FAA]  }
0x29: {  	s4 =	sld [smem:$0x3FAC]  }
0x2a: {  	p0 =	seq.s32 s5, $0x0;
	s5 =	sld [smem:$0x3FAD]  }
0x2b: {  	s6 =	sld [smem:$0x3FAE]  }
0x2c: {  	s7 =	sld [smem:$0x3FAF]  }
0x2d: {  	s3 =	simm.s32 $0x108;
	s8 =	sld [smem:$0x3FB0]  }
0x2e: {  	s3 =	simm.s32 @!p0 $0x1082;
	s9 =	sld [smem:$0x3FB1]  }
0x2f: {  	lr =	sadd.s32 s0, s3;
	s0 =	sld [smem:$0x3FA8]  }
0x30: {  	s3 =	sld [smem:$0x3FAB]  }
0x31: {  	[smem:$0x3FB4] =	sst s10  }
0x32: {  	s10 =	sld [smem:$0x3FB2];
	_ =	sdelay $0x3  }
0x33: {  	p0 =	seq.s32 s10, $0x1;
	s10 =	sld [smem:$0x3FB4];
	_ =	sdelay $0x3  }
0x34: {  	[smem:$0x3FB4] =	sst s10  }
0x35: {  	s10 =	sld [smem:$0x3FB3];
	_ =	sdelay $0x3  }
0x36: {  	p1 =	seq.s32 s10, $0x1;
	s10 =	sld [smem:$0x3FB4];
	_ =	sdelay $0x3  }
0x37: {  	[smem:$0x3FB4] =	sst s10  }
0x38: {  	s10 =	sld [smem:$0x3FB5]  }
0x39: {  	_ = 	snop;
	(pc) =	sbr.ind lr, $3  }
0x3a: {  	_ = 	snop  }
0x3b: {  	_ = 	snop  }
0x3c: {  	p2 =	seq.s32 s10, $0x1;
	s10 =	sld [smem:$0x3FB4]  }
0x3d: {  	_ =	shalt  }
0x3e: {  	_ =	shalt  }
0x3f: {  	_ =	shalt  }
0x40: {  	_ =	shalt  }
0x41: {  	_ =	shalt  }
0x42: {  	_ =	shalt  }
0x43: {  	_ =	shalt  }
0x44: {  	_ =	shalt  }
0x45: {  	_ =	shalt  }
0x46: {  	_ =	shalt  }
0x47: {  	_ =	shalt  }
0x48: {  	_ =	shalt  }
0x49: {  	_ =	shalt  }
0x4a: {  	_ =	shalt  }
0x4b: {  	_ =	shalt  }
0x4c: {  	_ =	shalt  }
0x4d: {  	_ =	shalt  }
0x4e: {  	_ =	shalt  }
0x4f: {  	_ =	shalt  }
0x50: {  	_ =	shalt  }
0x51: {  	_ =	shalt  }
0x52: {  	_ =	shalt  }
0x53: {  	_ =	shalt  }
0x54: {  	_ =	shalt  }
0x55: {  	_ =	shalt  }
0x56: {  	_ =	shalt  }
0x57: {  	_ =	shalt  }
0x58: {  	_ =	shalt  }
0x59: {  	_ =	shalt  }
0x5a: {  	_ =	shalt  }
0x5b: {  	_ =	shalt  }
0x5c: {  	_ =	shalt  }
0x5d: {  	_ =	shalt  }
0x5e: {  	_ =	shalt  }
0x5f: {  	_ =	shalt  }
0x60: {  	_ =	shalt  }
0x61: {  	_ =	shalt  }
0x62: {  	_ =	shalt  }
0x63: {  	_ =	shalt  }
0x64: {  	_ =	shalt  }
0x65: {  	_ =	shalt  }
0x66: {  	_ =	shalt  }
0x67: {  	_ =	shalt  }
0x68: {  	_ =	shalt  }
0x69: {  	_ =	shalt  }
0x6a: {  	_ =	shalt  }
0x6b: {  	_ =	shalt  }
0x6c: {  	_ =	shalt  }
0x6d: {  	_ =	shalt  }
0x6e: {  	_ =	shalt  }
0x6f: {  	_ =	shalt  }
0x70: {  	_ =	shalt  }
0x71: {  	_ =	shalt  }
0x72: {  	_ =	shalt  }
0x73: {  	_ =	shalt  }
0x74: {  	_ =	shalt  }
0x75: {  	_ =	shalt  }
0x76: {  	_ =	shalt  }
0x77: {  	_ =	shalt  }
0x78: {  	_ =	shalt  }
0x79: {  	_ =	shalt  }
0x7a: {  	_ =	shalt  }
0x7b: {  	_ =	shalt  }
0x7c: {  	_ =	shalt  }
0x7d: {  	_ =	shalt  }
0x7e: {  	_ =	shalt  }
0x7f: {  	_ =	shalt  }
0x80: {  	_ =	shalt  }
0x81: {  	_ =	shalt  }
0x82: {  	_ =	shalt  }
0x83: {  	_ =	shalt  }
0x84: {  	_ =	shalt  }
0x85: {  	_ =	shalt  }
0x86: {  	_ =	shalt  }
0x87: {  	_ =	shalt  }
.Lfunc_end0:
.L_simem_size_0:
called_computation.1_lowered:
.L_overlay_start_0:
0x88: {  	s2 =	sld [smem:$0x3FD9]  }
0x89: {  	s3 =	sld [smem:$0x3FFE];
	_ =	sdelay $0x1  }
0x8a: {  	s1 =	srdreg.scid  }
0x8b: {  	s0 =	sand.u32 $0x1, s1  }
0x8c: {  	s17 =	sshll.u32 s0, $0xA;
	s2 =	sadd.s32 s3, s2  }
0x8d: {  	s2 =	sadd.s32 s2, s17  }
0x8e: {  	[smem:$0x3FC0] =	sst s2  }
0x8f: {  	_ = 	snop  }
0x90: {  	s2 =	sld [smem:$0x3FD0];
	(tm) =	ssettm $0x1  }
0x91: {  	s18 =	sld [smem:$0x3FFB];
	_ =	sdelay $0x3  }
0x92: {  	_ =	strace s18  }
0x93: {  	s3 =	sld [smem:$0x3FFC];
	_ =	sdelay $0x3  }
0x94: {  	_ =	strace s3  }
0x95: {  	s3 =	sld [smem:$0x3FFD];
	_ =	sdelay $0x3  }
0x96: {  	_ =	strace s3  }
0x97: {  	_ =	strace $0x8FFFFFFF  }
0x98: {  	s19 =	sld [smem:$0x3FDB];
	_ =	sdelay $0x1  }
0x99: {  	s4 =	simm.s32 $_scs_section_size  }
0x9a: {  	s5 =	simm.s32 $_size__tile_overlayer_lowered;
	s6 =	simm.s32 $_tile_overlayer_lowered  }
0x9b: {  	s22 =	simm.s32 $0x1BFF;
	s21 =	sshll.u32 s6, $0x1;
	s3 =	sadd.s32 s4, s19  }
0x9c: {  	s7 =	simm.s32 $0x0;
	s20 =	sshll.u32 s5, $0x1;
	s5 =	sadd.s32 s21, s3  }
0x9d: {  	[timem:s7], [sflag:s22] =	dma.local [hbm:s5], s20  }
0x9e: {  	_ =	swait.ge [sflag:s22], s20  }
0x9f: {  	s4 =	ssub.s32 $0x0, s20;
	[sflag:s22] =	ssyncset.done $0x0  }
0xa0: {  	[sflag:s22] =	ssyncadd.s32 s4;
	_ =	sdelay $0x1  }
0xa1: {  	s23 =	simm.s32 $0x1B8B  }
0xa2: {  	_ =	swait.ge [sflag:s23], $0x1  }
0xa3: {  	[sflag:s23] =	ssyncset.done $0x0  }
0xa4: {  	s25 =	simm.s32 $0x1B8E;
	s24 =	sld [smem:$0x3FFE];
	[sflag:s23] =	ssyncadd.s32 $0xFFFFFFFF  }
0xa5: {  	s26 =	simm.s32 $execute0_lowered;
	[smem:$0x3FD2] =	sst s25  }
0xa6: {  	s5 =	sshll.u32 s26, $0x1;
	_ =	strace $0x80000049;
	[dreg:$0x1] =	wrdreg $0xFFFFFFFF  }
0xa7: {  	s28 =	simm.s32 $_size_execute0_lowered;
	s3 =	sadd.s32 s3, s5;
	[dreg:$0x0] =	wrdreg $0x0  }
0xa8: {  	s5 =	sshll.u32 s28, $0x1;
	[dreg:$0x2] =	wrdreg s3  }
0xa9: {  	[dreg:$0x3] =	wrdreg s5  }
0xaa: {  	[dreg:$0x4] =	wrdreg $0xC0  }
0xab: {  	_ =	task [dreg:s7], $0x5FFFF  }
0xac: {  	[dreg:$0x1] =	wrdreg $0xFFFFFFFF  }
0xad: {  	[dreg:$0x0] =	wrdreg $0x60  }
0xae: {  	[dreg:$0x2] =	wrdreg s24  }
0xaf: {  	[dreg:$0x3] =	wrdreg s2  }
0xb0: {  	[dreg:$0x4] =	wrdreg $0x6C000  }
0xb1: {  	[dreg:$0x5] =	wrdreg $0x9  }
0xb2: {  	_ =	task.clear_ibuf [dreg:s7], $0x6FFFF;
	_ =	strace $0x90000049  }
0xb3: {  	s29 =	simm.s32 $0x9;
	_ =	strace $0x8000004B  }
0xb4: {  	_ =	swait.ge [sflag:s29], $0x1  }
0xb5: {  	[sflag:s29] =	ssyncadd.s32 $0xFFFFFFFF  }
0xb6: {  	_ =	strace $0x9000004B  }
0xb7: {  	_ =	sfence  }
0xb8: {  	s30 =	sld [smem:$0x0];
	_ =	sdelay $0x2  }
0xb9: {  	s31 =	sshll.u32 s1, $0xD;
	s1 =	sshrl.u32 s1, $0x2  }
0xba: {  	s3 =	sand.u32 $0x4000, s31;
	s1 =	sadd.s32 s1, s30  }
0xbb: {  	s0 =	sor.u32 s3, s0;
	s1 =	sshll.u32 s1, $0x11  }
0xbc: {  	s0 =	sor.u32 s1, s0  }
0xbd: {  	s0 =	sadd.s32 $0x8F2B, s0  }
0xbe: {  	[sflag:s0] =	ssyncadd.remote.s32 $0x1  }
0xbf: {  	_ =	sfence.sel $0xFFFF  }
0xc0: {  	[dreg:$0x0] =	wrdreg $0xFFFFFFFF;
	(pc) =	sbr.abs _section_cstart, $3  }
0xc1: {  	[dreg:$0x1] =	wrdreg $0xFFFFFFFF  }
0xc2: {  	_ =	task.clear_ibuf [dreg:s7], $0x2FFFF;
	_ =	strace $0x9FFFFFFF  }
0xc3: {  	(tm) =	ssettm $0x7FFFFFFF  }
tec
execute0_lowered:
.L_overlay_start_1:
0x0: {  	(tag) =	ssettag $0x1  }
0x1: {  	s8 =	rddreg [dreg:$0x0]  }
0x2: {  	s12 =	rddreg [dreg:$0x1];
	s2 =	srdreg.scid  }
0x3: {  	s1 =	rddreg [dreg:$0x2];
	s9 =	sand.u32 $0x1, s2  }
0x4: {  	s2 =	stileid.u32;
	s4 =	smul.u32 $0xB000, s9  }
0x5: {  	s0 =	rddreg [dreg:$0x3];
	s3 =	simm.s32 $0x0;
	s10 =	smul.u32 $0x1300, s2  }
0x6: {  	s15 =	simm.s32 $0x2;
	s20 =	simm.s32 $0x1;
	s5 =	smul.u32 $0x26000, s2  }
0x7: {  	s24 =	simm.s32 $0x0;
	[smem:$0x7FF] =	sst s3;
	s14 =	smul.u32 $0x9800, s2  }
0x8: {  	_ =	strace $0x8000004A;
	s6 =	ssub.s32 $0x2, s9;
	s17 =	smul.u32 $0x5800, s9  }
0x9: {  	s30 =	sshll.u32 s2, $0x6;
	s19 =	smul.u32 $0x580, s2;
	p0 =	seq.s32 s9, $0x1  }
0xa: {  	p1 =	sne.s32 s2, $0xF;
	s13 =	sshrl.u32 s6, $0x1;
	p2 =	sne.s32 @p0 s2, $0xF  }
0xb: {  	p3 =	sne.s32 @!p0 s2, $0xF;
	s11 =	sadd.s32 s4, s8;
	s4 =	sadd.s32 $0x2A00, s8  }
0xc: {  	s7 =	sadd.s32 s10, s8;
	s5 =	sshrl.u32 s5, $0x2;
	s13 =	ssub.s32 s6, s13  }
0xd: {  	s6 =	sor.u32 $0x1C02, s30;
	s8 =	sadd.s32 $0x16200, s8;
	s31 =	sshrl.u32 s14, $0x3  }
0xe: {  	s9 =	sadd.s32 s12, s10;
	s10 =	sadd.s32 $0x13000, s12;
	p2 =	por p2, !p0  }
0xf: {  	p3 =	por p3, p0;
	s23 =	sadd.s32 s5, s1;
	s5 =	sadd.s32 $0x3200, s7  }
0x10: {  	s7 =	sadd.s32 $0x98000, s1;
	s18 =	sadd.s32 $0x2C600, s11;
	s11 =	sadd.s32 s12, s31  }
0x11: {  	s12 =	sadd.s32 $0x26800, s12;
	s13 =	smax.u32 s13, $0x1;
	s11 =	sadd.s32 $0x13800, s11  }
0x12: {  	s14 =	sshrl.u32 s23, $0x3;
	s16 =	sshrl.u32 @!p1 s7, $0x3;
	s18 =	sadd.s32 s17, s18  }
0x13: {  	s17 =	simm.s32 $0x2C00;
	s21 =	sshrl.u32 @p0 s23, $0x3;
	s22 =	sshrl.u32 @!p2 s7, $0x3  }
0x14: {  	s23 =	sshrl.u32 @!p0 s23, $0x3;
	s18 =	sadd.s32 s19, s18;
	s19 =	simm.s32 $0x80  }
.LBB2_1:
0x15: {  	[spmem:s14], [sflag:s6] =	dma.local [hbm:s5], $0x1300  }
0x16: {  	_ =	swait.ge [sflag:s15], $0x1300  }
0x17: {  	[sflag:s15] =	ssyncset.done $0x0  }
0x18: {  	s25 =	simm.s32 @!p1 $0x2;
	[sflag:s15] =	ssyncadd.s32 $0xFFFFED00  }
0x19: {  	[spmem:s16], [sflag:s6] =	dma.local @!p1 [hbm:s8], $0xA00  }
0x1a: {  	_ =	swait.ge @!p1 [sflag:s25], $0xA00  }
0x1b: {  	[sflag:s25] =	ssyncset.done @!p1 $0x0  }
0x1c: {  	[sflag:s25] =	ssyncadd.s32 @!p1 $0xFFFFF600  }
0x1d: {  	[tilespmem:s17], [sflag:$0x2] =	stream.linear.gather [hbm4b:s4+s3], $0x4000, $0x38;
	[tilespmem:$0x10900] =	vst v63  }
0x1e: {  	_ =	swait.ge [sflag:s15], $0x4000  }
0x1f: {  	[sflag:s15] =	ssyncset.done $0x0  }
0x20: {  	[sflag:s15] =	ssyncadd.s32 $0xFFFFC000  }
0x21: {  	[tilespmem:s3], [sflag:$0x2] =	stream.linear.gather [hbm4b:s18+s3], $0x2A00, $0x38;
	[tilespmem:$0x10900] =	vst v63  }
0x22: {  	_ =	swait.ge [sflag:s15], $0x2A00  }
0x23: {  	[sflag:s15] =	ssyncset.done $0x0  }
0x24: {  	p4 =	por $0x1, $0x1;
	[sflag:s15] =	ssyncadd.s32 $0xFFFFD600  }
0x25: {  	s26 =	simm.s32 @!p4 $0x1;
	[bflag:$0x0] =	sbarrier.arrive $0xFFFF  }
0x26: {  	_ =	swait.ge @!p4 [sflag:s26], $0x4000  }
0x27: {  	s28 =	simm.s32 $0x0;
	[sflag:s26] =	ssyncset.done @!p4 $0x0  }
0x28: {  	s25 =	simm.s32 $0x1;
	[sflag:s26] =	ssyncadd.s32 @!p4 $0xFFFFC000;
	s26 =	simm.s32 $0x80  }
.LBB2_2:
0x29: {  	[spmem:s1] =	stream.indirect.scatter.add.f32 [tilespmem:s17], [sflag:$0x1], $0x80, s28, s19, $0xb8;
	[tilespmem:$0x10900] =	vst v63  }
0x2a: {  	p4 =	slt.u32 s25, $0x8;
	s25 =	sadd.s32 $0x1, s25  }
0x2b: {  	p5 =	sne.s32 s25, $0x54  }
.Ltmp0:
0x2c: {  	(pc) =	sbr.rel @p5 .LBB2_2-.Ltmp0, $4  }
0x2d: {  	s28 =	smov.u32 s26;
	s29 =	simm.s32 @!p4 $0x1  }
0x2e: {  	_ =	swait.ge @!p4 [sflag:s29], $0x4000  }
0x2f: {  	[sflag:s29] =	ssyncset.done @!p4 $0x0  }
0x30: {  	s26 =	sadd.s32 $0x80, s26;
	[sflag:s29] =	ssyncadd.s32 @!p4 $0xFFFFC000  }
0x31: {  	[spmem:s1] =	stream.indirect.scatter.add.f32 [tilespmem:s17], [sflag:$0x1], $0x80, s28, s19, $0xb8;
	[tilespmem:$0x10900] =	vst v63  }
0x32: {  	_ =	swait.ge [sflag:s20], $0x4000  }
0x33: {  	[sflag:s20] =	ssyncset.done $0x0  }
0x34: {  	[sflag:s20] =	ssyncadd.s32 $0xFFFFC000  }
0x35: {  	_ =	swait.ge [sflag:s20], $0x4000  }
0x36: {  	[sflag:s20] =	ssyncset.done $0x0  }
0x37: {  	[sflag:s20] =	ssyncadd.s32 $0xFFFFC000  }
0x38: {  	_ =	swait.ge [sflag:s20], $0x4000  }
0x39: {  	[sflag:s20] =	ssyncset.done $0x0  }
0x3a: {  	[sflag:s20] =	ssyncadd.s32 $0xFFFFC000  }
0x3b: {  	_ =	swait.ge [sflag:s20], $0x4000  }
0x3c: {  	[sflag:s20] =	ssyncset.done $0x0  }
0x3d: {  	[sflag:s20] =	ssyncadd.s32 $0xFFFFC000  }
0x3e: {  	_ =	swait.ge [sflag:s20], $0x4000  }
0x3f: {  	[sflag:s20] =	ssyncset.done $0x0  }
0x40: {  	[sflag:s20] =	ssyncadd.s32 $0xFFFFC000  }
0x41: {  	_ =	swait.ge [sflag:s20], $0x4000  }
0x42: {  	[sflag:s20] =	ssyncset.done $0x0  }
0x43: {  	[sflag:s20] =	ssyncadd.s32 $0xFFFFC000  }
0x44: {  	_ =	swait.ge [sflag:s20], $0x4000  }
0x45: {  	[sflag:s20] =	ssyncset.done $0x0  }
0x46: {  	[sflag:s20] =	ssyncadd.s32 $0xFFFFC000  }
0x47: {  	_ =	swait.ge [sflag:s20], $0x4000  }
0x48: {  	[sflag:s20] =	ssyncset.done $0x0  }
0x49: {  	[sflag:s20] =	ssyncadd.s32 $0xFFFFC000  }
0x4a: {  	s25 =	simm.s32 @p0 $0x2;
	[bflag:$0x0] =	sbarrier.arrive $0xFFFF  }
0x4b: {  	[hbm:s11], [sflag:s6] =	dma.local @p0 [spmem:s21], $0x1300  }
0x4c: {  	_ =	swait.ge @p0 [sflag:s25], $0x1300  }
0x4d: {  	[sflag:s25] =	ssyncset.done @p0 $0x0  }
0x4e: {  	[sflag:s25] =	ssyncadd.s32 @p0 $0xFFFFED00;
	s25 =	simm.s32 @!p2 $0x2  }
0x4f: {  	[hbm:s12], [sflag:s6] =	dma.local @!p2 [spmem:s22], $0x900  }
0x50: {  	_ =	swait.ge @!p2 [sflag:s25], $0x900  }
0x51: {  	[sflag:s25] =	ssyncset.done @!p2 $0x0  }
0x52: {  	[sflag:s25] =	ssyncadd.s32 @!p2 $0xFFFFF700;
	s25 =	simm.s32 @!p0 $0x2  }
0x53: {  	[hbm:s9], [sflag:s6] =	dma.local @!p0 [spmem:s23], $0x1300  }
0x54: {  	_ =	swait.ge @!p0 [sflag:s25], $0x1300  }
0x55: {  	s24 =	sadd.s32 $0x1, s24;
	[sflag:s25] =	ssyncset.done @!p0 $0x0  }
0x56: {  	p4 =	sne.s32 s24, s13;
	[sflag:s25] =	ssyncadd.s32 @!p0 $0xFFFFED00;
	s25 =	sshrl.u32 @!p3 s7, $0x3  }
0x57: {  	[hbm:s10], [sflag:s6] =	dma.local @!p3 [spmem:s25], $0x800  }
.Ltmp1:
0x58: {  	_ = 	snop;
	(pc) =	sbr.rel @p4 .LBB2_1-.Ltmp1, $4  }
0x59: {  	s25 =	simm.s32 @!p3 $0x2  }
0x5a: {  	_ =	swait.ge @!p3 [sflag:s25], $0x800  }
0x5b: {  	[sflag:s25] =	ssyncset.done @!p3 $0x0  }
0x5c: {  	[sflag:s25] =	ssyncadd.s32 @!p3 $0xFFFFF800  }
0x5d: {  	_ =	sfence.sel $0x180000  }
0x5e: {  	[bflag:$0x0] =	sbarrier.arrive $0xFFFF  }
0x5f: {  	p0 =	sne.s32 s2, $0x0;
	_ =	strace $0x9000004A  }
0x60: {  	s0 =	sadd.s32 @!p0 $0x100000, s0;
	[bflag:$0x2] =	sbarrier.arrive $0xFFFF  }
0x61: {  	[sflag:s0] =	ssyncadd.tile.s32 @!p0 $0x1;
	_ =	shalt  }
.Lfunc_end2:
_tile_overlayer_lowered:
.L_overlay_start_2:
0x62: {  	(tag) =	ssettag $0x2  }
0x63: {  	s0 =	rddreg [dreg:$0x0];
	s2 =	stileid.u32  }
0x64: {  	s1 =	rddreg [dreg:$0x1];
	p0 =	sne.s32 s2, $0x0  }
0x65: {  	s3 =	rddreg [dreg:$0x2];
	[bflag:$0x3] =	sbarrier.arrive $0xFFFF;
	s2 =	simm.s32 @!p0 $0x1C02  }
0x66: {  	[timem:s3], [sflag:s2] =	dma.local @!p0 [hbm:s0], s1  }
0x67: {  	s0 =	simm.s32 @!p0 $0x2  }
0x68: {  	_ =	swait.ge @!p0 [sflag:s0], s1  }
0x69: {  	s1 =	ssub.s32 @!p0 $0x0, s1;
	[sflag:s0] =	ssyncset.done @!p0 $0x0  }
0x6a: {  	[sflag:s0] =	ssyncadd.s32 @!p0 s1  }
0x6b: {  	[bflag:$0x3] =	sbarrier.arrive $0xFFFF  }
0x6c: {  	_ =	shalt  }

// kernel: kernel.15.cloned.1.call-start
scs
__scs_entry_jumppad:
0x0: {  	(pc) =	sbr.rel $0x88, $3  }
0x1: {  	(tag) =	ssettag $0x0;
	lr =	simm.s32 $0x1  }
0x2: {  	[smem:$0x3F99] =	sst lr;
	_ =	strace $0xD0000000  }
0x3: {  	_ = 	snop  }
0x4: {  	_ = 	snop  }
0x5: {  	_ = 	snop  }
0x6: {  	_ = 	snop  }
0x7: {  	_ = 	snop  }
__scs_overlays_trampoline_lowered:
0x8: {  	[smem:$0x3FA8] =	sst s0  }
0x9: {  	[smem:$0x3FA9] =	sst s1  }
0xa: {  	[smem:$0x3FAA] =	sst s2  }
0xb: {  	[smem:$0x3FAB] =	sst s3  }
0xc: {  	[smem:$0x3FAC] =	sst s4  }
0xd: {  	[smem:$0x3FAD] =	sst s5  }
0xe: {  	[smem:$0x3FAE] =	sst s6  }
0xf: {  	[smem:$0x3FAF] =	sst s7  }
0x10: {  	[smem:$0x3FB0] =	sst s8  }
0x11: {  	[smem:$0x3FB1] =	sst s9;
	s0 =	simm.s32 @!p0 $0x0  }
0x12: {  	s1 =	sld [smem:$0x3F97];
	s0 =	simm.s32 @p0 $0x1  }
0x13: {  	[smem:$0x3FB2] =	sst s0;
	s0 =	simm.s32 @!p1 $0x0  }
0x14: {  	s2 =	sld [smem:$0x3F96];
	s0 =	simm.s32 @p1 $0x1  }
0x15: {  	[smem:$0x3FB3] =	sst s0;
	s0 =	simm.s32 @!p2 $0x0  }
0x16: {  	s3 =	sld [smem:$0x3FDB];
	s0 =	simm.s32 @p2 $0x1  }
0x17: {  	s4 =	simm.s32 $0x1BF5;
	[smem:$0x3FB5] =	sst s0  }
0x18: {  	s0 =	sld [smem:$0x3F98];
	_ =	swait.ge [sflag:s4], $0x0  }
0x19: {  	s7 =	sld [smem:$0x3F99]  }
0x1a: {  	s8 =	sadd.s32 $0xFFFFE003, lr  }
0x1b: {  	s9 =	sadd.s32 $0xFFFFFEF7, lr;
	s5 =	simm.s32 $0xFFFFFFFF;
	p2 =	slt.u32 s8, $0xFFFFF086  }
0x1c: {  	p1 =	slt.u32 s9, $0xF7A;
	s5 =	simm.s32 @!p2 $0x0  }
0x1d: {  	s5 =	simm.s32 @p1 $0x1;
	p0 =	seq.s32 s7, s2  }
0x1e: {  	s7 =	smul.u32 @!p0 $0xF7A, s2;
	p2 =	seq.s32 @!p0 s5, $0x0  }
0x1f: {  	s9 =	smul.u32 $0xF7A, s1;
	s8 =	simm.s32 @!p0 $0x1BF5;
	p2 =	por !p2, p0  }
0x20: {  	[sflag:s8] =	ssyncset.s32 @!p0 $0xFFFFF086;
	s6 =	sadd.s32 @!p0 s3, s7;
	s7 =	simm.s32 @!p0 $0x108  }
0x21: {  	s3 =	sadd.s32 s3, s9;
	s6 =	sadd.s32 @!p0 $0x88, s6;
	s7 =	simm.s32 @p2 $0x1082  }
0x22: {  	[simem:s7], [sflag:s8] =	dma.local @!p0 [hbm:s6], $0xF7A  }
0x23: {  	s9 =	sor.u32 $0xD0000000, s2;
	s6 =	simm.s32 $0x108;
	_ =	swait.ge @!p0 [sflag:s8], $0x0  }
0x24: {  	s3 =	sadd.s32 $0x88, s3;
	s6 =	simm.s32 @!p1 $0x1082;
	[sflag:s4] =	ssyncset.s32 $0xFFFFF086  }
0x25: {  	[simem:s6], [sflag:s4] =	dma.local [hbm:s3], $0xF7A  }
0x26: {  	[smem:$0x3F99] =	sst s1;
	(tag) =	ssettag s2;
	_ =	strace s9  }
0x27: {  	s1 =	sld [smem:$0x3FA9]  }
0x28: {  	s2 =	sld [smem:$0x3FAA]  }
0x29: {  	s4 =	sld [smem:$0x3FAC]  }
0x2a: {  	p0 =	seq.s32 s5, $0x0;
	s5 =	sld [smem:$0x3FAD]  }
0x2b: {  	s6 =	sld [smem:$0x3FAE]  }
0x2c: {  	s7 =	sld [smem:$0x3FAF]  }
0x2d: {  	s3 =	simm.s32 $0x108;
	s8 =	sld [smem:$0x3FB0]  }
0x2e: {  	s3 =	simm.s32 @!p0 $0x1082;
	s9 =	sld [smem:$0x3FB1]  }
0x2f: {  	lr =	sadd.s32 s0, s3;
	s0 =	sld [smem:$0x3FA8]  }
0x30: {  	s3 =	sld [smem:$0x3FAB]  }
0x31: {  	[smem:$0x3FB4] =	sst s10  }
0x32: {  	s10 =	sld [smem:$0x3FB2];
	_ =	sdelay $0x3  }
0x33: {  	p0 =	seq.s32 s10, $0x1;
	s10 =	sld [smem:$0x3FB4];
	_ =	sdelay $0x3  }
0x34: {  	[smem:$0x3FB4] =	sst s10  }
0x35: {  	s10 =	sld [smem:$0x3FB3];
	_ =	sdelay $0x3  }
0x36: {  	p1 =	seq.s32 s10, $0x1;
	s10 =	sld [smem:$0x3FB4];
	_ =	sdelay $0x3  }
0x37: {  	[smem:$0x3FB4] =	sst s10  }
0x38: {  	s10 =	sld [smem:$0x3FB5]  }
0x39: {  	_ = 	snop;
	(pc) =	sbr.ind lr, $3  }
0x3a: {  	_ = 	snop  }
0x3b: {  	_ = 	snop  }
0x3c: {  	p2 =	seq.s32 s10, $0x1;
	s10 =	sld [smem:$0x3FB4]  }
0x3d: {  	_ =	shalt  }
0x3e: {  	_ =	shalt  }
0x3f: {  	_ =	shalt  }
0x40: {  	_ =	shalt  }
0x41: {  	_ =	shalt  }
0x42: {  	_ =	shalt  }
0x43: {  	_ =	shalt  }
0x44: {  	_ =	shalt  }
0x45: {  	_ =	shalt  }
0x46: {  	_ =	shalt  }
0x47: {  	_ =	shalt  }
0x48: {  	_ =	shalt  }
0x49: {  	_ =	shalt  }
0x4a: {  	_ =	shalt  }
0x4b: {  	_ =	shalt  }
0x4c: {  	_ =	shalt  }
0x4d: {  	_ =	shalt  }
0x4e: {  	_ =	shalt  }
0x4f: {  	_ =	shalt  }
0x50: {  	_ =	shalt  }
0x51: {  	_ =	shalt  }
0x52: {  	_ =	shalt  }
0x53: {  	_ =	shalt  }
0x54: {  	_ =	shalt  }
0x55: {  	_ =	shalt  }
0x56: {  	_ =	shalt  }
0x57: {  	_ =	shalt  }
0x58: {  	_ =	shalt  }
0x59: {  	_ =	shalt  }
0x5a: {  	_ =	shalt  }
0x5b: {  	_ =	shalt  }
0x5c: {  	_ =	shalt  }
0x5d: {  	_ =	shalt  }
0x5e: {  	_ =	shalt  }
0x5f: {  	_ =	shalt  }
0x60: {  	_ =	shalt  }
0x61: {  	_ =	shalt  }
0x62: {  	_ =	shalt  }
0x63: {  	_ =	shalt  }
0x64: {  	_ =	shalt  }
0x65: {  	_ =	shalt  }
0x66: {  	_ =	shalt  }
0x67: {  	_ =	shalt  }
0x68: {  	_ =	shalt  }
0x69: {  	_ =	shalt  }
0x6a: {  	_ =	shalt  }
0x6b: {  	_ =	shalt  }
0x6c: {  	_ =	shalt  }
0x6d: {  	_ =	shalt  }
0x6e: {  	_ =	shalt  }
0x6f: {  	_ =	shalt  }
0x70: {  	_ =	shalt  }
0x71: {  	_ =	shalt  }
0x72: {  	_ =	shalt  }
0x73: {  	_ =	shalt  }
0x74: {  	_ =	shalt  }
0x75: {  	_ =	shalt  }
0x76: {  	_ =	shalt  }
0x77: {  	_ =	shalt  }
0x78: {  	_ =	shalt  }
0x79: {  	_ =	shalt  }
0x7a: {  	_ =	shalt  }
0x7b: {  	_ =	shalt  }
0x7c: {  	_ =	shalt  }
0x7d: {  	_ =	shalt  }
0x7e: {  	_ =	shalt  }
0x7f: {  	_ =	shalt  }
0x80: {  	_ =	shalt  }
0x81: {  	_ =	shalt  }
0x82: {  	_ =	shalt  }
0x83: {  	_ =	shalt  }
0x84: {  	_ =	shalt  }
0x85: {  	_ =	shalt  }
0x86: {  	_ =	shalt  }
0x87: {  	_ =	shalt  }
.Lfunc_end0:
.L_simem_size_0:
called_computation.2_lowered:
.L_overlay_start_0:
0x88: {  	s2 =	sld [smem:$0x3FD9]  }
0x89: {  	s3 =	sld [smem:$0x3FFE];
	_ =	sdelay $0x1  }
0x8a: {  	s1 =	srdreg.scid  }
0x8b: {  	s0 =	sand.u32 $0x1, s1  }
0x8c: {  	s16 =	sshll.u32 s0, $0xA;
	s2 =	sadd.s32 s3, s2  }
0x8d: {  	s2 =	sadd.s32 s2, s16  }
0x8e: {  	[smem:$0x3FC0] =	sst s2  }
0x8f: {  	_ = 	snop  }
0x90: {  	(tm) =	ssettm $0x1  }
0x91: {  	s17 =	sld [smem:$0x3FFB];
	_ =	sdelay $0x3  }
0x92: {  	_ =	strace s17  }
0x93: {  	s2 =	sld [smem:$0x3FFC];
	_ =	sdelay $0x3  }
0x94: {  	_ =	strace s2  }
0x95: {  	s2 =	sld [smem:$0x3FFD];
	_ =	sdelay $0x3  }
0x96: {  	_ =	strace s2  }
0x97: {  	_ =	strace $0x8FFFFFFF  }
0x98: {  	s18 =	sld [smem:$0x3FDB];
	_ =	sdelay $0x1  }
0x99: {  	s19 =	simm.s32 $_scs_section_size  }
0x9a: {  	s4 =	simm.s32 $_size__tile_overlayer_lowered;
	s5 =	simm.s32 $_tile_overlayer_lowered  }
0x9b: {  	s22 =	simm.s32 $0x1BFF;
	s21 =	sshll.u32 s5, $0x1;
	s2 =	sadd.s32 s19, s18  }
0x9c: {  	s6 =	simm.s32 $0x0;
	s20 =	sshll.u32 s4, $0x1;
	s4 =	sadd.s32 s21, s2  }
0x9d: {  	[timem:s6], [sflag:s22] =	dma.local [hbm:s4], s20  }
0x9e: {  	_ =	swait.ge [sflag:s22], s20  }
0x9f: {  	s3 =	ssub.s32 $0x0, s20;
	[sflag:s22] =	ssyncset.done $0x0  }
0xa0: {  	[sflag:s22] =	ssyncadd.s32 s3;
	_ =	sdelay $0x1  }
0xa1: {  	s23 =	simm.s32 $0x1B8B  }
0xa2: {  	_ =	swait.ge [sflag:s23], $0x1  }
0xa3: {  	[sflag:s23] =	ssyncset.done $0x0  }
0xa4: {  	s25 =	simm.s32 $0x1B8E;
	s24 =	sld [smem:$0x3FFE];
	[sflag:s23] =	ssyncadd.s32 $0xFFFFFFFF  }
0xa5: {  	s26 =	simm.s32 $execute0_lowered;
	[smem:$0x3FD2] =	sst s25  }
0xa6: {  	s4 =	sshll.u32 s26, $0x1;
	_ =	strace $0x8000004C;
	[dreg:$0x1] =	wrdreg $0xFFFFFFFF  }
0xa7: {  	s28 =	simm.s32 $_size_execute0_lowered;
	s2 =	sadd.s32 s2, s4;
	[dreg:$0x0] =	wrdreg $0x0  }
0xa8: {  	s4 =	sshll.u32 s28, $0x1;
	[dreg:$0x2] =	wrdreg s2  }
0xa9: {  	[dreg:$0x3] =	wrdreg s4  }
0xaa: {  	[dreg:$0x4] =	wrdreg $0xC0  }
0xab: {  	_ =	task [dreg:s6], $0x5FFFF  }
0xac: {  	[dreg:$0x1] =	wrdreg $0xFFFFFFFF  }
0xad: {  	[dreg:$0x0] =	wrdreg $0x60  }
0xae: {  	[dreg:$0x2] =	wrdreg s24  }
0xaf: {  	[dreg:$0x3] =	wrdreg $0x58000  }
0xb0: {  	[dreg:$0x4] =	wrdreg $0x9  }
0xb1: {  	_ =	task.clear_ibuf [dreg:s6], $0x5FFFF;
	_ =	strace $0x9000004C  }
0xb2: {  	s29 =	simm.s32 $0x9;
	_ =	strace $0x8000004E  }
0xb3: {  	_ =	swait.ge [sflag:s29], $0x1  }
0xb4: {  	[sflag:s29] =	ssyncadd.s32 $0xFFFFFFFF  }
0xb5: {  	_ =	strace $0x9000004E  }
0xb6: {  	_ =	sfence  }
0xb7: {  	s30 =	sld [smem:$0x0];
	_ =	sdelay $0x2  }
0xb8: {  	s31 =	sshll.u32 s1, $0xD;
	s1 =	sshrl.u32 s1, $0x2  }
0xb9: {  	s3 =	sand.u32 $0x4000, s31;
	s1 =	sadd.s32 s1, s30  }
0xba: {  	s0 =	sor.u32 s3, s0;
	s1 =	sshll.u32 s1, $0x11  }
0xbb: {  	s0 =	sor.u32 s1, s0  }
0xbc: {  	s0 =	sadd.s32 $0x8F2B, s0  }
0xbd: {  	[sflag:s0] =	ssyncadd.remote.s32 $0x1  }
0xbe: {  	_ =	sfence.sel $0xFFFF  }
0xbf: {  	[dreg:$0x0] =	wrdreg $0xFFFFFFFF;
	(pc) =	sbr.abs _section_cstart, $3  }
0xc0: {  	[dreg:$0x1] =	wrdreg $0xFFFFFFFF  }
0xc1: {  	_ =	task.clear_ibuf [dreg:s6], $0x2FFFF;
	_ =	strace $0x9FFFFFFF  }
0xc2: {  	(tm) =	ssettm $0x7FFFFFFF  }
0xc3: {  	_ =	shalt  }
tec
execute0_lowered:
.L_overlay_start_1:
0x0: {  	(tag) =	ssettag $0x1  }
0x1: {  	s0 =	rddreg [dreg:$0x0]  }
0x2: {  	s1 =	rddreg [dreg:$0x1];
	s2 =	srdreg.scid;
	s3 =	simm.s32 $0x0  }
0x3: {  	s12 =	stileid.u32;
	s29 =	simm.s32 $0x2C00;
	s28 =	simm.s32 $0x17500  }
0x4: {  	s30 =	simm.s32 $0x1B500;
	s31 =	simm.s32 $0x1;
	s7 =	smul.u32 $0x130, s12  }
0x5: {  	s2 =	sand.u32 $0x1, s2;
	[smem:$0x7FF] =	sst s3;
	s9 =	smul.u32 $0x26000, s12  }
0x6: {  	s4 =	sadd.s32 $0x58600, s0;
	s19 =	sshll.u32 s12, $0x6;
	s5 =	smul.u32 $0xB000, s2  }
0x7: {  	s11 =	sadd.s32 $0x98000, s1;
	p0 =	sne.s32 s12, $0xF;
	s6 =	smul.u32 $0x2710, s2  }
0x8: {  	_ =	strace $0x8000004D;
	s16 =	ssub.s32 $0x2, s2;
	s2 =	smul.u32 $0x138800, s2  }
0x9: {  	[dreg:$0x4] =	wrdreg s11;
	s11 =	smul.u32 $0x580, s12;
	s12 =	simm.s32 $0x8  }
0xa: {  	s10 =	sshrl.u32 s16, $0x1;
	s17 =	sshrl.u32 s9, $0x2;
	s9 =	simm.s32 $0x6  }
0xb: {  	s8 =	sadd.s32 s5, s0;
	s0 =	sadd.s32 $0xA6800, s0;
	s10 =	ssub.s32 s16, s10  }
0xc: {  	s6 =	sadd.s32 s7, s6;
	s5 =	sadd.s32 s17, s1;
	s2 =	sshrl.u32 s2, $0x3  }
0xd: {  	s7 =	sor.u32 $0x1C09, s19;
	s16 =	simm.s32 $0x5500;
	s17 =	simm.s32 $0x0  }
0xe: {  	s6 =	sshll.u32 s6, $0x4;
	s20 =	sadd.s32 $0x13000, s2;
	s22 =	sadd.s32 $0x42600, s8  }
0xf: {  	s8 =	sadd.s32 $0x2C600, s8;
	s2 =	sadd.s32 $0x26800, s2;
	[dreg:$0x6] =	wrdreg s22  }
0x10: {  	s26 =	smax.u32 s10, $0x1;
	s10 =	simm.s32 $0x7;
	[dreg:$0x7] =	wrdreg s8  }
0x11: {  	s18 =	sadd.s32 s4, s6;
	s21 =	sadd.s32 s4, s20;
	[dreg:$0xd] =	wrdreg s26  }
0x12: {  	s23 =	sadd.s32 s0, s6;
	s6 =	sadd.s32 $0x13800, s6;
	[dreg:$0x3] =	wrdreg s18  }
0x13: {  	s24 =	sadd.s32 s0, s20;
	s25 =	sadd.s32 s4, s2;
	[dreg:$0x5] =	wrdreg s21  }
0x14: {  	s20 =	sshrl.u32 s5, $0x3;
	s8 =	simm.s32 $0x5;
	[dreg:$0x8] =	wrdreg s23  }
0x15: {  	s22 =	simm.s32 $0x5580;
	[dreg:$0x9] =	wrdreg s24;
	s15 =	sadd.s32 s4, s6  }
0x16: {  	[dreg:$0xa] =	wrdreg s25;
	s6 =	sadd.s32 s0, s6;
	s0 =	sadd.s32 s0, s2  }
0x17: {  	s21 =	simm.s32 $0x9;
	s23 =	simm.s32 $0x80;
	s24 =	simm.s32 $0xF500  }
0x18: {  	s25 =	simm.s32 $0x13500;
	s2 =	simm.s32 $0x3;
	[dreg:$0xb] =	wrdreg s6  }
0x19: {  	[dreg:$0xc] =	wrdreg s0;
	s0 =	simm.s32 $0x2;
	s6 =	simm.s32 $0x4  }
.LBB2_1:
0x1a: {  	s13 =	rddreg [dreg:$0x3]  }
0x1b: {  	[spmem:s20], [sflag:s7] =	dma.local [hbm:s13], $0x1300  }
0x1c: {  	_ =	swait.ge [sflag:s21], $0x1300  }
0x1d: {  	[sflag:s21] =	ssyncset.done $0x0;
	s13 =	rddreg [dreg:$0x4]  }
0x1e: {  	[sflag:s21] =	ssyncadd.s32 $0xFFFFED00;
	s18 =	sshrl.u32 @!p0 s13, $0x3;
	s13 =	rddreg [dreg:$0x5]  }
0x1f: {  	[spmem:s18], [sflag:s7] =	dma.local @!p0 [hbm:s13], $0x800  }
0x20: {  	s13 =	simm.s32 @!p0 $0x9  }
0x21: {  	_ =	swait.ge @!p0 [sflag:s13], $0x800  }
0x22: {  	[sflag:s13] =	ssyncset.done @!p0 $0x0;
	s14 =	rddreg [dreg:$0x6]  }
0x23: {  	[sflag:s13] =	ssyncadd.s32 @!p0 $0xFFFFF800;
	s26 =	sadd.s32 s11, s14  }
0x24: {  	[tilespmem:s3], [sflag:$0x9] =	stream.linear.gather [hbm4b:s26+s3], $0x2A00, $0x38;
	[tilespmem:$0x1F500] =	vst v63  }
0x25: {  	_ =	swait.ge [sflag:s21], $0x2A00  }
0x26: {  	[sflag:s21] =	ssyncset.done $0x0;
	s19 =	rddreg [dreg:$0x7]  }
0x27: {  	[sflag:s21] =	ssyncadd.s32 $0xFFFFD600;
	s19 =	sadd.s32 s11, s19  }
0x28: {  	[tilespmem:s29], [sflag:$0x9] =	stream.linear.gather [hbm4b:s19+s3], $0x2A00, $0x38;
	[tilespmem:$0x1F500] =	vst v63  }
0x29: {  	_ =	swait.ge [sflag:s21], $0x2A00  }
0x2a: {  	[sflag:s21] =	ssyncset.done $0x0  }
0x2b: {  	[sflag:s21] =	ssyncadd.s32 $0xFFFFD600  }
0x2c: {  	[bflag:$0x0] =	sbarrier.arrive $0xFFFF  }
0x2d: {  	[tilespmem:s24], [sflag:$0x1] =	stream.indirect.gather [hbm4b:s4+s23], $0x80, s3, s23, $0xb8;
	[tilespmem:$0x1F500] =	vst v63  }
0x2e: {  	_ = 	snop  }
0x2f: {  	[tilespmem:s25], [sflag:$0x2] =	stream.indirect.gather [hbm4b:s4+s23], $0x80, s23, s23, $0xb8;
	[tilespmem:$0x1F500] =	vst v63  }
0x30: {  	s14 =	simm.s32 $0x100  }
0x31: {  	[tilespmem:s28], [sflag:$0x3] =	stream.indirect.gather [hbm4b:s4+s23], $0x80, s14, s23, $0xb8;
	[tilespmem:$0x1F500] =	vst v63  }
0x32: {  	s14 =	simm.s32 $0x180  }
0x33: {  	[tilespmem:s30], [sflag:$0x4] =	stream.indirect.gather [hbm4b:s4+s23], $0x80, s14, s23, $0xb8;
	[tilespmem:$0x1F500] =	vst v63  }
0x34: {  	_ =	swait.ge [sflag:s31], $0x4000  }
0x35: {  	[sflag:s31] =	ssyncset.done $0x0  }
0x36: {  	s14 =	simm.s32 $0x2C00;
	[sflag:s31] =	ssyncadd.s32 $0xFFFFC000  }
0x37: {  	[spmem:s1] =	stream.indirect.scatter.add.f32 [tilespmem:s24], [sflag:$0x5], $0x80, s14, s23, $0xb8;
	[tilespmem:$0x1F500] =	vst v63  }
0x38: {  	_ =	swait.ge [sflag:s0], $0x4000  }
0x39: {  	[sflag:s0] =	ssyncset.done $0x0  }
0x3a: {  	s14 =	simm.s32 $0x2C80;
	[sflag:s0] =	ssyncadd.s32 $0xFFFFC000  }
0x3b: {  	[spmem:s1] =	stream.indirect.scatter.add.f32 [tilespmem:s25], [sflag:$0x6], $0x80, s14, s23, $0xb8;
	[tilespmem:$0x1F500] =	vst v63  }
0x3c: {  	_ =	swait.ge [sflag:s2], $0x4000  }
0x3d: {  	[sflag:s2] =	ssyncset.done $0x0  }
0x3e: {  	s14 =	simm.s32 $0x2D00;
	[sflag:s2] =	ssyncadd.s32 $0xFFFFC000  }
0x3f: {  	[spmem:s1] =	stream.indirect.scatter.add.f32 [tilespmem:s28], [sflag:$0x7], $0x80, s14, s23, $0xb8;
	[tilespmem:$0x1F500] =	vst v63  }
0x40: {  	_ =	swait.ge [sflag:s6], $0x4000  }
0x41: {  	[sflag:s6] =	ssyncset.done $0x0  }
0x42: {  	s14 =	simm.s32 $0x2D80;
	[sflag:s6] =	ssyncadd.s32 $0xFFFFC000  }
0x43: {  	[spmem:s1] =	stream.indirect.scatter.add.f32 [tilespmem:s30], [sflag:$0x8], $0x80, s14, s23, $0xb8;
	[tilespmem:$0x1F500] =	vst v63  }
0x44: {  	_ =	swait.ge [sflag:s8], $0x4000  }
0x45: {  	[sflag:s8] =	ssyncset.done $0x0  }
0x46: {  	s14 =	simm.s32 $0x200;
	[sflag:s8] =	ssyncadd.s32 $0xFFFFC000  }
0x47: {  	[tilespmem:s24], [sflag:$0x1] =	stream.indirect.gather [hbm4b:s4+s23], $0x80, s14, s23, $0xb8;
	[tilespmem:$0x1F500] =	vst v63  }
0x48: {  	_ =	swait.ge [sflag:s9], $0x4000  }
0x49: {  	[sflag:s9] =	ssyncset.done $0x0  }
0x4a: {  	s14 =	simm.s32 $0x280;
	[sflag:s9] =	ssyncadd.s32 $0xFFFFC000  }
0x4b: {  	[tilespmem:s25], [sflag:$0x2] =	stream.indirect.gather [hbm4b:s4+s23], $0x80, s14, s23, $0xb8;
	[tilespmem:$0x1F500] =	vst v63  }
0x4c: {  	_ =	swait.ge [sflag:s10], $0x4000  }
0x4d: {  	[sflag:s10] =	ssyncset.done $0x0  }
0x4e: {  	s14 =	simm.s32 $0x300;
	[sflag:s10] =	ssyncadd.s32 $0xFFFFC000  }
0x4f: {  	[tilespmem:s28], [sflag:$0x3] =	stream.indirect.gather [hbm4b:s4+s23], $0x80, s14, s23, $0xb8;
	[tilespmem:$0x1F500] =	vst v63  }
0x50: {  	_ =	swait.ge [sflag:s12], $0x4000  }
0x51: {  	[sflag:s12] =	ssyncset.done $0x0  }
0x52: {  	s13 =	simm.s32 $0x380;
	s29 =	simm.s32 $0x800;
	[sflag:s12] =	ssyncadd.s32 $0xFFFFC000  }
.LBB2_2:
0x53: {  	[tilespmem:s30], [sflag:$0x4] =	stream.indirect.gather [hbm4b:s4+s23], $0x80, s13, s23, $0xb8;
	[tilespmem:$0x1F500] =	vst v63  }
0x54: {  	s13 =	smov.u32 s29  }
0x55: {  	p1 =	sne.s32 s29, $0x9800;
	s29 =	sadd.s32 $0x800, s29;
	_ =	swait.ge [sflag:s31], $0x4000  }
0x56: {  	s13 =	sshra.s32 s13, $0x2;
	[sflag:s31] =	ssyncset.done $0x0  }
0x57: {  	s14 =	sadd.s32 $0x2C00, s13;
	[sflag:s31] =	ssyncadd.s32 $0xFFFFC000  }
0x58: {  	[spmem:s1] =	stream.indirect.scatter.add.f32 [tilespmem:s24], [sflag:$0x5], $0x80, s14, s23, $0xb8;
	[tilespmem:$0x1F500] =	vst v63  }
0x59: {  	_ =	swait.ge [sflag:s0], $0x4000  }
0x5a: {  	[sflag:s0] =	ssyncset.done $0x0  }
0x5b: {  	s14 =	sadd.s32 $0x2C80, s13;
	[sflag:s0] =	ssyncadd.s32 $0xFFFFC000  }
0x5c: {  	[spmem:s1] =	stream.indirect.scatter.add.f32 [tilespmem:s25], [sflag:$0x6], $0x80, s14, s23, $0xb8;
	[tilespmem:$0x1F500] =	vst v63  }
0x5d: {  	_ =	swait.ge [sflag:s2], $0x4000  }
0x5e: {  	[sflag:s2] =	ssyncset.done $0x0  }
0x5f: {  	s14 =	sadd.s32 $0x2D00, s13;
	[sflag:s2] =	ssyncadd.s32 $0xFFFFC000  }
0x60: {  	[spmem:s1] =	stream.indirect.scatter.add.f32 [tilespmem:s28], [sflag:$0x7], $0x80, s14, s23, $0xb8;
	[tilespmem:$0x1F500] =	vst v63  }
0x61: {  	_ =	swait.ge [sflag:s6], $0x4000  }
0x62: {  	[sflag:s6] =	ssyncset.done $0x0  }
0x63: {  	s14 =	sadd.s32 $0x2D80, s13;
	[sflag:s6] =	ssyncadd.s32 $0xFFFFC000  }
0x64: {  	[spmem:s1] =	stream.indirect.scatter.add.f32 [tilespmem:s30], [sflag:$0x8], $0x80, s14, s23, $0xb8;
	[tilespmem:$0x1F500] =	vst v63  }
0x65: {  	_ =	swait.ge [sflag:s8], $0x4000  }
0x66: {  	[sflag:s8] =	ssyncset.done $0x0  }
0x67: {  	s14 =	sadd.s32 $0x200, s13;
	[sflag:s8] =	ssyncadd.s32 $0xFFFFC000  }
0x68: {  	[tilespmem:s24], [sflag:$0x1] =	stream.indirect.gather [hbm4b:s4+s23], $0x80, s14, s23, $0xb8;
	[tilespmem:$0x1F500] =	vst v63  }
0x69: {  	_ =	swait.ge [sflag:s9], $0x4000  }
0x6a: {  	[sflag:s9] =	ssyncset.done $0x0  }
0x6b: {  	s14 =	sadd.s32 $0x280, s13;
	[sflag:s9] =	ssyncadd.s32 $0xFFFFC000  }
0x6c: {  	[tilespmem:s25], [sflag:$0x2] =	stream.indirect.gather [hbm4b:s4+s23], $0x80, s14, s23, $0xb8;
	[tilespmem:$0x1F500] =	vst v63  }
0x6d: {  	_ =	swait.ge [sflag:s10], $0x4000  }
0x6e: {  	[sflag:s10] =	ssyncset.done $0x0  }
.Ltmp0:
0x6f: {  	s14 =	sadd.s32 $0x300, s13;
	[sflag:s10] =	ssyncadd.s32 $0xFFFFC000;
	(pc) =	sbr.rel @p1 .LBB2_2-.Ltmp0, $4  }
0x70: {  	[tilespmem:s28], [sflag:$0x3] =	stream.indirect.gather [hbm4b:s4+s23], $0x80, s14, s23, $0xb8;
	[tilespmem:$0x1F500] =	vst v63  }
0x71: {  	_ =	swait.ge [sflag:s12], $0x4000  }
0x72: {  	[sflag:s12] =	ssyncset.done $0x0  }
0x73: {  	s13 =	sadd.s32 $0x380, s13;
	[sflag:s12] =	ssyncadd.s32 $0xFFFFC000  }
0x74: {  	[tilespmem:s30], [sflag:$0x4] =	stream.indirect.gather [hbm4b:s4+s23], $0x80, s13, s23, $0xb8;
	[tilespmem:$0x1F500] =	vst v63  }
0x75: {  	_ =	swait.ge [sflag:s31], $0x4000  }
0x76: {  	[sflag:s31] =	ssyncset.done $0x0  }
0x77: {  	s14 =	simm.s32 $0x5400;
	[sflag:s31] =	ssyncadd.s32 $0xFFFFC000  }
0x78: {  	[spmem:s1] =	stream.indirect.scatter.add.f32 [tilespmem:s24], [sflag:$0x5], $0x80, s14, s23, $0xb8;
	[tilespmem:$0x1F500] =	vst v63  }
0x79: {  	_ =	swait.ge [sflag:s0], $0x4000  }
0x7a: {  	[sflag:s0] =	ssyncset.done $0x0  }
0x7b: {  	s14 =	simm.s32 $0x5480;
	[sflag:s0] =	ssyncadd.s32 $0xFFFFC000  }
0x7c: {  	[spmem:s1] =	stream.indirect.scatter.add.f32 [tilespmem:s25], [sflag:$0x6], $0x80, s14, s23, $0xb8;
	[tilespmem:$0x1F500] =	vst v63  }
0x7d: {  	_ =	swait.ge [sflag:s2], $0x4000  }
0x7e: {  	[sflag:s2] =	ssyncset.done $0x0  }
0x7f: {  	[sflag:s2] =	ssyncadd.s32 $0xFFFFC000  }
0x80: {  	[spmem:s1] =	stream.indirect.scatter.add.f32 [tilespmem:s28], [sflag:$0x7], $0x80, s16, s23, $0xb8;
	[tilespmem:$0x1F500] =	vst v63  }
0x81: {  	_ =	swait.ge [sflag:s6], $0x4000  }
0x82: {  	[sflag:s6] =	ssyncset.done $0x0  }
0x83: {  	[sflag:s6] =	ssyncadd.s32 $0xFFFFC000  }
0x84: {  	[spmem:s1] =	stream.indirect.scatter.add.f32 [tilespmem:s30], [sflag:$0x8], $0x80, s22, s23, $0xb8;
	[tilespmem:$0x1F500] =	vst v63  }
0x85: {  	_ =	swait.ge [sflag:s8], $0x4000  }
0x86: {  	[sflag:s8] =	ssyncset.done $0x0  }
0x87: {  	[sflag:s8] =	ssyncadd.s32 $0xFFFFC000  }
0x88: {  	_ =	swait.ge [sflag:s9], $0x4000  }
0x89: {  	[sflag:s9] =	ssyncset.done $0x0  }
0x8a: {  	[sflag:s9] =	ssyncadd.s32 $0xFFFFC000  }
0x8b: {  	_ =	swait.ge [sflag:s10], $0x4000  }
0x8c: {  	[sflag:s10] =	ssyncset.done $0x0  }
0x8d: {  	[sflag:s10] =	ssyncadd.s32 $0xFFFFC000  }
0x8e: {  	_ =	swait.ge [sflag:s12], $0x4000  }
0x8f: {  	[sflag:s12] =	ssyncset.done $0x0  }
0x90: {  	[sflag:s12] =	ssyncadd.s32 $0xFFFFC000  }
0x91: {  	[bflag:$0x0] =	sbarrier.arrive $0xFFFF  }
0x92: {  	s14 =	rddreg [dreg:$0x8]  }
0x93: {  	[hbm:s14], [sflag:s7] =	dma.local [spmem:s20], $0x1300  }
0x94: {  	_ =	swait.ge [sflag:s21], $0x1300  }
0x95: {  	[sflag:s21] =	ssyncset.done $0x0  }
0x96: {  	s13 =	sshrl.u32 @p0 s5, $0x3;
	[sflag:s21] =	ssyncadd.s32 $0xFFFFED00  }
0x97: {  	[spmem:s13], [sflag:s7] =	dma.local @p0 [hbm:s15], $0x1300  }
0x98: {  	s13 =	simm.s32 @p0 $0x9  }
0x99: {  	_ =	swait.ge @p0 [sflag:s13], $0x1300  }
0x9a: {  	[sflag:s13] =	ssyncset.done @p0 $0x0  }
0x9b: {  	[sflag:s13] =	ssyncadd.s32 @p0 $0xFFFFED00;
	s13 =	rddreg [dreg:$0x9]  }
0x9c: {  	[hbm:s13], [sflag:s7] =	dma.local @!p0 [spmem:s18], $0x800  }
0x9d: {  	s13 =	simm.s32 @!p0 $0x9  }
0x9e: {  	_ =	swait.ge @!p0 [sflag:s13], $0x800  }
0x9f: {  	[sflag:s13] =	ssyncset.done @!p0 $0x0  }
0xa0: {  	s14 =	sshrl.u32 @!p0 s5, $0x3;
	[sflag:s13] =	ssyncadd.s32 @!p0 $0xFFFFF800  }
0xa1: {  	[spmem:s14], [sflag:s7] =	dma.local @!p0 [hbm:s15], $0x1300  }
0xa2: {  	_ =	swait.ge @!p0 [sflag:s13], $0x1300  }
0xa3: {  	[sflag:s13] =	ssyncset.done @!p0 $0x0  }
0xa4: {  	s14 =	rddreg [dreg:$0xa];
	[sflag:s13] =	ssyncadd.s32 @!p0 $0xFFFFED00  }
0xa5: {  	[spmem:s18], [sflag:s7] =	dma.local @!p0 [hbm:s14], $0x900  }
0xa6: {  	_ =	swait.ge @!p0 [sflag:s13], $0x900  }
0xa7: {  	[sflag:s13] =	ssyncset.done @!p0 $0x0  }
0xa8: {  	s26 =	sadd.s32 $0x5800, s26;
	s14 =	simm.s32 $0x0;
	[sflag:s13] =	ssyncadd.s32 @!p0 $0xFFFFF700  }
0xa9: {  	[tilespmem:s14], [sflag:$0x9] =	stream.linear.gather [hbm4b:s26+s14], $0x2A00, $0x38;
	[tilespmem:$0x1F500] =	vst v63  }
0xaa: {  	_ =	swait.ge [sflag:s21], $0x2A00  }
0xab: {  	[sflag:s21] =	ssyncset.done $0x0  }
0xac: {  	s29 =	simm.s32 $0x2C00;
	s26 =	sadd.s32 $0x5800, s19;
	[sflag:s21] =	ssyncadd.s32 $0xFFFFD600  }
0xad: {  	[tilespmem:s29], [sflag:$0x9] =	stream.linear.gather [hbm4b:s26+s14], $0x2A00, $0x38;
	[tilespmem:$0x1F500] =	vst v63  }
0xae: {  	_ =	swait.ge [sflag:s21], $0x2A00  }
0xaf: {  	[sflag:s21] =	ssyncset.done $0x0  }
0xb0: {  	[sflag:s21] =	ssyncadd.s32 $0xFFFFD600  }
0xb1: {  	[bflag:$0x0] =	sbarrier.arrive $0xFFFF  }
0xb2: {  	[tilespmem:s24], [sflag:$0x1] =	stream.indirect.gather [hbm4b:s4+s23], $0x80, s14, s23, $0xb8;
	[tilespmem:$0x1F500] =	vst v63  }
0xb3: {  	_ = 	snop  }
0xb4: {  	[tilespmem:s25], [sflag:$0x2] =	stream.indirect.gather [hbm4b:s4+s23], $0x80, s23, s23, $0xb8;
	[tilespmem:$0x1F500] =	vst v63  }
0xb5: {  	s14 =	simm.s32 $0x100  }
0xb6: {  	[tilespmem:s28], [sflag:$0x3] =	stream.indirect.gather [hbm4b:s4+s23], $0x80, s14, s23, $0xb8;
	[tilespmem:$0x1F500] =	vst v63  }
0xb7: {  	s19 =	simm.s32 $0x180  }
0xb8: {  	[tilespmem:s30], [sflag:$0x4] =	stream.indirect.gather [hbm4b:s4+s23], $0x80, s19, s23, $0xb8;
	[tilespmem:$0x1F500] =	vst v63  }
0xb9: {  	_ =	swait.ge [sflag:s31], $0x4000  }
0xba: {  	[sflag:s31] =	ssyncset.done $0x0  }
0xbb: {  	s26 =	simm.s32 $0x2C00;
	[sflag:s31] =	ssyncadd.s32 $0xFFFFC000  }
0xbc: {  	[spmem:s1] =	stream.indirect.scatter.add.f32 [tilespmem:s24], [sflag:$0x5], $0x80, s26, s23, $0xb8;
	[tilespmem:$0x1F500] =	vst v63  }
0xbd: {  	_ =	swait.ge [sflag:s0], $0x4000  }
0xbe: {  	[sflag:s0] =	ssyncset.done $0x0  }
0xbf: {  	s14 =	simm.s32 $0x2C80;
	[sflag:s0] =	ssyncadd.s32 $0xFFFFC000  }
0xc0: {  	[spmem:s1] =	stream.indirect.scatter.add.f32 [tilespmem:s25], [sflag:$0x6], $0x80, s14, s23, $0xb8;
	[tilespmem:$0x1F500] =	vst v63  }
0xc1: {  	_ =	swait.ge [sflag:s2], $0x4000  }
0xc2: {  	[sflag:s2] =	ssyncset.done $0x0  }
0xc3: {  	s19 =	simm.s32 $0x2D00;
	[sflag:s2] =	ssyncadd.s32 $0xFFFFC000  }
0xc4: {  	[spmem:s1] =	stream.indirect.scatter.add.f32 [tilespmem:s28], [sflag:$0x7], $0x80, s19, s23, $0xb8;
	[tilespmem:$0x1F500] =	vst v63  }
0xc5: {  	_ =	swait.ge [sflag:s6], $0x4000  }
0xc6: {  	[sflag:s6] =	ssyncset.done $0x0  }
0xc7: {  	s26 =	simm.s32 $0x2D80;
	[sflag:s6] =	ssyncadd.s32 $0xFFFFC000  }
0xc8: {  	[spmem:s1] =	stream.indirect.scatter.add.f32 [tilespmem:s30], [sflag:$0x8], $0x80, s26, s23, $0xb8;
	[tilespmem:$0x1F500] =	vst v63  }
0xc9: {  	_ =	swait.ge [sflag:s8], $0x4000  }
0xca: {  	[sflag:s8] =	ssyncset.done $0x0  }
0xcb: {  	s14 =	simm.s32 $0x200;
	[sflag:s8] =	ssyncadd.s32 $0xFFFFC000  }
0xcc: {  	[tilespmem:s24], [sflag:$0x1] =	stream.indirect.gather [hbm4b:s4+s23], $0x80, s14, s23, $0xb8;
	[tilespmem:$0x1F500] =	vst v63  }
0xcd: {  	_ =	swait.ge [sflag:s9], $0x4000  }
0xce: {  	[sflag:s9] =	ssyncset.done $0x0  }
0xcf: {  	s19 =	simm.s32 $0x280;
	[sflag:s9] =	ssyncadd.s32 $0xFFFFC000  }
0xd0: {  	[tilespmem:s25], [sflag:$0x2] =	stream.indirect.gather [hbm4b:s4+s23], $0x80, s19, s23, $0xb8;
	[tilespmem:$0x1F500] =	vst v63  }
0xd1: {  	_ =	swait.ge [sflag:s10], $0x4000  }
0xd2: {  	[sflag:s10] =	ssyncset.done $0x0  }
0xd3: {  	s26 =	simm.s32 $0x300;
	[sflag:s10] =	ssyncadd.s32 $0xFFFFC000  }
0xd4: {  	[tilespmem:s28], [sflag:$0x3] =	stream.indirect.gather [hbm4b:s4+s23], $0x80, s26, s23, $0xb8;
	[tilespmem:$0x1F500] =	vst v63  }
0xd5: {  	_ =	swait.ge [sflag:s12], $0x4000  }
0xd6: {  	[sflag:s12] =	ssyncset.done $0x0  }
0xd7: {  	s13 =	simm.s32 $0x380;
	s19 =	simm.s32 $0x800;
	[sflag:s12] =	ssyncadd.s32 $0xFFFFC000  }
.LBB2_4:
0xd8: {  	[tilespmem:s30], [sflag:$0x4] =	stream.indirect.gather [hbm4b:s4+s23], $0x80, s13, s23, $0xb8;
	[tilespmem:$0x1F500] =	vst v63  }
0xd9: {  	s13 =	smov.u32 s19  }
0xda: {  	p1 =	sne.s32 s19, $0x9800;
	s19 =	sadd.s32 $0x800, s19;
	_ =	swait.ge [sflag:s31], $0x4000  }
0xdb: {  	s13 =	sshra.s32 s13, $0x2;
	[sflag:s31] =	ssyncset.done $0x0  }
0xdc: {  	s14 =	sadd.s32 $0x2C00, s13;
	[sflag:s31] =	ssyncadd.s32 $0xFFFFC000  }
0xdd: {  	[spmem:s1] =	stream.indirect.scatter.add.f32 [tilespmem:s24], [sflag:$0x5], $0x80, s14, s23, $0xb8;
	[tilespmem:$0x1F500] =	vst v63  }
0xde: {  	_ =	swait.ge [sflag:s0], $0x4000  }
0xdf: {  	[sflag:s0] =	ssyncset.done $0x0  }
0xe0: {  	s14 =	sadd.s32 $0x2C80, s13;
	[sflag:s0] =	ssyncadd.s32 $0xFFFFC000  }
0xe1: {  	[spmem:s1] =	stream.indirect.scatter.add.f32 [tilespmem:s25], [sflag:$0x6], $0x80, s14, s23, $0xb8;
	[tilespmem:$0x1F500] =	vst v63  }
0xe2: {  	_ =	swait.ge [sflag:s2], $0x4000  }
0xe3: {  	[sflag:s2] =	ssyncset.done $0x0  }
0xe4: {  	s14 =	sadd.s32 $0x2D00, s13;
	[sflag:s2] =	ssyncadd.s32 $0xFFFFC000  }
0xe5: {  	[spmem:s1] =	stream.indirect.scatter.add.f32 [tilespmem:s28], [sflag:$0x7], $0x80, s14, s23, $0xb8;
	[tilespmem:$0x1F500] =	vst v63  }
0xe6: {  	_ =	swait.ge [sflag:s6], $0x4000  }
0xe7: {  	[sflag:s6] =	ssyncset.done $0x0  }
0xe8: {  	s14 =	sadd.s32 $0x2D80, s13;
	[sflag:s6] =	ssyncadd.s32 $0xFFFFC000  }
0xe9: {  	[spmem:s1] =	stream.indirect.scatter.add.f32 [tilespmem:s30], [sflag:$0x8], $0x80, s14, s23, $0xb8;
	[tilespmem:$0x1F500] =	vst v63  }
0xea: {  	_ =	swait.ge [sflag:s8], $0x4000  }
0xeb: {  	[sflag:s8] =	ssyncset.done $0x0  }
0xec: {  	s14 =	sadd.s32 $0x200, s13;
	[sflag:s8] =	ssyncadd.s32 $0xFFFFC000  }
0xed: {  	[tilespmem:s24], [sflag:$0x1] =	stream.indirect.gather [hbm4b:s4+s23], $0x80, s14, s23, $0xb8;
	[tilespmem:$0x1F500] =	vst v63  }
0xee: {  	_ =	swait.ge [sflag:s9], $0x4000  }
0xef: {  	[sflag:s9] =	ssyncset.done $0x0  }
0xf0: {  	s14 =	sadd.s32 $0x280, s13;
	[sflag:s9] =	ssyncadd.s32 $0xFFFFC000  }
0xf1: {  	[tilespmem:s25], [sflag:$0x2] =	stream.indirect.gather [hbm4b:s4+s23], $0x80, s14, s23, $0xb8;
	[tilespmem:$0x1F500] =	vst v63  }
0xf2: {  	_ =	swait.ge [sflag:s10], $0x4000  }
0xf3: {  	[sflag:s10] =	ssyncset.done $0x0  }
.Ltmp1:
0xf4: {  	s14 =	sadd.s32 $0x300, s13;
	[sflag:s10] =	ssyncadd.s32 $0xFFFFC000;
	(pc) =	sbr.rel @p1 .LBB2_4-.Ltmp1, $4  }
0xf5: {  	[tilespmem:s28], [sflag:$0x3] =	stream.indirect.gather [hbm4b:s4+s23], $0x80, s14, s23, $0xb8;
	[tilespmem:$0x1F500] =	vst v63  }
0xf6: {  	_ =	swait.ge [sflag:s12], $0x4000  }
0xf7: {  	[sflag:s12] =	ssyncset.done $0x0  }
0xf8: {  	s13 =	sadd.s32 $0x380, s13;
	[sflag:s12] =	ssyncadd.s32 $0xFFFFC000  }
0xf9: {  	[tilespmem:s30], [sflag:$0x4] =	stream.indirect.gather [hbm4b:s4+s23], $0x80, s13, s23, $0xb8;
	[tilespmem:$0x1F500] =	vst v63  }
0xfa: {  	_ =	swait.ge [sflag:s31], $0x4000  }
0xfb: {  	[sflag:s31] =	ssyncset.done $0x0  }
0xfc: {  	s14 =	simm.s32 $0x5400;
	[sflag:s31] =	ssyncadd.s32 $0xFFFFC000  }
0xfd: {  	[spmem:s1] =	stream.indirect.scatter.add.f32 [tilespmem:s24], [sflag:$0x5], $0x80, s14, s23, $0xb8;
	[tilespmem:$0x1F500] =	vst v63  }
0xfe: {  	_ =	swait.ge [sflag:s0], $0x4000  }
0xff: {  	[sflag:s0] =	ssyncset.done $0x0  }
0x100: {  	s19 =	simm.s32 $0x5480;
	[sflag:s0] =	ssyncadd.s32 $0xFFFFC000  }
0x101: {  	[spmem:s1] =	stream.indirect.scatter.add.f32 [tilespmem:s25], [sflag:$0x6], $0x80, s19, s23, $0xb8;
	[tilespmem:$0x1F500] =	vst v63  }
0x102: {  	_ =	swait.ge [sflag:s2], $0x4000  }
0x103: {  	[sflag:s2] =	ssyncset.done $0x0  }
0x104: {  	[sflag:s2] =	ssyncadd.s32 $0xFFFFC000  }
0x105: {  	[spmem:s1] =	stream.indirect.scatter.add.f32 [tilespmem:s28], [sflag:$0x7], $0x80, s16, s23, $0xb8;
	[tilespmem:$0x1F500] =	vst v63  }
0x106: {  	_ =	swait.ge [sflag:s6], $0x4000  }
0x107: {  	[sflag:s6] =	ssyncset.done $0x0  }
0x108: {  	[sflag:s6] =	ssyncadd.s32 $0xFFFFC000  }
0x109: {  	[spmem:s1] =	stream.indirect.scatter.add.f32 [tilespmem:s30], [sflag:$0x8], $0x80, s22, s23, $0xb8;
	[tilespmem:$0x1F500] =	vst v63  }
0x10a: {  	_ =	swait.ge [sflag:s8], $0x4000  }
0x10b: {  	[sflag:s8] =	ssyncset.done $0x0  }
0x10c: {  	[sflag:s8] =	ssyncadd.s32 $0xFFFFC000  }
0x10d: {  	_ =	swait.ge [sflag:s9], $0x4000  }
0x10e: {  	[sflag:s9] =	ssyncset.done $0x0  }
0x10f: {  	[sflag:s9] =	ssyncadd.s32 $0xFFFFC000  }
0x110: {  	_ =	swait.ge [sflag:s10], $0x4000  }
0x111: {  	[sflag:s10] =	ssyncset.done $0x0  }
0x112: {  	[sflag:s10] =	ssyncadd.s32 $0xFFFFC000  }
0x113: {  	_ =	swait.ge [sflag:s12], $0x4000  }
0x114: {  	[sflag:s12] =	ssyncset.done $0x0  }
0x115: {  	[sflag:s12] =	ssyncadd.s32 $0xFFFFC000  }
0x116: {  	[bflag:$0x0] =	sbarrier.arrive $0xFFFF  }
0x117: {  	s26 =	rddreg [dreg:$0xb]  }
0x118: {  	[hbm:s26], [sflag:s7] =	dma.local [spmem:s20], $0x1300  }
0x119: {  	_ =	swait.ge [sflag:s21], $0x1300  }
0x11a: {  	[sflag:s21] =	ssyncset.done $0x0  }
0x11b: {  	s13 =	rddreg [dreg:$0xc];
	[sflag:s21] =	ssyncadd.s32 $0xFFFFED00  }
0x11c: {  	[hbm:s13], [sflag:s7] =	dma.local @!p0 [spmem:s18], $0x900  }
0x11d: {  	s13 =	simm.s32 @!p0 $0x9  }
0x11e: {  	_ =	swait.ge @!p0 [sflag:s13], $0x900  }
0x11f: {  	s17 =	sadd.s32 $0x1, s17;
	s14 =	rddreg [dreg:$0xd]  }
0x120: {  	p1 =	sne.s32 s17, s14  }
.Ltmp2:
0x121: {  	_ = 	snop;
	(pc) =	sbr.rel @p1 .LBB2_1-.Ltmp2, $3  }
0x122: {  	_ =	sdelay $0x1  }
0x123: {  	[sflag:s13] =	ssyncset.done @!p0 $0x0  }
0x124: {  	[sflag:s13] =	ssyncadd.s32 @!p0 $0xFFFFF700  }
0x125: {  	_ =	sfence.sel $0x180000  }
0x126: {  	[bflag:$0x0] =	sbarrier.arrive $0xFFFF  }
0x127: {  	_ =	strace $0x9000004D  }
0x128: {  	s0 =	stileid.u32;
	[bflag:$0x2] =	sbarrier.arrive $0xFFFF  }
0x129: {  	p0 =	sne.s32 s0, $0x0;
	s0 =	rddreg [dreg:$0x2]  }
0x12a: {  	s0 =	sadd.s32 @!p0 $0x100000, s0  }
0x12b: {  	[sflag:s0] =	ssyncadd.tile.s32 @!p0 $0x1;
	_ =	shalt  }
.Lfunc_end2:
_tile_overlayer_lowered:
.L_overlay_start_2:
0x12c: {  	(tag) =	ssettag $0x2  }
0x12d: {  	s0 =	rddreg [dreg:$0x0];
	s2 =	stileid.u32  }
0x12e: {  	s1 =	rddreg [dreg:$0x1];
	p0 =	sne.s32 s2, $0x0  }
0x12f: {  	s3 =	rddreg [dreg:$0x2];
	[bflag:$0x3] =	sbarrier.arrive $0xFFFF;
	s2 =	simm.s32 @!p0 $0x1C09  }
0x130: {  	[timem:s3], [sflag:s2] =	dma.local @!p0 [hbm:s0], s1  }
0x131: {  	s0 =	simm.s32 @!p0 $0x9  }
0x132: {  	_ =	swait.ge @!p0 [sflag:s0], s1  }
0x133: {  	s1 =	ssub.s32 @!p0 $0x0, s1;
	[sflag:s0] =	ssyncset.done @!p0 $0x0  }
0x134: {  	[sflag:s0] =	ssyncadd.s32 @!p0 s1  }
0x135: {  	[bflag:$0x3] =	sbarrier.arrive $0xFFFF  }
0x136: {  	_ =	shalt  }

// kernel: kernel.18.cloned.1.call-start
scs
__scs_entry_jumppad:
0x0: {  	(pc) =	sbr.rel $0x88, $3  }
0x1: {  	(tag) =	ssettag $0x0;
	lr =	simm.s32 $0x1  }
0x2: {  	[smem:$0x3F99] =	sst lr;
	_ =	strace $0xD0000000  }
0x3: {  	_ = 	snop  }
0x4: {  	_ = 	snop  }
0x5: {  	_ = 	snop  }
0x6: {  	_ = 	snop  }
0x7: {  	_ = 	snop  }
__scs_overlays_trampoline_lowered:
0x8: {  	[smem:$0x3FA8] =	sst s0  }
0x9: {  	[smem:$0x3FA9] =	sst s1  }
0xa: {  	[smem:$0x3FAA] =	sst s2  }
0xb: {  	[smem:$0x3FAB] =	sst s3  }
0xc: {  	[smem:$0x3FAC] =	sst s4  }
0xd: {  	[smem:$0x3FAD] =	sst s5  }
0xe: {  	[smem:$0x3FAE] =	sst s6  }
0xf: {  	[smem:$0x3FAF] =	sst s7  }
0x10: {  	[smem:$0x3FB0] =	sst s8  }
0x11: {  	[smem:$0x3FB1] =	sst s9;
	s0 =	simm.s32 @!p0 $0x0  }
0x12: {  	s1 =	sld [smem:$0x3F97];
	s0 =	simm.s32 @p0 $0x1  }
0x13: {  	[smem:$0x3FB2] =	sst s0;
	s0 =	simm.s32 @!p1 $0x0  }
0x14: {  	s2 =	sld [smem:$0x3F96];
	s0 =	simm.s32 @p1 $0x1  }
0x15: {  	[smem:$0x3FB3] =	sst s0;
	s0 =	simm.s32 @!p2 $0x0  }
0x16: {  	s3 =	sld [smem:$0x3FDB];
	s0 =	simm.s32 @p2 $0x1  }
0x17: {  	s4 =	simm.s32 $0x1BF5;
	[smem:$0x3FB5] =	sst s0  }
0x18: {  	s0 =	sld [smem:$0x3F98];
	_ =	swait.ge [sflag:s4], $0x0  }
0x19: {  	s7 =	sld [smem:$0x3F99]  }
0x1a: {  	s8 =	sadd.s32 $0xFFFFE003, lr  }
0x1b: {  	s9 =	sadd.s32 $0xFFFFFEF7, lr;
	s5 =	simm.s32 $0xFFFFFFFF;
	p2 =	slt.u32 s8, $0xFFFFF086  }
0x1c: {  	p1 =	slt.u32 s9, $0xF7A;
	s5 =	simm.s32 @!p2 $0x0  }
0x1d: {  	s5 =	simm.s32 @p1 $0x1;
	p0 =	seq.s32 s7, s2  }
0x1e: {  	s7 =	smul.u32 @!p0 $0xF7A, s2;
	p2 =	seq.s32 @!p0 s5, $0x0  }
0x1f: {  	s9 =	smul.u32 $0xF7A, s1;
	s8 =	simm.s32 @!p0 $0x1BF5;
	p2 =	por !p2, p0  }
0x20: {  	[sflag:s8] =	ssyncset.s32 @!p0 $0xFFFFF086;
	s6 =	sadd.s32 @!p0 s3, s7;
	s7 =	simm.s32 @!p0 $0x108  }
0x21: {  	s3 =	sadd.s32 s3, s9;
	s6 =	sadd.s32 @!p0 $0x88, s6;
	s7 =	simm.s32 @p2 $0x1082  }
0x22: {  	[simem:s7], [sflag:s8] =	dma.local @!p0 [hbm:s6], $0xF7A  }
0x23: {  	s9 =	sor.u32 $0xD0000000, s2;
	s6 =	simm.s32 $0x108;
	_ =	swait.ge @!p0 [sflag:s8], $0x0  }
0x24: {  	s3 =	sadd.s32 $0x88, s3;
	s6 =	simm.s32 @!p1 $0x1082;
	[sflag:s4] =	ssyncset.s32 $0xFFFFF086  }
0x25: {  	[simem:s6], [sflag:s4] =	dma.local [hbm:s3], $0xF7A  }
0x26: {  	[smem:$0x3F99] =	sst s1;
	(tag) =	ssettag s2;
	_ =	strace s9  }
0x27: {  	s1 =	sld [smem:$0x3FA9]  }
0x28: {  	s2 =	sld [smem:$0x3FAA]  }
0x29: {  	s4 =	sld [smem:$0x3FAC]  }
0x2a: {  	p0 =	seq.s32 s5, $0x0;
	s5 =	sld [smem:$0x3FAD]  }
0x2b: {  	s6 =	sld [smem:$0x3FAE]  }
0x2c: {  	s7 =	sld [smem:$0x3FAF]  }
0x2d: {  	s3 =	simm.s32 $0x108;
	s8 =	sld [smem:$0x3FB0]  }
0x2e: {  	s3 =	simm.s32 @!p0 $0x1082;
	s9 =	sld [smem:$0x3FB1]  }
0x2f: {  	lr =	sadd.s32 s0, s3;
	s0 =	sld [smem:$0x3FA8]  }
0x30: {  	s3 =	sld [smem:$0x3FAB]  }
0x31: {  	[smem:$0x3FB4] =	sst s10  }
0x32: {  	s10 =	sld [smem:$0x3FB2];
	_ =	sdelay $0x3  }
0x33: {  	p0 =	seq.s32 s10, $0x1;
	s10 =	sld [smem:$0x3FB4];
	_ =	sdelay $0x3  }
0x34: {  	[smem:$0x3FB4] =	sst s10  }
0x35: {  	s10 =	sld [smem:$0x3FB3];
	_ =	sdelay $0x3  }
0x36: {  	p1 =	seq.s32 s10, $0x1;
	s10 =	sld [smem:$0x3FB4];
	_ =	sdelay $0x3  }
0x37: {  	[smem:$0x3FB4] =	sst s10  }
0x38: {  	s10 =	sld [smem:$0x3FB5]  }
0x39: {  	_ = 	snop;
	(pc) =	sbr.ind lr, $3  }
0x3a: {  	_ = 	snop  }
0x3b: {  	_ = 	snop  }
0x3c: {  	p2 =	seq.s32 s10, $0x1;
	s10 =	sld [smem:$0x3FB4]  }
0x3d: {  	_ =	shalt  }
0x3e: {  	_ =	shalt  }
0x3f: {  	_ =	shalt  }
0x40: {  	_ =	shalt  }
0x41: {  	_ =	shalt  }
0x42: {  	_ =	shalt  }
0x43: {  	_ =	shalt  }
0x44: {  	_ =	shalt  }
0x45: {  	_ =	shalt  }
0x46: {  	_ =	shalt  }
0x47: {  	_ =	shalt  }
0x48: {  	_ =	shalt  }
0x49: {  	_ =	shalt  }
0x4a: {  	_ =	shalt  }
0x4b: {  	_ =	shalt  }
0x4c: {  	_ =	shalt  }
0x4d: {  	_ =	shalt  }
0x4e: {  	_ =	shalt  }
0x4f: {  	_ =	shalt  }
0x50: {  	_ =	shalt  }
0x51: {  	_ =	shalt  }
0x52: {  	_ =	shalt  }
0x53: {  	_ =	shalt  }
0x54: {  	_ =	shalt  }
0x55: {  	_ =	shalt  }
0x56: {  	_ =	shalt  }
0x57: {  	_ =	shalt  }
0x58: {  	_ =	shalt  }
0x59: {  	_ =	shalt  }
0x5a: {  	_ =	shalt  }
0x5b: {  	_ =	shalt  }
0x5c: {  	_ =	shalt  }
0x5d: {  	_ =	shalt  }
0x5e: {  	_ =	shalt  }
0x5f: {  	_ =	shalt  }
0x60: {  	_ =	shalt  }
0x61: {  	_ =	shalt  }
0x62: {  	_ =	shalt  }
0x63: {  	_ =	shalt  }
0x64: {  	_ =	shalt  }
0x65: {  	_ =	shalt  }
0x66: {  	_ =	shalt  }
0x67: {  	_ =	shalt  }
0x68: {  	_ =	shalt  }
0x69: {  	_ =	shalt  }
0x6a: {  	_ =	shalt  }
0x6b: {  	_ =	shalt  }
0x6c: {  	_ =	shalt  }
0x6d: {  	_ =	shalt  }
0x6e: {  	_ =	shalt  }
0x6f: {  	_ =	shalt  }
0x70: {  	_ =	shalt  }
0x71: {  	_ =	shalt  }
0x72: {  	_ =	shalt  }
0x73: {  	_ =	shalt  }
0x74: {  	_ =	shalt  }
0x75: {  	_ =	shalt  }
0x76: {  	_ =	shalt  }
0x77: {  	_ =	shalt  }
0x78: {  	_ =	shalt  }
0x79: {  	_ =	shalt  }
0x7a: {  	_ =	shalt  }
0x7b: {  	_ =	shalt  }
0x7c: {  	_ =	shalt  }
0x7d: {  	_ =	shalt  }
0x7e: {  	_ =	shalt  }
0x7f: {  	_ =	shalt  }
0x80: {  	_ =	shalt  }
0x81: {  	_ =	shalt  }
0x82: {  	_ =	shalt  }
0x83: {  	_ =	shalt  }
0x84: {  	_ =	shalt  }
0x85: {  	_ =	shalt  }
0x86: {  	_ =	shalt  }
0x87: {  	_ =	shalt  }
.Lfunc_end0:
.L_simem_size_0:
called_computation.3_lowered:
.L_overlay_start_0:
0x88: {  	s2 =	sld [smem:$0x3FD9]  }
0x89: {  	s3 =	sld [smem:$0x3FFE];
	_ =	sdelay $0x1  }
0x8a: {  	s1 =	srdreg.scid  }
0x8b: {  	s0 =	sand.u32 $0x1, s1  }
0x8c: {  	s16 =	sshll.u32 s0, $0xA;
	s2 =	sadd.s32 s3, s2  }
0x8d: {  	s2 =	sadd.s32 s2, s16  }
0x8e: {  	[smem:$0x3FC0] =	sst s2  }
0x8f: {  	_ = 	snop  }
0x90: {  	(tm) =	ssettm $0x1  }
0x91: {  	s17 =	sld [smem:$0x3FFB];
	_ =	sdelay $0x3  }
0x92: {  	_ =	strace s17  }
0x93: {  	s2 =	sld [smem:$0x3FFC];
	_ =	sdelay $0x3  }
0x94: {  	_ =	strace s2  }
0x95: {  	s2 =	sld [smem:$0x3FFD];
	_ =	sdelay $0x3  }
0x96: {  	_ =	strace s2  }
0x97: {  	_ =	strace $0x8FFFFFFF  }
0x98: {  	s18 =	sld [smem:$0x3FDB];
	_ =	sdelay $0x1  }
0x99: {  	s19 =	simm.s32 $_scs_section_size  }
0x9a: {  	s4 =	simm.s32 $_size__tile_overlayer_lowered;
	s5 =	simm.s32 $_tile_overlayer_lowered  }
0x9b: {  	s22 =	simm.s32 $0x1BFF;
	s21 =	sshll.u32 s5, $0x1;
	s2 =	sadd.s32 s19, s18  }
0x9c: {  	s6 =	simm.s32 $0x0;
	s20 =	sshll.u32 s4, $0x1;
	s4 =	sadd.s32 s21, s2  }
0x9d: {  	[timem:s6], [sflag:s22] =	dma.local [hbm:s4], s20  }
0x9e: {  	_ =	swait.ge [sflag:s22], s20  }
0x9f: {  	s3 =	ssub.s32 $0x0, s20;
	[sflag:s22] =	ssyncset.done $0x0  }
0xa0: {  	[sflag:s22] =	ssyncadd.s32 s3;
	_ =	sdelay $0x1  }
0xa1: {  	s23 =	simm.s32 $0x1B8B  }
0xa2: {  	_ =	swait.ge [sflag:s23], $0x1  }
0xa3: {  	[sflag:s23] =	ssyncset.done $0x0  }
0xa4: {  	s25 =	simm.s32 $0x1B8E;
	s24 =	sld [smem:$0x3FFE];
	[sflag:s23] =	ssyncadd.s32 $0xFFFFFFFF  }
0xa5: {  	s26 =	simm.s32 $execute0_lowered;
	[smem:$0x3FD2] =	sst s25  }
0xa6: {  	s4 =	sshll.u32 s26, $0x1;
	_ =	strace $0x8000004F;
	[dreg:$0x1] =	wrdreg $0xFFFFFFFF  }
0xa7: {  	s28 =	simm.s32 $_size_execute0_lowered;
	s2 =	sadd.s32 s2, s4;
	[dreg:$0x0] =	wrdreg $0x0  }
0xa8: {  	s4 =	sshll.u32 s28, $0x1;
	[dreg:$0x2] =	wrdreg s2  }
0xa9: {  	[dreg:$0x3] =	wrdreg s4  }
0xaa: {  	[dreg:$0x4] =	wrdreg $0xC0  }
0xab: {  	_ =	task [dreg:s6], $0x5FFFF  }
0xac: {  	[dreg:$0x1] =	wrdreg $0xFFFFFFFF  }
0xad: {  	[dreg:$0x0] =	wrdreg $0x60  }
0xae: {  	[dreg:$0x2] =	wrdreg s24  }
0xaf: {  	[dreg:$0x3] =	wrdreg $0x58000  }
0xb0: {  	[dreg:$0x4] =	wrdreg $0x9  }
0xb1: {  	_ =	task.clear_ibuf [dreg:s6], $0x5FFFF;
	_ =	strace $0x9000004F  }
0xb2: {  	s29 =	simm.s32 $0x9;
	_ =	strace $0x80000051  }
0xb3: {  	_ =	swait.ge [sflag:s29], $0x1  }
0xb4: {  	[sflag:s29] =	ssyncadd.s32 $0xFFFFFFFF  }
0xb5: {  	_ =	strace $0x90000051  }
0xb6: {  	_ =	sfence  }
0xb7: {  	s30 =	sld [smem:$0x0];
	_ =	sdelay $0x2  }
0xb8: {  	s31 =	sshll.u32 s1, $0xD;
	s1 =	sshrl.u32 s1, $0x2  }
0xb9: {  	s3 =	sand.u32 $0x4000, s31;
	s1 =	sadd.s32 s1, s30  }
0xba: {  	s0 =	sor.u32 s3, s0;
	s1 =	sshll.u32 s1, $0x11  }
0xbb: {  	s0 =	sor.u32 s1, s0  }
0xbc: {  	s0 =	sadd.s32 $0x8F2B, s0  }
0xbd: {  	[sflag:s0] =	ssyncadd.remote.s32 $0x1  }
0xbe: {  	_ =	sfence.sel $0xFFFF  }
0xbf: {  	[dreg:$0x0] =	wrdreg $0xFFFFFFFF;
	(pc) =	sbr.abs _section_cstart, $3  }
0xc0: {  	[dreg:$0x1] =	wrdreg $0xFFFFFFFF  }
0xc1: {  	_ =	task.clear_ibuf [dreg:s6], $0x2FFFF;
	_ =	strace $0x9FFFFFFF  }
0xc2: {  	(tm) =	ssettm $0x7FFFFFFF  }
0xc3: {  	_ =	shalt  }
tec
execute0_lowered:
.L_overlay_start_1:
0x0: {  	(tag) =	ssettag $0x1  }
0x1: {  	s0 =	rddreg [dreg:$0x0]  }
0x2: {  	s1 =	rddreg [dreg:$0x1];
	s2 =	srdreg.scid;
	s3 =	simm.s32 $0x0  }
0x3: {  	s12 =	stileid.u32;
	s29 =	simm.s32 $0x2C00;
	s28 =	simm.s32 $0x17500  }
0x4: {  	s30 =	simm.s32 $0x1B500;
	s31 =	simm.s32 $0x1;
	s7 =	smul.u32 $0x130, s12  }
0x5: {  	s2 =	sand.u32 $0x1, s2;
	[smem:$0x7FF] =	sst s3;
	s9 =	smul.u32 $0x26000, s12  }
0x6: {  	s4 =	sadd.s32 $0x58600, s0;
	s19 =	sshll.u32 s12, $0x6;
	s5 =	smul.u32 $0xB000, s2  }
0x7: {  	s11 =	sadd.s32 $0x98000, s1;
	p0 =	sne.s32 s12, $0xF;
	s6 =	smul.u32 $0x2710, s2  }
0x8: {  	_ =	strace $0x80000050;
	s16 =	ssub.s32 $0x2, s2;
	s2 =	smul.u32 $0x138800, s2  }
0x9: {  	[dreg:$0x4] =	wrdreg s11;
	s11 =	smul.u32 $0x580, s12;
	s12 =	simm.s32 $0x8  }
0xa: {  	s10 =	sshrl.u32 s16, $0x1;
	s17 =	sshrl.u32 s9, $0x2;
	s9 =	simm.s32 $0x6  }
0xb: {  	s8 =	sadd.s32 s5, s0;
	s0 =	sadd.s32 $0xA6800, s0;
	s10 =	ssub.s32 s16, s10  }
0xc: {  	s6 =	sadd.s32 s7, s6;
	s5 =	sadd.s32 s17, s1;
	s2 =	sshrl.u32 s2, $0x3  }
0xd: {  	s7 =	sor.u32 $0x1C09, s19;
	s16 =	simm.s32 $0x5500;
	s17 =	simm.s32 $0x0  }
0xe: {  	s6 =	sshll.u32 s6, $0x4;
	s20 =	sadd.s32 $0x13000, s2;
	s22 =	sadd.s32 $0x42600, s8  }
0xf: {  	s8 =	sadd.s32 $0x2C600, s8;
	s2 =	sadd.s32 $0x26800, s2;
	[dreg:$0x6] =	wrdreg s22  }
0x10: {  	s26 =	smax.u32 s10, $0x1;
	s10 =	simm.s32 $0x7;
	[dreg:$0x7] =	wrdreg s8  }
0x11: {  	s18 =	sadd.s32 s4, s6;
	s21 =	sadd.s32 s4, s20;
	[dreg:$0xd] =	wrdreg s26  }
0x12: {  	s23 =	sadd.s32 s0, s6;
	s6 =	sadd.s32 $0x13800, s6;
	[dreg:$0x3] =	wrdreg s18  }
0x13: {  	s24 =	sadd.s32 s0, s20;
	s25 =	sadd.s32 s4, s2;
	[dreg:$0x5] =	wrdreg s21  }
0x14: {  	s20 =	sshrl.u32 s5, $0x3;
	s8 =	simm.s32 $0x5;
	[dreg:$0x8] =	wrdreg s23  }
0x15: {  	s22 =	simm.s32 $0x5580;
	[dreg:$0x9] =	wrdreg s24;
	s15 =	sadd.s32 s4, s6  }
0x16: {  	[dreg:$0xa] =	wrdreg s25;
	s6 =	sadd.s32 s0, s6;
	s0 =	sadd.s32 s0, s2  }
0x17: {  	s21 =	simm.s32 $0x9;
	s23 =	simm.s32 $0x80;
	s24 =	simm.s32 $0xF500  }
0x18: {  	s25 =	simm.s32 $0x13500;
	s2 =	simm.s32 $0x3;
	[dreg:$0xb] =	wrdreg s6  }
0x19: {  	[dreg:$0xc] =	wrdreg s0;
	s0 =	simm.s32 $0x2;
	s6 =	simm.s32 $0x4  }
.LBB2_1:
0x1a: {  	s13 =	rddreg [dreg:$0x3]  }
0x1b: {  	[spmem:s20], [sflag:s7] =	dma.local [hbm:s13], $0x1300  }
0x1c: {  	_ =	swait.ge [sflag:s21], $0x1300  }
0x1d: {  	[sflag:s21] =	ssyncset.done $0x0;
	s13 =	rddreg [dreg:$0x4]  }
0x1e: {  	[sflag:s21] =	ssyncadd.s32 $0xFFFFED00;
	s18 =	sshrl.u32 @!p0 s13, $0x3;
	s13 =	rddreg [dreg:$0x5]  }
0x1f: {  	[spmem:s18], [sflag:s7] =	dma.local @!p0 [hbm:s13], $0x800  }
0x20: {  	s13 =	simm.s32 @!p0 $0x9  }
0x21: {  	_ =	swait.ge @!p0 [sflag:s13], $0x800  }
0x22: {  	[sflag:s13] =	ssyncset.done @!p0 $0x0;
	s14 =	rddreg [dreg:$0x6]  }
0x23: {  	[sflag:s13] =	ssyncadd.s32 @!p0 $0xFFFFF800;
	s26 =	sadd.s32 s11, s14  }
0x24: {  	[tilespmem:s3], [sflag:$0x9] =	stream.linear.gather [hbm4b:s26+s3], $0x2A00, $0x38;
	[tilespmem:$0x1F500] =	vst v63  }
0x25: {  	_ =	swait.ge [sflag:s21], $0x2A00  }
0x26: {  	[sflag:s21] =	ssyncset.done $0x0;
	s19 =	rddreg [dreg:$0x7]  }
0x27: {  	[sflag:s21] =	ssyncadd.s32 $0xFFFFD600;
	s19 =	sadd.s32 s11, s19  }
0x28: {  	[tilespmem:s29], [sflag:$0x9] =	stream.linear.gather [hbm4b:s19+s3], $0x2A00, $0x38;
	[tilespmem:$0x1F500] =	vst v63  }
0x29: {  	_ =	swait.ge [sflag:s21], $0x2A00  }
0x2a: {  	[sflag:s21] =	ssyncset.done $0x0  }
0x2b: {  	[sflag:s21] =	ssyncadd.s32 $0xFFFFD600  }
0x2c: {  	[bflag:$0x0] =	sbarrier.arrive $0xFFFF  }
0x2d: {  	[tilespmem:s24], [sflag:$0x1] =	stream.indirect.gather [hbm4b:s4+s23], $0x80, s3, s23, $0xb8;
	[tilespmem:$0x1F500] =	vst v63  }
0x2e: {  	_ = 	snop  }
0x2f: {  	[tilespmem:s25], [sflag:$0x2] =	stream.indirect.gather [hbm4b:s4+s23], $0x80, s23, s23, $0xb8;
	[tilespmem:$0x1F500] =	vst v63  }
0x30: {  	s14 =	simm.s32 $0x100  }
0x31: {  	[tilespmem:s28], [sflag:$0x3] =	stream.indirect.gather [hbm4b:s4+s23], $0x80, s14, s23, $0xb8;
	[tilespmem:$0x1F500] =	vst v63  }
0x32: {  	s14 =	simm.s32 $0x180  }
0x33: {  	[tilespmem:s30], [sflag:$0x4] =	stream.indirect.gather [hbm4b:s4+s23], $0x80, s14, s23, $0xb8;
	[tilespmem:$0x1F500] =	vst v63  }
0x34: {  	_ =	swait.ge [sflag:s31], $0x4000  }
0x35: {  	[sflag:s31] =	ssyncset.done $0x0  }
0x36: {  	s14 =	simm.s32 $0x2C00;
	[sflag:s31] =	ssyncadd.s32 $0xFFFFC000  }
0x37: {  	[spmem:s1] =	stream.indirect.scatter.add.f32 [tilespmem:s24], [sflag:$0x5], $0x80, s14, s23, $0xb8;
	[tilespmem:$0x1F500] =	vst v63  }
0x38: {  	_ =	swait.ge [sflag:s0], $0x4000  }
0x39: {  	[sflag:s0] =	ssyncset.done $0x0  }
0x3a: {  	s14 =	simm.s32 $0x2C80;
	[sflag:s0] =	ssyncadd.s32 $0xFFFFC000  }
0x3b: {  	[spmem:s1] =	stream.indirect.scatter.add.f32 [tilespmem:s25], [sflag:$0x6], $0x80, s14, s23, $0xb8;
	[tilespmem:$0x1F500] =	vst v63  }
0x3c: {  	_ =	swait.ge [sflag:s2], $0x4000  }
0x3d: {  	[sflag:s2] =	ssyncset.done $0x0  }
0x3e: {  	s14 =	simm.s32 $0x2D00;
	[sflag:s2] =	ssyncadd.s32 $0xFFFFC000  }
0x3f: {  	[spmem:s1] =	stream.indirect.scatter.add.f32 [tilespmem:s28], [sflag:$0x7], $0x80, s14, s23, $0xb8;
	[tilespmem:$0x1F500] =	vst v63  }
0x40: {  	_ =	swait.ge [sflag:s6], $0x4000  }
0x41: {  	[sflag:s6] =	ssyncset.done $0x0  }
0x42: {  	s14 =	simm.s32 $0x2D80;
	[sflag:s6] =	ssyncadd.s32 $0xFFFFC000  }
0x43: {  	[spmem:s1] =	stream.indirect.scatter.add.f32 [tilespmem:s30], [sflag:$0x8], $0x80, s14, s23, $0xb8;
	[tilespmem:$0x1F500] =	vst v63  }
0x44: {  	_ =	swait.ge [sflag:s8], $0x4000  }
0x45: {  	[sflag:s8] =	ssyncset.done $0x0  }
0x46: {  	s14 =	simm.s32 $0x200;
	[sflag:s8] =	ssyncadd.s32 $0xFFFFC000  }
0x47: {  	[tilespmem:s24], [sflag:$0x1] =	stream.indirect.gather [hbm4b:s4+s23], $0x80, s14, s23, $0xb8;
	[tilespmem:$0x1F500] =	vst v63  }
0x48: {  	_ =	swait.ge [sflag:s9], $0x4000  }
0x49: {  	[sflag:s9] =	ssyncset.done $0x0  }
0x4a: {  	s14 =	simm.s32 $0x280;
	[sflag:s9] =	ssyncadd.s32 $0xFFFFC000  }
0x4b: {  	[tilespmem:s25], [sflag:$0x2] =	stream.indirect.gather [hbm4b:s4+s23], $0x80, s14, s23, $0xb8;
	[tilespmem:$0x1F500] =	vst v63  }
0x4c: {  	_ =	swait.ge [sflag:s10], $0x4000  }
0x4d: {  	[sflag:s10] =	ssyncset.done $0x0  }
0x4e: {  	s14 =	simm.s32 $0x300;
	[sflag:s10] =	ssyncadd.s32 $0xFFFFC000  }
0x4f: {  	[tilespmem:s28], [sflag:$0x3] =	stream.indirect.gather [hbm4b:s4+s23], $0x80, s14, s23, $0xb8;
	[tilespmem:$0x1F500] =	vst v63  }
0x50: {  	_ =	swait.ge [sflag:s12], $0x4000  }
0x51: {  	[sflag:s12] =	ssyncset.done $0x0  }
0x52: {  	s13 =	simm.s32 $0x380;
	s29 =	simm.s32 $0x800;
	[sflag:s12] =	ssyncadd.s32 $0xFFFFC000  }
.LBB2_2:
0x53: {  	[tilespmem:s30], [sflag:$0x4] =	stream.indirect.gather [hbm4b:s4+s23], $0x80, s13, s23, $0xb8;
	[tilespmem:$0x1F500] =	vst v63  }
0x54: {  	s13 =	smov.u32 s29  }
0x55: {  	p1 =	sne.s32 s29, $0x9800;
	s29 =	sadd.s32 $0x800, s29;
	_ =	swait.ge [sflag:s31], $0x4000  }
0x56: {  	s13 =	sshra.s32 s13, $0x2;
	[sflag:s31] =	ssyncset.done $0x0  }
0x57: {  	s14 =	sadd.s32 $0x2C00, s13;
	[sflag:s31] =	ssyncadd.s32 $0xFFFFC000  }
0x58: {  	[spmem:s1] =	stream.indirect.scatter.add.f32 [tilespmem:s24], [sflag:$0x5], $0x80, s14, s23, $0xb8;
	[tilespmem:$0x1F500] =	vst v63  }
0x59: {  	_ =	swait.ge [sflag:s0], $0x4000  }
0x5a: {  	[sflag:s0] =	ssyncset.done $0x0  }
0x5b: {  	s14 =	sadd.s32 $0x2C80, s13;
	[sflag:s0] =	ssyncadd.s32 $0xFFFFC000  }
0x5c: {  	[spmem:s1] =	stream.indirect.scatter.add.f32 [tilespmem:s25], [sflag:$0x6], $0x80, s14, s23, $0xb8;
	[tilespmem:$0x1F500] =	vst v63  }
0x5d: {  	_ =	swait.ge [sflag:s2], $0x4000  }
0x5e: {  	[sflag:s2] =	ssyncset.done $0x0  }
0x5f: {  	s14 =	sadd.s32 $0x2D00, s13;
	[sflag:s2] =	ssyncadd.s32 $0xFFFFC000  }
0x60: {  	[spmem:s1] =	stream.indirect.scatter.add.f32 [tilespmem:s28], [sflag:$0x7], $0x80, s14, s23, $0xb8;
	[tilespmem:$0x1F500] =	vst v63  }
0x61: {  	_ =	swait.ge [sflag:s6], $0x4000  }
0x62: {  	[sflag:s6] =	ssyncset.done $0x0  }
0x63: {  	s14 =	sadd.s32 $0x2D80, s13;
	[sflag:s6] =	ssyncadd.s32 $0xFFFFC000  }
0x64: {  	[spmem:s1] =	stream.indirect.scatter.add.f32 [tilespmem:s30], [sflag:$0x8], $0x80, s14, s23, $0xb8;
	[tilespmem:$0x1F500] =	vst v63  }
0x65: {  	_ =	swait.ge [sflag:s8], $0x4000  }
0x66: {  	[sflag:s8] =	ssyncset.done $0x0  }
0x67: {  	s14 =	sadd.s32 $0x200, s13;
	[sflag:s8] =	ssyncadd.s32 $0xFFFFC000  }
0x68: {  	[tilespmem:s24], [sflag:$0x1] =	stream.indirect.gather [hbm4b:s4+s23], $0x80, s14, s23, $0xb8;
	[tilespmem:$0x1F500] =	vst v63  }
0x69: {  	_ =	swait.ge [sflag:s9], $0x4000  }
0x6a: {  	[sflag:s9] =	ssyncset.done $0x0  }
0x6b: {  	s14 =	sadd.s32 $0x280, s13;
	[sflag:s9] =	ssyncadd.s32 $0xFFFFC000  }
0x6c: {  	[tilespmem:s25], [sflag:$0x2] =	stream.indirect.gather [hbm4b:s4+s23], $0x80, s14, s23, $0xb8;
	[tilespmem:$0x1F500] =	vst v63  }
0x6d: {  	_ =	swait.ge [sflag:s10], $0x4000  }
0x6e: {  	[sflag:s10] =	ssyncset.done $0x0  }
.Ltmp0:
0x6f: {  	s14 =	sadd.s32 $0x300, s13;
	[sflag:s10] =	ssyncadd.s32 $0xFFFFC000;
	(pc) =	sbr.rel @p1 .LBB2_2-.Ltmp0, $4  }
0x70: {  	[tilespmem:s28], [sflag:$0x3] =	stream.indirect.gather [hbm4b:s4+s23], $0x80, s14, s23, $0xb8;
	[tilespmem:$0x1F500] =	vst v63  }
0x71: {  	_ =	swait.ge [sflag:s12], $0x4000  }
0x72: {  	[sflag:s12] =	ssyncset.done $0x0  }
0x73: {  	s13 =	sadd.s32 $0x380, s13;
	[sflag:s12] =	ssyncadd.s32 $0xFFFFC000  }
0x74: {  	[tilespmem:s30], [sflag:$0x4] =	stream.indirect.gather [hbm4b:s4+s23], $0x80, s13, s23, $0xb8;
	[tilespmem:$0x1F500] =	vst v63  }
0x75: {  	_ =	swait.ge [sflag:s31], $0x4000  }
0x76: {  	[sflag:s31] =	ssyncset.done $0x0  }
0x77: {  	s14 =	simm.s32 $0x5400;
	[sflag:s31] =	ssyncadd.s32 $0xFFFFC000  }
0x78: {  	[spmem:s1] =	stream.indirect.scatter.add.f32 [tilespmem:s24], [sflag:$0x5], $0x80, s14, s23, $0xb8;
	[tilespmem:$0x1F500] =	vst v63  }
0x79: {  	_ =	swait.ge [sflag:s0], $0x4000  }
0x7a: {  	[sflag:s0] =	ssyncset.done $0x0  }
0x7b: {  	s14 =	simm.s32 $0x5480;
	[sflag:s0] =	ssyncadd.s32 $0xFFFFC000  }
0x7c: {  	[spmem:s1] =	stream.indirect.scatter.add.f32 [tilespmem:s25], [sflag:$0x6], $0x80, s14, s23, $0xb8;
	[tilespmem:$0x1F500] =	vst v63  }
0x7d: {  	_ =	swait.ge [sflag:s2], $0x4000  }
0x7e: {  	[sflag:s2] =	ssyncset.done $0x0  }
0x7f: {  	[sflag:s2] =	ssyncadd.s32 $0xFFFFC000  }
0x80: {  	[spmem:s1] =	stream.indirect.scatter.add.f32 [tilespmem:s28], [sflag:$0x7], $0x80, s16, s23, $0xb8;
	[tilespmem:$0x1F500] =	vst v63  }
0x81: {  	_ =	swait.ge [sflag:s6], $0x4000  }
0x82: {  	[sflag:s6] =	ssyncset.done $0x0  }
0x83: {  	[sflag:s6] =	ssyncadd.s32 $0xFFFFC000  }
0x84: {  	[spmem:s1] =	stream.indirect.scatter.add.f32 [tilespmem:s30], [sflag:$0x8], $0x80, s22, s23, $0xb8;
	[tilespmem:$0x1F500] =	vst v63  }
0x85: {  	_ =	swait.ge [sflag:s8], $0x4000  }
0x86: {  	[sflag:s8] =	ssyncset.done $0x0  }
0x87: {  	[sflag:s8] =	ssyncadd.s32 $0xFFFFC000  }
0x88: {  	_ =	swait.ge [sflag:s9], $0x4000  }
0x89: {  	[sflag:s9] =	ssyncset.done $0x0  }
0x8a: {  	[sflag:s9] =	ssyncadd.s32 $0xFFFFC000  }
0x8b: {  	_ =	swait.ge [sflag:s10], $0x4000  }
0x8c: {  	[sflag:s10] =	ssyncset.done $0x0  }
0x8d: {  	[sflag:s10] =	ssyncadd.s32 $0xFFFFC000  }
0x8e: {  	_ =	swait.ge [sflag:s12], $0x4000  }
0x8f: {  	[sflag:s12] =	ssyncset.done $0x0  }
0x90: {  	[sflag:s12] =	ssyncadd.s32 $0xFFFFC000  }
0x91: {  	[bflag:$0x0] =	sbarrier.arrive $0xFFFF  }
0x92: {  	s14 =	rddreg [dreg:$0x8]  }
0x93: {  	[hbm:s14], [sflag:s7] =	dma.local [spmem:s20], $0x1300  }
0x94: {  	_ =	swait.ge [sflag:s21], $0x1300  }
0x95: {  	[sflag:s21] =	ssyncset.done $0x0  }
0x96: {  	s13 =	sshrl.u32 @p0 s5, $0x3;
	[sflag:s21] =	ssyncadd.s32 $0xFFFFED00  }
0x97: {  	[spmem:s13], [sflag:s7] =	dma.local @p0 [hbm:s15], $0x1300  }
0x98: {  	s13 =	simm.s32 @p0 $0x9  }
0x99: {  	_ =	swait.ge @p0 [sflag:s13], $0x1300  }
0x9a: {  	[sflag:s13] =	ssyncset.done @p0 $0x0  }
0x9b: {  	[sflag:s13] =	ssyncadd.s32 @p0 $0xFFFFED00;
	s13 =	rddreg [dreg:$0x9]  }
0x9c: {  	[hbm:s13], [sflag:s7] =	dma.local @!p0 [spmem:s18], $0x800  }
0x9d: {  	s13 =	simm.s32 @!p0 $0x9  }
0x9e: {  	_ =	swait.ge @!p0 [sflag:s13], $0x800  }
0x9f: {  	[sflag:s13] =	ssyncset.done @!p0 $0x0  }
0xa0: {  	s14 =	sshrl.u32 @!p0 s5, $0x3;
	[sflag:s13] =	ssyncadd.s32 @!p0 $0xFFFFF800  }
0xa1: {  	[spmem:s14], [sflag:s7] =	dma.local @!p0 [hbm:s15], $0x1300  }
0xa2: {  	_ =	swait.ge @!p0 [sflag:s13], $0x1300  }
0xa3: {  	[sflag:s13] =	ssyncset.done @!p0 $0x0  }
0xa4: {  	s14 =	rddreg [dreg:$0xa];
	[sflag:s13] =	ssyncadd.s32 @!p0 $0xFFFFED00  }
0xa5: {  	[spmem:s18], [sflag:s7] =	dma.local @!p0 [hbm:s14], $0x900  }
0xa6: {  	_ =	swait.ge @!p0 [sflag:s13], $0x900  }
0xa7: {  	[sflag:s13] =	ssyncset.done @!p0 $0x0  }
0xa8: {  	s26 =	sadd.s32 $0x5800, s26;
	s14 =	simm.s32 $0x0;
	[sflag:s13] =	ssyncadd.s32 @!p0 $0xFFFFF700  }
0xa9: {  	[tilespmem:s14], [sflag:$0x9] =	stream.linear.gather [hbm4b:s26+s14], $0x2A00, $0x38;
	[tilespmem:$0x1F500] =	vst v63  }
0xaa: {  	_ =	swait.ge [sflag:s21], $0x2A00  }
0xab: {  	[sflag:s21] =	ssyncset.done $0x0  }
0xac: {  	s29 =	simm.s32 $0x2C00;
	s26 =	sadd.s32 $0x5800, s19;
	[sflag:s21] =	ssyncadd.s32 $0xFFFFD600  }
0xad: {  	[tilespmem:s29], [sflag:$0x9] =	stream.linear.gather [hbm4b:s26+s14], $0x2A00, $0x38;
	[tilespmem:$0x1F500] =	vst v63  }
0xae: {  	_ =	swait.ge [sflag:s21], $0x2A00  }
0xaf: {  	[sflag:s21] =	ssyncset.done $0x0  }
0xb0: {  	[sflag:s21] =	ssyncadd.s32 $0xFFFFD600  }
0xb1: {  	[bflag:$0x0] =	sbarrier.arrive $0xFFFF  }
0xb2: {  	[tilespmem:s24], [sflag:$0x1] =	stream.indirect.gather [hbm4b:s4+s23], $0x80, s14, s23, $0xb8;
	[tilespmem:$0x1F500] =	vst v63  }
0xb3: {  	_ = 	snop  }
0xb4: {  	[tilespmem:s25], [sflag:$0x2] =	stream.indirect.gather [hbm4b:s4+s23], $0x80, s23, s23, $0xb8;
	[tilespmem:$0x1F500] =	vst v63  }
0xb5: {  	s14 =	simm.s32 $0x100  }
0xb6: {  	[tilespmem:s28], [sflag:$0x3] =	stream.indirect.gather [hbm4b:s4+s23], $0x80, s14, s23, $0xb8;
	[tilespmem:$0x1F500] =	vst v63  }
0xb7: {  	s19 =	simm.s32 $0x180  }
0xb8: {  	[tilespmem:s30], [sflag:$0x4] =	stream.indirect.gather [hbm4b:s4+s23], $0x80, s19, s23, $0xb8;
	[tilespmem:$0x1F500] =	vst v63  }
0xb9: {  	_ =	swait.ge [sflag:s31], $0x4000  }
0xba: {  	[sflag:s31] =	ssyncset.done $0x0  }
0xbb: {  	s26 =	simm.s32 $0x2C00;
	[sflag:s31] =	ssyncadd.s32 $0xFFFFC000  }
0xbc: {  	[spmem:s1] =	stream.indirect.scatter.add.f32 [tilespmem:s24], [sflag:$0x5], $0x80, s26, s23, $0xb8;
	[tilespmem:$0x1F500] =	vst v63  }
0xbd: {  	_ =	swait.ge [sflag:s0], $0x4000  }
0xbe: {  	[sflag:s0] =	ssyncset.done $0x0  }
0xbf: {  	s14 =	simm.s32 $0x2C80;
	[sflag:s0] =	ssyncadd.s32 $0xFFFFC000  }
0xc0: {  	[spmem:s1] =	stream.indirect.scatter.add.f32 [tilespmem:s25], [sflag:$0x6], $0x80, s14, s23, $0xb8;
	[tilespmem:$0x1F500] =	vst v63  }
0xc1: {  	_ =	swait.ge [sflag:s2], $0x4000  }
0xc2: {  	[sflag:s2] =	ssyncset.done $0x0  }
0xc3: {  	s19 =	simm.s32 $0x2D00;
	[sflag:s2] =	ssyncadd.s32 $0xFFFFC000  }
0xc4: {  	[spmem:s1] =	stream.indirect.scatter.add.f32 [tilespmem:s28], [sflag:$0x7], $0x80, s19, s23, $0xb8;
	[tilespmem:$0x1F500] =	vst v63  }
0xc5: {  	_ =	swait.ge [sflag:s6], $0x4000  }
0xc6: {  	[sflag:s6] =	ssyncset.done $0x0  }
0xc7: {  	s26 =	simm.s32 $0x2D80;
	[sflag:s6] =	ssyncadd.s32 $0xFFFFC000  }
0xc8: {  	[spmem:s1] =	stream.indirect.scatter.add.f32 [tilespmem:s30], [sflag:$0x8], $0x80, s26, s23, $0xb8;
	[tilespmem:$0x1F500] =	vst v63  }
0xc9: {  	_ =	swait.ge [sflag:s8], $0x4000  }
0xca: {  	[sflag:s8] =	ssyncset.done $0x0  }
0xcb: {  	s14 =	simm.s32 $0x200;
	[sflag:s8] =	ssyncadd.s32 $0xFFFFC000  }
0xcc: {  	[tilespmem:s24], [sflag:$0x1] =	stream.indirect.gather [hbm4b:s4+s23], $0x80, s14, s23, $0xb8;
	[tilespmem:$0x1F500] =	vst v63  }
0xcd: {  	_ =	swait.ge [sflag:s9], $0x4000  }
0xce: {  	[sflag:s9] =	ssyncset.done $0x0  }
0xcf: {  	s19 =	simm.s32 $0x280;
	[sflag:s9] =	ssyncadd.s32 $0xFFFFC000  }
0xd0: {  	[tilespmem:s25], [sflag:$0x2] =	stream.indirect.gather [hbm4b:s4+s23], $0x80, s19, s23, $0xb8;
	[tilespmem:$0x1F500] =	vst v63  }
0xd1: {  	_ =	swait.ge [sflag:s10], $0x4000  }
0xd2: {  	[sflag:s10] =	ssyncset.done $0x0  }
0xd3: {  	s26 =	simm.s32 $0x300;
	[sflag:s10] =	ssyncadd.s32 $0xFFFFC000  }
0xd4: {  	[tilespmem:s28], [sflag:$0x3] =	stream.indirect.gather [hbm4b:s4+s23], $0x80, s26, s23, $0xb8;
	[tilespmem:$0x1F500] =	vst v63  }
0xd5: {  	_ =	swait.ge [sflag:s12], $0x4000  }
0xd6: {  	[sflag:s12] =	ssyncset.done $0x0  }
0xd7: {  	s13 =	simm.s32 $0x380;
	s19 =	simm.s32 $0x800;
	[sflag:s12] =	ssyncadd.s32 $0xFFFFC000  }
.LBB2_4:
0xd8: {  	[tilespmem:s30], [sflag:$0x4] =	stream.indirect.gather [hbm4b:s4+s23], $0x80, s13, s23, $0xb8;
	[tilespmem:$0x1F500] =	vst v63  }
0xd9: {  	s13 =	smov.u32 s19  }
0xda: {  	p1 =	sne.s32 s19, $0x9800;
	s19 =	sadd.s32 $0x800, s19;
	_ =	swait.ge [sflag:s31], $0x4000  }
0xdb: {  	s13 =	sshra.s32 s13, $0x2;
	[sflag:s31] =	ssyncset.done $0x0  }
0xdc: {  	s14 =	sadd.s32 $0x2C00, s13;
	[sflag:s31] =	ssyncadd.s32 $0xFFFFC000  }
0xdd: {  	[spmem:s1] =	stream.indirect.scatter.add.f32 [tilespmem:s24], [sflag:$0x5], $0x80, s14, s23, $0xb8;
	[tilespmem:$0x1F500] =	vst v63  }
0xde: {  	_ =	swait.ge [sflag:s0], $0x4000  }
0xdf: {  	[sflag:s0] =	ssyncset.done $0x0  }
0xe0: {  	s14 =	sadd.s32 $0x2C80, s13;
	[sflag:s0] =	ssyncadd.s32 $0xFFFFC000  }
0xe1: {  	[spmem:s1] =	stream.indirect.scatter.add.f32 [tilespmem:s25], [sflag:$0x6], $0x80, s14, s23, $0xb8;
	[tilespmem:$0x1F500] =	vst v63  }
0xe2: {  	_ =	swait.ge [sflag:s2], $0x4000  }
0xe3: {  	[sflag:s2] =	ssyncset.done $0x0  }
0xe4: {  	s14 =	sadd.s32 $0x2D00, s13;
	[sflag:s2] =	ssyncadd.s32 $0xFFFFC000  }
0xe5: {  	[spmem:s1] =	stream.indirect.scatter.add.f32 [tilespmem:s28], [sflag:$0x7], $0x80, s14, s23, $0xb8;
	[tilespmem:$0x1F500] =	vst v63  }
0xe6: {  	_ =	swait.ge [sflag:s6], $0x4000  }
0xe7: {  	[sflag:s6] =	ssyncset.done $0x0  }
0xe8: {  	s14 =	sadd.s32 $0x2D80, s13;
	[sflag:s6] =	ssyncadd.s32 $0xFFFFC000  }
0xe9: {  	[spmem:s1] =	stream.indirect.scatter.add.f32 [tilespmem:s30], [sflag:$0x8], $0x80, s14, s23, $0xb8;
	[tilespmem:$0x1F500] =	vst v63  }
0xea: {  	_ =	swait.ge [sflag:s8], $0x4000  }
0xeb: {  	[sflag:s8] =	ssyncset.done $0x0  }
0xec: {  	s14 =	sadd.s32 $0x200, s13;
	[sflag:s8] =	ssyncadd.s32 $0xFFFFC000  }
0xed: {  	[tilespmem:s24], [sflag:$0x1] =	stream.indirect.gather [hbm4b:s4+s23], $0x80, s14, s23, $0xb8;
	[tilespmem:$0x1F500] =	vst v63  }
0xee: {  	_ =	swait.ge [sflag:s9], $0x4000  }
0xef: {  	[sflag:s9] =	ssyncset.done $0x0  }
0xf0: {  	s14 =	sadd.s32 $0x280, s13;
	[sflag:s9] =	ssyncadd.s32 $0xFFFFC000  }
0xf1: {  	[tilespmem:s25], [sflag:$0x2] =	stream.indirect.gather [hbm4b:s4+s23], $0x80, s14, s23, $0xb8;
	[tilespmem:$0x1F500] =	vst v63  }
0xf2: {  	_ =	swait.ge [sflag:s10], $0x4000  }
0xf3: {  	[sflag:s10] =	ssyncset.done $0x0  }
.Ltmp1:
0xf4: {  	s14 =	sadd.s32 $0x300, s13;
	[sflag:s10] =	ssyncadd.s32 $0xFFFFC000;
	(pc) =	sbr.rel @p1 .LBB2_4-.Ltmp1, $4  }
0xf5: {  	[tilespmem:s28], [sflag:$0x3] =	stream.indirect.gather [hbm4b:s4+s23], $0x80, s14, s23, $0xb8;
	[tilespmem:$0x1F500] =	vst v63  }
0xf6: {  	_ =	swait.ge [sflag:s12], $0x4000  }
0xf7: {  	[sflag:s12] =	ssyncset.done $0x0  }
0xf8: {  	s13 =	sadd.s32 $0x380, s13;
	[sflag:s12] =	ssyncadd.s32 $0xFFFFC000  }
0xf9: {  	[tilespmem:s30], [sflag:$0x4] =	stream.indirect.gather [hbm4b:s4+s23], $0x80, s13, s23, $0xb8;
	[tilespmem:$0x1F500] =	vst v63  }
0xfa: {  	_ =	swait.ge [sflag:s31], $0x4000  }
0xfb: {  	[sflag:s31] =	ssyncset.done $0x0  }
0xfc: {  	s14 =	simm.s32 $0x5400;
	[sflag:s31] =	ssyncadd.s32 $0xFFFFC000  }
0xfd: {  	[spmem:s1] =	stream.indirect.scatter.add.f32 [tilespmem:s24], [sflag:$0x5], $0x80, s14, s23, $0xb8;
	[tilespmem:$0x1F500] =	vst v63  }
0xfe: {  	_ =	swait.ge [sflag:s0], $0x4000  }
0xff: {  	[sflag:s0] =	ssyncset.done $0x0  }
0x100: {  	s19 =	simm.s32 $0x5480;
	[sflag:s0] =	ssyncadd.s32 $0xFFFFC000  }
0x101: {  	[spmem:s1] =	stream.indirect.scatter.add.f32 [tilespmem:s25], [sflag:$0x6], $0x80, s19, s23, $0xb8;
	[tilespmem:$0x1F500] =	vst v63  }
0x102: {  	_ =	swait.ge [sflag:s2], $0x4000  }
0x103: {  	[sflag:s2] =	ssyncset.done $0x0  }
0x104: {  	[sflag:s2] =	ssyncadd.s32 $0xFFFFC000  }
0x105: {  	[spmem:s1] =	stream.indirect.scatter.add.f32 [tilespmem:s28], [sflag:$0x7], $0x80, s16, s23, $0xb8;
	[tilespmem:$0x1F500] =	vst v63  }
0x106: {  	_ =	swait.ge [sflag:s6], $0x4000  }
0x107: {  	[sflag:s6] =	ssyncset.done $0x0  }
0x108: {  	[sflag:s6] =	ssyncadd.s32 $0xFFFFC000  }
0x109: {  	[spmem:s1] =	stream.indirect.scatter.add.f32 [tilespmem:s30], [sflag:$0x8], $0x80, s22, s23, $0xb8;
	[tilespmem:$0x1F500] =	vst v63  }
0x10a: {  	_ =	swait.ge [sflag:s8], $0x4000  }
0x10b: {  	[sflag:s8] =	ssyncset.done $0x0  }
0x10c: {  	[sflag:s8] =	ssyncadd.s32 $0xFFFFC000  }
0x10d: {  	_ =	swait.ge [sflag:s9], $0x4000  }
0x10e: {  	[sflag:s9] =	ssyncset.done $0x0  }
0x10f: {  	[sflag:s9] =	ssyncadd.s32 $0xFFFFC000  }
0x110: {  	_ =	swait.ge [sflag:s10], $0x4000  }
0x111: {  	[sflag:s10] =	ssyncset.done $0x0  }
0x112: {  	[sflag:s10] =	ssyncadd.s32 $0xFFFFC000  }
0x113: {  	_ =	swait.ge [sflag:s12], $0x4000  }
0x114: {  	[sflag:s12] =	ssyncset.done $0x0  }
0x115: {  	[sflag:s12] =	ssyncadd.s32 $0xFFFFC000  }
0x116: {  	[bflag:$0x0] =	sbarrier.arrive $0xFFFF  }
0x117: {  	s26 =	rddreg [dreg:$0xb]  }
0x118: {  	[hbm:s26], [sflag:s7] =	dma.local [spmem:s20], $0x1300  }
0x119: {  	_ =	swait.ge [sflag:s21], $0x1300  }
0x11a: {  	[sflag:s21] =	ssyncset.done $0x0  }
0x11b: {  	s13 =	rddreg [dreg:$0xc];
	[sflag:s21] =	ssyncadd.s32 $0xFFFFED00  }
0x11c: {  	[hbm:s13], [sflag:s7] =	dma.local @!p0 [spmem:s18], $0x900  }
0x11d: {  	s13 =	simm.s32 @!p0 $0x9  }
0x11e: {  	_ =	swait.ge @!p0 [sflag:s13], $0x900  }
0x11f: {  	s17 =	sadd.s32 $0x1, s17;
	s14 =	rddreg [dreg:$0xd]  }
0x120: {  	p1 =	sne.s32 s17, s14  }
.Ltmp2:
0x121: {  	_ = 	snop;
	(pc) =	sbr.rel @p1 .LBB2_1-.Ltmp2, $3  }
0x122: {  	_ =	sdelay $0x1  }
0x123: {  	[sflag:s13] =	ssyncset.done @!p0 $0x0  }
0x124: {  	[sflag:s13] =	ssyncadd.s32 @!p0 $0xFFFFF700  }
0x125: {  	_ =	sfence.sel $0x180000  }
0x126: {  	[bflag:$0x0] =	sbarrier.arrive $0xFFFF  }
0x127: {  	_ =	strace $0x90000050  }
0x128: {  	s0 =	stileid.u32;
	[bflag:$0x2] =	sbarrier.arrive $0xFFFF  }
0x129: {  	p0 =	sne.s32 s0, $0x0;
	s0 =	rddreg [dreg:$0x2]  }
0x12a: {  	s0 =	sadd.s32 @!p0 $0x100000, s0  }
0x12b: {  	[sflag:s0] =	ssyncadd.tile.s32 @!p0 $0x1;
	_ =	shalt  }
.Lfunc_end2:
_tile_overlayer_lowered:
.L_overlay_start_2:
0x12c: {  	(tag) =	ssettag $0x2  }
0x12d: {  	s0 =	rddreg [dreg:$0x0];
	s2 =	stileid.u32  }
0x12e: {  	s1 =	rddreg [dreg:$0x1];
	p0 =	sne.s32 s2, $0x0  }
0x12f: {  	s3 =	rddreg [dreg:$0x2];
	[bflag:$0x3] =	sbarrier.arrive $0xFFFF;
	s2 =	simm.s32 @!p0 $0x1C09  }
0x130: {  	[timem:s3], [sflag:s2] =	dma.local @!p0 [hbm:s0], s1  }
0x131: {  	s0 =	simm.s32 @!p0 $0x9  }
0x132: {  	_ =	swait.ge @!p0 [sflag:s0], s1  }
0x133: {  	s1 =	ssub.s32 @!p0 $0x0, s1;
	[sflag:s0] =	ssyncset.done @!p0 $0x0  }
0x134: {  	[sflag:s0] =	ssyncadd.s32 @!p0 s1  }
0x135: {  	[bflag:$0x3] =	sbarrier.arrive $0xFFFF  }
0x136: {  	_ =	shalt  }

// kernel: kernel.9.cloned.1.call-start
scs
__scs_entry_jumppad:
0x0: {  	(pc) =	sbr.rel $0x88, $3  }
0x1: {  	(tag) =	ssettag $0x0;
	lr =	simm.s32 $0x1  }
0x2: {  	[smem:$0x3F99] =	sst lr;
	_ =	strace $0xD0000000  }
0x3: {  	_ = 	snop  }
0x4: {  	_ = 	snop  }
0x5: {  	_ = 	snop  }
0x6: {  	_ = 	snop  }
0x7: {  	_ = 	snop  }
__scs_overlays_trampoline_lowered:
0x8: {  	[smem:$0x3FA8] =	sst s0  }
0x9: {  	[smem:$0x3FA9] =	sst s1  }
0xa: {  	[smem:$0x3FAA] =	sst s2  }
0xb: {  	[smem:$0x3FAB] =	sst s3  }
0xc: {  	[smem:$0x3FAC] =	sst s4  }
0xd: {  	[smem:$0x3FAD] =	sst s5  }
0xe: {  	[smem:$0x3FAE] =	sst s6  }
0xf: {  	[smem:$0x3FAF] =	sst s7  }
0x10: {  	[smem:$0x3FB0] =	sst s8  }
0x11: {  	[smem:$0x3FB1] =	sst s9;
	s0 =	simm.s32 @!p0 $0x0  }
0x12: {  	s1 =	sld [smem:$0x3F97];
	s0 =	simm.s32 @p0 $0x1  }
0x13: {  	[smem:$0x3FB2] =	sst s0;
	s0 =	simm.s32 @!p1 $0x0  }
0x14: {  	s2 =	sld [smem:$0x3F96];
	s0 =	simm.s32 @p1 $0x1  }
0x15: {  	[smem:$0x3FB3] =	sst s0;
	s0 =	simm.s32 @!p2 $0x0  }
0x16: {  	s3 =	sld [smem:$0x3FDB];
	s0 =	simm.s32 @p2 $0x1  }
0x17: {  	s4 =	simm.s32 $0x1BF5;
	[smem:$0x3FB5] =	sst s0  }
0x18: {  	s0 =	sld [smem:$0x3F98];
	_ =	swait.ge [sflag:s4], $0x0  }
0x19: {  	s7 =	sld [smem:$0x3F99]  }
0x1a: {  	s8 =	sadd.s32 $0xFFFFE003, lr  }
0x1b: {  	s9 =	sadd.s32 $0xFFFFFEF7, lr;
	s5 =	simm.s32 $0xFFFFFFFF;
	p2 =	slt.u32 s8, $0xFFFFF086  }
0x1c: {  	p1 =	slt.u32 s9, $0xF7A;
	s5 =	simm.s32 @!p2 $0x0  }
0x1d: {  	s5 =	simm.s32 @p1 $0x1;
	p0 =	seq.s32 s7, s2  }
0x1e: {  	s7 =	smul.u32 @!p0 $0xF7A, s2;
	p2 =	seq.s32 @!p0 s5, $0x0  }
0x1f: {  	s9 =	smul.u32 $0xF7A, s1;
	s8 =	simm.s32 @!p0 $0x1BF5;
	p2 =	por !p2, p0  }
0x20: {  	[sflag:s8] =	ssyncset.s32 @!p0 $0xFFFFF086;
	s6 =	sadd.s32 @!p0 s3, s7;
	s7 =	simm.s32 @!p0 $0x108  }
0x21: {  	s3 =	sadd.s32 s3, s9;
	s6 =	sadd.s32 @!p0 $0x88, s6;
	s7 =	simm.s32 @p2 $0x1082  }
0x22: {  	[simem:s7], [sflag:s8] =	dma.local @!p0 [hbm:s6], $0xF7A  }
0x23: {  	s9 =	sor.u32 $0xD0000000, s2;
	s6 =	simm.s32 $0x108;
	_ =	swait.ge @!p0 [sflag:s8], $0x0  }
0x24: {  	s3 =	sadd.s32 $0x88, s3;
	s6 =	simm.s32 @!p1 $0x1082;
	[sflag:s4] =	ssyncset.s32 $0xFFFFF086  }
0x25: {  	[simem:s6], [sflag:s4] =	dma.local [hbm:s3], $0xF7A  }
0x26: {  	[smem:$0x3F99] =	sst s1;
	(tag) =	ssettag s2;
	_ =	strace s9  }
0x27: {  	s1 =	sld [smem:$0x3FA9]  }
0x28: {  	s2 =	sld [smem:$0x3FAA]  }
0x29: {  	s4 =	sld [smem:$0x3FAC]  }
0x2a: {  	p0 =	seq.s32 s5, $0x0;
	s5 =	sld [smem:$0x3FAD]  }
0x2b: {  	s6 =	sld [smem:$0x3FAE]  }
0x2c: {  	s7 =	sld [smem:$0x3FAF]  }
0x2d: {  	s3 =	simm.s32 $0x108;
	s8 =	sld [smem:$0x3FB0]  }
0x2e: {  	s3 =	simm.s32 @!p0 $0x1082;
	s9 =	sld [smem:$0x3FB1]  }
0x2f: {  	lr =	sadd.s32 s0, s3;
	s0 =	sld [smem:$0x3FA8]  }
0x30: {  	s3 =	sld [smem:$0x3FAB]  }
0x31: {  	[smem:$0x3FB4] =	sst s10  }
0x32: {  	s10 =	sld [smem:$0x3FB2];
	_ =	sdelay $0x3  }
0x33: {  	p0 =	seq.s32 s10, $0x1;
	s10 =	sld [smem:$0x3FB4];
	_ =	sdelay $0x3  }
0x34: {  	[smem:$0x3FB4] =	sst s10  }
0x35: {  	s10 =	sld [smem:$0x3FB3];
	_ =	sdelay $0x3  }
0x36: {  	p1 =	seq.s32 s10, $0x1;
	s10 =	sld [smem:$0x3FB4];
	_ =	sdelay $0x3  }
0x37: {  	[smem:$0x3FB4] =	sst s10  }
0x38: {  	s10 =	sld [smem:$0x3FB5]  }
0x39: {  	_ = 	snop;
	(pc) =	sbr.ind lr, $3  }
0x3a: {  	_ = 	snop  }
0x3b: {  	_ = 	snop  }
0x3c: {  	p2 =	seq.s32 s10, $0x1;
	s10 =	sld [smem:$0x3FB4]  }
0x3d: {  	_ =	shalt  }
0x3e: {  	_ =	shalt  }
0x3f: {  	_ =	shalt  }
0x40: {  	_ =	shalt  }
0x41: {  	_ =	shalt  }
0x42: {  	_ =	shalt  }
0x43: {  	_ =	shalt  }
0x44: {  	_ =	shalt  }
0x45: {  	_ =	shalt  }
0x46: {  	_ =	shalt  }
0x47: {  	_ =	shalt  }
0x48: {  	_ =	shalt  }
0x49: {  	_ =	shalt  }
0x4a: {  	_ =	shalt  }
0x4b: {  	_ =	shalt  }
0x4c: {  	_ =	shalt  }
0x4d: {  	_ =	shalt  }
0x4e: {  	_ =	shalt  }
0x4f: {  	_ =	shalt  }
0x50: {  	_ =	shalt  }
0x51: {  	_ =	shalt  }
0x52: {  	_ =	shalt  }
0x53: {  	_ =	shalt  }
0x54: {  	_ =	shalt  }
0x55: {  	_ =	shalt  }
0x56: {  	_ =	shalt  }
0x57: {  	_ =	shalt  }
0x58: {  	_ =	shalt  }
0x59: {  	_ =	shalt  }
0x5a: {  	_ =	shalt  }
0x5b: {  	_ =	shalt  }
0x5c: {  	_ =	shalt  }
0x5d: {  	_ =	shalt  }
0x5e: {  	_ =	shalt  }
0x5f: {  	_ =	shalt  }
0x60: {  	_ =	shalt  }
0x61: {  	_ =	shalt  }
0x62: {  	_ =	shalt  }
0x63: {  	_ =	shalt  }
0x64: {  	_ =	shalt  }
0x65: {  	_ =	shalt  }
0x66: {  	_ =	shalt  }
0x67: {  	_ =	shalt  }
0x68: {  	_ =	shalt  }
0x69: {  	_ =	shalt  }
0x6a: {  	_ =	shalt  }
0x6b: {  	_ =	shalt  }
0x6c: {  	_ =	shalt  }
0x6d: {  	_ =	shalt  }
0x6e: {  	_ =	shalt  }
0x6f: {  	_ =	shalt  }
0x70: {  	_ =	shalt  }
0x71: {  	_ =	shalt  }
0x72: {  	_ =	shalt  }
0x73: {  	_ =	shalt  }
0x74: {  	_ =	shalt  }
0x75: {  	_ =	shalt  }
0x76: {  	_ =	shalt  }
0x77: {  	_ =	shalt  }
0x78: {  	_ =	shalt  }
0x79: {  	_ =	shalt  }
0x7a: {  	_ =	shalt  }
0x7b: {  	_ =	shalt  }
0x7c: {  	_ =	shalt  }
0x7d: {  	_ =	shalt  }
0x7e: {  	_ =	shalt  }
0x7f: {  	_ =	shalt  }
0x80: {  	_ =	shalt  }
0x81: {  	_ =	shalt  }
0x82: {  	_ =	shalt  }
0x83: {  	_ =	shalt  }
0x84: {  	_ =	shalt  }
0x85: {  	_ =	shalt  }
0x86: {  	_ =	shalt  }
0x87: {  	_ =	shalt  }
.Lfunc_end0:
.L_simem_size_0:
called_computation_lowered:
.L_overlay_start_0:
0x88: {  	s2 =	sld [smem:$0x3FD9]  }
0x89: {  	s3 =	sld [smem:$0x3FFE];
	_ =	sdelay $0x1  }
0x8a: {  	s1 =	srdreg.scid  }
0x8b: {  	s0 =	sand.u32 $0x1, s1  }
0x8c: {  	s17 =	sshll.u32 s0, $0xA;
	s2 =	sadd.s32 s3, s2  }
0x8d: {  	s2 =	sadd.s32 s2, s17  }
0x8e: {  	[smem:$0x3FC0] =	sst s2  }
0x8f: {  	_ = 	snop  }
0x90: {  	s2 =	sld [smem:$0x3FD0];
	(tm) =	ssettm $0x1  }
0x91: {  	s18 =	sld [smem:$0x3FFB];
	_ =	sdelay $0x3  }
0x92: {  	_ =	strace s18  }
0x93: {  	s3 =	sld [smem:$0x3FFC];
	_ =	sdelay $0x3  }
0x94: {  	_ =	strace s3  }
0x95: {  	s3 =	sld [smem:$0x3FFD];
	_ =	sdelay $0x3  }
0x96: {  	_ =	strace s3  }
0x97: {  	_ =	strace $0x8FFFFFFF  }
0x98: {  	s19 =	sld [smem:$0x3FDB];
	_ =	sdelay $0x1  }
0x99: {  	s4 =	simm.s32 $_scs_section_size  }
0x9a: {  	s5 =	simm.s32 $_size__tile_overlayer_lowered;
	s6 =	simm.s32 $_tile_overlayer_lowered  }
0x9b: {  	s22 =	simm.s32 $0x1BFF;
	s21 =	sshll.u32 s6, $0x1;
	s3 =	sadd.s32 s4, s19  }
0x9c: {  	s7 =	simm.s32 $0x0;
	s20 =	sshll.u32 s5, $0x1;
	s5 =	sadd.s32 s21, s3  }
0x9d: {  	[timem:s7], [sflag:s22] =	dma.local [hbm:s5], s20  }
0x9e: {  	_ =	swait.ge [sflag:s22], s20  }
0x9f: {  	s4 =	ssub.s32 $0x0, s20;
	[sflag:s22] =	ssyncset.done $0x0  }
0xa0: {  	[sflag:s22] =	ssyncadd.s32 s4;
	_ =	sdelay $0x1  }
0xa1: {  	s23 =	simm.s32 $0x1B8B  }
0xa2: {  	_ =	swait.ge [sflag:s23], $0x1  }
0xa3: {  	[sflag:s23] =	ssyncset.done $0x0  }
0xa4: {  	s25 =	simm.s32 $0x1B8E;
	s24 =	sld [smem:$0x3FFE];
	[sflag:s23] =	ssyncadd.s32 $0xFFFFFFFF  }
0xa5: {  	s26 =	simm.s32 $execute0_lowered;
	[smem:$0x3FD2] =	sst s25  }
0xa6: {  	s5 =	sshll.u32 s26, $0x1;
	_ =	strace $0x80000046;
	[dreg:$0x1] =	wrdreg $0xFFFFFFFF  }
0xa7: {  	s28 =	simm.s32 $_size_execute0_lowered;
	s3 =	sadd.s32 s3, s5;
	[dreg:$0x0] =	wrdreg $0x0  }
0xa8: {  	s5 =	sshll.u32 s28, $0x1;
	[dreg:$0x2] =	wrdreg s3  }
0xa9: {  	[dreg:$0x3] =	wrdreg s5  }
0xaa: {  	[dreg:$0x4] =	wrdreg $0xC0  }
0xab: {  	_ =	task [dreg:s7], $0x5FFFF  }
0xac: {  	[dreg:$0x1] =	wrdreg $0xFFFFFFFF  }
0xad: {  	[dreg:$0x0] =	wrdreg $0x60  }
0xae: {  	[dreg:$0x2] =	wrdreg s24  }
0xaf: {  	[dreg:$0x3] =	wrdreg s2  }
0xb0: {  	[dreg:$0x4] =	wrdreg $0x9  }
0xb1: {  	_ =	task.clear_ibuf [dreg:s7], $0x5FFFF;
	_ =	strace $0x90000046  }
0xb2: {  	s29 =	simm.s32 $0x9;
	_ =	strace $0x80000048  }
0xb3: {  	_ =	swait.ge [sflag:s29], $0x1  }
0xb4: {  	[sflag:s29] =	ssyncadd.s32 $0xFFFFFFFF  }
0xb5: {  	_ =	strace $0x90000048  }
0xb6: {  	_ =	sfence  }
0xb7: {  	s30 =	sld [smem:$0x0];
	_ =	sdelay $0x2  }
0xb8: {  	s31 =	sshll.u32 s1, $0xD;
	s1 =	sshrl.u32 s1, $0x2  }
0xb9: {  	s3 =	sand.u32 $0x4000, s31;
	s1 =	sadd.s32 s1, s30  }
0xba: {  	s0 =	sor.u32 s3, s0;
	s1 =	sshll.u32 s1, $0x11  }
0xbb: {  	s0 =	sor.u32 s1, s0  }
0xbc: {  	s0 =	sadd.s32 $0x8F2B, s0  }
0xbd: {  	[sflag:s0] =	ssyncadd.remote.s32 $0x1  }
0xbe: {  	_ =	sfence.sel $0xFFFF  }
0xbf: {  	[dreg:$0x0] =	wrdreg $0xFFFFFFFF;
	(pc) =	sbr.abs _section_cstart, $3  }
0xc0: {  	[dreg:$0x1] =	wrdreg $0xFFFFFFFF  }
0xc1: {  	_ =	task.clear_ibuf [dreg:s7], $0x2FFFF;
	_ =	strace $0x9FFFFFFF  }
0xc2: {  	(tm) =	ssettm $0x7FFFFFFF  }
0xc3: {  	_ =	shalt  }
tec
execute0_lowered:
.L_overlay_start_1:
0x0: {  	(tag) =	ssettag $0x1  }
0x1: {  	s5 =	rddreg [dreg:$0x0]  }
0x2: {  	s7 =	rddreg [dreg:$0x1]  }
0x3: {  	s1 =	stileid.u32;
	s0 =	rddreg [dreg:$0x2]  }
0x4: {  	s2 =	simm.s32 $0x0;
	s8 =	srdreg.scid;
	s15 =	simm.s32 $0x80  }
0x5: {  	s16 =	simm.s32 $0x400;
	s20 =	simm.s32 $0x0;
	s3 =	smul.u32 $0xA00, s1  }
0x6: {  	[smem:$0x7FF] =	sst s2;
	s4 =	sadd.s32 $0x17000, s5;
	s8 =	sand.u32 $0x1, s8  }
0x7: {  	s11 =	sshrl.u32 s1, $0x3;
	s13 =	sshll.u32 s1, $0x7;
	s9 =	smul.u32 $0xA800, s8  }
0x8: {  	_ =	strace $0x80000047;
	s10 =	ssub.s32 $0x2, s8;
	s11 =	smul.u32 $0x15000, s11  }
0x9: {  	s30 =	sand.u32 $0x380, s13;
	s18 =	smul.u32 $0x2710, s8;
	s8 =	simm.s32 $0x1  }
0xa: {  	s13 =	simm.s32 $0x11E00;
	s6 =	sadd.s32 s3, s5;
	s12 =	sshrl.u32 s10, $0x1  }
0xb: {  	s3 =	sadd.s32 $0x2A00, s5;
	s14 =	sadd.s32 s9, s5;
	s10 =	ssub.s32 s10, s12  }
0xc: {  	s5 =	sadd.s32 $0xD000, s6;
	s31 =	sor.u32 s30, s11;
	s6 =	sadd.s32 $0x3000, s6  }
0xd: {  	s19 =	sadd.s32 s7, s9;
	s9 =	simm.s32 $0x5000;
	s11 =	simm.s32 $0xF400  }
0xe: {  	s12 =	simm.s32 $0xCA00;
	s14 =	sadd.s32 $0x17600, s14;
	s17 =	sshrl.u32 s31, $0x3  }
0xf: {  	s7 =	smax.u32 s10, $0x1;
	s14 =	sadd.s32 s17, s14;
	s17 =	sadd.s32 s17, s19  }
0x10: {  	v1 =	vimm.s32 $0x0;
	v0 =	vmov s18;
	s10 =	simm.s32 $0xA000;
	s18 =	sadd.s32 $0x5400, s14;
	s19 =	sadd.s32 $0x5400, s17  }
.LBB2_1:
0x11: {  	[tilespmem:s2], [sflag:$0x1] =	stream.linear.gather [hbm4b:s5+s2], $0x5000, $0x38;
	[tilespmem:$0x14800] =	vst v63  }
0x12: {  	_ =	swait.ge [sflag:s8], $0x5000  }
0x13: {  	[sflag:s8] =	ssyncset.done $0x0  }
0x14: {  	[sflag:s8] =	ssyncadd.s32 $0xFFFFB000  }
0x15: {  	[tilespmem:s9], [sflag:$0x1] =	stream.linear.gather [hbm4b:s6+s2], $0x5000, $0x38;
	[tilespmem:$0x14800] =	vst v63  }
0x16: {  	_ =	swait.ge [sflag:s8], $0x5000  }
0x17: {  	[sflag:s8] =	ssyncset.done $0x0  }
0x18: {  	[sflag:s8] =	ssyncadd.s32 $0xFFFFB000  }
0x19: {  	[tilespmem:s10], [sflag:$0x1] =	stream.linear.gather [hbm4b:s3+s2], $0x2A00, $0x38;
	[tilespmem:$0x14800] =	vst v63  }
0x1a: {  	_ =	swait.ge [sflag:s8], $0x2A00  }
0x1b: {  	[sflag:s8] =	ssyncset.done $0x0  }
0x1c: {  	[sflag:s8] =	ssyncadd.s32 $0xFFFFD600  }
0x1d: {  	[tilespmem:s11], [sflag:$0x1] =	stream.linear.gather [hbm4b:s3+s2], $0x2A00, $0x38;
	[tilespmem:$0x14800] =	vst v63  }
0x1e: {  	_ =	swait.ge [sflag:s8], $0x2A00  }
0x1f: {  	[sflag:s8] =	ssyncset.done $0x0  }
0x20: {  	[sflag:s8] =	ssyncadd.s32 $0xFFFFD600  }
0x21: {  	[tilespmem:s12], [sflag:$0x1] =	stream.linear.gather [hbm4b:s4+s2], $0x2A00, $0x38;
	[tilespmem:$0x14800] =	vst v63  }
0x22: {  	_ =	swait.ge [sflag:s8], $0x2A00  }
0x23: {  	[sflag:s8] =	ssyncset.done $0x0  }
0x24: {  	[sflag:s8] =	ssyncadd.s32 $0xFFFFD600  }
0x25: {  	[tilespmem:s13], [sflag:$0x1] =	stream.linear.gather [hbm4b:s4+s2], $0x2A00, $0x38;
	[tilespmem:$0x14800] =	vst v63  }
0x26: {  	_ =	swait.ge [sflag:s8], $0x2A00  }
0x27: {  	[sflag:s8] =	ssyncset.done $0x0  }
0x28: {  	s21 =	simm.s32 $0x0;
	[sflag:s8] =	ssyncadd.s32 $0xFFFFD600  }
0x29: {  	v2 =	vld [tilespmem:s21+$0x5000];
	_ =	sdelay $0x4  }
0x2a: {  	vm0 =	vlt.s32 v2, $0x1380  }
0x2b: {  	v3 =	vadd.s32 $0xFFFFEC80, v2;
	v4 =	vsel vm0, $0x1, v1  }
0x2c: {  	vm1 =	vlt.u32 v3, $0x1390;
	(xrf0) =	vadd.scan.msk.s32 $0xffff, v4  }
0x2d: {  	v5 =	vsel vm1, $0x1, v1  }
0x2e: {  	(xrf0) =	vadd.scan.msk.s32 $0xffff, v5;
	_ =	sdelay $0x3  }
0x2f: {  	v4, _, _ =	vpop (xrf0)  }
0x30: {  	v7 =	vmov s2;
	v5 =	vxor.u32 $0x80000000, v4  }
0x31: {  	v6, _, _ =	vpop (xrf0);
	(xrf0) =	vmax.scan.msk.u32 $0xffff, v5;
	v5 =	vadd.s32 $0xFFFFFFFF, v7  }
0x32: {  	v8 =	vxor.u32 $0x80000000, v6;
	v5 =	vbroadcast v5, $0x0  }
0x33: {  	(xrf0) =	vmax.scan.msk.u32 $0xffff, v8  }
0x34: {  	v4 =	vadd.s32 v4, v5  }
0x35: {  	vm2 =	vlt.s32 v4, $0x2A00  }
0x36: {  	v60 =	vld [tilespmem:s21+$0x0];
	v5 =	vadd.s32 v6, v5;
	vm0 =	vmand vm0, vm2  }
0x37: {  	vm2 =	vlt.s32 v5, $0x2A00  }
0x38: {  	v61, _, _ =	vpop (xrf0);
	vm1 =	vmand vm1, vm2  }
0x39: {  	(v2sf) =	vpush v61, $0xF;
	v62, _, _ =	vpop (xrf0)  }
0x3a: {  	(v2sf) =	vpush v62, $0xF  }
0x3b: {  	v63 =	vadd.s32 v0, v60  }
0x3c: {  	[tilespmem:v4+s10+$0x0] =	vst.idx.msk vm0, v63  }
0x3d: {  	[tilespmem:v4+s12+$0x0] =	vst.idx.msk vm0, v2  }
0x3e: {  	[tilespmem:v5+s11+$0x0] =	vst.idx.msk vm1, v63  }
0x3f: {  	s21 =	simm.s32 $0x10;
	[tilespmem:v5+s13+$0x0] =	vst.idx.msk vm1, v3  }
0x40: {  	v2 =	vld [tilespmem:s21+$0x5000];
	_ =	sdelay $0x4  }
0x41: {  	vm1 =	vlt.s32 v2, $0x1380;
	v3 =	vadd.s32 $0xFFFFEC80, v2  }
0x42: {  	v4 =	vsel vm1, $0x1, v1;
	vm0 =	vlt.u32 v3, $0x1390  }
0x43: {  	v5 =	vsel vm0, $0x1, v1;
	(xrf0) =	vadd.scan.msk.s32 $0xffff, v4  }
0x44: {  	s22 =	spop (v2sf);
	(xrf0) =	vadd.scan.msk.s32 $0xffff, v5  }
0x45: {  	s22 =	sadd.s32 $0x0, s22;
	s24 =	spop (v2sf)  }
0x46: {  	s23 =	simm.s32 $0x80;
	s22 =	sadd.s32 $0x80000000, s22;
	s24 =	sadd.s32 $0x0, s24  }
.LBB2_2:
0x47: {  	p0 =	sne.s32 s23, $0x13FC0  }
0x48: {  	v4 =	vmov s22;
	s24 =	sadd.s32 $0x80000000, s24;
	s25 =	smov.u32 s23;
	s23 =	sadd.s32 $0x40, s23  }
0x49: {  	v4 =	vadd.s32 $0xFFFFFFFF, v4;
	v5 =	vmov s24;
	v6, _, _ =	vpop (xrf0)  }
0x4a: {  	v4 =	vbroadcast v4, $0x0;
	v5 =	vadd.s32 $0xFFFFFFFF, v5;
	v7 =	vxor.u32 $0x80000000, v6;
	v8, _, _ =	vpop (xrf0)  }
0x4b: {  	v5 =	vbroadcast v5, $0x0;
	v9 =	vxor.u32 $0x80000000, v8;
	(xrf0) =	vmax.scan.msk.u32 $0xffff, v7  }
0x4c: {  	v4 =	vadd.s32 v6, v4;
	(xrf0) =	vmax.scan.msk.u32 $0xffff, v9  }
0x4d: {  	vm2 =	vlt.s32 v4, $0x2A00  }
0x4e: {  	v5 =	vadd.s32 v8, v5;
	v6 =	vld [tilespmem:s21+$0x0];
	vm1 =	vmand vm1, vm2  }
0x4f: {  	vm2 =	vlt.s32 v5, $0x2A00  }
0x50: {  	vm0 =	vmand vm0, vm2  }
0x51: {  	v7, _, _ =	vpop (xrf0)  }
0x52: {  	(v2sf) =	vpush v7, $0xF;
	v7, _, _ =	vpop (xrf0)  }
0x53: {  	v6 =	vadd.s32 v0, v6;
	(v2sf) =	vpush v7, $0xF  }
0x54: {  	[tilespmem:v4+s10+$0x0] =	vst.idx.msk vm1, v6  }
0x55: {  	[tilespmem:v4+s12+$0x0] =	vst.idx.msk vm1, v2  }
0x56: {  	[tilespmem:v5+s11+$0x0] =	vst.idx.msk vm0, v6  }
0x57: {  	s21 =	sshra.s32 s25, $0x2;
	[tilespmem:v5+s13+$0x0] =	vst.idx.msk vm0, v3  }
0x58: {  	v2 =	vld [tilespmem:s21+$0x5000];
	_ =	sdelay $0x4  }
0x59: {  	vm1 =	vlt.s32 v2, $0x1380;
	v3 =	vadd.s32 $0xFFFFEC80, v2  }
0x5a: {  	v4 =	vsel vm1, $0x1, v1;
	vm0 =	vlt.u32 v3, $0x1390  }
.Ltmp0:
0x5b: {  	v5 =	vsel vm0, $0x1, v1;
	(xrf0) =	vadd.scan.msk.s32 $0xffff, v4;
	(pc) =	sbr.rel @p0 .LBB2_2-.Ltmp0, $4  }
0x5c: {  	(xrf0) =	vadd.scan.msk.s32 $0xffff, v5  }
0x5d: {  	s25 =	spop (v2sf)  }
0x5e: {  	s22 =	sadd.s32 s25, s22;
	s25 =	spop (v2sf)  }
0x5f: {  	s22 =	sadd.s32 $0x80000000, s22;
	s24 =	sadd.s32 s25, s24  }
0x60: {  	_ = 	snop  }
0x61: {  	v4, _, _ =	vpop (xrf0)  }
0x62: {  	v5 =	vxor.u32 $0x80000000, v4;
	v6, _, _ =	vpop (xrf0)  }
0x63: {  	v7 =	vxor.u32 $0x80000000, v6;
	(xrf0) =	vmax.scan.msk.u32 $0xffff, v5  }
0x64: {  	(xrf0) =	vmax.scan.msk.u32 $0xffff, v7;
	_ =	sdelay $0x3  }
0x65: {  	v60 =	vmov s22  }
0x66: {  	s29 =	sadd.s32 $0x80000000, s24;
	v61 =	vadd.s32 $0xFFFFFFFF, v60;
	v5, _, _ =	vpop (xrf0)  }
0x67: {  	v62 =	vmov s29;
	(v2sf) =	vpush v5, $0xF;
	v59, _, _ =	vpop (xrf0);
	v5 =	vbroadcast v61, $0x0  }
0x68: {  	v7 =	vadd.s32 $0xFFFFFFFF, v62;
	(v2sf) =	vpush v59, $0xF  }
0x69: {  	v7 =	vbroadcast v7, $0x0;
	v4 =	vadd.s32 v4, v5  }
0x6a: {  	vm2 =	vlt.s32 v4, $0x2A00  }
0x6b: {  	v63 =	vld [tilespmem:s21+$0x0];
	v6 =	vadd.s32 v6, v7;
	vm1 =	vmand vm1, vm2  }
0x6c: {  	vm15 =	vlt.s32 v6, $0x2A00  }
0x6d: {  	vm0 =	vmand vm0, vm15;
	_ =	sdelay $0x2  }
0x6e: {  	v5 =	vadd.s32 v0, v63  }
0x6f: {  	[tilespmem:v4+s10+$0x0] =	vst.idx.msk vm1, v5  }
0x70: {  	[tilespmem:v4+s12+$0x0] =	vst.idx.msk vm1, v2  }
0x71: {  	[tilespmem:v6+s11+$0x0] =	vst.idx.msk vm0, v5  }
0x72: {  	[tilespmem:v6+s13+$0x0] =	vst.idx.msk vm0, v3  }
0x73: {  	[hbm4b:s14+s15] =	stream.strided.scatter [tilespmem:s10], [sflag:$0x1], $0x2A00, s16, s15, $0x38;
	[tilespmem:$0x14800] =	vst v63  }
0x74: {  	s30 =	spop (v2sf)  }
0x75: {  	s31 =	spop (v2sf)  }
0x76: {  	_ =	swait.ge [sflag:s8], $0x2A00  }
0x77: {  	[sflag:s8] =	ssyncset.done $0x0  }
0x78: {  	[sflag:s8] =	ssyncadd.s32 $0xFFFFD600  }
0x79: {  	[hbm4b:s17+s15] =	stream.strided.scatter [tilespmem:s12], [sflag:$0x1], $0x2A00, s16, s15, $0x38;
	[tilespmem:$0x14800] =	vst v63  }
0x7a: {  	_ =	swait.ge [sflag:s8], $0x2A00  }
0x7b: {  	[sflag:s8] =	ssyncset.done $0x0  }
0x7c: {  	[sflag:s8] =	ssyncadd.s32 $0xFFFFD600  }
0x7d: {  	[hbm4b:s18+s15] =	stream.strided.scatter [tilespmem:s11], [sflag:$0x1], $0x2A00, s16, s15, $0x38;
	[tilespmem:$0x14800] =	vst v63  }
0x7e: {  	s20 =	sadd.s32 $0x1, s20;
	_ =	swait.ge [sflag:s8], $0x2A00  }
0x7f: {  	p0 =	sne.s32 s20, s7;
	[sflag:s8] =	ssyncset.done $0x0  }
.Ltmp1:
0x80: {  	[sflag:s8] =	ssyncadd.s32 $0xFFFFD600;
	(pc) =	sbr.rel @p0 .LBB2_1-.Ltmp1, $4  }
0x81: {  	[hbm4b:s19+s15] =	stream.strided.scatter [tilespmem:s13], [sflag:$0x1], $0x2A00, s16, s15, $0x38;
	[tilespmem:$0x14800] =	vst v63  }
0x82: {  	_ =	swait.ge [sflag:s8], $0x2A00  }
0x83: {  	[sflag:s8] =	ssyncset.done $0x0  }
0x84: {  	[sflag:s8] =	ssyncadd.s32 $0xFFFFD600  }
0x85: {  	_ =	sfence.sel $0x180000  }
0x86: {  	[bflag:$0x0] =	sbarrier.arrive $0xFFFF  }
0x87: {  	p0 =	sne.s32 s1, $0x0;
	_ =	strace $0x90000047  }
0x88: {  	s0 =	sadd.s32 @!p0 $0x100000, s0;
	[bflag:$0x2] =	sbarrier.arrive $0xFFFF  }
0x89: {  	[sflag:s0] =	ssyncadd.tile.s32 @!p0 $0x1;
	_ =	shalt  }
.Lfunc_end2:
_tile_overlayer_lowered:
.L_overlay_start_2:
0x8a: {  	(tag) =	ssettag $0x2  }
0x8b: {  	s0 =	rddreg [dreg:$0x0];
	s2 =	stileid.u32  }
0x8c: {  	s1 =	rddreg [dreg:$0x1];
	p0 =	sne.s32 s2, $0x0  }
0x8d: {  	s3 =	rddreg [dreg:$0x2];
	[bflag:$0x3] =	sbarrier.arrive $0xFFFF;
	s2 =	simm.s32 @!p0 $0x1C01  }
0x8e: {  	[timem:s3], [sflag:s2] =	dma.local @!p0 [hbm:s0], s1  }
0x8f: {  	s0 =	simm.s32 @!p0 $0x1  }
0x90: {  	_ =	swait.ge @!p0 [sflag:s0], s1  }
0x91: {  	s1 =	ssub.s32 @!p0 $0x0, s1;
	[sflag:s0] =	ssyncset.done @!p0 $0x0  }
0x92: {  	[sflag:s0] =	ssyncadd.s32 @!p0 s1  }
0x93: {  	[bflag:$0x3] =	sbarrier.arrive $0xFFFF  }
0x94: {  	_ =	shalt  }

</sc_bundles>
